<compile_context>
chip_gen: v7x
topology: tpu7x:2x2x1
jax: 0.10.2.dev20260603
libtpu: 0.0.44.dev20260713+nightly
codegen_flags: <defaults>
</compile_context>

<pallas_src>
import functools

import jax
import jax.numpy as jnp
from jax import lax
from jax.experimental import pallas as pl
from jax.experimental.pallas import tpu as pltpu
from jax.experimental.pallas import tpu_sc as plsc

N = 10000
E = 320000
D = 128
NR = 8
NODE_EMB = 128

NC, NS = 2, 16
NW = NC * NS
CH = 128
KCH = 79
EP = NW * KCH * CH
NP = 10112
NP_T = NP // NS
CNT = 81920
CNT_T = CNT // NS

_SC_MESH = plsc.VectorSubcoreMesh(core_axis_name="c", subcore_axis_name="s")


_BC = 32000


def _prep_body(m_ref, src_ref, dst_ref, g_ref, k_ref):
    m = m_ref[...]
    mx = jnp.max(m, axis=0, keepdims=True)
    rid = lax.broadcasted_iota(jnp.int32, m.shape, 0)
    am = jnp.min(jnp.where(m == mx, rid, NR), axis=0, keepdims=True)
    g_ref[...] = am * N + src_ref[...]
    k_ref[...] = am * N + dst_ref[...]


def _prep(mT, src2, dst2):
    return pl.pallas_call(
        _prep_body,
        grid=(E // _BC,),
        in_specs=[pl.BlockSpec((NR, _BC), lambda i: (0, i)),
                  pl.BlockSpec((1, _BC), lambda i: (0, i)),
                  pl.BlockSpec((1, _BC), lambda i: (0, i))],
        out_specs=[pl.BlockSpec((1, _BC), lambda i: (0, i)),
                   pl.BlockSpec((1, _BC), lambda i: (0, i))],
        out_shape=[jax.ShapeDtypeStruct((1, E), jnp.int32),
                   jax.ShapeDtypeStruct((1, E), jnp.int32)],
    )(mT, src2, dst2)


_BN = 400


def _mm_body(x_ref, w_ref, y_ref):
    y_ref[0] = jnp.dot(x_ref[...], w_ref[0], preferred_element_type=jnp.float32)


def _mm(xin, ws):
    return pl.pallas_call(
        _mm_body,
        grid=(NR + 1, N // _BN),
        in_specs=[pl.BlockSpec((_BN, D), lambda r, n: (n, 0)),
                  pl.BlockSpec((1, D, D), lambda r, n: (r, 0, 0))],
        out_specs=pl.BlockSpec((1, _BN, D), lambda r, n: (r, n, 0)),
        out_shape=jax.ShapeDtypeStruct((NR + 1, N, D), jnp.float32),
    )(xin, ws)


def _comb_body(p_ref, y_ref, b_ref, o_ref, *, relu):
    v = p_ref[0] + p_ref[1] + y_ref[0] + b_ref[...]
    o_ref[...] = jnp.maximum(v, 0.0) if relu else v


def _combine(parts, y, b, relu):
    return pl.pallas_call(
        functools.partial(_comb_body, relu=relu),
        grid=(N // _BN,),
        in_specs=[pl.BlockSpec((2, _BN, D), lambda n: (0, n, 0)),
                  pl.BlockSpec((1, _BN, D), lambda n: (NR, n, 0)),
                  pl.BlockSpec((1, D), lambda n: (0, 0))],
        out_specs=pl.BlockSpec((_BN, D), lambda n: (n, 0)),
        out_shape=jax.ShapeDtypeStruct((N, D), jnp.float32),
    )(parts, y, b)




@functools.partial(
    pl.kernel,
    mesh=_SC_MESH,
    out_type=jax.ShapeDtypeStruct((2 * CNT,), jnp.float32),
    scratch_types=[
        pltpu.VMEM((KCH, CH), jnp.int32),
        pltpu.VMEM((CH,), jnp.float32),
        pltpu.VMEM((CNT_T,), jnp.float32),
        pltpu.VMEM_SHARED((CNT,), jnp.float32),
    ],
)
def _count_kernel(skey3, out, skv, onesv, zbuf, cnt):
    c = lax.axis_index("c")
    s = lax.axis_index("s")
    w = c * NS + s

    def zb(i, carry):
        zbuf[pl.ds(i * 16, 16)] = jnp.zeros((16,), jnp.float32)
        return carry

    lax.fori_loop(0, CNT_T // 16, zb, 0)
    for k in range(CH // 16):
        onesv[pl.ds(k * 16, 16)] = jnp.ones((16,), jnp.float32)
    pltpu.sync_copy(zbuf, cnt.at[pl.ds(s * CNT_T, CNT_T)])
    plsc.subcore_barrier()

    pltpu.sync_copy(skey3.at[w], skv)

    def step(j, carry):
        pltpu.sync_copy(onesv, cnt.at[skv.at[j]], add=True)
        return carry

    lax.fori_loop(0, KCH, step, 0)
    plsc.subcore_barrier()
    pltpu.sync_copy(cnt.at[pl.ds(s * CNT_T, CNT_T)],
                    out.at[pl.ds(c * CNT + s * CNT_T, CNT_T)])


@functools.partial(
    pl.kernel,
    mesh=_SC_MESH,
    out_type=jax.ShapeDtypeStruct((NW, KCH, CH), jnp.float32),
    scratch_types=[
        pltpu.VMEM((KCH, CH), jnp.int32),
        pltpu.VMEM((KCH, CH), jnp.float32),
        pltpu.VMEM((KCH, CH), jnp.float32),
        pltpu.VMEM((KCH, CH), jnp.float32),
        pltpu.SemaphoreType.DMA,
    ],
)
def _scale_kernel(c0, c1, skey3, out, skv, g0b, g1b, sbuf, sem):
    c = lax.axis_index("c")
    s = lax.axis_index("s")
    w = c * NS + s
    pltpu.sync_copy(skey3.at[w], skv)

    W = 8
    for j in range(W):
        pltpu.async_copy(c0.at[skv.at[j]], g0b.at[j], sem)
        pltpu.async_copy(c1.at[skv.at[j]], g1b.at[j], sem)

    def step(j, carry):
        pltpu.make_async_copy(c0.at[skv.at[j]], g0b.at[j], sem).wait()
        pltpu.make_async_copy(c1.at[skv.at[j]], g1b.at[j], sem).wait()

        @pl.when(j + W < KCH)
        def _fire():
            pltpu.async_copy(c0.at[skv.at[j + W]], g0b.at[j + W], sem)
            pltpu.async_copy(c1.at[skv.at[j + W]], g1b.at[j + W], sem)

        for k in range(CH // 16):
            a = g0b[j, pl.ds(k * 16, 16)] + g1b[j, pl.ds(k * 16, 16)]
            sbuf[j, pl.ds(k * 16, 16)] = 1.0 / jnp.maximum(a, 1.0)
        return carry

    lax.fori_loop(0, KCH, step, 0)
    pltpu.sync_copy(sbuf, out.at[w])


@functools.partial(
    pl.kernel,
    mesh=_SC_MESH,
    out_type=jax.ShapeDtypeStruct((2, NP, D), jnp.float32),
    scratch_types=[
        pltpu.VMEM((KCH, CH), jnp.int32),
        pltpu.VMEM((KCH, CH), jnp.int32),
        pltpu.VMEM((KCH, CH), jnp.float32),
        pltpu.VMEM((CH, D), jnp.float32),
        pltpu.VMEM_SHARED((NP, D), jnp.float32),
        pltpu.SemaphoreType.DMA,
    ],
)
def _agg_kernel(yflat, gkey3, dst3, s3, out, gkv, dstv, sv, rows, acc, sem):
    c = lax.axis_index("c")
    s = lax.axis_index("s")
    w = c * NS + s

    def zr(e, carry):
        for k in range(D // 16):
            rows[e, pl.ds(k * 16, 16)] = jnp.zeros((16,), jnp.float32)
        return carry

    lax.fori_loop(0, CH, zr, 0)
    base = s * NP_T
    nfull = NP_T // CH
    rem = NP_T - nfull * CH
    for q in range(nfull):
        pltpu.sync_copy(rows, acc.at[pl.ds(base + q * CH, CH)])
    pltpu.sync_copy(rows.at[pl.ds(0, rem)],
                    acc.at[pl.ds(base + nfull * CH, rem)])
    plsc.subcore_barrier()

    pltpu.sync_copy(gkey3.at[w], gkv)
    pltpu.sync_copy(dst3.at[w], dstv)
    pltpu.sync_copy(s3.at[w], sv)

    def step(j, carry):
        pltpu.async_copy(yflat.at[gkv.at[j]], rows, sem).wait()

        for b in range(CH // 16):
            sj = sv[j, pl.ds(b * 16, 16)]

            def sc16(l, c2, b=b, sj=sj):
                spl = sj.at[jnp.full((16,), l, jnp.int32)].get(
                    mode="promise_in_bounds")
                e = b * 16 + l
                for k in range(D // 16):
                    rows[e, pl.ds(k * 16, 16)] = (
                        rows[e, pl.ds(k * 16, 16)] * spl)
                return c2

            lax.fori_loop(0, 16, sc16, 0)
        pltpu.sync_copy(rows, acc.at[dstv.at[j]], add=True)
        return carry

    lax.fori_loop(0, KCH, step, 0)
    plsc.subcore_barrier()
    pltpu.sync_copy(acc.at[pl.ds(base, NP_T)], out.at[c, pl.ds(base, NP_T)])




@jax.jit
def _run(x, edge_index, msg, W1, R1, b1, W2, R2, b2):
    src = edge_index[0]
    dst = edge_index[1]
    mT = jnp.transpose(msg[:, NODE_EMB:NODE_EMB + NR])
    gkey2, skey2 = _prep(mT, src.reshape(1, E), dst.reshape(1, E))
    pad = EP - E
    gkey3 = jnp.reshape(jnp.pad(jnp.reshape(gkey2, (E,)), (0, pad)),
                        (NW, KCH, CH))
    skey3 = jnp.reshape(
        jnp.pad(jnp.reshape(skey2, (E,)), (0, pad), constant_values=NR * N),
        (NW, KCH, CH))
    dst3 = jnp.reshape(jnp.pad(dst, (0, pad), constant_values=N),
                       (NW, KCH, CH))

    cnt2 = _count_kernel(skey3)
    s3 = _scale_kernel(cnt2[:CNT], cnt2[CNT:], skey3)

    ws1 = jnp.concatenate([W1, R1[None]], axis=0)
    ws2 = jnp.concatenate([W2, R2[None]], axis=0)

    y1 = _mm(x, ws1)
    p1 = _agg_kernel(jnp.reshape(y1, ((NR + 1) * N, D)), gkey3, dst3, s3)
    h1 = _combine(p1, y1, jnp.reshape(b1, (1, D)), relu=True)

    y2 = _mm(h1, ws2)
    p2 = _agg_kernel(jnp.reshape(y2, ((NR + 1) * N, D)), gkey3, dst3, s3)
    return _combine(p2, y2, jnp.reshape(b2, (1, D)), relu=False)


def kernel(x, last_update, edge_index, t, msg, W1, R1, b1, W2, R2, b2):
    return _run(x, edge_index, msg, W1, R1, b1, W2, R2, b2)

# --- scband reference (transcript-rebuilt; emitter-appended) ---
"""Pipeline reference for scband-rgcnembedding-20684562498295 (READ-ONLY COPY).

The authoritative reference and input builder live on the scoring server;
editing this copy changes nothing except your own understanding.
"""

import jax, jax.numpy as jnp
import numpy as np

N = 10000
E = 320000
D_IN = 128
D_OUT = 128
NODE_EMB = 128
NUM_REL = 8
MSG_DIM = 2 * NODE_EMB + NUM_REL


def _rgcn_conv(x, edge_index, edge_type, w_rel, w_root, bias):
    # PyG RGCNConv: out[i] = x[i] @ W_root + bias + sum_r mean_{(j->i, type r)} x[j] @ W_r
    src = edge_index[0]
    dst = edge_index[1]
    n = x.shape[0]
    out = x @ w_root + bias
    x_src = x[src]
    for r in range(NUM_REL):
        mask = (edge_type == r)
        h = x_src @ w_rel[r]
        h = jnp.where(mask[:, None], h, 0.0)
        s = jax.ops.segment_sum(h, dst, num_segments=n)
        c = jax.ops.segment_sum(mask.astype(x.dtype), dst, num_segments=n)
        out = out + s / jnp.clip(c, 1.0)[:, None]
    return out


def setup_inputs(seed: int = 0):
    key = jax.random.key(seed)
    ks = jax.random.split(key, 12)
    x = jax.random.normal(ks[0], (N, D_IN), dtype=jnp.float32)
    last_update = jax.random.uniform(ks[1], (N,), dtype=jnp.float32)
    edge_index = jax.random.randint(ks[2], (2, E), 0, N, dtype=jnp.int32)
    t = jax.random.uniform(ks[3], (E,), dtype=jnp.float32)
    msg = jax.random.normal(ks[4], (E, MSG_DIM), dtype=jnp.float32)
    s1 = 1.0 / np.sqrt(D_IN)
    s2 = 1.0 / np.sqrt(D_OUT)
    W1 = jax.random.normal(ks[5], (NUM_REL, D_IN, D_OUT), dtype=jnp.float32) * s1
    R1 = jax.random.normal(ks[6], (D_IN, D_OUT), dtype=jnp.float32) * s1
    b1 = jnp.zeros((D_OUT,), dtype=jnp.float32)
    W2 = jax.random.normal(ks[7], (NUM_REL, D_OUT, D_OUT), dtype=jnp.float32) * s2
    R2 = jax.random.normal(ks[8], (D_OUT, D_OUT), dtype=jnp.float32) * s2
    b2 = jnp.zeros((D_OUT,), dtype=jnp.float32)
    return {"x": x, "last_update": last_update, "edge_index": edge_index, "t": t, "msg": msg,
            "W1": W1, "R1": R1, "b1": b1, "W2": W2, "R2": R2, "b2": b2}


def reference(x, last_update, edge_index, t, msg, W1, R1, b1, W2, R2, b2):
    # edge relation type recovered from the one-hot slice of the raw message
    edge_part = msg[:, NODE_EMB:-NODE_EMB]
    edge_type = jnp.argmax(edge_part, axis=1)
    h = _rgcn_conv(x, edge_index, edge_type, W1, R1, b1)
    h = jax.nn.relu(h)
    h = _rgcn_conv(h, edge_index, edge_type, W2, R2, b2)
    return h

if __name__ == "__main__":
    import jax
    _d = setup_inputs()
    print(jax.jit(kernel)(*tuple(_d.values())))

</pallas_src>

<mosaic_0001>
#map = affine_map<(d0, d1) -> (0)>
#map1 = affine_map<(d0, d1) -> (0, 0, 0)>
module attributes {stable_mosaic.version = 14 : i64} {
  func.func @_scale_kernel(%arg0: i32, %arg1: i32, %arg2: memref<81920xf32, #tpu.memory_space<hbm>>, %arg3: memref<81920xf32, #tpu.memory_space<hbm>>, %arg4: memref<32x79x128xi32, #tpu.memory_space<hbm>>, %arg5: memref<32x79x128xf32, #tpu.memory_space<hbm>>, %arg6: memref<79x128xi32, #tpu.memory_space<vmem>>, %arg7: memref<79x128xf32, #tpu.memory_space<vmem>>, %arg8: memref<79x128xf32, #tpu.memory_space<vmem>>, %arg9: memref<79x128xf32, #tpu.memory_space<vmem>>, %arg10: memref<!tpu.dma_semaphore, #tpu.memory_space<semaphore_mem>>) attributes {dimension_semantics = [#tpu.dimension_semantics<core_parallel>, #tpu.dimension_semantics<subcore_parallel>], iteration_bounds = array<i64: 2, 16>, scalar_prefetch = 0 : i64, scratch_operands = 5 : i64, tpu.core_type = #tpu.core_type<sc_vector_subcore>, window_params = [{transform_indices = #map}, {transform_indices = #map}, {transform_indices = #map1}, {transform_indices = #map1}]} {
    %mul3A = arith.constant 16 : i32
    %mul3A_0 = arith.muli %arg0, %mul3A : i32
    %add3A = arith.addi %mul3A_0, %arg1 : i32
    "tpu.region"() ({
      %run_scoped3A = tpu.sem_alloc : memref<!tpu.dma_semaphore, #tpu.memory_space<semaphore_mem>>
      %dma_start3A_165 = arith.constant 0 : i32
      %dma_start3A_166 = arith.constant 0 : i32
      %dma_start3A_167 = tpu.memref_slice %arg4[%add3A, %dma_start3A_165, %dma_start3A_166] : memref<32x79x128xi32, #tpu.memory_space<hbm>> -> memref<1x79x128xi32, #tpu.memory_space<hbm>>
      %dma_start3A_168 = tpu.memref_squeeze %dma_start3A_167 : memref<1x79x128xi32, #tpu.memory_space<hbm>> -> memref<79x128xi32, #tpu.memory_space<hbm>>
      %dma_start3A_169 = arith.constant 0 : i32
      %dma_start3A_170 = arith.constant 0 : i32
      %dma_start3A_171 = tpu.memref_slice %arg4[%add3A, %dma_start3A_169, %dma_start3A_170] : memref<32x79x128xi32, #tpu.memory_space<hbm>> -> memref<1x79x128xi32, #tpu.memory_space<hbm>>
      %dma_start3A_172 = tpu.memref_squeeze %dma_start3A_171 : memref<1x79x128xi32, #tpu.memory_space<hbm>> -> memref<79x128xi32, #tpu.memory_space<hbm>>
      tpu.enqueue_dma source(%dma_start3A_172 : memref<79x128xi32, #tpu.memory_space<hbm>>) target(%arg6 : memref<79x128xi32, #tpu.memory_space<vmem>>) target_semaphore(%run_scoped3A : memref<!tpu.dma_semaphore, #tpu.memory_space<semaphore_mem>>)
      %dma_wait3A = arith.constant 0 : i32
      %dma_wait3A_173 = arith.constant 0 : i32
      %dma_wait3A_174 = tpu.memref_slice %arg4[%add3A, %dma_wait3A, %dma_wait3A_173] : memref<32x79x128xi32, #tpu.memory_space<hbm>> -> memref<1x79x128xi32, #tpu.memory_space<hbm>>
      %dma_wait3A_175 = tpu.memref_squeeze %dma_wait3A_174 : memref<1x79x128xi32, #tpu.memory_space<hbm>> -> memref<79x128xi32, #tpu.memory_space<hbm>>
      %dma_wait3A_176 = arith.constant 0 : i32
      %dma_wait3A_177 = arith.constant 0 : i32
      %dma_wait3A_178 = tpu.memref_slice %arg4[%add3A, %dma_wait3A_176, %dma_wait3A_177] : memref<32x79x128xi32, #tpu.memory_space<hbm>> -> memref<1x79x128xi32, #tpu.memory_space<hbm>>
      %dma_wait3A_179 = tpu.memref_squeeze %dma_wait3A_178 : memref<1x79x128xi32, #tpu.memory_space<hbm>> -> memref<79x128xi32, #tpu.memory_space<hbm>>
      tpu.wait_dma2 semaphore(%run_scoped3A : memref<!tpu.dma_semaphore, #tpu.memory_space<semaphore_mem>>) src(%dma_wait3A_179 : memref<79x128xi32, #tpu.memory_space<hbm>>) dst(%arg6 : memref<79x128xi32, #tpu.memory_space<vmem>>)
      tpu.yield
    }) : () -> ()
    %dma_start3A = arith.constant 0 : i32
    %dma_start3A_1 = arith.constant 0 : i32
    %dma_start3A_2 = arith.constant 0 : i32
    %dma_start3A_3 = tpu.memref_slice %arg7[%dma_start3A_1, %dma_start3A_2] : memref<79x128xf32, #tpu.memory_space<vmem>> -> memref<1x128xf32, #tpu.memory_space<vmem>>
    %dma_start3A_4 = tpu.memref_squeeze %dma_start3A_3 : memref<1x128xf32, #tpu.memory_space<vmem>> -> memref<128xf32, #tpu.memory_space<vmem>>
    %dma_start3A_5 = arith.constant 0 : i32
    %dma_start3A_6 = tpu.memref_slice %arg6[%dma_start3A, %dma_start3A_5] : memref<79x128xi32, #tpu.memory_space<vmem>> -> memref<1x128xi32, #tpu.memory_space<vmem>>
    %dma_start3A_7 = tpu.memref_squeeze %dma_start3A_6 : memref<1x128xi32, #tpu.memory_space<vmem>> -> memref<128xi32, #tpu.memory_space<vmem>>
    %dma_start3A_8 = arith.constant 0 : i32
    %dma_start3A_9 = tpu.memref_slice %arg2[%dma_start3A_8] : memref<81920xf32, #tpu.memory_space<hbm>> -> memref<81920xf32, #tpu.memory_space<hbm>>
    tpu.enqueue_indirect_dma source(%dma_start3A_9 : memref<81920xf32, #tpu.memory_space<hbm>>) target(%dma_start3A_4 : memref<128xf32, #tpu.memory_space<vmem>>) offsets(%dma_start3A_7 : memref<128xi32, #tpu.memory_space<vmem>>) semaphore(%arg10 : memref<!tpu.dma_semaphore, #tpu.memory_space<semaphore_mem>>)
    %dma_start3A_10 = arith.constant 0 : i32
    %dma_start3A_11 = arith.constant 0 : i32
    %dma_start3A_12 = arith.constant 0 : i32
    %dma_start3A_13 = tpu.memref_slice %arg8[%dma_start3A_11, %dma_start3A_12] : memref<79x128xf32, #tpu.memory_space<vmem>> -> memref<1x128xf32, #tpu.memory_space<vmem>>
    %dma_start3A_14 = tpu.memref_squeeze %dma_start3A_13 : memref<1x128xf32, #tpu.memory_space<vmem>> -> memref<128xf32, #tpu.memory_space<vmem>>
    %dma_start3A_15 = arith.constant 0 : i32
    %dma_start3A_16 = tpu.memref_slice %arg6[%dma_start3A_10, %dma_start3A_15] : memref<79x128xi32, #tpu.memory_space<vmem>> -> memref<1x128xi32, #tpu.memory_space<vmem>>
    %dma_start3A_17 = tpu.memref_squeeze %dma_start3A_16 : memref<1x128xi32, #tpu.memory_space<vmem>> -> memref<128xi32, #tpu.memory_space<vmem>>
    %dma_start3A_18 = arith.constant 0 : i32
    %dma_start3A_19 = tpu.memref_slice %arg3[%dma_start3A_18] : memref<81920xf32, #tpu.memory_space<hbm>> -> memref<81920xf32, #tpu.memory_space<hbm>>
    tpu.enqueue_indirect_dma source(%dma_start3A_19 : memref<81920xf32, #tpu.memory_space<hbm>>) target(%dma_start3A_14 : memref<128xf32, #tpu.memory_space<vmem>>) offsets(%dma_start3A_17 : memref<128xi32, #tpu.memory_space<vmem>>) semaphore(%arg10 : memref<!tpu.dma_semaphore, #tpu.memory_space<semaphore_mem>>)
    %dma_start3A_20 = arith.constant 1 : i32
    %dma_start3A_21 = arith.constant 1 : i32
    %dma_start3A_22 = arith.constant 0 : i32
    %dma_start3A_23 = tpu.memref_slice %arg7[%dma_start3A_21, %dma_start3A_22] : memref<79x128xf32, #tpu.memory_space<vmem>> -> memref<1x128xf32, #tpu.memory_space<vmem>>
    %dma_start3A_24 = tpu.memref_squeeze %dma_start3A_23 : memref<1x128xf32, #tpu.memory_space<vmem>> -> memref<128xf32, #tpu.memory_space<vmem>>
    %dma_start3A_25 = arith.constant 0 : i32
    %dma_start3A_26 = tpu.memref_slice %arg6[%dma_start3A_20, %dma_start3A_25] : memref<79x128xi32, #tpu.memory_space<vmem>> -> memref<1x128xi32, #tpu.memory_space<vmem>>
    %dma_start3A_27 = tpu.memref_squeeze %dma_start3A_26 : memref<1x128xi32, #tpu.memory_space<vmem>> -> memref<128xi32, #tpu.memory_space<vmem>>
    %dma_start3A_28 = arith.constant 0 : i32
    %dma_start3A_29 = tpu.memref_slice %arg2[%dma_start3A_28] : memref<81920xf32, #tpu.memory_space<hbm>> -> memref<81920xf32, #tpu.memory_space<hbm>>
    tpu.enqueue_indirect_dma source(%dma_start3A_29 : memref<81920xf32, #tpu.memory_space<hbm>>) target(%dma_start3A_24 : memref<128xf32, #tpu.memory_space<vmem>>) offsets(%dma_start3A_27 : memref<128xi32, #tpu.memory_space<vmem>>) semaphore(%arg10 : memref<!tpu.dma_semaphore, #tpu.memory_space<semaphore_mem>>)
    %dma_start3A_30 = arith.constant 1 : i32
    %dma_start3A_31 = arith.constant 1 : i32
    %dma_start3A_32 = arith.constant 0 : i32
    %dma_start3A_33 = tpu.memref_slice %arg8[%dma_start3A_31, %dma_start3A_32] : memref<79x128xf32, #tpu.memory_space<vmem>> -> memref<1x128xf32, #tpu.memory_space<vmem>>
    %dma_start3A_34 = tpu.memref_squeeze %dma_start3A_33 : memref<1x128xf32, #tpu.memory_space<vmem>> -> memref<128xf32, #tpu.memory_space<vmem>>
    %dma_start3A_35 = arith.constant 0 : i32
    %dma_start3A_36 = tpu.memref_slice %arg6[%dma_start3A_30, %dma_start3A_35] : memref<79x128xi32, #tpu.memory_space<vmem>> -> memref<1x128xi32, #tpu.memory_space<vmem>>
    %dma_start3A_37 = tpu.memref_squeeze %dma_start3A_36 : memref<1x128xi32, #tpu.memory_space<vmem>> -> memref<128xi32, #tpu.memory_space<vmem>>
    %dma_start3A_38 = arith.constant 0 : i32
    %dma_start3A_39 = tpu.memref_slice %arg3[%dma_start3A_38] : memref<81920xf32, #tpu.memory_space<hbm>> -> memref<81920xf32, #tpu.memory_space<hbm>>
    tpu.enqueue_indirect_dma source(%dma_start3A_39 : memref<81920xf32, #tpu.memory_space<hbm>>) target(%dma_start3A_34 : memref<128xf32, #tpu.memory_space<vmem>>) offsets(%dma_start3A_37 : memref<128xi32, #tpu.memory_space<vmem>>) semaphore(%arg10 : memref<!tpu.dma_semaphore, #tpu.memory_space<semaphore_mem>>)
    %dma_start3A_40 = arith.constant 2 : i32
    %dma_start3A_41 = arith.constant 2 : i32
    %dma_start3A_42 = arith.constant 0 : i32
    %dma_start3A_43 = tpu.memref_slice %arg7[%dma_start3A_41, %dma_start3A_42] : memref<79x128xf32, #tpu.memory_space<vmem>> -> memref<1x128xf32, #tpu.memory_space<vmem>>
    %dma_start3A_44 = tpu.memref_squeeze %dma_start3A_43 : memref<1x128xf32, #tpu.memory_space<vmem>> -> memref<128xf32, #tpu.memory_space<vmem>>
    %dma_start3A_45 = arith.constant 0 : i32
    %dma_start3A_46 = tpu.memref_slice %arg6[%dma_start3A_40, %dma_start3A_45] : memref<79x128xi32, #tpu.memory_space<vmem>> -> memref<1x128xi32, #tpu.memory_space<vmem>>
    %dma_start3A_47 = tpu.memref_squeeze %dma_start3A_46 : memref<1x128xi32, #tpu.memory_space<vmem>> -> memref<128xi32, #tpu.memory_space<vmem>>
    %dma_start3A_48 = arith.constant 0 : i32
    %dma_start3A_49 = tpu.memref_slice %arg2[%dma_start3A_48] : memref<81920xf32, #tpu.memory_space<hbm>> -> memref<81920xf32, #tpu.memory_space<hbm>>
    tpu.enqueue_indirect_dma source(%dma_start3A_49 : memref<81920xf32, #tpu.memory_space<hbm>>) target(%dma_start3A_44 : memref<128xf32, #tpu.memory_space<vmem>>) offsets(%dma_start3A_47 : memref<128xi32, #tpu.memory_space<vmem>>) semaphore(%arg10 : memref<!tpu.dma_semaphore, #tpu.memory_space<semaphore_mem>>)
    %dma_start3A_50 = arith.constant 2 : i32
    %dma_start3A_51 = arith.constant 2 : i32
    %dma_start3A_52 = arith.constant 0 : i32
    %dma_start3A_53 = tpu.memref_slice %arg8[%dma_start3A_51, %dma_start3A_52] : memref<79x128xf32, #tpu.memory_space<vmem>> -> memref<1x128xf32, #tpu.memory_space<vmem>>
    %dma_start3A_54 = tpu.memref_squeeze %dma_start3A_53 : memref<1x128xf32, #tpu.memory_space<vmem>> -> memref<128xf32, #tpu.memory_space<vmem>>
    %dma_start3A_55 = arith.constant 0 : i32
    %dma_start3A_56 = tpu.memref_slice %arg6[%dma_start3A_50, %dma_start3A_55] : memref<79x128xi32, #tpu.memory_space<vmem>> -> memref<1x128xi32, #tpu.memory_space<vmem>>
    %dma_start3A_57 = tpu.memref_squeeze %dma_start3A_56 : memref<1x128xi32, #tpu.memory_space<vmem>> -> memref<128xi32, #tpu.memory_space<vmem>>
    %dma_start3A_58 = arith.constant 0 : i32
    %dma_start3A_59 = tpu.memref_slice %arg3[%dma_start3A_58] : memref<81920xf32, #tpu.memory_space<hbm>> -> memref<81920xf32, #tpu.memory_space<hbm>>
    tpu.enqueue_indirect_dma source(%dma_start3A_59 : memref<81920xf32, #tpu.memory_space<hbm>>) target(%dma_start3A_54 : memref<128xf32, #tpu.memory_space<vmem>>) offsets(%dma_start3A_57 : memref<128xi32, #tpu.memory_space<vmem>>) semaphore(%arg10 : memref<!tpu.dma_semaphore, #tpu.memory_space<semaphore_mem>>)
    %dma_start3A_60 = arith.constant 3 : i32
    %dma_start3A_61 = arith.constant 3 : i32
    %dma_start3A_62 = arith.constant 0 : i32
    %dma_start3A_63 = tpu.memref_slice %arg7[%dma_start3A_61, %dma_start3A_62] : memref<79x128xf32, #tpu.memory_space<vmem>> -> memref<1x128xf32, #tpu.memory_space<vmem>>
    %dma_start3A_64 = tpu.memref_squeeze %dma_start3A_63 : memref<1x128xf32, #tpu.memory_space<vmem>> -> memref<128xf32, #tpu.memory_space<vmem>>
    %dma_start3A_65 = arith.constant 0 : i32
    %dma_start3A_66 = tpu.memref_slice %arg6[%dma_start3A_60, %dma_start3A_65] : memref<79x128xi32, #tpu.memory_space<vmem>> -> memref<1x128xi32, #tpu.memory_space<vmem>>
    %dma_start3A_67 = tpu.memref_squeeze %dma_start3A_66 : memref<1x128xi32, #tpu.memory_space<vmem>> -> memref<128xi32, #tpu.memory_space<vmem>>
    %dma_start3A_68 = arith.constant 0 : i32
    %dma_start3A_69 = tpu.memref_slice %arg2[%dma_start3A_68] : memref<81920xf32, #tpu.memory_space<hbm>> -> memref<81920xf32, #tpu.memory_space<hbm>>
    tpu.enqueue_indirect_dma source(%dma_start3A_69 : memref<81920xf32, #tpu.memory_space<hbm>>) target(%dma_start3A_64 : memref<128xf32, #tpu.memory_space<vmem>>) offsets(%dma_start3A_67 : memref<128xi32, #tpu.memory_space<vmem>>) semaphore(%arg10 : memref<!tpu.dma_semaphore, #tpu.memory_space<semaphore_mem>>)
    %dma_start3A_70 = arith.constant 3 : i32
    %dma_start3A_71 = arith.constant 3 : i32
    %dma_start3A_72 = arith.constant 0 : i32
    %dma_start3A_73 = tpu.memref_slice %arg8[%dma_start3A_71, %dma_start3A_72] : memref<79x128xf32, #tpu.memory_space<vmem>> -> memref<1x128xf32, #tpu.memory_space<vmem>>
    %dma_start3A_74 = tpu.memref_squeeze %dma_start3A_73 : memref<1x128xf32, #tpu.memory_space<vmem>> -> memref<128xf32, #tpu.memory_space<vmem>>
    %dma_start3A_75 = arith.constant 0 : i32
    %dma_start3A_76 = tpu.memref_slice %arg6[%dma_start3A_70, %dma_start3A_75] : memref<79x128xi32, #tpu.memory_space<vmem>> -> memref<1x128xi32, #tpu.memory_space<vmem>>
    %dma_start3A_77 = tpu.memref_squeeze %dma_start3A_76 : memref<1x128xi32, #tpu.memory_space<vmem>> -> memref<128xi32, #tpu.memory_space<vmem>>
    %dma_start3A_78 = arith.constant 0 : i32
    %dma_start3A_79 = tpu.memref_slice %arg3[%dma_start3A_78] : memref<81920xf32, #tpu.memory_space<hbm>> -> memref<81920xf32, #tpu.memory_space<hbm>>
    tpu.enqueue_indirect_dma source(%dma_start3A_79 : memref<81920xf32, #tpu.memory_space<hbm>>) target(%dma_start3A_74 : memref<128xf32, #tpu.memory_space<vmem>>) offsets(%dma_start3A_77 : memref<128xi32, #tpu.memory_space<vmem>>) semaphore(%arg10 : memref<!tpu.dma_semaphore, #tpu.memory_space<semaphore_mem>>)
    %dma_start3A_80 = arith.constant 4 : i32
    %dma_start3A_81 = arith.constant 4 : i32
    %dma_start3A_82 = arith.constant 0 : i32
    %dma_start3A_83 = tpu.memref_slice %arg7[%dma_start3A_81, %dma_start3A_82] : memref<79x128xf32, #tpu.memory_space<vmem>> -> memref<1x128xf32, #tpu.memory_space<vmem>>
    %dma_start3A_84 = tpu.memref_squeeze %dma_start3A_83 : memref<1x128xf32, #tpu.memory_space<vmem>> -> memref<128xf32, #tpu.memory_space<vmem>>
    %dma_start3A_85 = arith.constant 0 : i32
    %dma_start3A_86 = tpu.memref_slice %arg6[%dma_start3A_80, %dma_start3A_85] : memref<79x128xi32, #tpu.memory_space<vmem>> -> memref<1x128xi32, #tpu.memory_space<vmem>>
    %dma_start3A_87 = tpu.memref_squeeze %dma_start3A_86 : memref<1x128xi32, #tpu.memory_space<vmem>> -> memref<128xi32, #tpu.memory_space<vmem>>
    %dma_start3A_88 = arith.constant 0 : i32
    %dma_start3A_89 = tpu.memref_slice %arg2[%dma_start3A_88] : memref<81920xf32, #tpu.memory_space<hbm>> -> memref<81920xf32, #tpu.memory_space<hbm>>
    tpu.enqueue_indirect_dma source(%dma_start3A_89 : memref<81920xf32, #tpu.memory_space<hbm>>) target(%dma_start3A_84 : memref<128xf32, #tpu.memory_space<vmem>>) offsets(%dma_start3A_87 : memref<128xi32, #tpu.memory_space<vmem>>) semaphore(%arg10 : memref<!tpu.dma_semaphore, #tpu.memory_space<semaphore_mem>>)
    %dma_start3A_90 = arith.constant 4 : i32
    %dma_start3A_91 = arith.constant 4 : i32
    %dma_start3A_92 = arith.constant 0 : i32
    %dma_start3A_93 = tpu.memref_slice %arg8[%dma_start3A_91, %dma_start3A_92] : memref<79x128xf32, #tpu.memory_space<vmem>> -> memref<1x128xf32, #tpu.memory_space<vmem>>
    %dma_start3A_94 = tpu.memref_squeeze %dma_start3A_93 : memref<1x128xf32, #tpu.memory_space<vmem>> -> memref<128xf32, #tpu.memory_space<vmem>>
    %dma_start3A_95 = arith.constant 0 : i32
    %dma_start3A_96 = tpu.memref_slice %arg6[%dma_start3A_90, %dma_start3A_95] : memref<79x128xi32, #tpu.memory_space<vmem>> -> memref<1x128xi32, #tpu.memory_space<vmem>>
    %dma_start3A_97 = tpu.memref_squeeze %dma_start3A_96 : memref<1x128xi32, #tpu.memory_space<vmem>> -> memref<128xi32, #tpu.memory_space<vmem>>
    %dma_start3A_98 = arith.constant 0 : i32
    %dma_start3A_99 = tpu.memref_slice %arg3[%dma_start3A_98] : memref<81920xf32, #tpu.memory_space<hbm>> -> memref<81920xf32, #tpu.memory_space<hbm>>
    tpu.enqueue_indirect_dma source(%dma_start3A_99 : memref<81920xf32, #tpu.memory_space<hbm>>) target(%dma_start3A_94 : memref<128xf32, #tpu.memory_space<vmem>>) offsets(%dma_start3A_97 : memref<128xi32, #tpu.memory_space<vmem>>) semaphore(%arg10 : memref<!tpu.dma_semaphore, #tpu.memory_space<semaphore_mem>>)
    %dma_start3A_100 = arith.constant 5 : i32
    %dma_start3A_101 = arith.constant 5 : i32
    %dma_start3A_102 = arith.constant 0 : i32
    %dma_start3A_103 = tpu.memref_slice %arg7[%dma_start3A_101, %dma_start3A_102] : memref<79x128xf32, #tpu.memory_space<vmem>> -> memref<1x128xf32, #tpu.memory_space<vmem>>
    %dma_start3A_104 = tpu.memref_squeeze %dma_start3A_103 : memref<1x128xf32, #tpu.memory_space<vmem>> -> memref<128xf32, #tpu.memory_space<vmem>>
    %dma_start3A_105 = arith.constant 0 : i32
    %dma_start3A_106 = tpu.memref_slice %arg6[%dma_start3A_100, %dma_start3A_105] : memref<79x128xi32, #tpu.memory_space<vmem>> -> memref<1x128xi32, #tpu.memory_space<vmem>>
    %dma_start3A_107 = tpu.memref_squeeze %dma_start3A_106 : memref<1x128xi32, #tpu.memory_space<vmem>> -> memref<128xi32, #tpu.memory_space<vmem>>
    %dma_start3A_108 = arith.constant 0 : i32
    %dma_start3A_109 = tpu.memref_slice %arg2[%dma_start3A_108] : memref<81920xf32, #tpu.memory_space<hbm>> -> memref<81920xf32, #tpu.memory_space<hbm>>
    tpu.enqueue_indirect_dma source(%dma_start3A_109 : memref<81920xf32, #tpu.memory_space<hbm>>) target(%dma_start3A_104 : memref<128xf32, #tpu.memory_space<vmem>>) offsets(%dma_start3A_107 : memref<128xi32, #tpu.memory_space<vmem>>) semaphore(%arg10 : memref<!tpu.dma_semaphore, #tpu.memory_space<semaphore_mem>>)
    %dma_start3A_110 = arith.constant 5 : i32
    %dma_start3A_111 = arith.constant 5 : i32
    %dma_start3A_112 = arith.constant 0 : i32
    %dma_start3A_113 = tpu.memref_slice %arg8[%dma_start3A_111, %dma_start3A_112] : memref<79x128xf32, #tpu.memory_space<vmem>> -> memref<1x128xf32, #tpu.memory_space<vmem>>
    %dma_start3A_114 = tpu.memref_squeeze %dma_start3A_113 : memref<1x128xf32, #tpu.memory_space<vmem>> -> memref<128xf32, #tpu.memory_space<vmem>>
    %dma_start3A_115 = arith.constant 0 : i32
    %dma_start3A_116 = tpu.memref_slice %arg6[%dma_start3A_110, %dma_start3A_115] : memref<79x128xi32, #tpu.memory_space<vmem>> -> memref<1x128xi32, #tpu.memory_space<vmem>>
    %dma_start3A_117 = tpu.memref_squeeze %dma_start3A_116 : memref<1x128xi32, #tpu.memory_space<vmem>> -> memref<128xi32, #tpu.memory_space<vmem>>
    %dma_start3A_118 = arith.constant 0 : i32
    %dma_start3A_119 = tpu.memref_slice %arg3[%dma_start3A_118] : memref<81920xf32, #tpu.memory_space<hbm>> -> memref<81920xf32, #tpu.memory_space<hbm>>
    tpu.enqueue_indirect_dma source(%dma_start3A_119 : memref<81920xf32, #tpu.memory_space<hbm>>) target(%dma_start3A_114 : memref<128xf32, #tpu.memory_space<vmem>>) offsets(%dma_start3A_117 : memref<128xi32, #tpu.memory_space<vmem>>) semaphore(%arg10 : memref<!tpu.dma_semaphore, #tpu.memory_space<semaphore_mem>>)
    %dma_start3A_120 = arith.constant 6 : i32
    %dma_start3A_121 = arith.constant 6 : i32
    %dma_start3A_122 = arith.constant 0 : i32
    %dma_start3A_123 = tpu.memref_slice %arg7[%dma_start3A_121, %dma_start3A_122] : memref<79x128xf32, #tpu.memory_space<vmem>> -> memref<1x128xf32, #tpu.memory_space<vmem>>
    %dma_start3A_124 = tpu.memref_squeeze %dma_start3A_123 : memref<1x128xf32, #tpu.memory_space<vmem>> -> memref<128xf32, #tpu.memory_space<vmem>>
    %dma_start3A_125 = arith.constant 0 : i32
    %dma_start3A_126 = tpu.memref_slice %arg6[%dma_start3A_120, %dma_start3A_125] : memref<79x128xi32, #tpu.memory_space<vmem>> -> memref<1x128xi32, #tpu.memory_space<vmem>>
    %dma_start3A_127 = tpu.memref_squeeze %dma_start3A_126 : memref<1x128xi32, #tpu.memory_space<vmem>> -> memref<128xi32, #tpu.memory_space<vmem>>
    %dma_start3A_128 = arith.constant 0 : i32
    %dma_start3A_129 = tpu.memref_slice %arg2[%dma_start3A_128] : memref<81920xf32, #tpu.memory_space<hbm>> -> memref<81920xf32, #tpu.memory_space<hbm>>
    tpu.enqueue_indirect_dma source(%dma_start3A_129 : memref<81920xf32, #tpu.memory_space<hbm>>) target(%dma_start3A_124 : memref<128xf32, #tpu.memory_space<vmem>>) offsets(%dma_start3A_127 : memref<128xi32, #tpu.memory_space<vmem>>) semaphore(%arg10 : memref<!tpu.dma_semaphore, #tpu.memory_space<semaphore_mem>>)
    %dma_start3A_130 = arith.constant 6 : i32
    %dma_start3A_131 = arith.constant 6 : i32
    %dma_start3A_132 = arith.constant 0 : i32
    %dma_start3A_133 = tpu.memref_slice %arg8[%dma_start3A_131, %dma_start3A_132] : memref<79x128xf32, #tpu.memory_space<vmem>> -> memref<1x128xf32, #tpu.memory_space<vmem>>
    %dma_start3A_134 = tpu.memref_squeeze %dma_start3A_133 : memref<1x128xf32, #tpu.memory_space<vmem>> -> memref<128xf32, #tpu.memory_space<vmem>>
    %dma_start3A_135 = arith.constant 0 : i32
    %dma_start3A_136 = tpu.memref_slice %arg6[%dma_start3A_130, %dma_start3A_135] : memref<79x128xi32, #tpu.memory_space<vmem>> -> memref<1x128xi32, #tpu.memory_space<vmem>>
    %dma_start3A_137 = tpu.memref_squeeze %dma_start3A_136 : memref<1x128xi32, #tpu.memory_space<vmem>> -> memref<128xi32, #tpu.memory_space<vmem>>
    %dma_start3A_138 = arith.constant 0 : i32
    %dma_start3A_139 = tpu.memref_slice %arg3[%dma_start3A_138] : memref<81920xf32, #tpu.memory_space<hbm>> -> memref<81920xf32, #tpu.memory_space<hbm>>
    tpu.enqueue_indirect_dma source(%dma_start3A_139 : memref<81920xf32, #tpu.memory_space<hbm>>) target(%dma_start3A_134 : memref<128xf32, #tpu.memory_space<vmem>>) offsets(%dma_start3A_137 : memref<128xi32, #tpu.memory_space<vmem>>) semaphore(%arg10 : memref<!tpu.dma_semaphore, #tpu.memory_space<semaphore_mem>>)
    %dma_start3A_140 = arith.constant 7 : i32
    %dma_start3A_141 = arith.constant 7 : i32
    %dma_start3A_142 = arith.constant 0 : i32
    %dma_start3A_143 = tpu.memref_slice %arg7[%dma_start3A_141, %dma_start3A_142] : memref<79x128xf32, #tpu.memory_space<vmem>> -> memref<1x128xf32, #tpu.memory_space<vmem>>
    %dma_start3A_144 = tpu.memref_squeeze %dma_start3A_143 : memref<1x128xf32, #tpu.memory_space<vmem>> -> memref<128xf32, #tpu.memory_space<vmem>>
    %dma_start3A_145 = arith.constant 0 : i32
    %dma_start3A_146 = tpu.memref_slice %arg6[%dma_start3A_140, %dma_start3A_145] : memref<79x128xi32, #tpu.memory_space<vmem>> -> memref<1x128xi32, #tpu.memory_space<vmem>>
    %dma_start3A_147 = tpu.memref_squeeze %dma_start3A_146 : memref<1x128xi32, #tpu.memory_space<vmem>> -> memref<128xi32, #tpu.memory_space<vmem>>
    %dma_start3A_148 = arith.constant 0 : i32
    %dma_start3A_149 = tpu.memref_slice %arg2[%dma_start3A_148] : memref<81920xf32, #tpu.memory_space<hbm>> -> memref<81920xf32, #tpu.memory_space<hbm>>
    tpu.enqueue_indirect_dma source(%dma_start3A_149 : memref<81920xf32, #tpu.memory_space<hbm>>) target(%dma_start3A_144 : memref<128xf32, #tpu.memory_space<vmem>>) offsets(%dma_start3A_147 : memref<128xi32, #tpu.memory_space<vmem>>) semaphore(%arg10 : memref<!tpu.dma_semaphore, #tpu.memory_space<semaphore_mem>>)
    %dma_start3A_150 = arith.constant 7 : i32
    %dma_start3A_151 = arith.constant 7 : i32
    %dma_start3A_152 = arith.constant 0 : i32
    %dma_start3A_153 = tpu.memref_slice %arg8[%dma_start3A_151, %dma_start3A_152] : memref<79x128xf32, #tpu.memory_space<vmem>> -> memref<1x128xf32, #tpu.memory_space<vmem>>
    %dma_start3A_154 = tpu.memref_squeeze %dma_start3A_153 : memref<1x128xf32, #tpu.memory_space<vmem>> -> memref<128xf32, #tpu.memory_space<vmem>>
    %dma_start3A_155 = arith.constant 0 : i32
    %dma_start3A_156 = tpu.memref_slice %arg6[%dma_start3A_150, %dma_start3A_155] : memref<79x128xi32, #tpu.memory_space<vmem>> -> memref<1x128xi32, #tpu.memory_space<vmem>>
    %dma_start3A_157 = tpu.memref_squeeze %dma_start3A_156 : memref<1x128xi32, #tpu.memory_space<vmem>> -> memref<128xi32, #tpu.memory_space<vmem>>
    %dma_start3A_158 = arith.constant 0 : i32
    %dma_start3A_159 = tpu.memref_slice %arg3[%dma_start3A_158] : memref<81920xf32, #tpu.memory_space<hbm>> -> memref<81920xf32, #tpu.memory_space<hbm>>
    tpu.enqueue_indirect_dma source(%dma_start3A_159 : memref<81920xf32, #tpu.memory_space<hbm>>) target(%dma_start3A_154 : memref<128xf32, #tpu.memory_space<vmem>>) offsets(%dma_start3A_157 : memref<128xi32, #tpu.memory_space<vmem>>) semaphore(%arg10 : memref<!tpu.dma_semaphore, #tpu.memory_space<semaphore_mem>>)
    %scan3A = arith.constant 0 : i32
    %scan3A_160 = arith.constant 0 : i32
    %scan3A_161 = arith.constant 79 : i32
    %scan3A_162 = arith.addi %scan3A_160, %scan3A_161 : i32
    %scan3A_163 = arith.constant 1 : i32
    scf.for %scan3A_165 = %scan3A_160 to %scan3A_162 step %scan3A_163  : i32 {
      %dma_wait3A = arith.constant 0 : i32
      %dma_wait3A_166 = tpu.memref_slice %arg7[%scan3A_165, %dma_wait3A] : memref<79x128xf32, #tpu.memory_space<vmem>> -> memref<1x128xf32, #tpu.memory_space<vmem>>
      %dma_wait3A_167 = tpu.memref_squeeze %dma_wait3A_166 : memref<1x128xf32, #tpu.memory_space<vmem>> -> memref<128xf32, #tpu.memory_space<vmem>>
      %dma_wait3A_168 = arith.constant 0 : i32
      %dma_wait3A_169 = tpu.memref_slice %arg6[%scan3A_165, %dma_wait3A_168] : memref<79x128xi32, #tpu.memory_space<vmem>> -> memref<1x128xi32, #tpu.memory_space<vmem>>
      %dma_wait3A_170 = tpu.memref_squeeze %dma_wait3A_169 : memref<1x128xi32, #tpu.memory_space<vmem>> -> memref<128xi32, #tpu.memory_space<vmem>>
      %dma_wait3A_171 = arith.constant 0 : i32
      %dma_wait3A_172 = tpu.memref_slice %arg2[%dma_wait3A_171] : memref<81920xf32, #tpu.memory_space<hbm>> -> memref<81920xf32, #tpu.memory_space<hbm>>
      tpu.wait_indirect_dma semaphore(%arg10 : memref<!tpu.dma_semaphore, #tpu.memory_space<semaphore_mem>>) src(%dma_wait3A_172 : memref<81920xf32, #tpu.memory_space<hbm>>) dst(%dma_wait3A_167 : memref<128xf32, #tpu.memory_space<vmem>>)
      %dma_wait3A_173 = arith.constant 0 : i32
      %dma_wait3A_174 = tpu.memref_slice %arg8[%scan3A_165, %dma_wait3A_173] : memref<79x128xf32, #tpu.memory_space<vmem>> -> memref<1x128xf32, #tpu.memory_space<vmem>>
      %dma_wait3A_175 = tpu.memref_squeeze %dma_wait3A_174 : memref<1x128xf32, #tpu.memory_space<vmem>> -> memref<128xf32, #tpu.memory_space<vmem>>
      %dma_wait3A_176 = arith.constant 0 : i32
      %dma_wait3A_177 = tpu.memref_slice %arg6[%scan3A_165, %dma_wait3A_176] : memref<79x128xi32, #tpu.memory_space<vmem>> -> memref<1x128xi32, #tpu.memory_space<vmem>>
      %dma_wait3A_178 = tpu.memref_squeeze %dma_wait3A_177 : memref<1x128xi32, #tpu.memory_space<vmem>> -> memref<128xi32, #tpu.memory_space<vmem>>
      %dma_wait3A_179 = arith.constant 0 : i32
      %dma_wait3A_180 = tpu.memref_slice %arg3[%dma_wait3A_179] : memref<81920xf32, #tpu.memory_space<hbm>> -> memref<81920xf32, #tpu.memory_space<hbm>>
      tpu.wait_indirect_dma semaphore(%arg10 : memref<!tpu.dma_semaphore, #tpu.memory_space<semaphore_mem>>) src(%dma_wait3A_180 : memref<81920xf32, #tpu.memory_space<hbm>>) dst(%dma_wait3A_175 : memref<128xf32, #tpu.memory_space<vmem>>)
      %add3A_181 = arith.constant 8 : i32
      %add3A_182 = arith.addi %scan3A_165, %add3A_181 : i32
      %lt3A = arith.constant 79 : i32
      %lt3A_183 = arith.cmpi slt, %add3A_182, %lt3A : i32
      %convert_element_type3A = arith.extui %lt3A_183 : i1 to i32
      %cond3A = arith.constant 0 : i32
      %cond3A_184 = arith.cmpi ne, %convert_element_type3A, %cond3A : i32
      scf.if %cond3A_184 {
        %add3A_341 = arith.constant 8 : i32
        %add3A_342 = arith.addi %scan3A_165, %add3A_341 : i32
        %add3A_343 = arith.constant 8 : i32
        %add3A_344 = arith.addi %scan3A_165, %add3A_343 : i32
        %dma_start3A_345 = arith.constant 0 : i32
        %dma_start3A_346 = tpu.memref_slice %arg7[%add3A_344, %dma_start3A_345] : memref<79x128xf32, #tpu.memory_space<vmem>> -> memref<1x128xf32, #tpu.memory_space<vmem>>
        %dma_start3A_347 = tpu.memref_squeeze %dma_start3A_346 : memref<1x128xf32, #tpu.memory_space<vmem>> -> memref<128xf32, #tpu.memory_space<vmem>>
        %dma_start3A_348 = arith.constant 0 : i32
        %dma_start3A_349 = tpu.memref_slice %arg6[%add3A_342, %dma_start3A_348] : memref<79x128xi32, #tpu.memory_space<vmem>> -> memref<1x128xi32, #tpu.memory_space<vmem>>
        %dma_start3A_350 = tpu.memref_squeeze %dma_start3A_349 : memref<1x128xi32, #tpu.memory_space<vmem>> -> memref<128xi32, #tpu.memory_space<vmem>>
        %dma_start3A_351 = arith.constant 0 : i32
        %dma_start3A_352 = tpu.memref_slice %arg2[%dma_start3A_351] : memref<81920xf32, #tpu.memory_space<hbm>> -> memref<81920xf32, #tpu.memory_space<hbm>>
        tpu.enqueue_indirect_dma source(%dma_start3A_352 : memref<81920xf32, #tpu.memory_space<hbm>>) target(%dma_start3A_347 : memref<128xf32, #tpu.memory_space<vmem>>) offsets(%dma_start3A_350 : memref<128xi32, #tpu.memory_space<vmem>>) semaphore(%arg10 : memref<!tpu.dma_semaphore, #tpu.memory_space<semaphore_mem>>)
        %add3A_353 = arith.constant 8 : i32
        %add3A_354 = arith.addi %scan3A_165, %add3A_353 : i32
        %add3A_355 = arith.constant 8 : i32
        %add3A_356 = arith.addi %scan3A_165, %add3A_355 : i32
        %dma_start3A_357 = arith.constant 0 : i32
        %dma_start3A_358 = tpu.memref_slice %arg8[%add3A_356, %dma_start3A_357] : memref<79x128xf32, #tpu.memory_space<vmem>> -> memref<1x128xf32, #tpu.memory_space<vmem>>
        %dma_start3A_359 = tpu.memref_squeeze %dma_start3A_358 : memref<1x128xf32, #tpu.memory_space<vmem>> -> memref<128xf32, #tpu.memory_space<vmem>>
        %dma_start3A_360 = arith.constant 0 : i32
        %dma_start3A_361 = tpu.memref_slice %arg6[%add3A_354, %dma_start3A_360] : memref<79x128xi32, #tpu.memory_space<vmem>> -> memref<1x128xi32, #tpu.memory_space<vmem>>
        %dma_start3A_362 = tpu.memref_squeeze %dma_start3A_361 : memref<1x128xi32, #tpu.memory_space<vmem>> -> memref<128xi32, #tpu.memory_space<vmem>>
        %dma_start3A_363 = arith.constant 0 : i32
        %dma_start3A_364 = tpu.memref_slice %arg3[%dma_start3A_363] : memref<81920xf32, #tpu.memory_space<hbm>> -> memref<81920xf32, #tpu.memory_space<hbm>>
        tpu.enqueue_indirect_dma source(%dma_start3A_364 : memref<81920xf32, #tpu.memory_space<hbm>>) target(%dma_start3A_359 : memref<128xf32, #tpu.memory_space<vmem>>) offsets(%dma_start3A_362 : memref<128xi32, #tpu.memory_space<vmem>>) semaphore(%arg10 : memref<!tpu.dma_semaphore, #tpu.memory_space<semaphore_mem>>)
      } else {
      }
      %get3A = arith.index_cast %scan3A_165 : i32 to index
      %get3A_185 = arith.constant 0 : index
      %get3A_186 = tpu.vector_load %arg7[%get3A, %get3A_185] {strides = array<i32>} : memref<79x128xf32, #tpu.memory_space<vmem>>, vector<1x16xf32>,
      %get3A_187 = vector.shape_cast %get3A_186 : vector<1x16xf32> to vector<16xf32>
      %get3A_188 = arith.index_cast %scan3A_165 : i32 to index
      %get3A_189 = arith.constant 0 : index
      %get3A_190 = tpu.vector_load %arg8[%get3A_188, %get3A_189] {strides = array<i32>} : memref<79x128xf32, #tpu.memory_space<vmem>>, vector<1x16xf32>,
      %get3A_191 = vector.shape_cast %get3A_190 : vector<1x16xf32> to vector<16xf32>
      %add3A_192 = arith.addf %get3A_187, %get3A_191 : vector<16xf32>
      %max3A = arith.constant 1.000000e+00 : f32
      %max3A_193 = vector.broadcast %max3A : f32 to vector<16xf32>
      %max3A_194 = arith.maximumf %add3A_192, %max3A_193 : vector<16xf32>
      %div3A = arith.constant 1.000000e+00 : f32
      %div3A_195 = vector.broadcast %div3A : f32 to vector<16xf32>
      %div3A_196 = arith.divf %div3A_195, %max3A_194 : vector<16xf32>
      %swap3A = arith.index_cast %scan3A_165 : i32 to index
      %swap3A_197 = arith.constant 0 : index
      %swap3A_198 = tpu.vector_load %arg9[%swap3A, %swap3A_197] {strides = array<i32>} : memref<79x128xf32, #tpu.memory_space<vmem>>, vector<1x16xf32>,
      %swap3A_199 = vector.shape_cast %swap3A_198 : vector<1x16xf32> to vector<16xf32>
      %swap3A_200 = vector.shape_cast %div3A_196 : vector<16xf32> to vector<1x16xf32>
      tpu.vector_store %arg9[%swap3A, %swap3A_197], %swap3A_200 {strides = array<i32>} : memref<79x128xf32, #tpu.memory_space<vmem>>, vector<1x16xf32>,
      %get3A_201 = arith.index_cast %scan3A_165 : i32 to index
      %get3A_202 = arith.constant 16 : index
      %get3A_203 = tpu.vector_load %arg7[%get3A_201, %get3A_202] {strides = array<i32>} : memref<79x128xf32, #tpu.memory_space<vmem>>, vector<1x16xf32>,
      %get3A_204 = vector.shape_cast %get3A_203 : vector<1x16xf32> to vector<16xf32>
      %get3A_205 = arith.index_cast %scan3A_165 : i32 to index
      %get3A_206 = arith.constant 16 : index
      %get3A_207 = tpu.vector_load %arg8[%get3A_205, %get3A_206] {strides = array<i32>} : memref<79x128xf32, #tpu.memory_space<vmem>>, vector<1x16xf32>,
      %get3A_208 = vector.shape_cast %get3A_207 : vector<1x16xf32> to vector<16xf32>
      %add3A_209 = arith.addf %get3A_204, %get3A_208 : vector<16xf32>
      %max3A_210 = arith.constant 1.000000e+00 : f32
      %max3A_211 = vector.broadcast %max3A_210 : f32 to vector<16xf32>
      %max3A_212 = arith.maximumf %add3A_209, %max3A_211 : vector<16xf32>
      %div3A_213 = arith.constant 1.000000e+00 : f32
      %div3A_214 = vector.broadcast %div3A_213 : f32 to vector<16xf32>
      %div3A_215 = arith.divf %div3A_214, %max3A_212 : vector<16xf32>
      %swap3A_216 = arith.index_cast %scan3A_165 : i32 to index
      %swap3A_217 = arith.constant 16 : index
      %swap3A_218 = tpu.vector_load %arg9[%swap3A_216, %swap3A_217] {strides = array<i32>} : memref<79x128xf32, #tpu.memory_space<vmem>>, vector<1x16xf32>,
      %swap3A_219 = vector.shape_cast %swap3A_218 : vector<1x16xf32> to vector<16xf32>
      %swap3A_220 = vector.shape_cast %div3A_215 : vector<16xf32> to vector<1x16xf32>
      tpu.vector_store %arg9[%swap3A_216, %swap3A_217], %swap3A_220 {strides = array<i32>} : memref<79x128xf32, #tpu.memory_space<vmem>>, vector<1x16xf32>,
      %get3A_221 = arith.index_cast %scan3A_165 : i32 to index
      %get3A_222 = arith.constant 32 : index
      %get3A_223 = tpu.vector_load %arg7[%get3A_221, %get3A_222] {strides = array<i32>} : memref<79x128xf32, #tpu.memory_space<vmem>>, vector<1x16xf32>,
      %get3A_224 = vector.shape_cast %get3A_223 : vector<1x16xf32> to vector<16xf32>
      %get3A_225 = arith.index_cast %scan3A_165 : i32 to index
      %get3A_226 = arith.constant 32 : index
      %get3A_227 = tpu.vector_load %arg8[%get3A_225, %get3A_226] {strides = array<i32>} : memref<79x128xf32, #tpu.memory_space<vmem>>, vector<1x16xf32>,
      %get3A_228 = vector.shape_cast %get3A_227 : vector<1x16xf32> to vector<16xf32>
      %add3A_229 = arith.addf %get3A_224, %get3A_228 : vector<16xf32>
      %max3A_230 = arith.constant 1.000000e+00 : f32
      %max3A_231 = vector.broadcast %max3A_230 : f32 to vector<16xf32>
      %max3A_232 = arith.maximumf %add3A_229, %max3A_231 : vector<16xf32>
      %div3A_233 = arith.constant 1.000000e+00 : f32
      %div3A_234 = vector.broadcast %div3A_233 : f32 to vector<16xf32>
      %div3A_235 = arith.divf %div3A_234, %max3A_232 : vector<16xf32>
      %swap3A_236 = arith.index_cast %scan3A_165 : i32 to index
      %swap3A_237 = arith.constant 32 : index
      %swap3A_238 = tpu.vector_load %arg9[%swap3A_236, %swap3A_237] {strides = array<i32>} : memref<79x128xf32, #tpu.memory_space<vmem>>, vector<1x16xf32>,
      %swap3A_239 = vector.shape_cast %swap3A_238 : vector<1x16xf32> to vector<16xf32>
      %swap3A_240 = vector.shape_cast %div3A_235 : vector<16xf32> to vector<1x16xf32>
      tpu.vector_store %arg9[%swap3A_236, %swap3A_237], %swap3A_240 {strides = array<i32>} : memref<79x128xf32, #tpu.memory_space<vmem>>, vector<1x16xf32>,
      %get3A_241 = arith.index_cast %scan3A_165 : i32 to index
      %get3A_242 = arith.constant 48 : index
      %get3A_243 = tpu.vector_load %arg7[%get3A_241, %get3A_242] {strides = array<i32>} : memref<79x128xf32, #tpu.memory_space<vmem>>, vector<1x16xf32>,
      %get3A_244 = vector.shape_cast %get3A_243 : vector<1x16xf32> to vector<16xf32>
      %get3A_245 = arith.index_cast %scan3A_165 : i32 to index
      %get3A_246 = arith.constant 48 : index
      %get3A_247 = tpu.vector_load %arg8[%get3A_245, %get3A_246] {strides = array<i32>} : memref<79x128xf32, #tpu.memory_space<vmem>>, vector<1x16xf32>,
      %get3A_248 = vector.shape_cast %get3A_247 : vector<1x16xf32> to vector<16xf32>
      %add3A_249 = arith.addf %get3A_244, %get3A_248 : vector<16xf32>
      %max3A_250 = arith.constant 1.000000e+00 : f32
      %max3A_251 = vector.broadcast %max3A_250 : f32 to vector<16xf32>
      %max3A_252 = arith.maximumf %add3A_249, %max3A_251 : vector<16xf32>
      %div3A_253 = arith.constant 1.000000e+00 : f32
      %div3A_254 = vector.broadcast %div3A_253 : f32 to vector<16xf32>
      %div3A_255 = arith.divf %div3A_254, %max3A_252 : vector<16xf32>
      %swap3A_256 = arith.index_cast %scan3A_165 : i32 to index
      %swap3A_257 = arith.constant 48 : index
      %swap3A_258 = tpu.vector_load %arg9[%swap3A_256, %swap3A_257] {strides = array<i32>} : memref<79x128xf32, #tpu.memory_space<vmem>>, vector<1x16xf32>,
      %swap3A_259 = vector.shape_cast %swap3A_258 : vector<1x16xf32> to vector<16xf32>
      %swap3A_260 = vector.shape_cast %div3A_255 : vector<16xf32> to vector<1x16xf32>
      tpu.vector_store %arg9[%swap3A_256, %swap3A_257], %swap3A_260 {strides = array<i32>} : memref<79x128xf32, #tpu.memory_space<vmem>>, vector<1x16xf32>,
      %get3A_261 = arith.index_cast %scan3A_165 : i32 to index
      %get3A_262 = arith.constant 64 : index
      %get3A_263 = tpu.vector_load %arg7[%get3A_261, %get3A_262] {strides = array<i32>} : memref<79x128xf32, #tpu.memory_space<vmem>>, vector<1x16xf32>,
      %get3A_264 = vector.shape_cast %get3A_263 : vector<1x16xf32> to vector<16xf32>
      %get3A_265 = arith.index_cast %scan3A_165 : i32 to index
      %get3A_266 = arith.constant 64 : index
      %get3A_267 = tpu.vector_load %arg8[%get3A_265, %get3A_266] {strides = array<i32>} : memref<79x128xf32, #tpu.memory_space<vmem>>, vector<1x16xf32>,
      %get3A_268 = vector.shape_cast %get3A_267 : vector<1x16xf32> to vector<16xf32>
      %add3A_269 = arith.addf %get3A_264, %get3A_268 : vector<16xf32>
      %max3A_270 = arith.constant 1.000000e+00 : f32
      %max3A_271 = vector.broadcast %max3A_270 : f32 to vector<16xf32>
      %max3A_272 = arith.maximumf %add3A_269, %max3A_271 : vector<16xf32>
      %div3A_273 = arith.constant 1.000000e+00 : f32
      %div3A_274 = vector.broadcast %div3A_273 : f32 to vector<16xf32>
      %div3A_275 = arith.divf %div3A_274, %max3A_272 : vector<16xf32>
      %swap3A_276 = arith.index_cast %scan3A_165 : i32 to index
      %swap3A_277 = arith.constant 64 : index
      %swap3A_278 = tpu.vector_load %arg9[%swap3A_276, %swap3A_277] {strides = array<i32>} : memref<79x128xf32, #tpu.memory_space<vmem>>, vector<1x16xf32>,
      %swap3A_279 = vector.shape_cast %swap3A_278 : vector<1x16xf32> to vector<16xf32>
      %swap3A_280 = vector.shape_cast %div3A_275 : vector<16xf32> to vector<1x16xf32>
      tpu.vector_store %arg9[%swap3A_276, %swap3A_277], %swap3A_280 {strides = array<i32>} : memref<79x128xf32, #tpu.memory_space<vmem>>, vector<1x16xf32>,
      %get3A_281 = arith.index_cast %scan3A_165 : i32 to index
      %get3A_282 = arith.constant 80 : index
      %get3A_283 = tpu.vector_load %arg7[%get3A_281, %get3A_282] {strides = array<i32>} : memref<79x128xf32, #tpu.memory_space<vmem>>, vector<1x16xf32>,
      %get3A_284 = vector.shape_cast %get3A_283 : vector<1x16xf32> to vector<16xf32>
      %get3A_285 = arith.index_cast %scan3A_165 : i32 to index
      %get3A_286 = arith.constant 80 : index
      %get3A_287 = tpu.vector_load %arg8[%get3A_285, %get3A_286] {strides = array<i32>} : memref<79x128xf32, #tpu.memory_space<vmem>>, vector<1x16xf32>,
      %get3A_288 = vector.shape_cast %get3A_287 : vector<1x16xf32> to vector<16xf32>
      %add3A_289 = arith.addf %get3A_284, %get3A_288 : vector<16xf32>
      %max3A_290 = arith.constant 1.000000e+00 : f32
      %max3A_291 = vector.broadcast %max3A_290 : f32 to vector<16xf32>
      %max3A_292 = arith.maximumf %add3A_289, %max3A_291 : vector<16xf32>
      %div3A_293 = arith.constant 1.000000e+00 : f32
      %div3A_294 = vector.broadcast %div3A_293 : f32 to vector<16xf32>
      %div3A_295 = arith.divf %div3A_294, %max3A_292 : vector<16xf32>
      %swap3A_296 = arith.index_cast %scan3A_165 : i32 to index
      %swap3A_297 = arith.constant 80 : index
      %swap3A_298 = tpu.vector_load %arg9[%swap3A_296, %swap3A_297] {strides = array<i32>} : memref<79x128xf32, #tpu.memory_space<vmem>>, vector<1x16xf32>,
      %swap3A_299 = vector.shape_cast %swap3A_298 : vector<1x16xf32> to vector<16xf32>
      %swap3A_300 = vector.shape_cast %div3A_295 : vector<16xf32> to vector<1x16xf32>
      tpu.vector_store %arg9[%swap3A_296, %swap3A_297], %swap3A_300 {strides = array<i32>} : memref<79x128xf32, #tpu.memory_space<vmem>>, vector<1x16xf32>,
      %get3A_301 = arith.index_cast %scan3A_165 : i32 to index
      %get3A_302 = arith.constant 96 : index
      %get3A_303 = tpu.vector_load %arg7[%get3A_301, %get3A_302] {strides = array<i32>} : memref<79x128xf32, #tpu.memory_space<vmem>>, vector<1x16xf32>,
      %get3A_304 = vector.shape_cast %get3A_303 : vector<1x16xf32> to vector<16xf32>
      %get3A_305 = arith.index_cast %scan3A_165 : i32 to index
      %get3A_306 = arith.constant 96 : index
      %get3A_307 = tpu.vector_load %arg8[%get3A_305, %get3A_306] {strides = array<i32>} : memref<79x128xf32, #tpu.memory_space<vmem>>, vector<1x16xf32>,
      %get3A_308 = vector.shape_cast %get3A_307 : vector<1x16xf32> to vector<16xf32>
      %add3A_309 = arith.addf %get3A_304, %get3A_308 : vector<16xf32>
      %max3A_310 = arith.constant 1.000000e+00 : f32
      %max3A_311 = vector.broadcast %max3A_310 : f32 to vector<16xf32>
      %max3A_312 = arith.maximumf %add3A_309, %max3A_311 : vector<16xf32>
      %div3A_313 = arith.constant 1.000000e+00 : f32
      %div3A_314 = vector.broadcast %div3A_313 : f32 to vector<16xf32>
      %div3A_315 = arith.divf %div3A_314, %max3A_312 : vector<16xf32>
      %swap3A_316 = arith.index_cast %scan3A_165 : i32 to index
      %swap3A_317 = arith.constant 96 : index
      %swap3A_318 = tpu.vector_load %arg9[%swap3A_316, %swap3A_317] {strides = array<i32>} : memref<79x128xf32, #tpu.memory_space<vmem>>, vector<1x16xf32>,
      %swap3A_319 = vector.shape_cast %swap3A_318 : vector<1x16xf32> to vector<16xf32>
      %swap3A_320 = vector.shape_cast %div3A_315 : vector<16xf32> to vector<1x16xf32>
      tpu.vector_store %arg9[%swap3A_316, %swap3A_317], %swap3A_320 {strides = array<i32>} : memref<79x128xf32, #tpu.memory_space<vmem>>, vector<1x16xf32>,
      %get3A_321 = arith.index_cast %scan3A_165 : i32 to index
      %get3A_322 = arith.constant 112 : index
      %get3A_323 = tpu.vector_load %arg7[%get3A_321, %get3A_322] {strides = array<i32>} : memref<79x128xf32, #tpu.memory_space<vmem>>, vector<1x16xf32>,
      %get3A_324 = vector.shape_cast %get3A_323 : vector<1x16xf32> to vector<16xf32>
      %get3A_325 = arith.index_cast %scan3A_165 : i32 to index
      %get3A_326 = arith.constant 112 : index
      %get3A_327 = tpu.vector_load %arg8[%get3A_325, %get3A_326] {strides = array<i32>} : memref<79x128xf32, #tpu.memory_space<vmem>>, vector<1x16xf32>,
      %get3A_328 = vector.shape_cast %get3A_327 : vector<1x16xf32> to vector<16xf32>
      %add3A_329 = arith.addf %get3A_324, %get3A_328 : vector<16xf32>
      %max3A_330 = arith.constant 1.000000e+00 : f32
      %max3A_331 = vector.broadcast %max3A_330 : f32 to vector<16xf32>
      %max3A_332 = arith.maximumf %add3A_329, %max3A_331 : vector<16xf32>
      %div3A_333 = arith.constant 1.000000e+00 : f32
      %div3A_334 = vector.broadcast %div3A_333 : f32 to vector<16xf32>
      %div3A_335 = arith.divf %div3A_334, %max3A_332 : vector<16xf32>
      %swap3A_336 = arith.index_cast %scan3A_165 : i32 to index
      %swap3A_337 = arith.constant 112 : index
      %swap3A_338 = tpu.vector_load %arg9[%swap3A_336, %swap3A_337] {strides = array<i32>} : memref<79x128xf32, #tpu.memory_space<vmem>>, vector<1x16xf32>,
      %swap3A_339 = vector.shape_cast %swap3A_338 : vector<1x16xf32> to vector<16xf32>
      %swap3A_340 = vector.shape_cast %div3A_335 : vector<16xf32> to vector<1x16xf32>
      tpu.vector_store %arg9[%swap3A_336, %swap3A_337], %swap3A_340 {strides = array<i32>} : memref<79x128xf32, #tpu.memory_space<vmem>>, vector<1x16xf32>,
    }
    %scan3A_164 = arith.constant 79 : i32
    "tpu.region"() ({
      %run_scoped3A = tpu.sem_alloc : memref<!tpu.dma_semaphore, #tpu.memory_space<semaphore_mem>>
      %dma_start3A_165 = arith.constant 0 : i32
      %dma_start3A_166 = arith.constant 0 : i32
      %dma_start3A_167 = tpu.memref_slice %arg5[%add3A, %dma_start3A_165, %dma_start3A_166] : memref<32x79x128xf32, #tpu.memory_space<hbm>> -> memref<1x79x128xf32, #tpu.memory_space<hbm>>
      %dma_start3A_168 = tpu.memref_squeeze %dma_start3A_167 : memref<1x79x128xf32, #tpu.memory_space<hbm>> -> memref<79x128xf32, #tpu.memory_space<hbm>>
      %dma_start3A_169 = arith.constant 0 : i32
      %dma_start3A_170 = arith.constant 0 : i32
      %dma_start3A_171 = tpu.memref_slice %arg5[%add3A, %dma_start3A_169, %dma_start3A_170] : memref<32x79x128xf32, #tpu.memory_space<hbm>> -> memref<1x79x128xf32, #tpu.memory_space<hbm>>
      %dma_start3A_172 = tpu.memref_squeeze %dma_start3A_171 : memref<1x79x128xf32, #tpu.memory_space<hbm>> -> memref<79x128xf32, #tpu.memory_space<hbm>>
      tpu.enqueue_dma source(%arg9 : memref<79x128xf32, #tpu.memory_space<vmem>>) target(%dma_start3A_172 : memref<79x128xf32, #tpu.memory_space<hbm>>) target_semaphore(%run_scoped3A : memref<!tpu.dma_semaphore, #tpu.memory_space<semaphore_mem>>)
      %dma_wait3A = arith.constant 0 : i32
      %dma_wait3A_173 = arith.constant 0 : i32
      %dma_wait3A_174 = tpu.memref_slice %arg5[%add3A, %dma_wait3A, %dma_wait3A_173] : memref<32x79x128xf32, #tpu.memory_space<hbm>> -> memref<1x79x128xf32, #tpu.memory_space<hbm>>
      %dma_wait3A_175 = tpu.memref_squeeze %dma_wait3A_174 : memref<1x79x128xf32, #tpu.memory_space<hbm>> -> memref<79x128xf32, #tpu.memory_space<hbm>>
      %dma_wait3A_176 = arith.constant 0 : i32
      %dma_wait3A_177 = arith.constant 0 : i32
      %dma_wait3A_178 = tpu.memref_slice %arg5[%add3A, %dma_wait3A_176, %dma_wait3A_177] : memref<32x79x128xf32, #tpu.memory_space<hbm>> -> memref<1x79x128xf32, #tpu.memory_space<hbm>>
      %dma_wait3A_179 = tpu.memref_squeeze %dma_wait3A_178 : memref<1x79x128xf32, #tpu.memory_space<hbm>> -> memref<79x128xf32, #tpu.memory_space<hbm>>
      tpu.wait_dma2 semaphore(%run_scoped3A : memref<!tpu.dma_semaphore, #tpu.memory_space<semaphore_mem>>) src(%arg9 : memref<79x128xf32, #tpu.memory_space<vmem>>) dst(%dma_wait3A_179 : memref<79x128xf32, #tpu.memory_space<hbm>>)
      tpu.yield
    }) : () -> ()
    return
  }
}

#map = affine_map<(d0, d1) -> (0, 0)>
#map1 = affine_map<(d0, d1) -> (0, 0, 0)>
module attributes {stable_mosaic.version = 14 : i64} {
  func.func @_agg_kernel(%arg0: i32, %arg1: i32, %arg2: memref<90000x128xf32, #tpu.memory_space<hbm>>, %arg3: memref<32x79x128xi32, #tpu.memory_space<hbm>>, %arg4: memref<32x79x128xi32, #tpu.memory_space<hbm>>, %arg5: memref<32x79x128xf32, #tpu.memory_space<hbm>>, %arg6: memref<2x10112x128xf32, #tpu.memory_space<hbm>>, %arg7: memref<79x128xi32, #tpu.memory_space<vmem>>, %arg8: memref<79x128xi32, #tpu.memory_space<vmem>>, %arg9: memref<79x128xf32, #tpu.memory_space<vmem>>, %arg10: memref<128x128xf32, #tpu.memory_space<vmem>>, %arg11: memref<10112x128xf32, #tpu.memory_space<vmem_shared>>, %arg12: memref<!tpu.dma_semaphore, #tpu.memory_space<semaphore_mem>>) attributes {dimension_semantics = [#tpu.dimension_semantics<core_parallel>, #tpu.dimension_semantics<subcore_parallel>], iteration_bounds = array<i64: 2, 16>, scalar_prefetch = 0 : i64, scratch_operands = 6 : i64, tpu.core_type = #tpu.core_type<sc_vector_subcore>, window_params = [{transform_indices = #map}, {transform_indices = #map1}, {transform_indices = #map1}, {transform_indices = #map1}, {transform_indices = #map1}]} {
    %mul3A = arith.constant 16 : i32
    %mul3A_0 = arith.muli %arg0, %mul3A : i32
    %add3A = arith.addi %mul3A_0, %arg1 : i32
    %scan3A = arith.constant 0 : i32
    %scan3A_1 = arith.constant 0 : i32
    %scan3A_2 = arith.constant 128 : i32
    %scan3A_3 = arith.addi %scan3A_1, %scan3A_2 : i32
    %scan3A_4 = arith.constant 1 : i32
    scf.for %scan3A_25 = %scan3A_1 to %scan3A_3 step %scan3A_4  : i32 {
      %broadcast_in_dim3A = arith.constant 0.000000e+00 : f32
      %broadcast_in_dim3A_26 = vector.broadcast %broadcast_in_dim3A : f32 to vector<16xf32>
      %swap3A = arith.index_cast %scan3A_25 : i32 to index
      %swap3A_27 = arith.constant 0 : index
      %swap3A_28 = tpu.vector_load %arg10[%swap3A, %swap3A_27] {strides = array<i32>} : memref<128x128xf32, #tpu.memory_space<vmem>>, vector<1x16xf32>,
      %swap3A_29 = vector.shape_cast %swap3A_28 : vector<1x16xf32> to vector<16xf32>
      %swap3A_30 = vector.shape_cast %broadcast_in_dim3A_26 : vector<16xf32> to vector<1x16xf32>
      tpu.vector_store %arg10[%swap3A, %swap3A_27], %swap3A_30 {strides = array<i32>} : memref<128x128xf32, #tpu.memory_space<vmem>>, vector<1x16xf32>,
      %broadcast_in_dim3A_31 = arith.constant 0.000000e+00 : f32
      %broadcast_in_dim3A_32 = vector.broadcast %broadcast_in_dim3A_31 : f32 to vector<16xf32>
      %swap3A_33 = arith.index_cast %scan3A_25 : i32 to index
      %swap3A_34 = arith.constant 16 : index
      %swap3A_35 = tpu.vector_load %arg10[%swap3A_33, %swap3A_34] {strides = array<i32>} : memref<128x128xf32, #tpu.memory_space<vmem>>, vector<1x16xf32>,
      %swap3A_36 = vector.shape_cast %swap3A_35 : vector<1x16xf32> to vector<16xf32>
      %swap3A_37 = vector.shape_cast %broadcast_in_dim3A_32 : vector<16xf32> to vector<1x16xf32>
      tpu.vector_store %arg10[%swap3A_33, %swap3A_34], %swap3A_37 {strides = array<i32>} : memref<128x128xf32, #tpu.memory_space<vmem>>, vector<1x16xf32>,
      %broadcast_in_dim3A_38 = arith.constant 0.000000e+00 : f32
      %broadcast_in_dim3A_39 = vector.broadcast %broadcast_in_dim3A_38 : f32 to vector<16xf32>
      %swap3A_40 = arith.index_cast %scan3A_25 : i32 to index
      %swap3A_41 = arith.constant 32 : index
      %swap3A_42 = tpu.vector_load %arg10[%swap3A_40, %swap3A_41] {strides = array<i32>} : memref<128x128xf32, #tpu.memory_space<vmem>>, vector<1x16xf32>,
      %swap3A_43 = vector.shape_cast %swap3A_42 : vector<1x16xf32> to vector<16xf32>
      %swap3A_44 = vector.shape_cast %broadcast_in_dim3A_39 : vector<16xf32> to vector<1x16xf32>
      tpu.vector_store %arg10[%swap3A_40, %swap3A_41], %swap3A_44 {strides = array<i32>} : memref<128x128xf32, #tpu.memory_space<vmem>>, vector<1x16xf32>,
      %broadcast_in_dim3A_45 = arith.constant 0.000000e+00 : f32
      %broadcast_in_dim3A_46 = vector.broadcast %broadcast_in_dim3A_45 : f32 to vector<16xf32>
      %swap3A_47 = arith.index_cast %scan3A_25 : i32 to index
      %swap3A_48 = arith.constant 48 : index
      %swap3A_49 = tpu.vector_load %arg10[%swap3A_47, %swap3A_48] {strides = array<i32>} : memref<128x128xf32, #tpu.memory_space<vmem>>, vector<1x16xf32>,
      %swap3A_50 = vector.shape_cast %swap3A_49 : vector<1x16xf32> to vector<16xf32>
      %swap3A_51 = vector.shape_cast %broadcast_in_dim3A_46 : vector<16xf32> to vector<1x16xf32>
      tpu.vector_store %arg10[%swap3A_47, %swap3A_48], %swap3A_51 {strides = array<i32>} : memref<128x128xf32, #tpu.memory_space<vmem>>, vector<1x16xf32>,
      %broadcast_in_dim3A_52 = arith.constant 0.000000e+00 : f32
      %broadcast_in_dim3A_53 = vector.broadcast %broadcast_in_dim3A_52 : f32 to vector<16xf32>
      %swap3A_54 = arith.index_cast %scan3A_25 : i32 to index
      %swap3A_55 = arith.constant 64 : index
      %swap3A_56 = tpu.vector_load %arg10[%swap3A_54, %swap3A_55] {strides = array<i32>} : memref<128x128xf32, #tpu.memory_space<vmem>>, vector<1x16xf32>,
      %swap3A_57 = vector.shape_cast %swap3A_56 : vector<1x16xf32> to vector<16xf32>
      %swap3A_58 = vector.shape_cast %broadcast_in_dim3A_53 : vector<16xf32> to vector<1x16xf32>
      tpu.vector_store %arg10[%swap3A_54, %swap3A_55], %swap3A_58 {strides = array<i32>} : memref<128x128xf32, #tpu.memory_space<vmem>>, vector<1x16xf32>,
      %broadcast_in_dim3A_59 = arith.constant 0.000000e+00 : f32
      %broadcast_in_dim3A_60 = vector.broadcast %broadcast_in_dim3A_59 : f32 to vector<16xf32>
      %swap3A_61 = arith.index_cast %scan3A_25 : i32 to index
      %swap3A_62 = arith.constant 80 : index
      %swap3A_63 = tpu.vector_load %arg10[%swap3A_61, %swap3A_62] {strides = array<i32>} : memref<128x128xf32, #tpu.memory_space<vmem>>, vector<1x16xf32>,
      %swap3A_64 = vector.shape_cast %swap3A_63 : vector<1x16xf32> to vector<16xf32>
      %swap3A_65 = vector.shape_cast %broadcast_in_dim3A_60 : vector<16xf32> to vector<1x16xf32>
      tpu.vector_store %arg10[%swap3A_61, %swap3A_62], %swap3A_65 {strides = array<i32>} : memref<128x128xf32, #tpu.memory_space<vmem>>, vector<1x16xf32>,
      %broadcast_in_dim3A_66 = arith.constant 0.000000e+00 : f32
      %broadcast_in_dim3A_67 = vector.broadcast %broadcast_in_dim3A_66 : f32 to vector<16xf32>
      %swap3A_68 = arith.index_cast %scan3A_25 : i32 to index
      %swap3A_69 = arith.constant 96 : index
      %swap3A_70 = tpu.vector_load %arg10[%swap3A_68, %swap3A_69] {strides = array<i32>} : memref<128x128xf32, #tpu.memory_space<vmem>>, vector<1x16xf32>,
      %swap3A_71 = vector.shape_cast %swap3A_70 : vector<1x16xf32> to vector<16xf32>
      %swap3A_72 = vector.shape_cast %broadcast_in_dim3A_67 : vector<16xf32> to vector<1x16xf32>
      tpu.vector_store %arg10[%swap3A_68, %swap3A_69], %swap3A_72 {strides = array<i32>} : memref<128x128xf32, #tpu.memory_space<vmem>>, vector<1x16xf32>,
      %broadcast_in_dim3A_73 = arith.constant 0.000000e+00 : f32
      %broadcast_in_dim3A_74 = vector.broadcast %broadcast_in_dim3A_73 : f32 to vector<16xf32>
      %swap3A_75 = arith.index_cast %scan3A_25 : i32 to index
      %swap3A_76 = arith.constant 112 : index
      %swap3A_77 = tpu.vector_load %arg10[%swap3A_75, %swap3A_76] {strides = array<i32>} : memref<128x128xf32, #tpu.memory_space<vmem>>, vector<1x16xf32>,
      %swap3A_78 = vector.shape_cast %swap3A_77 : vector<1x16xf32> to vector<16xf32>
      %swap3A_79 = vector.shape_cast %broadcast_in_dim3A_74 : vector<16xf32> to vector<1x16xf32>
      tpu.vector_store %arg10[%swap3A_75, %swap3A_76], %swap3A_79 {strides = array<i32>} : memref<128x128xf32, #tpu.memory_space<vmem>>, vector<1x16xf32>,
    }
    %scan3A_5 = arith.constant 128 : i32
    %mul3A_6 = arith.constant 632 : i32
    %mul3A_7 = arith.muli %arg1, %mul3A_6 : i32
    %add3A_8 = arith.constant 0 : i32
    %add3A_9 = arith.addi %mul3A_7, %add3A_8 : i32
    "tpu.region"() ({
      %run_scoped3A = tpu.sem_alloc : memref<!tpu.dma_semaphore, #tpu.memory_space<semaphore_mem>>
      %dma_start3A = arith.constant 0 : i32
      %dma_start3A_25 = tpu.memref_slice %arg11[%add3A_9, %dma_start3A] : memref<10112x128xf32, #tpu.memory_space<vmem_shared>> -> memref<128x128xf32, #tpu.memory_space<vmem_shared>>
      %dma_start3A_26 = arith.constant 0 : i32
      %dma_start3A_27 = tpu.memref_slice %arg11[%add3A_9, %dma_start3A_26] : memref<10112x128xf32, #tpu.memory_space<vmem_shared>> -> memref<128x128xf32, #tpu.memory_space<vmem_shared>>
      tpu.enqueue_dma source(%arg10 : memref<128x128xf32, #tpu.memory_space<vmem>>) target(%dma_start3A_27 : memref<128x128xf32, #tpu.memory_space<vmem_shared>>) target_semaphore(%run_scoped3A : memref<!tpu.dma_semaphore, #tpu.memory_space<semaphore_mem>>)
      %dma_wait3A = arith.constant 0 : i32
      %dma_wait3A_28 = tpu.memref_slice %arg11[%add3A_9, %dma_wait3A] : memref<10112x128xf32, #tpu.memory_space<vmem_shared>> -> memref<128x128xf32, #tpu.memory_space<vmem_shared>>
      %dma_wait3A_29 = arith.constant 0 : i32
      %dma_wait3A_30 = tpu.memref_slice %arg11[%add3A_9, %dma_wait3A_29] : memref<10112x128xf32, #tpu.memory_space<vmem_shared>> -> memref<128x128xf32, #tpu.memory_space<vmem_shared>>
      tpu.wait_dma2 semaphore(%run_scoped3A : memref<!tpu.dma_semaphore, #tpu.memory_space<semaphore_mem>>) src(%arg10 : memref<128x128xf32, #tpu.memory_space<vmem>>) dst(%dma_wait3A_30 : memref<128x128xf32, #tpu.memory_space<vmem_shared>>)
      tpu.yield
    }) : () -> ()
    %add3A_10 = arith.constant 128 : i32
    %add3A_11 = arith.addi %mul3A_7, %add3A_10 : i32
    "tpu.region"() ({
      %run_scoped3A = tpu.sem_alloc : memref<!tpu.dma_semaphore, #tpu.memory_space<semaphore_mem>>
      %dma_start3A = arith.constant 0 : i32
      %dma_start3A_25 = tpu.memref_slice %arg11[%add3A_11, %dma_start3A] : memref<10112x128xf32, #tpu.memory_space<vmem_shared>> -> memref<128x128xf32, #tpu.memory_space<vmem_shared>>
      %dma_start3A_26 = arith.constant 0 : i32
      %dma_start3A_27 = tpu.memref_slice %arg11[%add3A_11, %dma_start3A_26] : memref<10112x128xf32, #tpu.memory_space<vmem_shared>> -> memref<128x128xf32, #tpu.memory_space<vmem_shared>>
      tpu.enqueue_dma source(%arg10 : memref<128x128xf32, #tpu.memory_space<vmem>>) target(%dma_start3A_27 : memref<128x128xf32, #tpu.memory_space<vmem_shared>>) target_semaphore(%run_scoped3A : memref<!tpu.dma_semaphore, #tpu.memory_space<semaphore_mem>>)
      %dma_wait3A = arith.constant 0 : i32
      %dma_wait3A_28 = tpu.memref_slice %arg11[%add3A_11, %dma_wait3A] : memref<10112x128xf32, #tpu.memory_space<vmem_shared>> -> memref<128x128xf32, #tpu.memory_space<vmem_shared>>
      %dma_wait3A_29 = arith.constant 0 : i32
      %dma_wait3A_30 = tpu.memref_slice %arg11[%add3A_11, %dma_wait3A_29] : memref<10112x128xf32, #tpu.memory_space<vmem_shared>> -> memref<128x128xf32, #tpu.memory_space<vmem_shared>>
      tpu.wait_dma2 semaphore(%run_scoped3A : memref<!tpu.dma_semaphore, #tpu.memory_space<semaphore_mem>>) src(%arg10 : memref<128x128xf32, #tpu.memory_space<vmem>>) dst(%dma_wait3A_30 : memref<128x128xf32, #tpu.memory_space<vmem_shared>>)
      tpu.yield
    }) : () -> ()
    %add3A_12 = arith.constant 256 : i32
    %add3A_13 = arith.addi %mul3A_7, %add3A_12 : i32
    "tpu.region"() ({
      %run_scoped3A = tpu.sem_alloc : memref<!tpu.dma_semaphore, #tpu.memory_space<semaphore_mem>>
      %dma_start3A = arith.constant 0 : i32
      %dma_start3A_25 = tpu.memref_slice %arg11[%add3A_13, %dma_start3A] : memref<10112x128xf32, #tpu.memory_space<vmem_shared>> -> memref<128x128xf32, #tpu.memory_space<vmem_shared>>
      %dma_start3A_26 = arith.constant 0 : i32
      %dma_start3A_27 = tpu.memref_slice %arg11[%add3A_13, %dma_start3A_26] : memref<10112x128xf32, #tpu.memory_space<vmem_shared>> -> memref<128x128xf32, #tpu.memory_space<vmem_shared>>
      tpu.enqueue_dma source(%arg10 : memref<128x128xf32, #tpu.memory_space<vmem>>) target(%dma_start3A_27 : memref<128x128xf32, #tpu.memory_space<vmem_shared>>) target_semaphore(%run_scoped3A : memref<!tpu.dma_semaphore, #tpu.memory_space<semaphore_mem>>)
      %dma_wait3A = arith.constant 0 : i32
      %dma_wait3A_28 = tpu.memref_slice %arg11[%add3A_13, %dma_wait3A] : memref<10112x128xf32, #tpu.memory_space<vmem_shared>> -> memref<128x128xf32, #tpu.memory_space<vmem_shared>>
      %dma_wait3A_29 = arith.constant 0 : i32
      %dma_wait3A_30 = tpu.memref_slice %arg11[%add3A_13, %dma_wait3A_29] : memref<10112x128xf32, #tpu.memory_space<vmem_shared>> -> memref<128x128xf32, #tpu.memory_space<vmem_shared>>
      tpu.wait_dma2 semaphore(%run_scoped3A : memref<!tpu.dma_semaphore, #tpu.memory_space<semaphore_mem>>) src(%arg10 : memref<128x128xf32, #tpu.memory_space<vmem>>) dst(%dma_wait3A_30 : memref<128x128xf32, #tpu.memory_space<vmem_shared>>)
      tpu.yield
    }) : () -> ()
    %add3A_14 = arith.constant 384 : i32
    %add3A_15 = arith.addi %mul3A_7, %add3A_14 : i32
    "tpu.region"() ({
      %run_scoped3A = tpu.sem_alloc : memref<!tpu.dma_semaphore, #tpu.memory_space<semaphore_mem>>
      %dma_start3A = arith.constant 0 : i32
      %dma_start3A_25 = tpu.memref_slice %arg11[%add3A_15, %dma_start3A] : memref<10112x128xf32, #tpu.memory_space<vmem_shared>> -> memref<128x128xf32, #tpu.memory_space<vmem_shared>>
      %dma_start3A_26 = arith.constant 0 : i32
      %dma_start3A_27 = tpu.memref_slice %arg11[%add3A_15, %dma_start3A_26] : memref<10112x128xf32, #tpu.memory_space<vmem_shared>> -> memref<128x128xf32, #tpu.memory_space<vmem_shared>>
      tpu.enqueue_dma source(%arg10 : memref<128x128xf32, #tpu.memory_space<vmem>>) target(%dma_start3A_27 : memref<128x128xf32, #tpu.memory_space<vmem_shared>>) target_semaphore(%run_scoped3A : memref<!tpu.dma_semaphore, #tpu.memory_space<semaphore_mem>>)
      %dma_wait3A = arith.constant 0 : i32
      %dma_wait3A_28 = tpu.memref_slice %arg11[%add3A_15, %dma_wait3A] : memref<10112x128xf32, #tpu.memory_space<vmem_shared>> -> memref<128x128xf32, #tpu.memory_space<vmem_shared>>
      %dma_wait3A_29 = arith.constant 0 : i32
      %dma_wait3A_30 = tpu.memref_slice %arg11[%add3A_15, %dma_wait3A_29] : memref<10112x128xf32, #tpu.memory_space<vmem_shared>> -> memref<128x128xf32, #tpu.memory_space<vmem_shared>>
      tpu.wait_dma2 semaphore(%run_scoped3A : memref<!tpu.dma_semaphore, #tpu.memory_space<semaphore_mem>>) src(%arg10 : memref<128x128xf32, #tpu.memory_space<vmem>>) dst(%dma_wait3A_30 : memref<128x128xf32, #tpu.memory_space<vmem_shared>>)
      tpu.yield
    }) : () -> ()
    %add3A_16 = arith.constant 512 : i32
    %add3A_17 = arith.addi %mul3A_7, %add3A_16 : i32
    "tpu.region"() ({
      %run_scoped3A = tpu.sem_alloc : memref<!tpu.dma_semaphore, #tpu.memory_space<semaphore_mem>>
      %dma_start3A = arith.constant 0 : i32
      %dma_start3A_25 = arith.constant 0 : i32
      %dma_start3A_26 = tpu.memref_slice %arg10[%dma_start3A, %dma_start3A_25] : memref<128x128xf32, #tpu.memory_space<vmem>> -> memref<120x128xf32, #tpu.memory_space<vmem>>
      %dma_start3A_27 = arith.constant 0 : i32
      %dma_start3A_28 = tpu.memref_slice %arg11[%add3A_17, %dma_start3A_27] : memref<10112x128xf32, #tpu.memory_space<vmem_shared>> -> memref<120x128xf32, #tpu.memory_space<vmem_shared>>
      %dma_start3A_29 = arith.constant 0 : i32
      %dma_start3A_30 = tpu.memref_slice %arg11[%add3A_17, %dma_start3A_29] : memref<10112x128xf32, #tpu.memory_space<vmem_shared>> -> memref<120x128xf32, #tpu.memory_space<vmem_shared>>
      %dma_start3A_31 = arith.constant 0 : i32
      %dma_start3A_32 = arith.constant 0 : i32
      %dma_start3A_33 = tpu.memref_slice %arg10[%dma_start3A_31, %dma_start3A_32] : memref<128x128xf32, #tpu.memory_space<vmem>> -> memref<120x128xf32, #tpu.memory_space<vmem>>
      tpu.enqueue_dma source(%dma_start3A_33 : memref<120x128xf32, #tpu.memory_space<vmem>>) target(%dma_start3A_30 : memref<120x128xf32, #tpu.memory_space<vmem_shared>>) target_semaphore(%run_scoped3A : memref<!tpu.dma_semaphore, #tpu.memory_space<semaphore_mem>>)
      %dma_wait3A = arith.constant 0 : i32
      %dma_wait3A_34 = arith.constant 0 : i32
      %dma_wait3A_35 = tpu.memref_slice %arg10[%dma_wait3A, %dma_wait3A_34] : memref<128x128xf32, #tpu.memory_space<vmem>> -> memref<120x128xf32, #tpu.memory_space<vmem>>
      %dma_wait3A_36 = arith.constant 0 : i32
      %dma_wait3A_37 = tpu.memref_slice %arg11[%add3A_17, %dma_wait3A_36] : memref<10112x128xf32, #tpu.memory_space<vmem_shared>> -> memref<120x128xf32, #tpu.memory_space<vmem_shared>>
      %dma_wait3A_38 = arith.constant 0 : i32
      %dma_wait3A_39 = tpu.memref_slice %arg11[%add3A_17, %dma_wait3A_38] : memref<10112x128xf32, #tpu.memory_space<vmem_shared>> -> memref<120x128xf32, #tpu.memory_space<vmem_shared>>
      %dma_wait3A_40 = arith.constant 0 : i32
      %dma_wait3A_41 = arith.constant 0 : i32
      %dma_wait3A_42 = tpu.memref_slice %arg10[%dma_wait3A_40, %dma_wait3A_41] : memref<128x128xf32, #tpu.memory_space<vmem>> -> memref<120x128xf32, #tpu.memory_space<vmem>>
      tpu.wait_dma2 semaphore(%run_scoped3A : memref<!tpu.dma_semaphore, #tpu.memory_space<semaphore_mem>>) src(%dma_wait3A_42 : memref<120x128xf32, #tpu.memory_space<vmem>>) dst(%dma_wait3A_39 : memref<120x128xf32, #tpu.memory_space<vmem_shared>>)
      tpu.yield
    }) : () -> ()
    %barrier3A = arith.constant 0 : index
    tpu.barrier barrier_id(%barrier3A)
    "tpu.region"() ({
      %run_scoped3A = tpu.sem_alloc : memref<!tpu.dma_semaphore, #tpu.memory_space<semaphore_mem>>
      %dma_start3A = arith.constant 0 : i32
      %dma_start3A_25 = arith.constant 0 : i32
      %dma_start3A_26 = tpu.memref_slice %arg3[%add3A, %dma_start3A, %dma_start3A_25] : memref<32x79x128xi32, #tpu.memory_space<hbm>> -> memref<1x79x128xi32, #tpu.memory_space<hbm>>
      %dma_start3A_27 = tpu.memref_squeeze %dma_start3A_26 : memref<1x79x128xi32, #tpu.memory_space<hbm>> -> memref<79x128xi32, #tpu.memory_space<hbm>>
      %dma_start3A_28 = arith.constant 0 : i32
      %dma_start3A_29 = arith.constant 0 : i32
      %dma_start3A_30 = tpu.memref_slice %arg3[%add3A, %dma_start3A_28, %dma_start3A_29] : memref<32x79x128xi32, #tpu.memory_space<hbm>> -> memref<1x79x128xi32, #tpu.memory_space<hbm>>
      %dma_start3A_31 = tpu.memref_squeeze %dma_start3A_30 : memref<1x79x128xi32, #tpu.memory_space<hbm>> -> memref<79x128xi32, #tpu.memory_space<hbm>>
      tpu.enqueue_dma source(%dma_start3A_31 : memref<79x128xi32, #tpu.memory_space<hbm>>) target(%arg7 : memref<79x128xi32, #tpu.memory_space<vmem>>) target_semaphore(%run_scoped3A : memref<!tpu.dma_semaphore, #tpu.memory_space<semaphore_mem>>)
      %dma_wait3A = arith.constant 0 : i32
      %dma_wait3A_32 = arith.constant 0 : i32
      %dma_wait3A_33 = tpu.memref_slice %arg3[%add3A, %dma_wait3A, %dma_wait3A_32] : memref<32x79x128xi32, #tpu.memory_space<hbm>> -> memref<1x79x128xi32, #tpu.memory_space<hbm>>
      %dma_wait3A_34 = tpu.memref_squeeze %dma_wait3A_33 : memref<1x79x128xi32, #tpu.memory_space<hbm>> -> memref<79x128xi32, #tpu.memory_space<hbm>>
      %dma_wait3A_35 = arith.constant 0 : i32
      %dma_wait3A_36 = arith.constant 0 : i32
      %dma_wait3A_37 = tpu.memref_slice %arg3[%add3A, %dma_wait3A_35, %dma_wait3A_36] : memref<32x79x128xi32, #tpu.memory_space<hbm>> -> memref<1x79x128xi32, #tpu.memory_space<hbm>>
      %dma_wait3A_38 = tpu.memref_squeeze %dma_wait3A_37 : memref<1x79x128xi32, #tpu.memory_space<hbm>> -> memref<79x128xi32, #tpu.memory_space<hbm>>
      tpu.wait_dma2 semaphore(%run_scoped3A : memref<!tpu.dma_semaphore, #tpu.memory_space<semaphore_mem>>) src(%dma_wait3A_38 : memref<79x128xi32, #tpu.memory_space<hbm>>) dst(%arg7 : memref<79x128xi32, #tpu.memory_space<vmem>>)
      tpu.yield
    }) : () -> ()
    "tpu.region"() ({
      %run_scoped3A = tpu.sem_alloc : memref<!tpu.dma_semaphore, #tpu.memory_space<semaphore_mem>>
      %dma_start3A = arith.constant 0 : i32
      %dma_start3A_25 = arith.constant 0 : i32
      %dma_start3A_26 = tpu.memref_slice %arg4[%add3A, %dma_start3A, %dma_start3A_25] : memref<32x79x128xi32, #tpu.memory_space<hbm>> -> memref<1x79x128xi32, #tpu.memory_space<hbm>>
      %dma_start3A_27 = tpu.memref_squeeze %dma_start3A_26 : memref<1x79x128xi32, #tpu.memory_space<hbm>> -> memref<79x128xi32, #tpu.memory_space<hbm>>
      %dma_start3A_28 = arith.constant 0 : i32
      %dma_start3A_29 = arith.constant 0 : i32
      %dma_start3A_30 = tpu.memref_slice %arg4[%add3A, %dma_start3A_28, %dma_start3A_29] : memref<32x79x128xi32, #tpu.memory_space<hbm>> -> memref<1x79x128xi32, #tpu.memory_space<hbm>>
      %dma_start3A_31 = tpu.memref_squeeze %dma_start3A_30 : memref<1x79x128xi32, #tpu.memory_space<hbm>> -> memref<79x128xi32, #tpu.memory_space<hbm>>
      tpu.enqueue_dma source(%dma_start3A_31 : memref<79x128xi32, #tpu.memory_space<hbm>>) target(%arg8 : memref<79x128xi32, #tpu.memory_space<vmem>>) target_semaphore(%run_scoped3A : memref<!tpu.dma_semaphore, #tpu.memory_space<semaphore_mem>>)
      %dma_wait3A = arith.constant 0 : i32
      %dma_wait3A_32 = arith.constant 0 : i32
      %dma_wait3A_33 = tpu.memref_slice %arg4[%add3A, %dma_wait3A, %dma_wait3A_32] : memref<32x79x128xi32, #tpu.memory_space<hbm>> -> memref<1x79x128xi32, #tpu.memory_space<hbm>>
      %dma_wait3A_34 = tpu.memref_squeeze %dma_wait3A_33 : memref<1x79x128xi32, #tpu.memory_space<hbm>> -> memref<79x128xi32, #tpu.memory_space<hbm>>
      %dma_wait3A_35 = arith.constant 0 : i32
      %dma_wait3A_36 = arith.constant 0 : i32
      %dma_wait3A_37 = tpu.memref_slice %arg4[%add3A, %dma_wait3A_35, %dma_wait3A_36] : memref<32x79x128xi32, #tpu.memory_space<hbm>> -> memref<1x79x128xi32, #tpu.memory_space<hbm>>
      %dma_wait3A_38 = tpu.memref_squeeze %dma_wait3A_37 : memref<1x79x128xi32, #tpu.memory_space<hbm>> -> memref<79x128xi32, #tpu.memory_space<hbm>>
      tpu.wait_dma2 semaphore(%run_scoped3A : memref<!tpu.dma_semaphore, #tpu.memory_space<semaphore_mem>>) src(%dma_wait3A_38 : memref<79x128xi32, #tpu.memory_space<hbm>>) dst(%arg8 : memref<79x128xi32, #tpu.memory_space<vmem>>)
      tpu.yield
    }) : () -> ()
    "tpu.region"() ({
      %run_scoped3A = tpu.sem_alloc : memref<!tpu.dma_semaphore, #tpu.memory_space<semaphore_mem>>
      %dma_start3A = arith.constant 0 : i32
      %dma_start3A_25 = arith.constant 0 : i32
      %dma_start3A_26 = tpu.memref_slice %arg5[%add3A, %dma_start3A, %dma_start3A_25] : memref<32x79x128xf32, #tpu.memory_space<hbm>> -> memref<1x79x128xf32, #tpu.memory_space<hbm>>
      %dma_start3A_27 = tpu.memref_squeeze %dma_start3A_26 : memref<1x79x128xf32, #tpu.memory_space<hbm>> -> memref<79x128xf32, #tpu.memory_space<hbm>>
      %dma_start3A_28 = arith.constant 0 : i32
      %dma_start3A_29 = arith.constant 0 : i32
      %dma_start3A_30 = tpu.memref_slice %arg5[%add3A, %dma_start3A_28, %dma_start3A_29] : memref<32x79x128xf32, #tpu.memory_space<hbm>> -> memref<1x79x128xf32, #tpu.memory_space<hbm>>
      %dma_start3A_31 = tpu.memref_squeeze %dma_start3A_30 : memref<1x79x128xf32, #tpu.memory_space<hbm>> -> memref<79x128xf32, #tpu.memory_space<hbm>>
      tpu.enqueue_dma source(%dma_start3A_31 : memref<79x128xf32, #tpu.memory_space<hbm>>) target(%arg9 : memref<79x128xf32, #tpu.memory_space<vmem>>) target_semaphore(%run_scoped3A : memref<!tpu.dma_semaphore, #tpu.memory_space<semaphore_mem>>)
      %dma_wait3A = arith.constant 0 : i32
      %dma_wait3A_32 = arith.constant 0 : i32
      %dma_wait3A_33 = tpu.memref_slice %arg5[%add3A, %dma_wait3A, %dma_wait3A_32] : memref<32x79x128xf32, #tpu.memory_space<hbm>> -> memref<1x79x128xf32, #tpu.memory_space<hbm>>
      %dma_wait3A_34 = tpu.memref_squeeze %dma_wait3A_33 : memref<1x79x128xf32, #tpu.memory_space<hbm>> -> memref<79x128xf32, #tpu.memory_space<hbm>>
      %dma_wait3A_35 = arith.constant 0 : i32
      %dma_wait3A_36 = arith.constant 0 : i32
      %dma_wait3A_37 = tpu.memref_slice %arg5[%add3A, %dma_wait3A_35, %dma_wait3A_36] : memref<32x79x128xf32, #tpu.memory_space<hbm>> -> memref<1x79x128xf32, #tpu.memory_space<hbm>>
      %dma_wait3A_38 = tpu.memref_squeeze %dma_wait3A_37 : memref<1x79x128xf32, #tpu.memory_space<hbm>> -> memref<79x128xf32, #tpu.memory_space<hbm>>
      tpu.wait_dma2 semaphore(%run_scoped3A : memref<!tpu.dma_semaphore, #tpu.memory_space<semaphore_mem>>) src(%dma_wait3A_38 : memref<79x128xf32, #tpu.memory_space<hbm>>) dst(%arg9 : memref<79x128xf32, #tpu.memory_space<vmem>>)
      tpu.yield
    }) : () -> ()
    %scan3A_18 = arith.constant 0 : i32
    %scan3A_19 = arith.constant 0 : i32
    %scan3A_20 = arith.constant 79 : i32
    %scan3A_21 = arith.addi %scan3A_19, %scan3A_20 : i32
    %scan3A_22 = arith.constant 1 : i32
    scf.for %scan3A_25 = %scan3A_19 to %scan3A_21 step %scan3A_22  : i32 {
      %dma_start3A = arith.constant 0 : i32
      %dma_start3A_26 = tpu.memref_slice %arg7[%scan3A_25, %dma_start3A] : memref<79x128xi32, #tpu.memory_space<vmem>> -> memref<1x128xi32, #tpu.memory_space<vmem>>
      %dma_start3A_27 = tpu.memref_squeeze %dma_start3A_26 : memref<1x128xi32, #tpu.memory_space<vmem>> -> memref<128xi32, #tpu.memory_space<vmem>>
      %dma_start3A_28 = arith.constant 0 : i32
      %dma_start3A_29 = arith.constant 0 : i32
      %dma_start3A_30 = tpu.memref_slice %arg2[%dma_start3A_28, %dma_start3A_29] : memref<90000x128xf32, #tpu.memory_space<hbm>> -> memref<90000x128xf32, #tpu.memory_space<hbm>>
      tpu.enqueue_indirect_dma source(%dma_start3A_30 : memref<90000x128xf32, #tpu.memory_space<hbm>>) target(%arg10 : memref<128x128xf32, #tpu.memory_space<vmem>>) offsets(%dma_start3A_27 : memref<128xi32, #tpu.memory_space<vmem>>) semaphore(%arg12 : memref<!tpu.dma_semaphore, #tpu.memory_space<semaphore_mem>>)
      %dma_wait3A = arith.constant 0 : i32
      %dma_wait3A_31 = tpu.memref_slice %arg7[%scan3A_25, %dma_wait3A] : memref<79x128xi32, #tpu.memory_space<vmem>> -> memref<1x128xi32, #tpu.memory_space<vmem>>
      %dma_wait3A_32 = tpu.memref_squeeze %dma_wait3A_31 : memref<1x128xi32, #tpu.memory_space<vmem>> -> memref<128xi32, #tpu.memory_space<vmem>>
      %dma_wait3A_33 = arith.constant 0 : i32
      %dma_wait3A_34 = arith.constant 0 : i32
      %dma_wait3A_35 = tpu.memref_slice %arg2[%dma_wait3A_33, %dma_wait3A_34] : memref<90000x128xf32, #tpu.memory_space<hbm>> -> memref<90000x128xf32, #tpu.memory_space<hbm>>
      tpu.wait_indirect_dma semaphore(%arg12 : memref<!tpu.dma_semaphore, #tpu.memory_space<semaphore_mem>>) src(%dma_wait3A_35 : memref<90000x128xf32, #tpu.memory_space<hbm>>) dst(%arg10 : memref<128x128xf32, #tpu.memory_space<vmem>>)
      %get3A = arith.index_cast %scan3A_25 : i32 to index
      %get3A_36 = arith.constant 0 : index
      %get3A_37 = tpu.vector_load %arg9[%get3A, %get3A_36] {strides = array<i32>} : memref<79x128xf32, #tpu.memory_space<vmem>>, vector<1x16xf32>,
      %get3A_38 = vector.shape_cast %get3A_37 : vector<1x16xf32> to vector<16xf32>
      %scan3A_39 = arith.constant 0 : i32
      %scan3A_40 = arith.constant 0 : i32
      %scan3A_41 = arith.constant 16 : i32
      %scan3A_42 = arith.addi %scan3A_40, %scan3A_41 : i32
      %scan3A_43 = arith.constant 1 : i32
      scf.for %scan3A_115 = %scan3A_40 to %scan3A_42 step %scan3A_43  : i32 {
        %broadcast_in_dim3A = vector.broadcast %scan3A_115 : i32 to vector<16xi32>
        %lt3A = arith.constant 0 : i32
        %lt3A_116 = vector.broadcast %lt3A : i32 to vector<16xi32>
        %lt3A_117 = arith.cmpi slt, %broadcast_in_dim3A, %lt3A_116 : vector<16xi32>
        %add3A_118 = arith.constant 16 : i32
        %add3A_119 = vector.broadcast %add3A_118 : i32 to vector<16xi32>
        %add3A_120 = arith.addi %broadcast_in_dim3A, %add3A_119 : vector<16xi32>
        %select_n3A = arith.select %lt3A_117, %add3A_120, %broadcast_in_dim3A : vector<16xi1>, vector<16xi32>
        %broadcast_in_dim3A_121 = vector.shape_cast %select_n3A : vector<16xi32> to vector<16x1xi32>
        %gather3A = vector.shape_cast %broadcast_in_dim3A_121 : vector<16x1xi32> to vector<16xi32>
        %gather3A_122 = tpu.dynamic_gather %get3A_38[%gather3A] in [0] : vector<16xf32>, vector<16xi32> -> vector<16xf32>
        %add3A_123 = arith.constant 0 : i32
        %add3A_124 = arith.addi %add3A_123, %scan3A_115 : i32
        %get3A_125 = arith.index_cast %add3A_124 : i32 to index
        %get3A_126 = arith.constant 0 : index
        %get3A_127 = tpu.vector_load %arg10[%get3A_125, %get3A_126] {strides = array<i32>} : memref<128x128xf32, #tpu.memory_space<vmem>>, vector<1x16xf32>,
        %get3A_128 = vector.shape_cast %get3A_127 : vector<1x16xf32> to vector<16xf32>
        %mul3A_129 = arith.mulf %get3A_128, %gather3A_122 : vector<16xf32>
        %swap3A = arith.index_cast %add3A_124 : i32 to index
        %swap3A_130 = arith.constant 0 : index
        %swap3A_131 = tpu.vector_load %arg10[%swap3A, %swap3A_130] {strides = array<i32>} : memref<128x128xf32, #tpu.memory_space<vmem>>, vector<1x16xf32>,
        %swap3A_132 = vector.shape_cast %swap3A_131 : vector<1x16xf32> to vector<16xf32>
        %swap3A_133 = vector.shape_cast %mul3A_129 : vector<16xf32> to vector<1x16xf32>
        tpu.vector_store %arg10[%swap3A, %swap3A_130], %swap3A_133 {strides = array<i32>} : memref<128x128xf32, #tpu.memory_space<vmem>>, vector<1x16xf32>,
        %get3A_134 = arith.index_cast %add3A_124 : i32 to index
        %get3A_135 = arith.constant 16 : index
        %get3A_136 = tpu.vector_load %arg10[%get3A_134, %get3A_135] {strides = array<i32>} : memref<128x128xf32, #tpu.memory_space<vmem>>, vector<1x16xf32>,
        %get3A_137 = vector.shape_cast %get3A_136 : vector<1x16xf32> to vector<16xf32>
        %mul3A_138 = arith.mulf %get3A_137, %gather3A_122 : vector<16xf32>
        %swap3A_139 = arith.index_cast %add3A_124 : i32 to index
        %swap3A_140 = arith.constant 16 : index
        %swap3A_141 = tpu.vector_load %arg10[%swap3A_139, %swap3A_140] {strides = array<i32>} : memref<128x128xf32, #tpu.memory_space<vmem>>, vector<1x16xf32>,
        %swap3A_142 = vector.shape_cast %swap3A_141 : vector<1x16xf32> to vector<16xf32>
        %swap3A_143 = vector.shape_cast %mul3A_138 : vector<16xf32> to vector<1x16xf32>
        tpu.vector_store %arg10[%swap3A_139, %swap3A_140], %swap3A_143 {strides = array<i32>} : memref<128x128xf32, #tpu.memory_space<vmem>>, vector<1x16xf32>,
        %get3A_144 = arith.index_cast %add3A_124 : i32 to index
        %get3A_145 = arith.constant 32 : index
        %get3A_146 = tpu.vector_load %arg10[%get3A_144, %get3A_145] {strides = array<i32>} : memref<128x128xf32, #tpu.memory_space<vmem>>, vector<1x16xf32>,
        %get3A_147 = vector.shape_cast %get3A_146 : vector<1x16xf32> to vector<16xf32>
        %mul3A_148 = arith.mulf %get3A_147, %gather3A_122 : vector<16xf32>
        %swap3A_149 = arith.index_cast %add3A_124 : i32 to index
        %swap3A_150 = arith.constant 32 : index
        %swap3A_151 = tpu.vector_load %arg10[%swap3A_149, %swap3A_150] {strides = array<i32>} : memref<128x128xf32, #tpu.memory_space<vmem>>, vector<1x16xf32>,
        %swap3A_152 = vector.shape_cast %swap3A_151 : vector<1x16xf32> to vector<16xf32>
        %swap3A_153 = vector.shape_cast %mul3A_148 : vector<16xf32> to vector<1x16xf32>
        tpu.vector_store %arg10[%swap3A_149, %swap3A_150], %swap3A_153 {strides = array<i32>} : memref<128x128xf32, #tpu.memory_space<vmem>>, vector<1x16xf32>,
        %get3A_154 = arith.index_cast %add3A_124 : i32 to index
        %get3A_155 = arith.constant 48 : index
        %get3A_156 = tpu.vector_load %arg10[%get3A_154, %get3A_155] {strides = array<i32>} : memref<128x128xf32, #tpu.memory_space<vmem>>, vector<1x16xf32>,
        %get3A_157 = vector.shape_cast %get3A_156 : vector<1x16xf32> to vector<16xf32>
        %mul3A_158 = arith.mulf %get3A_157, %gather3A_122 : vector<16xf32>
        %swap3A_159 = arith.index_cast %add3A_124 : i32 to index
        %swap3A_160 = arith.constant 48 : index
        %swap3A_161 = tpu.vector_load %arg10[%swap3A_159, %swap3A_160] {strides = array<i32>} : memref<128x128xf32, #tpu.memory_space<vmem>>, vector<1x16xf32>,
        %swap3A_162 = vector.shape_cast %swap3A_161 : vector<1x16xf32> to vector<16xf32>
        %swap3A_163 = vector.shape_cast %mul3A_158 : vector<16xf32> to vector<1x16xf32>
        tpu.vector_store %arg10[%swap3A_159, %swap3A_160], %swap3A_163 {strides = array<i32>} : memref<128x128xf32, #tpu.memory_space<vmem>>, vector<1x16xf32>,
        %get3A_164 = arith.index_cast %add3A_124 : i32 to index
        %get3A_165 = arith.constant 64 : index
        %get3A_166 = tpu.vector_load %arg10[%get3A_164, %get3A_165] {strides = array<i32>} : memref<128x128xf32, #tpu.memory_space<vmem>>, vector<1x16xf32>,
        %get3A_167 = vector.shape_cast %get3A_166 : vector<1x16xf32> to vector<16xf32>
        %mul3A_168 = arith.mulf %get3A_167, %gather3A_122 : vector<16xf32>
        %swap3A_169 = arith.index_cast %add3A_124 : i32 to index
        %swap3A_170 = arith.constant 64 : index
        %swap3A_171 = tpu.vector_load %arg10[%swap3A_169, %swap3A_170] {strides = array<i32>} : memref<128x128xf32, #tpu.memory_space<vmem>>, vector<1x16xf32>,
        %swap3A_172 = vector.shape_cast %swap3A_171 : vector<1x16xf32> to vector<16xf32>
        %swap3A_173 = vector.shape_cast %mul3A_168 : vector<16xf32> to vector<1x16xf32>
        tpu.vector_store %arg10[%swap3A_169, %swap3A_170], %swap3A_173 {strides = array<i32>} : memref<128x128xf32, #tpu.memory_space<vmem>>, vector<1x16xf32>,
        %get3A_174 = arith.index_cast %add3A_124 : i32 to index
        %get3A_175 = arith.constant 80 : index
        %get3A_176 = tpu.vector_load %arg10[%get3A_174, %get3A_175] {strides = array<i32>} : memref<128x128xf32, #tpu.memory_space<vmem>>, vector<1x16xf32>,
        %get3A_177 = vector.shape_cast %get3A_176 : vector<1x16xf32> to vector<16xf32>
        %mul3A_178 = arith.mulf %get3A_177, %gather3A_122 : vector<16xf32>
        %swap3A_179 = arith.index_cast %add3A_124 : i32 to index
        %swap3A_180 = arith.constant 80 : index
        %swap3A_181 = tpu.vector_load %arg10[%swap3A_179, %swap3A_180] {strides = array<i32>} : memref<128x128xf32, #tpu.memory_space<vmem>>, vector<1x16xf32>,
        %swap3A_182 = vector.shape_cast %swap3A_181 : vector<1x16xf32> to vector<16xf32>
        %swap3A_183 = vector.shape_cast %mul3A_178 : vector<16xf32> to vector<1x16xf32>
        tpu.vector_store %arg10[%swap3A_179, %swap3A_180], %swap3A_183 {strides = array<i32>} : memref<128x128xf32, #tpu.memory_space<vmem>>, vector<1x16xf32>,
        %get3A_184 = arith.index_cast %add3A_124 : i32 to index
        %get3A_185 = arith.constant 96 : index
        %get3A_186 = tpu.vector_load %arg10[%get3A_184, %get3A_185] {strides = array<i32>} : memref<128x128xf32, #tpu.memory_space<vmem>>, vector<1x16xf32>,
        %get3A_187 = vector.shape_cast %get3A_186 : vector<1x16xf32> to vector<16xf32>
        %mul3A_188 = arith.mulf %get3A_187, %gather3A_122 : vector<16xf32>
        %swap3A_189 = arith.index_cast %add3A_124 : i32 to index
        %swap3A_190 = arith.constant 96 : index
        %swap3A_191 = tpu.vector_load %arg10[%swap3A_189, %swap3A_190] {strides = array<i32>} : memref<128x128xf32, #tpu.memory_space<vmem>>, vector<1x16xf32>,
        %swap3A_192 = vector.shape_cast %swap3A_191 : vector<1x16xf32> to vector<16xf32>
        %swap3A_193 = vector.shape_cast %mul3A_188 : vector<16xf32> to vector<1x16xf32>
        tpu.vector_store %arg10[%swap3A_189, %swap3A_190], %swap3A_193 {strides = array<i32>} : memref<128x128xf32, #tpu.memory_space<vmem>>, vector<1x16xf32>,
        %get3A_194 = arith.index_cast %add3A_124 : i32 to index
        %get3A_195 = arith.constant 112 : index
        %get3A_196 = tpu.vector_load %arg10[%get3A_194, %get3A_195] {strides = array<i32>} : memref<128x128xf32, #tpu.memory_space<vmem>>, vector<1x16xf32>,
        %get3A_197 = vector.shape_cast %get3A_196 : vector<1x16xf32> to vector<16xf32>
        %mul3A_198 = arith.mulf %get3A_197, %gather3A_122 : vector<16xf32>
        %swap3A_199 = arith.index_cast %add3A_124 : i32 to index
        %swap3A_200 = arith.constant 112 : index
        %swap3A_201 = tpu.vector_load %arg10[%swap3A_199, %swap3A_200] {strides = array<i32>} : memref<128x128xf32, #tpu.memory_space<vmem>>, vector<1x16xf32>,
        %swap3A_202 = vector.shape_cast %swap3A_201 : vector<1x16xf32> to vector<16xf32>
        %swap3A_203 = vector.shape_cast %mul3A_198 : vector<16xf32> to vector<1x16xf32>
        tpu.vector_store %arg10[%swap3A_199, %swap3A_200], %swap3A_203 {strides = array<i32>} : memref<128x128xf32, #tpu.memory_space<vmem>>, vector<1x16xf32>,
      }
      %scan3A_44 = arith.constant 16 : i32
      %get3A_45 = arith.index_cast %scan3A_25 : i32 to index
      %get3A_46 = arith.constant 16 : index
      %get3A_47 = tpu.vector_load %arg9[%get3A_45, %get3A_46] {strides = array<i32>} : memref<79x128xf32, #tpu.memory_space<vmem>>, vector<1x16xf32>,
      %get3A_48 = vector.shape_cast %get3A_47 : vector<1x16xf32> to vector<16xf32>
      %scan3A_49 = arith.constant 0 : i32
      %scan3A_50 = arith.constant 0 : i32
      %scan3A_51 = arith.constant 16 : i32
      %scan3A_52 = arith.addi %scan3A_50, %scan3A_51 : i32
      %scan3A_53 = arith.constant 1 : i32
      scf.for %scan3A_115 = %scan3A_50 to %scan3A_52 step %scan3A_53  : i32 {
        %broadcast_in_dim3A = vector.broadcast %scan3A_115 : i32 to vector<16xi32>
        %lt3A = arith.constant 0 : i32
        %lt3A_116 = vector.broadcast %lt3A : i32 to vector<16xi32>
        %lt3A_117 = arith.cmpi slt, %broadcast_in_dim3A, %lt3A_116 : vector<16xi32>
        %add3A_118 = arith.constant 16 : i32
        %add3A_119 = vector.broadcast %add3A_118 : i32 to vector<16xi32>
        %add3A_120 = arith.addi %broadcast_in_dim3A, %add3A_119 : vector<16xi32>
        %select_n3A = arith.select %lt3A_117, %add3A_120, %broadcast_in_dim3A : vector<16xi1>, vector<16xi32>
        %broadcast_in_dim3A_121 = vector.shape_cast %select_n3A : vector<16xi32> to vector<16x1xi32>
        %gather3A = vector.shape_cast %broadcast_in_dim3A_121 : vector<16x1xi32> to vector<16xi32>
        %gather3A_122 = tpu.dynamic_gather %get3A_48[%gather3A] in [0] : vector<16xf32>, vector<16xi32> -> vector<16xf32>
        %add3A_123 = arith.constant 16 : i32
        %add3A_124 = arith.addi %add3A_123, %scan3A_115 : i32
        %get3A_125 = arith.index_cast %add3A_124 : i32 to index
        %get3A_126 = arith.constant 0 : index
        %get3A_127 = tpu.vector_load %arg10[%get3A_125, %get3A_126] {strides = array<i32>} : memref<128x128xf32, #tpu.memory_space<vmem>>, vector<1x16xf32>,
        %get3A_128 = vector.shape_cast %get3A_127 : vector<1x16xf32> to vector<16xf32>
        %mul3A_129 = arith.mulf %get3A_128, %gather3A_122 : vector<16xf32>
        %swap3A = arith.index_cast %add3A_124 : i32 to index
        %swap3A_130 = arith.constant 0 : index
        %swap3A_131 = tpu.vector_load %arg10[%swap3A, %swap3A_130] {strides = array<i32>} : memref<128x128xf32, #tpu.memory_space<vmem>>, vector<1x16xf32>,
        %swap3A_132 = vector.shape_cast %swap3A_131 : vector<1x16xf32> to vector<16xf32>
        %swap3A_133 = vector.shape_cast %mul3A_129 : vector<16xf32> to vector<1x16xf32>
        tpu.vector_store %arg10[%swap3A, %swap3A_130], %swap3A_133 {strides = array<i32>} : memref<128x128xf32, #tpu.memory_space<vmem>>, vector<1x16xf32>,
        %get3A_134 = arith.index_cast %add3A_124 : i32 to index
        %get3A_135 = arith.constant 16 : index
        %get3A_136 = tpu.vector_load %arg10[%get3A_134, %get3A_135] {strides = array<i32>} : memref<128x128xf32, #tpu.memory_space<vmem>>, vector<1x16xf32>,
        %get3A_137 = vector.shape_cast %get3A_136 : vector<1x16xf32> to vector<16xf32>
        %mul3A_138 = arith.mulf %get3A_137, %gather3A_122 : vector<16xf32>
        %swap3A_139 = arith.index_cast %add3A_124 : i32 to index
        %swap3A_140 = arith.constant 16 : index
        %swap3A_141 = tpu.vector_load %arg10[%swap3A_139, %swap3A_140] {strides = array<i32>} : memref<128x128xf32, #tpu.memory_space<vmem>>, vector<1x16xf32>,
        %swap3A_142 = vector.shape_cast %swap3A_141 : vector<1x16xf32> to vector<16xf32>
        %swap3A_143 = vector.shape_cast %mul3A_138 : vector<16xf32> to vector<1x16xf32>
        tpu.vector_store %arg10[%swap3A_139, %swap3A_140], %swap3A_143 {strides = array<i32>} : memref<128x128xf32, #tpu.memory_space<vmem>>, vector<1x16xf32>,
        %get3A_144 = arith.index_cast %add3A_124 : i32 to index
        %get3A_145 = arith.constant 32 : index
        %get3A_146 = tpu.vector_load %arg10[%get3A_144, %get3A_145] {strides = array<i32>} : memref<128x128xf32, #tpu.memory_space<vmem>>, vector<1x16xf32>,
        %get3A_147 = vector.shape_cast %get3A_146 : vector<1x16xf32> to vector<16xf32>
        %mul3A_148 = arith.mulf %get3A_147, %gather3A_122 : vector<16xf32>
        %swap3A_149 = arith.index_cast %add3A_124 : i32 to index
        %swap3A_150 = arith.constant 32 : index
        %swap3A_151 = tpu.vector_load %arg10[%swap3A_149, %swap3A_150] {strides = array<i32>} : memref<128x128xf32, #tpu.memory_space<vmem>>, vector<1x16xf32>,
        %swap3A_152 = vector.shape_cast %swap3A_151 : vector<1x16xf32> to vector<16xf32>
        %swap3A_153 = vector.shape_cast %mul3A_148 : vector<16xf32> to vector<1x16xf32>
        tpu.vector_store %arg10[%swap3A_149, %swap3A_150], %swap3A_153 {strides = array<i32>} : memref<128x128xf32, #tpu.memory_space<vmem>>, vector<1x16xf32>,
        %get3A_154 = arith.index_cast %add3A_124 : i32 to index
        %get3A_155 = arith.constant 48 : index
        %get3A_156 = tpu.vector_load %arg10[%get3A_154, %get3A_155] {strides = array<i32>} : memref<128x128xf32, #tpu.memory_space<vmem>>, vector<1x16xf32>,
        %get3A_157 = vector.shape_cast %get3A_156 : vector<1x16xf32> to vector<16xf32>
        %mul3A_158 = arith.mulf %get3A_157, %gather3A_122 : vector<16xf32>
        %swap3A_159 = arith.index_cast %add3A_124 : i32 to index
        %swap3A_160 = arith.constant 48 : index
        %swap3A_161 = tpu.vector_load %arg10[%swap3A_159, %swap3A_160] {strides = array<i32>} : memref<128x128xf32, #tpu.memory_space<vmem>>, vector<1x16xf32>,
        %swap3A_162 = vector.shape_cast %swap3A_161 : vector<1x16xf32> to vector<16xf32>
        %swap3A_163 = vector.shape_cast %mul3A_158 : vector<16xf32> to vector<1x16xf32>
        tpu.vector_store %arg10[%swap3A_159, %swap3A_160], %swap3A_163 {strides = array<i32>} : memref<128x128xf32, #tpu.memory_space<vmem>>, vector<1x16xf32>,
        %get3A_164 = arith.index_cast %add3A_124 : i32 to index
        %get3A_165 = arith.constant 64 : index
        %get3A_166 = tpu.vector_load %arg10[%get3A_164, %get3A_165] {strides = array<i32>} : memref<128x128xf32, #tpu.memory_space<vmem>>, vector<1x16xf32>,
        %get3A_167 = vector.shape_cast %get3A_166 : vector<1x16xf32> to vector<16xf32>
        %mul3A_168 = arith.mulf %get3A_167, %gather3A_122 : vector<16xf32>
        %swap3A_169 = arith.index_cast %add3A_124 : i32 to index
        %swap3A_170 = arith.constant 64 : index
        %swap3A_171 = tpu.vector_load %arg10[%swap3A_169, %swap3A_170] {strides = array<i32>} : memref<128x128xf32, #tpu.memory_space<vmem>>, vector<1x16xf32>,
        %swap3A_172 = vector.shape_cast %swap3A_171 : vector<1x16xf32> to vector<16xf32>
        %swap3A_173 = vector.shape_cast %mul3A_168 : vector<16xf32> to vector<1x16xf32>
        tpu.vector_store %arg10[%swap3A_169, %swap3A_170], %swap3A_173 {strides = array<i32>} : memref<128x128xf32, #tpu.memory_space<vmem>>, vector<1x16xf32>,
        %get3A_174 = arith.index_cast %add3A_124 : i32 to index
        %get3A_175 = arith.constant 80 : index
        %get3A_176 = tpu.vector_load %arg10[%get3A_174, %get3A_175] {strides = array<i32>} : memref<128x128xf32, #tpu.memory_space<vmem>>, vector<1x16xf32>,
        %get3A_177 = vector.shape_cast %get3A_176 : vector<1x16xf32> to vector<16xf32>
        %mul3A_178 = arith.mulf %get3A_177, %gather3A_122 : vector<16xf32>
        %swap3A_179 = arith.index_cast %add3A_124 : i32 to index
        %swap3A_180 = arith.constant 80 : index
        %swap3A_181 = tpu.vector_load %arg10[%swap3A_179, %swap3A_180] {strides = array<i32>} : memref<128x128xf32, #tpu.memory_space<vmem>>, vector<1x16xf32>,
        %swap3A_182 = vector.shape_cast %swap3A_181 : vector<1x16xf32> to vector<16xf32>
        %swap3A_183 = vector.shape_cast %mul3A_178 : vector<16xf32> to vector<1x16xf32>
        tpu.vector_store %arg10[%swap3A_179, %swap3A_180], %swap3A_183 {strides = array<i32>} : memref<128x128xf32, #tpu.memory_space<vmem>>, vector<1x16xf32>,
        %get3A_184 = arith.index_cast %add3A_124 : i32 to index
        %get3A_185 = arith.constant 96 : index
        %get3A_186 = tpu.vector_load %arg10[%get3A_184, %get3A_185] {strides = array<i32>} : memref<128x128xf32, #tpu.memory_space<vmem>>, vector<1x16xf32>,
        %get3A_187 = vector.shape_cast %get3A_186 : vector<1x16xf32> to vector<16xf32>
        %mul3A_188 = arith.mulf %get3A_187, %gather3A_122 : vector<16xf32>
        %swap3A_189 = arith.index_cast %add3A_124 : i32 to index
        %swap3A_190 = arith.constant 96 : index
        %swap3A_191 = tpu.vector_load %arg10[%swap3A_189, %swap3A_190] {strides = array<i32>} : memref<128x128xf32, #tpu.memory_space<vmem>>, vector<1x16xf32>,
        %swap3A_192 = vector.shape_cast %swap3A_191 : vector<1x16xf32> to vector<16xf32>
        %swap3A_193 = vector.shape_cast %mul3A_188 : vector<16xf32> to vector<1x16xf32>
        tpu.vector_store %arg10[%swap3A_189, %swap3A_190], %swap3A_193 {strides = array<i32>} : memref<128x128xf32, #tpu.memory_space<vmem>>, vector<1x16xf32>,
        %get3A_194 = arith.index_cast %add3A_124 : i32 to index
        %get3A_195 = arith.constant 112 : index
        %get3A_196 = tpu.vector_load %arg10[%get3A_194, %get3A_195] {strides = array<i32>} : memref<128x128xf32, #tpu.memory_space<vmem>>, vector<1x16xf32>,
        %get3A_197 = vector.shape_cast %get3A_196 : vector<1x16xf32> to vector<16xf32>
        %mul3A_198 = arith.mulf %get3A_197, %gather3A_122 : vector<16xf32>
        %swap3A_199 = arith.index_cast %add3A_124 : i32 to index
        %swap3A_200 = arith.constant 112 : index
        %swap3A_201 = tpu.vector_load %arg10[%swap3A_199, %swap3A_200] {strides = array<i32>} : memref<128x128xf32, #tpu.memory_space<vmem>>, vector<1x16xf32>,
        %swap3A_202 = vector.shape_cast %swap3A_201 : vector<1x16xf32> to vector<16xf32>
        %swap3A_203 = vector.shape_cast %mul3A_198 : vector<16xf32> to vector<1x16xf32>
        tpu.vector_store %arg10[%swap3A_199, %swap3A_200], %swap3A_203 {strides = array<i32>} : memref<128x128xf32, #tpu.memory_space<vmem>>, vector<1x16xf32>,
      }
      %scan3A_54 = arith.constant 16 : i32
      %get3A_55 = arith.index_cast %scan3A_25 : i32 to index
      %get3A_56 = arith.constant 32 : index
      %get3A_57 = tpu.vector_load %arg9[%get3A_55, %get3A_56] {strides = array<i32>} : memref<79x128xf32, #tpu.memory_space<vmem>>, vector<1x16xf32>,
      %get3A_58 = vector.shape_cast %get3A_57 : vector<1x16xf32> to vector<16xf32>
      %scan3A_59 = arith.constant 0 : i32
      %scan3A_60 = arith.constant 0 : i32
      %scan3A_61 = arith.constant 16 : i32
      %scan3A_62 = arith.addi %scan3A_60, %scan3A_61 : i32
      %scan3A_63 = arith.constant 1 : i32
      scf.for %scan3A_115 = %scan3A_60 to %scan3A_62 step %scan3A_63  : i32 {
        %broadcast_in_dim3A = vector.broadcast %scan3A_115 : i32 to vector<16xi32>
        %lt3A = arith.constant 0 : i32
        %lt3A_116 = vector.broadcast %lt3A : i32 to vector<16xi32>
        %lt3A_117 = arith.cmpi slt, %broadcast_in_dim3A, %lt3A_116 : vector<16xi32>
        %add3A_118 = arith.constant 16 : i32
        %add3A_119 = vector.broadcast %add3A_118 : i32 to vector<16xi32>
        %add3A_120 = arith.addi %broadcast_in_dim3A, %add3A_119 : vector<16xi32>
        %select_n3A = arith.select %lt3A_117, %add3A_120, %broadcast_in_dim3A : vector<16xi1>, vector<16xi32>
        %broadcast_in_dim3A_121 = vector.shape_cast %select_n3A : vector<16xi32> to vector<16x1xi32>
        %gather3A = vector.shape_cast %broadcast_in_dim3A_121 : vector<16x1xi32> to vector<16xi32>
        %gather3A_122 = tpu.dynamic_gather %get3A_58[%gather3A] in [0] : vector<16xf32>, vector<16xi32> -> vector<16xf32>
        %add3A_123 = arith.constant 32 : i32
        %add3A_124 = arith.addi %add3A_123, %scan3A_115 : i32
        %get3A_125 = arith.index_cast %add3A_124 : i32 to index
        %get3A_126 = arith.constant 0 : index
        %get3A_127 = tpu.vector_load %arg10[%get3A_125, %get3A_126] {strides = array<i32>} : memref<128x128xf32, #tpu.memory_space<vmem>>, vector<1x16xf32>,
        %get3A_128 = vector.shape_cast %get3A_127 : vector<1x16xf32> to vector<16xf32>
        %mul3A_129 = arith.mulf %get3A_128, %gather3A_122 : vector<16xf32>
        %swap3A = arith.index_cast %add3A_124 : i32 to index
        %swap3A_130 = arith.constant 0 : index
        %swap3A_131 = tpu.vector_load %arg10[%swap3A, %swap3A_130] {strides = array<i32>} : memref<128x128xf32, #tpu.memory_space<vmem>>, vector<1x16xf32>,
        %swap3A_132 = vector.shape_cast %swap3A_131 : vector<1x16xf32> to vector<16xf32>
        %swap3A_133 = vector.shape_cast %mul3A_129 : vector<16xf32> to vector<1x16xf32>
        tpu.vector_store %arg10[%swap3A, %swap3A_130], %swap3A_133 {strides = array<i32>} : memref<128x128xf32, #tpu.memory_space<vmem>>, vector<1x16xf32>,
        %get3A_134 = arith.index_cast %add3A_124 : i32 to index
        %get3A_135 = arith.constant 16 : index
        %get3A_136 = tpu.vector_load %arg10[%get3A_134, %get3A_135] {strides = array<i32>} : memref<128x128xf32, #tpu.memory_space<vmem>>, vector<1x16xf32>,
        %get3A_137 = vector.shape_cast %get3A_136 : vector<1x16xf32> to vector<16xf32>
        %mul3A_138 = arith.mulf %get3A_137, %gather3A_122 : vector<16xf32>
        %swap3A_139 = arith.index_cast %add3A_124 : i32 to index
        %swap3A_140 = arith.constant 16 : index
        %swap3A_141 = tpu.vector_load %arg10[%swap3A_139, %swap3A_140] {strides = array<i32>} : memref<128x128xf32, #tpu.memory_space<vmem>>, vector<1x16xf32>,
        %swap3A_142 = vector.shape_cast %swap3A_141 : vector<1x16xf32> to vector<16xf32>
        %swap3A_143 = vector.shape_cast %mul3A_138 : vector<16xf32> to vector<1x16xf32>
        tpu.vector_store %arg10[%swap3A_139, %swap3A_140], %swap3A_143 {strides = array<i32>} : memref<128x128xf32, #tpu.memory_space<vmem>>, vector<1x16xf32>,
        %get3A_144 = arith.index_cast %add3A_124 : i32 to index
        %get3A_145 = arith.constant 32 : index
        %get3A_146 = tpu.vector_load %arg10[%get3A_144, %get3A_145] {strides = array<i32>} : memref<128x128xf32, #tpu.memory_space<vmem>>, vector<1x16xf32>,
        %get3A_147 = vector.shape_cast %get3A_146 : vector<1x16xf32> to vector<16xf32>
        %mul3A_148 = arith.mulf %get3A_147, %gather3A_122 : vector<16xf32>
        %swap3A_149 = arith.index_cast %add3A_124 : i32 to index
        %swap3A_150 = arith.constant 32 : index
        %swap3A_151 = tpu.vector_load %arg10[%swap3A_149, %swap3A_150] {strides = array<i32>} : memref<128x128xf32, #tpu.memory_space<vmem>>, vector<1x16xf32>,
        %swap3A_152 = vector.shape_cast %swap3A_151 : vector<1x16xf32> to vector<16xf32>
        %swap3A_153 = vector.shape_cast %mul3A_148 : vector<16xf32> to vector<1x16xf32>
        tpu.vector_store %arg10[%swap3A_149, %swap3A_150], %swap3A_153 {strides = array<i32>} : memref<128x128xf32, #tpu.memory_space<vmem>>, vector<1x16xf32>,
        %get3A_154 = arith.index_cast %add3A_124 : i32 to index
        %get3A_155 = arith.constant 48 : index
        %get3A_156 = tpu.vector_load %arg10[%get3A_154, %get3A_155] {strides = array<i32>} : memref<128x128xf32, #tpu.memory_space<vmem>>, vector<1x16xf32>,
        %get3A_157 = vector.shape_cast %get3A_156 : vector<1x16xf32> to vector<16xf32>
        %mul3A_158 = arith.mulf %get3A_157, %gather3A_122 : vector<16xf32>
        %swap3A_159 = arith.index_cast %add3A_124 : i32 to index
        %swap3A_160 = arith.constant 48 : index
        %swap3A_161 = tpu.vector_load %arg10[%swap3A_159, %swap3A_160] {strides = array<i32>} : memref<128x128xf32, #tpu.memory_space<vmem>>, vector<1x16xf32>,
        %swap3A_162 = vector.shape_cast %swap3A_161 : vector<1x16xf32> to vector<16xf32>
        %swap3A_163 = vector.shape_cast %mul3A_158 : vector<16xf32> to vector<1x16xf32>
        tpu.vector_store %arg10[%swap3A_159, %swap3A_160], %swap3A_163 {strides = array<i32>} : memref<128x128xf32, #tpu.memory_space<vmem>>, vector<1x16xf32>,
        %get3A_164 = arith.index_cast %add3A_124 : i32 to index
        %get3A_165 = arith.constant 64 : index
        %get3A_166 = tpu.vector_load %arg10[%get3A_164, %get3A_165] {strides = array<i32>} : memref<128x128xf32, #tpu.memory_space<vmem>>, vector<1x16xf32>,
        %get3A_167 = vector.shape_cast %get3A_166 : vector<1x16xf32> to vector<16xf32>
        %mul3A_168 = arith.mulf %get3A_167, %gather3A_122 : vector<16xf32>
        %swap3A_169 = arith.index_cast %add3A_124 : i32 to index
        %swap3A_170 = arith.constant 64 : index
        %swap3A_171 = tpu.vector_load %arg10[%swap3A_169, %swap3A_170] {strides = array<i32>} : memref<128x128xf32, #tpu.memory_space<vmem>>, vector<1x16xf32>,
        %swap3A_172 = vector.shape_cast %swap3A_171 : vector<1x16xf32> to vector<16xf32>
        %swap3A_173 = vector.shape_cast %mul3A_168 : vector<16xf32> to vector<1x16xf32>
        tpu.vector_store %arg10[%swap3A_169, %swap3A_170], %swap3A_173 {strides = array<i32>} : memref<128x128xf32, #tpu.memory_space<vmem>>, vector<1x16xf32>,
        %get3A_174 = arith.index_cast %add3A_124 : i32 to index
        %get3A_175 = arith.constant 80 : index
        %get3A_176 = tpu.vector_load %arg10[%get3A_174, %get3A_175] {strides = array<i32>} : memref<128x128xf32, #tpu.memory_space<vmem>>, vector<1x16xf32>,
        %get3A_177 = vector.shape_cast %get3A_176 : vector<1x16xf32> to vector<16xf32>
        %mul3A_178 = arith.mulf %get3A_177, %gather3A_122 : vector<16xf32>
        %swap3A_179 = arith.index_cast %add3A_124 : i32 to index
        %swap3A_180 = arith.constant 80 : index
        %swap3A_181 = tpu.vector_load %arg10[%swap3A_179, %swap3A_180] {strides = array<i32>} : memref<128x128xf32, #tpu.memory_space<vmem>>, vector<1x16xf32>,
        %swap3A_182 = vector.shape_cast %swap3A_181 : vector<1x16xf32> to vector<16xf32>
        %swap3A_183 = vector.shape_cast %mul3A_178 : vector<16xf32> to vector<1x16xf32>
        tpu.vector_store %arg10[%swap3A_179, %swap3A_180], %swap3A_183 {strides = array<i32>} : memref<128x128xf32, #tpu.memory_space<vmem>>, vector<1x16xf32>,
        %get3A_184 = arith.index_cast %add3A_124 : i32 to index
        %get3A_185 = arith.constant 96 : index
        %get3A_186 = tpu.vector_load %arg10[%get3A_184, %get3A_185] {strides = array<i32>} : memref<128x128xf32, #tpu.memory_space<vmem>>, vector<1x16xf32>,
        %get3A_187 = vector.shape_cast %get3A_186 : vector<1x16xf32> to vector<16xf32>
        %mul3A_188 = arith.mulf %get3A_187, %gather3A_122 : vector<16xf32>
        %swap3A_189 = arith.index_cast %add3A_124 : i32 to index
        %swap3A_190 = arith.constant 96 : index
        %swap3A_191 = tpu.vector_load %arg10[%swap3A_189, %swap3A_190] {strides = array<i32>} : memref<128x128xf32, #tpu.memory_space<vmem>>, vector<1x16xf32>,
        %swap3A_192 = vector.shape_cast %swap3A_191 : vector<1x16xf32> to vector<16xf32>
        %swap3A_193 = vector.shape_cast %mul3A_188 : vector<16xf32> to vector<1x16xf32>
        tpu.vector_store %arg10[%swap3A_189, %swap3A_190], %swap3A_193 {strides = array<i32>} : memref<128x128xf32, #tpu.memory_space<vmem>>, vector<1x16xf32>,
        %get3A_194 = arith.index_cast %add3A_124 : i32 to index
        %get3A_195 = arith.constant 112 : index
        %get3A_196 = tpu.vector_load %arg10[%get3A_194, %get3A_195] {strides = array<i32>} : memref<128x128xf32, #tpu.memory_space<vmem>>, vector<1x16xf32>,
        %get3A_197 = vector.shape_cast %get3A_196 : vector<1x16xf32> to vector<16xf32>
        %mul3A_198 = arith.mulf %get3A_197, %gather3A_122 : vector<16xf32>
        %swap3A_199 = arith.index_cast %add3A_124 : i32 to index
        %swap3A_200 = arith.constant 112 : index
        %swap3A_201 = tpu.vector_load %arg10[%swap3A_199, %swap3A_200] {strides = array<i32>} : memref<128x128xf32, #tpu.memory_space<vmem>>, vector<1x16xf32>,
        %swap3A_202 = vector.shape_cast %swap3A_201 : vector<1x16xf32> to vector<16xf32>
        %swap3A_203 = vector.shape_cast %mul3A_198 : vector<16xf32> to vector<1x16xf32>
        tpu.vector_store %arg10[%swap3A_199, %swap3A_200], %swap3A_203 {strides = array<i32>} : memref<128x128xf32, #tpu.memory_space<vmem>>, vector<1x16xf32>,
      }
      %scan3A_64 = arith.constant 16 : i32
      %get3A_65 = arith.index_cast %scan3A_25 : i32 to index
      %get3A_66 = arith.constant 48 : index
      %get3A_67 = tpu.vector_load %arg9[%get3A_65, %get3A_66] {strides = array<i32>} : memref<79x128xf32, #tpu.memory_space<vmem>>, vector<1x16xf32>,
      %get3A_68 = vector.shape_cast %get3A_67 : vector<1x16xf32> to vector<16xf32>
      %scan3A_69 = arith.constant 0 : i32
      %scan3A_70 = arith.constant 0 : i32
      %scan3A_71 = arith.constant 16 : i32
      %scan3A_72 = arith.addi %scan3A_70, %scan3A_71 : i32
      %scan3A_73 = arith.constant 1 : i32
      scf.for %scan3A_115 = %scan3A_70 to %scan3A_72 step %scan3A_73  : i32 {
        %broadcast_in_dim3A = vector.broadcast %scan3A_115 : i32 to vector<16xi32>
        %lt3A = arith.constant 0 : i32
        %lt3A_116 = vector.broadcast %lt3A : i32 to vector<16xi32>
        %lt3A_117 = arith.cmpi slt, %broadcast_in_dim3A, %lt3A_116 : vector<16xi32>
        %add3A_118 = arith.constant 16 : i32
        %add3A_119 = vector.broadcast %add3A_118 : i32 to vector<16xi32>
        %add3A_120 = arith.addi %broadcast_in_dim3A, %add3A_119 : vector<16xi32>
        %select_n3A = arith.select %lt3A_117, %add3A_120, %broadcast_in_dim3A : vector<16xi1>, vector<16xi32>
        %broadcast_in_dim3A_121 = vector.shape_cast %select_n3A : vector<16xi32> to vector<16x1xi32>
        %gather3A = vector.shape_cast %broadcast_in_dim3A_121 : vector<16x1xi32> to vector<16xi32>
        %gather3A_122 = tpu.dynamic_gather %get3A_68[%gather3A] in [0] : vector<16xf32>, vector<16xi32> -> vector<16xf32>
        %add3A_123 = arith.constant 48 : i32
        %add3A_124 = arith.addi %add3A_123, %scan3A_115 : i32
        %get3A_125 = arith.index_cast %add3A_124 : i32 to index
        %get3A_126 = arith.constant 0 : index
        %get3A_127 = tpu.vector_load %arg10[%get3A_125, %get3A_126] {strides = array<i32>} : memref<128x128xf32, #tpu.memory_space<vmem>>, vector<1x16xf32>,
        %get3A_128 = vector.shape_cast %get3A_127 : vector<1x16xf32> to vector<16xf32>
        %mul3A_129 = arith.mulf %get3A_128, %gather3A_122 : vector<16xf32>
        %swap3A = arith.index_cast %add3A_124 : i32 to index
        %swap3A_130 = arith.constant 0 : index
        %swap3A_131 = tpu.vector_load %arg10[%swap3A, %swap3A_130] {strides = array<i32>} : memref<128x128xf32, #tpu.memory_space<vmem>>, vector<1x16xf32>,
        %swap3A_132 = vector.shape_cast %swap3A_131 : vector<1x16xf32> to vector<16xf32>
        %swap3A_133 = vector.shape_cast %mul3A_129 : vector<16xf32> to vector<1x16xf32>
        tpu.vector_store %arg10[%swap3A, %swap3A_130], %swap3A_133 {strides = array<i32>} : memref<128x128xf32, #tpu.memory_space<vmem>>, vector<1x16xf32>,
        %get3A_134 = arith.index_cast %add3A_124 : i32 to index
        %get3A_135 = arith.constant 16 : index
        %get3A_136 = tpu.vector_load %arg10[%get3A_134, %get3A_135] {strides = array<i32>} : memref<128x128xf32, #tpu.memory_space<vmem>>, vector<1x16xf32>,
        %get3A_137 = vector.shape_cast %get3A_136 : vector<1x16xf32> to vector<16xf32>
        %mul3A_138 = arith.mulf %get3A_137, %gather3A_122 : vector<16xf32>
        %swap3A_139 = arith.index_cast %add3A_124 : i32 to index
        %swap3A_140 = arith.constant 16 : index
        %swap3A_141 = tpu.vector_load %arg10[%swap3A_139, %swap3A_140] {strides = array<i32>} : memref<128x128xf32, #tpu.memory_space<vmem>>, vector<1x16xf32>,
        %swap3A_142 = vector.shape_cast %swap3A_141 : vector<1x16xf32> to vector<16xf32>
        %swap3A_143 = vector.shape_cast %mul3A_138 : vector<16xf32> to vector<1x16xf32>
        tpu.vector_store %arg10[%swap3A_139, %swap3A_140], %swap3A_143 {strides = array<i32>} : memref<128x128xf32, #tpu.memory_space<vmem>>, vector<1x16xf32>,
        %get3A_144 = arith.index_cast %add3A_124 : i32 to index
        %get3A_145 = arith.constant 32 : index
        %get3A_146 = tpu.vector_load %arg10[%get3A_144, %get3A_145] {strides = array<i32>} : memref<128x128xf32, #tpu.memory_space<vmem>>, vector<1x16xf32>,
        %get3A_147 = vector.shape_cast %get3A_146 : vector<1x16xf32> to vector<16xf32>
        %mul3A_148 = arith.mulf %get3A_147, %gather3A_122 : vector<16xf32>
        %swap3A_149 = arith.index_cast %add3A_124 : i32 to index
        %swap3A_150 = arith.constant 32 : index
        %swap3A_151 = tpu.vector_load %arg10[%swap3A_149, %swap3A_150] {strides = array<i32>} : memref<128x128xf32, #tpu.memory_space<vmem>>, vector<1x16xf32>,
        %swap3A_152 = vector.shape_cast %swap3A_151 : vector<1x16xf32> to vector<16xf32>
        %swap3A_153 = vector.shape_cast %mul3A_148 : vector<16xf32> to vector<1x16xf32>
        tpu.vector_store %arg10[%swap3A_149, %swap3A_150], %swap3A_153 {strides = array<i32>} : memref<128x128xf32, #tpu.memory_space<vmem>>, vector<1x16xf32>,
        %get3A_154 = arith.index_cast %add3A_124 : i32 to index
        %get3A_155 = arith.constant 48 : index
        %get3A_156 = tpu.vector_load %arg10[%get3A_154, %get3A_155] {strides = array<i32>} : memref<128x128xf32, #tpu.memory_space<vmem>>, vector<1x16xf32>,
        %get3A_157 = vector.shape_cast %get3A_156 : vector<1x16xf32> to vector<16xf32>
        %mul3A_158 = arith.mulf %get3A_157, %gather3A_122 : vector<16xf32>
        %swap3A_159 = arith.index_cast %add3A_124 : i32 to index
        %swap3A_160 = arith.constant 48 : index
        %swap3A_161 = tpu.vector_load %arg10[%swap3A_159, %swap3A_160] {strides = array<i32>} : memref<128x128xf32, #tpu.memory_space<vmem>>, vector<1x16xf32>,
        %swap3A_162 = vector.shape_cast %swap3A_161 : vector<1x16xf32> to vector<16xf32>
        %swap3A_163 = vector.shape_cast %mul3A_158 : vector<16xf32> to vector<1x16xf32>
        tpu.vector_store %arg10[%swap3A_159, %swap3A_160], %swap3A_163 {strides = array<i32>} : memref<128x128xf32, #tpu.memory_space<vmem>>, vector<1x16xf32>,
        %get3A_164 = arith.index_cast %add3A_124 : i32 to index
        %get3A_165 = arith.constant 64 : index
        %get3A_166 = tpu.vector_load %arg10[%get3A_164, %get3A_165] {strides = array<i32>} : memref<128x128xf32, #tpu.memory_space<vmem>>, vector<1x16xf32>,
        %get3A_167 = vector.shape_cast %get3A_166 : vector<1x16xf32> to vector<16xf32>
        %mul3A_168 = arith.mulf %get3A_167, %gather3A_122 : vector<16xf32>
        %swap3A_169 = arith.index_cast %add3A_124 : i32 to index
        %swap3A_170 = arith.constant 64 : index
        %swap3A_171 = tpu.vector_load %arg10[%swap3A_169, %swap3A_170] {strides = array<i32>} : memref<128x128xf32, #tpu.memory_space<vmem>>, vector<1x16xf32>,
        %swap3A_172 = vector.shape_cast %swap3A_171 : vector<1x16xf32> to vector<16xf32>
        %swap3A_173 = vector.shape_cast %mul3A_168 : vector<16xf32> to vector<1x16xf32>
        tpu.vector_store %arg10[%swap3A_169, %swap3A_170], %swap3A_173 {strides = array<i32>} : memref<128x128xf32, #tpu.memory_space<vmem>>, vector<1x16xf32>,
        %get3A_174 = arith.index_cast %add3A_124 : i32 to index
        %get3A_175 = arith.constant 80 : index
        %get3A_176 = tpu.vector_load %arg10[%get3A_174, %get3A_175] {strides = array<i32>} : memref<128x128xf32, #tpu.memory_space<vmem>>, vector<1x16xf32>,
        %get3A_177 = vector.shape_cast %get3A_176 : vector<1x16xf32> to vector<16xf32>
        %mul3A_178 = arith.mulf %get3A_177, %gather3A_122 : vector<16xf32>
        %swap3A_179 = arith.index_cast %add3A_124 : i32 to index
        %swap3A_180 = arith.constant 80 : index
        %swap3A_181 = tpu.vector_load %arg10[%swap3A_179, %swap3A_180] {strides = array<i32>} : memref<128x128xf32, #tpu.memory_space<vmem>>, vector<1x16xf32>,
        %swap3A_182 = vector.shape_cast %swap3A_181 : vector<1x16xf32> to vector<16xf32>
        %swap3A_183 = vector.shape_cast %mul3A_178 : vector<16xf32> to vector<1x16xf32>
        tpu.vector_store %arg10[%swap3A_179, %swap3A_180], %swap3A_183 {strides = array<i32>} : memref<128x128xf32, #tpu.memory_space<vmem>>, vector<1x16xf32>,
        %get3A_184 = arith.index_cast %add3A_124 : i32 to index
        %get3A_185 = arith.constant 96 : index
        %get3A_186 = tpu.vector_load %arg10[%get3A_184, %get3A_185] {strides = array<i32>} : memref<128x128xf32, #tpu.memory_space<vmem>>, vector<1x16xf32>,
        %get3A_187 = vector.shape_cast %get3A_186 : vector<1x16xf32> to vector<16xf32>
        %mul3A_188 = arith.mulf %get3A_187, %gather3A_122 : vector<16xf32>
        %swap3A_189 = arith.index_cast %add3A_124 : i32 to index
        %swap3A_190 = arith.constant 96 : index
        %swap3A_191 = tpu.vector_load %arg10[%swap3A_189, %swap3A_190] {strides = array<i32>} : memref<128x128xf32, #tpu.memory_space<vmem>>, vector<1x16xf32>,
        %swap3A_192 = vector.shape_cast %swap3A_191 : vector<1x16xf32> to vector<16xf32>
        %swap3A_193 = vector.shape_cast %mul3A_188 : vector<16xf32> to vector<1x16xf32>
        tpu.vector_store %arg10[%swap3A_189, %swap3A_190], %swap3A_193 {strides = array<i32>} : memref<128x128xf32, #tpu.memory_space<vmem>>, vector<1x16xf32>,
        %get3A_194 = arith.index_cast %add3A_124 : i32 to index
        %get3A_195 = arith.constant 112 : index
        %get3A_196 = tpu.vector_load %arg10[%get3A_194, %get3A_195] {strides = array<i32>} : memref<128x128xf32, #tpu.memory_space<vmem>>, vector<1x16xf32>,
        %get3A_197 = vector.shape_cast %get3A_196 : vector<1x16xf32> to vector<16xf32>
        %mul3A_198 = arith.mulf %get3A_197, %gather3A_122 : vector<16xf32>
        %swap3A_199 = arith.index_cast %add3A_124 : i32 to index
        %swap3A_200 = arith.constant 112 : index
        %swap3A_201 = tpu.vector_load %arg10[%swap3A_199, %swap3A_200] {strides = array<i32>} : memref<128x128xf32, #tpu.memory_space<vmem>>, vector<1x16xf32>,
        %swap3A_202 = vector.shape_cast %swap3A_201 : vector<1x16xf32> to vector<16xf32>
        %swap3A_203 = vector.shape_cast %mul3A_198 : vector<16xf32> to vector<1x16xf32>
        tpu.vector_store %arg10[%swap3A_199, %swap3A_200], %swap3A_203 {strides = array<i32>} : memref<128x128xf32, #tpu.memory_space<vmem>>, vector<1x16xf32>,
      }
      %scan3A_74 = arith.constant 16 : i32
      %get3A_75 = arith.index_cast %scan3A_25 : i32 to index
      %get3A_76 = arith.constant 64 : index
      %get3A_77 = tpu.vector_load %arg9[%get3A_75, %get3A_76] {strides = array<i32>} : memref<79x128xf32, #tpu.memory_space<vmem>>, vector<1x16xf32>,
      %get3A_78 = vector.shape_cast %get3A_77 : vector<1x16xf32> to vector<16xf32>
      %scan3A_79 = arith.constant 0 : i32
      %scan3A_80 = arith.constant 0 : i32
      %scan3A_81 = arith.constant 16 : i32
      %scan3A_82 = arith.addi %scan3A_80, %scan3A_81 : i32
      %scan3A_83 = arith.constant 1 : i32
      scf.for %scan3A_115 = %scan3A_80 to %scan3A_82 step %scan3A_83  : i32 {
        %broadcast_in_dim3A = vector.broadcast %scan3A_115 : i32 to vector<16xi32>
        %lt3A = arith.constant 0 : i32
        %lt3A_116 = vector.broadcast %lt3A : i32 to vector<16xi32>
        %lt3A_117 = arith.cmpi slt, %broadcast_in_dim3A, %lt3A_116 : vector<16xi32>
        %add3A_118 = arith.constant 16 : i32
        %add3A_119 = vector.broadcast %add3A_118 : i32 to vector<16xi32>
        %add3A_120 = arith.addi %broadcast_in_dim3A, %add3A_119 : vector<16xi32>
        %select_n3A = arith.select %lt3A_117, %add3A_120, %broadcast_in_dim3A : vector<16xi1>, vector<16xi32>
        %broadcast_in_dim3A_121 = vector.shape_cast %select_n3A : vector<16xi32> to vector<16x1xi32>
        %gather3A = vector.shape_cast %broadcast_in_dim3A_121 : vector<16x1xi32> to vector<16xi32>
        %gather3A_122 = tpu.dynamic_gather %get3A_78[%gather3A] in [0] : vector<16xf32>, vector<16xi32> -> vector<16xf32>
        %add3A_123 = arith.constant 64 : i32
        %add3A_124 = arith.addi %add3A_123, %scan3A_115 : i32
        %get3A_125 = arith.index_cast %add3A_124 : i32 to index
        %get3A_126 = arith.constant 0 : index
        %get3A_127 = tpu.vector_load %arg10[%get3A_125, %get3A_126] {strides = array<i32>} : memref<128x128xf32, #tpu.memory_space<vmem>>, vector<1x16xf32>,
        %get3A_128 = vector.shape_cast %get3A_127 : vector<1x16xf32> to vector<16xf32>
        %mul3A_129 = arith.mulf %get3A_128, %gather3A_122 : vector<16xf32>
        %swap3A = arith.index_cast %add3A_124 : i32 to index
        %swap3A_130 = arith.constant 0 : index
        %swap3A_131 = tpu.vector_load %arg10[%swap3A, %swap3A_130] {strides = array<i32>} : memref<128x128xf32, #tpu.memory_space<vmem>>, vector<1x16xf32>,
        %swap3A_132 = vector.shape_cast %swap3A_131 : vector<1x16xf32> to vector<16xf32>
        %swap3A_133 = vector.shape_cast %mul3A_129 : vector<16xf32> to vector<1x16xf32>
        tpu.vector_store %arg10[%swap3A, %swap3A_130], %swap3A_133 {strides = array<i32>} : memref<128x128xf32, #tpu.memory_space<vmem>>, vector<1x16xf32>,
        %get3A_134 = arith.index_cast %add3A_124 : i32 to index
        %get3A_135 = arith.constant 16 : index
        %get3A_136 = tpu.vector_load %arg10[%get3A_134, %get3A_135] {strides = array<i32>} : memref<128x128xf32, #tpu.memory_space<vmem>>, vector<1x16xf32>,
        %get3A_137 = vector.shape_cast %get3A_136 : vector<1x16xf32> to vector<16xf32>
        %mul3A_138 = arith.mulf %get3A_137, %gather3A_122 : vector<16xf32>
        %swap3A_139 = arith.index_cast %add3A_124 : i32 to index
        %swap3A_140 = arith.constant 16 : index
        %swap3A_141 = tpu.vector_load %arg10[%swap3A_139, %swap3A_140] {strides = array<i32>} : memref<128x128xf32, #tpu.memory_space<vmem>>, vector<1x16xf32>,
        %swap3A_142 = vector.shape_cast %swap3A_141 : vector<1x16xf32> to vector<16xf32>
        %swap3A_143 = vector.shape_cast %mul3A_138 : vector<16xf32> to vector<1x16xf32>
        tpu.vector_store %arg10[%swap3A_139, %swap3A_140], %swap3A_143 {strides = array<i32>} : memref<128x128xf32, #tpu.memory_space<vmem>>, vector<1x16xf32>,
        %get3A_144 = arith.index_cast %add3A_124 : i32 to index
        %get3A_145 = arith.constant 32 : index
        %get3A_146 = tpu.vector_load %arg10[%get3A_144, %get3A_145] {strides = array<i32>} : memref<128x128xf32, #tpu.memory_space<vmem>>, vector<1x16xf32>,
        %get3A_147 = vector.shape_cast %get3A_146 : vector<1x16xf32> to vector<16xf32>
        %mul3A_148 = arith.mulf %get3A_147, %gather3A_122 : vector<16xf32>
        %swap3A_149 = arith.index_cast %add3A_124 : i32 to index
        %swap3A_150 = arith.constant 32 : index
        %swap3A_151 = tpu.vector_load %arg10[%swap3A_149, %swap3A_150] {strides = array<i32>} : memref<128x128xf32, #tpu.memory_space<vmem>>, vector<1x16xf32>,
        %swap3A_152 = vector.shape_cast %swap3A_151 : vector<1x16xf32> to vector<16xf32>
        %swap3A_153 = vector.shape_cast %mul3A_148 : vector<16xf32> to vector<1x16xf32>
        tpu.vector_store %arg10[%swap3A_149, %swap3A_150], %swap3A_153 {strides = array<i32>} : memref<128x128xf32, #tpu.memory_space<vmem>>, vector<1x16xf32>,
        %get3A_154 = arith.index_cast %add3A_124 : i32 to index
        %get3A_155 = arith.constant 48 : index
        %get3A_156 = tpu.vector_load %arg10[%get3A_154, %get3A_155] {strides = array<i32>} : memref<128x128xf32, #tpu.memory_space<vmem>>, vector<1x16xf32>,
        %get3A_157 = vector.shape_cast %get3A_156 : vector<1x16xf32> to vector<16xf32>
        %mul3A_158 = arith.mulf %get3A_157, %gather3A_122 : vector<16xf32>
        %swap3A_159 = arith.index_cast %add3A_124 : i32 to index
        %swap3A_160 = arith.constant 48 : index
        %swap3A_161 = tpu.vector_load %arg10[%swap3A_159, %swap3A_160] {strides = array<i32>} : memref<128x128xf32, #tpu.memory_space<vmem>>, vector<1x16xf32>,
        %swap3A_162 = vector.shape_cast %swap3A_161 : vector<1x16xf32> to vector<16xf32>
        %swap3A_163 = vector.shape_cast %mul3A_158 : vector<16xf32> to vector<1x16xf32>
        tpu.vector_store %arg10[%swap3A_159, %swap3A_160], %swap3A_163 {strides = array<i32>} : memref<128x128xf32, #tpu.memory_space<vmem>>, vector<1x16xf32>,
        %get3A_164 = arith.index_cast %add3A_124 : i32 to index
        %get3A_165 = arith.constant 64 : index
        %get3A_166 = tpu.vector_load %arg10[%get3A_164, %get3A_165] {strides = array<i32>} : memref<128x128xf32, #tpu.memory_space<vmem>>, vector<1x16xf32>,
        %get3A_167 = vector.shape_cast %get3A_166 : vector<1x16xf32> to vector<16xf32>
        %mul3A_168 = arith.mulf %get3A_167, %gather3A_122 : vector<16xf32>
        %swap3A_169 = arith.index_cast %add3A_124 : i32 to index
        %swap3A_170 = arith.constant 64 : index
        %swap3A_171 = tpu.vector_load %arg10[%swap3A_169, %swap3A_170] {strides = array<i32>} : memref<128x128xf32, #tpu.memory_space<vmem>>, vector<1x16xf32>,
        %swap3A_172 = vector.shape_cast %swap3A_171 : vector<1x16xf32> to vector<16xf32>
        %swap3A_173 = vector.shape_cast %mul3A_168 : vector<16xf32> to vector<1x16xf32>
        tpu.vector_store %arg10[%swap3A_169, %swap3A_170], %swap3A_173 {strides = array<i32>} : memref<128x128xf32, #tpu.memory_space<vmem>>, vector<1x16xf32>,
        %get3A_174 = arith.index_cast %add3A_124 : i32 to index
        %get3A_175 = arith.constant 80 : index
        %get3A_176 = tpu.vector_load %arg10[%get3A_174, %get3A_175] {strides = array<i32>} : memref<128x128xf32, #tpu.memory_space<vmem>>, vector<1x16xf32>,
        %get3A_177 = vector.shape_cast %get3A_176 : vector<1x16xf32> to vector<16xf32>
        %mul3A_178 = arith.mulf %get3A_177, %gather3A_122 : vector<16xf32>
        %swap3A_179 = arith.index_cast %add3A_124 : i32 to index
        %swap3A_180 = arith.constant 80 : index
        %swap3A_181 = tpu.vector_load %arg10[%swap3A_179, %swap3A_180] {strides = array<i32>} : memref<128x128xf32, #tpu.memory_space<vmem>>, vector<1x16xf32>,
        %swap3A_182 = vector.shape_cast %swap3A_181 : vector<1x16xf32> to vector<16xf32>
        %swap3A_183 = vector.shape_cast %mul3A_178 : vector<16xf32> to vector<1x16xf32>
        tpu.vector_store %arg10[%swap3A_179, %swap3A_180], %swap3A_183 {strides = array<i32>} : memref<128x128xf32, #tpu.memory_space<vmem>>, vector<1x16xf32>,
        %get3A_184 = arith.index_cast %add3A_124 : i32 to index
        %get3A_185 = arith.constant 96 : index
        %get3A_186 = tpu.vector_load %arg10[%get3A_184, %get3A_185] {strides = array<i32>} : memref<128x128xf32, #tpu.memory_space<vmem>>, vector<1x16xf32>,
        %get3A_187 = vector.shape_cast %get3A_186 : vector<1x16xf32> to vector<16xf32>
        %mul3A_188 = arith.mulf %get3A_187, %gather3A_122 : vector<16xf32>
        %swap3A_189 = arith.index_cast %add3A_124 : i32 to index
        %swap3A_190 = arith.constant 96 : index
        %swap3A_191 = tpu.vector_load %arg10[%swap3A_189, %swap3A_190] {strides = array<i32>} : memref<128x128xf32, #tpu.memory_space<vmem>>, vector<1x16xf32>,
        %swap3A_192 = vector.shape_cast %swap3A_191 : vector<1x16xf32> to vector<16xf32>
        %swap3A_193 = vector.shape_cast %mul3A_188 : vector<16xf32> to vector<1x16xf32>
        tpu.vector_store %arg10[%swap3A_189, %swap3A_190], %swap3A_193 {strides = array<i32>} : memref<128x128xf32, #tpu.memory_space<vmem>>, vector<1x16xf32>,
        %get3A_194 = arith.index_cast %add3A_124 : i32 to index
        %get3A_195 = arith.constant 112 : index
        %get3A_196 = tpu.vector_load %arg10[%get3A_194, %get3A_195] {strides = array<i32>} : memref<128x128xf32, #tpu.memory_space<vmem>>, vector<1x16xf32>,
        %get3A_197 = vector.shape_cast %get3A_196 : vector<1x16xf32> to vector<16xf32>
        %mul3A_198 = arith.mulf %get3A_197, %gather3A_122 : vector<16xf32>
        %swap3A_199 = arith.index_cast %add3A_124 : i32 to index
        %swap3A_200 = arith.constant 112 : index
        %swap3A_201 = tpu.vector_load %arg10[%swap3A_199, %swap3A_200] {strides = array<i32>} : memref<128x128xf32, #tpu.memory_space<vmem>>, vector<1x16xf32>,
        %swap3A_202 = vector.shape_cast %swap3A_201 : vector<1x16xf32> to vector<16xf32>
        %swap3A_203 = vector.shape_cast %mul3A_198 : vector<16xf32> to vector<1x16xf32>
        tpu.vector_store %arg10[%swap3A_199, %swap3A_200], %swap3A_203 {strides = array<i32>} : memref<128x128xf32, #tpu.memory_space<vmem>>, vector<1x16xf32>,
      }
      %scan3A_84 = arith.constant 16 : i32
      %get3A_85 = arith.index_cast %scan3A_25 : i32 to index
      %get3A_86 = arith.constant 80 : index
      %get3A_87 = tpu.vector_load %arg9[%get3A_85, %get3A_86] {strides = array<i32>} : memref<79x128xf32, #tpu.memory_space<vmem>>, vector<1x16xf32>,
      %get3A_88 = vector.shape_cast %get3A_87 : vector<1x16xf32> to vector<16xf32>
      %scan3A_89 = arith.constant 0 : i32
      %scan3A_90 = arith.constant 0 : i32
      %scan3A_91 = arith.constant 16 : i32
      %scan3A_92 = arith.addi %scan3A_90, %scan3A_91 : i32
      %scan3A_93 = arith.constant 1 : i32
      scf.for %scan3A_115 = %scan3A_90 to %scan3A_92 step %scan3A_93  : i32 {
        %broadcast_in_dim3A = vector.broadcast %scan3A_115 : i32 to vector<16xi32>
        %lt3A = arith.constant 0 : i32
        %lt3A_116 = vector.broadcast %lt3A : i32 to vector<16xi32>
        %lt3A_117 = arith.cmpi slt, %broadcast_in_dim3A, %lt3A_116 : vector<16xi32>
        %add3A_118 = arith.constant 16 : i32
        %add3A_119 = vector.broadcast %add3A_118 : i32 to vector<16xi32>
        %add3A_120 = arith.addi %broadcast_in_dim3A, %add3A_119 : vector<16xi32>
        %select_n3A = arith.select %lt3A_117, %add3A_120, %broadcast_in_dim3A : vector<16xi1>, vector<16xi32>
        %broadcast_in_dim3A_121 = vector.shape_cast %select_n3A : vector<16xi32> to vector<16x1xi32>
        %gather3A = vector.shape_cast %broadcast_in_dim3A_121 : vector<16x1xi32> to vector<16xi32>
        %gather3A_122 = tpu.dynamic_gather %get3A_88[%gather3A] in [0] : vector<16xf32>, vector<16xi32> -> vector<16xf32>
        %add3A_123 = arith.constant 80 : i32
        %add3A_124 = arith.addi %add3A_123, %scan3A_115 : i32
        %get3A_125 = arith.index_cast %add3A_124 : i32 to index
        %get3A_126 = arith.constant 0 : index
        %get3A_127 = tpu.vector_load %arg10[%get3A_125, %get3A_126] {strides = array<i32>} : memref<128x128xf32, #tpu.memory_space<vmem>>, vector<1x16xf32>,
        %get3A_128 = vector.shape_cast %get3A_127 : vector<1x16xf32> to vector<16xf32>
        %mul3A_129 = arith.mulf %get3A_128, %gather3A_122 : vector<16xf32>
        %swap3A = arith.index_cast %add3A_124 : i32 to index
        %swap3A_130 = arith.constant 0 : index
        %swap3A_131 = tpu.vector_load %arg10[%swap3A, %swap3A_130] {strides = array<i32>} : memref<128x128xf32, #tpu.memory_space<vmem>>, vector<1x16xf32>,
        %swap3A_132 = vector.shape_cast %swap3A_131 : vector<1x16xf32> to vector<16xf32>
        %swap3A_133 = vector.shape_cast %mul3A_129 : vector<16xf32> to vector<1x16xf32>
        tpu.vector_store %arg10[%swap3A, %swap3A_130], %swap3A_133 {strides = array<i32>} : memref<128x128xf32, #tpu.memory_space<vmem>>, vector<1x16xf32>,
        %get3A_134 = arith.index_cast %add3A_124 : i32 to index
        %get3A_135 = arith.constant 16 : index
        %get3A_136 = tpu.vector_load %arg10[%get3A_134, %get3A_135] {strides = array<i32>} : memref<128x128xf32, #tpu.memory_space<vmem>>, vector<1x16xf32>,
        %get3A_137 = vector.shape_cast %get3A_136 : vector<1x16xf32> to vector<16xf32>
        %mul3A_138 = arith.mulf %get3A_137, %gather3A_122 : vector<16xf32>
        %swap3A_139 = arith.index_cast %add3A_124 : i32 to index
        %swap3A_140 = arith.constant 16 : index
        %swap3A_141 = tpu.vector_load %arg10[%swap3A_139, %swap3A_140] {strides = array<i32>} : memref<128x128xf32, #tpu.memory_space<vmem>>, vector<1x16xf32>,
        %swap3A_142 = vector.shape_cast %swap3A_141 : vector<1x16xf32> to vector<16xf32>
        %swap3A_143 = vector.shape_cast %mul3A_138 : vector<16xf32> to vector<1x16xf32>
        tpu.vector_store %arg10[%swap3A_139, %swap3A_140], %swap3A_143 {strides = array<i32>} : memref<128x128xf32, #tpu.memory_space<vmem>>, vector<1x16xf32>,
        %get3A_144 = arith.index_cast %add3A_124 : i32 to index
        %get3A_145 = arith.constant 32 : index
        %get3A_146 = tpu.vector_load %arg10[%get3A_144, %get3A_145] {strides = array<i32>} : memref<128x128xf32, #tpu.memory_space<vmem>>, vector<1x16xf32>,
        %get3A_147 = vector.shape_cast %get3A_146 : vector<1x16xf32> to vector<16xf32>
        %mul3A_148 = arith.mulf %get3A_147, %gather3A_122 : vector<16xf32>
        %swap3A_149 = arith.index_cast %add3A_124 : i32 to index
        %swap3A_150 = arith.constant 32 : index
        %swap3A_151 = tpu.vector_load %arg10[%swap3A_149, %swap3A_150] {strides = array<i32>} : memref<128x128xf32, #tpu.memory_space<vmem>>, vector<1x16xf32>,
        %swap3A_152 = vector.shape_cast %swap3A_151 : vector<1x16xf32> to vector<16xf32>
        %swap3A_153 = vector.shape_cast %mul3A_148 : vector<16xf32> to vector<1x16xf32>
        tpu.vector_store %arg10[%swap3A_149, %swap3A_150], %swap3A_153 {strides = array<i32>} : memref<128x128xf32, #tpu.memory_space<vmem>>, vector<1x16xf32>,
        %get3A_154 = arith.index_cast %add3A_124 : i32 to index
        %get3A_155 = arith.constant 48 : index
        %get3A_156 = tpu.vector_load %arg10[%get3A_154, %get3A_155] {strides = array<i32>} : memref<128x128xf32, #tpu.memory_space<vmem>>, vector<1x16xf32>,
        %get3A_157 = vector.shape_cast %get3A_156 : vector<1x16xf32> to vector<16xf32>
        %mul3A_158 = arith.mulf %get3A_157, %gather3A_122 : vector<16xf32>
        %swap3A_159 = arith.index_cast %add3A_124 : i32 to index
        %swap3A_160 = arith.constant 48 : index
        %swap3A_161 = tpu.vector_load %arg10[%swap3A_159, %swap3A_160] {strides = array<i32>} : memref<128x128xf32, #tpu.memory_space<vmem>>, vector<1x16xf32>,
        %swap3A_162 = vector.shape_cast %swap3A_161 : vector<1x16xf32> to vector<16xf32>
        %swap3A_163 = vector.shape_cast %mul3A_158 : vector<16xf32> to vector<1x16xf32>
        tpu.vector_store %arg10[%swap3A_159, %swap3A_160], %swap3A_163 {strides = array<i32>} : memref<128x128xf32, #tpu.memory_space<vmem>>, vector<1x16xf32>,
        %get3A_164 = arith.index_cast %add3A_124 : i32 to index
        %get3A_165 = arith.constant 64 : index
        %get3A_166 = tpu.vector_load %arg10[%get3A_164, %get3A_165] {strides = array<i32>} : memref<128x128xf32, #tpu.memory_space<vmem>>, vector<1x16xf32>,
        %get3A_167 = vector.shape_cast %get3A_166 : vector<1x16xf32> to vector<16xf32>
        %mul3A_168 = arith.mulf %get3A_167, %gather3A_122 : vector<16xf32>
        %swap3A_169 = arith.index_cast %add3A_124 : i32 to index
        %swap3A_170 = arith.constant 64 : index
        %swap3A_171 = tpu.vector_load %arg10[%swap3A_169, %swap3A_170] {strides = array<i32>} : memref<128x128xf32, #tpu.memory_space<vmem>>, vector<1x16xf32>,
        %swap3A_172 = vector.shape_cast %swap3A_171 : vector<1x16xf32> to vector<16xf32>
        %swap3A_173 = vector.shape_cast %mul3A_168 : vector<16xf32> to vector<1x16xf32>
        tpu.vector_store %arg10[%swap3A_169, %swap3A_170], %swap3A_173 {strides = array<i32>} : memref<128x128xf32, #tpu.memory_space<vmem>>, vector<1x16xf32>,
        %get3A_174 = arith.index_cast %add3A_124 : i32 to index
        %get3A_175 = arith.constant 80 : index
        %get3A_176 = tpu.vector_load %arg10[%get3A_174, %get3A_175] {strides = array<i32>} : memref<128x128xf32, #tpu.memory_space<vmem>>, vector<1x16xf32>,
        %get3A_177 = vector.shape_cast %get3A_176 : vector<1x16xf32> to vector<16xf32>
        %mul3A_178 = arith.mulf %get3A_177, %gather3A_122 : vector<16xf32>
        %swap3A_179 = arith.index_cast %add3A_124 : i32 to index
        %swap3A_180 = arith.constant 80 : index
        %swap3A_181 = tpu.vector_load %arg10[%swap3A_179, %swap3A_180] {strides = array<i32>} : memref<128x128xf32, #tpu.memory_space<vmem>>, vector<1x16xf32>,
        %swap3A_182 = vector.shape_cast %swap3A_181 : vector<1x16xf32> to vector<16xf32>
        %swap3A_183 = vector.shape_cast %mul3A_178 : vector<16xf32> to vector<1x16xf32>
        tpu.vector_store %arg10[%swap3A_179, %swap3A_180], %swap3A_183 {strides = array<i32>} : memref<128x128xf32, #tpu.memory_space<vmem>>, vector<1x16xf32>,
        %get3A_184 = arith.index_cast %add3A_124 : i32 to index
        %get3A_185 = arith.constant 96 : index
        %get3A_186 = tpu.vector_load %arg10[%get3A_184, %get3A_185] {strides = array<i32>} : memref<128x128xf32, #tpu.memory_space<vmem>>, vector<1x16xf32>,
        %get3A_187 = vector.shape_cast %get3A_186 : vector<1x16xf32> to vector<16xf32>
        %mul3A_188 = arith.mulf %get3A_187, %gather3A_122 : vector<16xf32>
        %swap3A_189 = arith.index_cast %add3A_124 : i32 to index
        %swap3A_190 = arith.constant 96 : index
        %swap3A_191 = tpu.vector_load %arg10[%swap3A_189, %swap3A_190] {strides = array<i32>} : memref<128x128xf32, #tpu.memory_space<vmem>>, vector<1x16xf32>,
        %swap3A_192 = vector.shape_cast %swap3A_191 : vector<1x16xf32> to vector<16xf32>
        %swap3A_193 = vector.shape_cast %mul3A_188 : vector<16xf32> to vector<1x16xf32>
        tpu.vector_store %arg10[%swap3A_189, %swap3A_190], %swap3A_193 {strides = array<i32>} : memref<128x128xf32, #tpu.memory_space<vmem>>, vector<1x16xf32>,
        %get3A_194 = arith.index_cast %add3A_124 : i32 to index
        %get3A_195 = arith.constant 112 : index
        %get3A_196 = tpu.vector_load %arg10[%get3A_194, %get3A_195] {strides = array<i32>} : memref<128x128xf32, #tpu.memory_space<vmem>>, vector<1x16xf32>,
        %get3A_197 = vector.shape_cast %get3A_196 : vector<1x16xf32> to vector<16xf32>
        %mul3A_198 = arith.mulf %get3A_197, %gather3A_122 : vector<16xf32>
        %swap3A_199 = arith.index_cast %add3A_124 : i32 to index
        %swap3A_200 = arith.constant 112 : index
        %swap3A_201 = tpu.vector_load %arg10[%swap3A_199, %swap3A_200] {strides = array<i32>} : memref<128x128xf32, #tpu.memory_space<vmem>>, vector<1x16xf32>,
        %swap3A_202 = vector.shape_cast %swap3A_201 : vector<1x16xf32> to vector<16xf32>
        %swap3A_203 = vector.shape_cast %mul3A_198 : vector<16xf32> to vector<1x16xf32>
        tpu.vector_store %arg10[%swap3A_199, %swap3A_200], %swap3A_203 {strides = array<i32>} : memref<128x128xf32, #tpu.memory_space<vmem>>, vector<1x16xf32>,
      }
      %scan3A_94 = arith.constant 16 : i32
      %get3A_95 = arith.index_cast %scan3A_25 : i32 to index
      %get3A_96 = arith.constant 96 : index
      %get3A_97 = tpu.vector_load %arg9[%get3A_95, %get3A_96] {strides = array<i32>} : memref<79x128xf32, #tpu.memory_space<vmem>>, vector<1x16xf32>,
      %get3A_98 = vector.shape_cast %get3A_97 : vector<1x16xf32> to vector<16xf32>
      %scan3A_99 = arith.constant 0 : i32
      %scan3A_100 = arith.constant 0 : i32
      %scan3A_101 = arith.constant 16 : i32
      %scan3A_102 = arith.addi %scan3A_100, %scan3A_101 : i32
      %scan3A_103 = arith.constant 1 : i32
      scf.for %scan3A_115 = %scan3A_100 to %scan3A_102 step %scan3A_103  : i32 {
        %broadcast_in_dim3A = vector.broadcast %scan3A_115 : i32 to vector<16xi32>
        %lt3A = arith.constant 0 : i32
        %lt3A_116 = vector.broadcast %lt3A : i32 to vector<16xi32>
        %lt3A_117 = arith.cmpi slt, %broadcast_in_dim3A, %lt3A_116 : vector<16xi32>
        %add3A_118 = arith.constant 16 : i32
        %add3A_119 = vector.broadcast %add3A_118 : i32 to vector<16xi32>
        %add3A_120 = arith.addi %broadcast_in_dim3A, %add3A_119 : vector<16xi32>
        %select_n3A = arith.select %lt3A_117, %add3A_120, %broadcast_in_dim3A : vector<16xi1>, vector<16xi32>
        %broadcast_in_dim3A_121 = vector.shape_cast %select_n3A : vector<16xi32> to vector<16x1xi32>
        %gather3A = vector.shape_cast %broadcast_in_dim3A_121 : vector<16x1xi32> to vector<16xi32>
        %gather3A_122 = tpu.dynamic_gather %get3A_98[%gather3A] in [0] : vector<16xf32>, vector<16xi32> -> vector<16xf32>
        %add3A_123 = arith.constant 96 : i32
        %add3A_124 = arith.addi %add3A_123, %scan3A_115 : i32
        %get3A_125 = arith.index_cast %add3A_124 : i32 to index
        %get3A_126 = arith.constant 0 : index
        %get3A_127 = tpu.vector_load %arg10[%get3A_125, %get3A_126] {strides = array<i32>} : memref<128x128xf32, #tpu.memory_space<vmem>>, vector<1x16xf32>,
        %get3A_128 = vector.shape_cast %get3A_127 : vector<1x16xf32> to vector<16xf32>
        %mul3A_129 = arith.mulf %get3A_128, %gather3A_122 : vector<16xf32>
        %swap3A = arith.index_cast %add3A_124 : i32 to index
        %swap3A_130 = arith.constant 0 : index
        %swap3A_131 = tpu.vector_load %arg10[%swap3A, %swap3A_130] {strides = array<i32>} : memref<128x128xf32, #tpu.memory_space<vmem>>, vector<1x16xf32>,
        %swap3A_132 = vector.shape_cast %swap3A_131 : vector<1x16xf32> to vector<16xf32>
        %swap3A_133 = vector.shape_cast %mul3A_129 : vector<16xf32> to vector<1x16xf32>
        tpu.vector_store %arg10[%swap3A, %swap3A_130], %swap3A_133 {strides = array<i32>} : memref<128x128xf32, #tpu.memory_space<vmem>>, vector<1x16xf32>,
        %get3A_134 = arith.index_cast %add3A_124 : i32 to index
        %get3A_135 = arith.constant 16 : index
        %get3A_136 = tpu.vector_load %arg10[%get3A_134, %get3A_135] {strides = array<i32>} : memref<128x128xf32, #tpu.memory_space<vmem>>, vector<1x16xf32>,
        %get3A_137 = vector.shape_cast %get3A_136 : vector<1x16xf32> to vector<16xf32>
        %mul3A_138 = arith.mulf %get3A_137, %gather3A_122 : vector<16xf32>
        %swap3A_139 = arith.index_cast %add3A_124 : i32 to index
        %swap3A_140 = arith.constant 16 : index
        %swap3A_141 = tpu.vector_load %arg10[%swap3A_139, %swap3A_140] {strides = array<i32>} : memref<128x128xf32, #tpu.memory_space<vmem>>, vector<1x16xf32>,
        %swap3A_142 = vector.shape_cast %swap3A_141 : vector<1x16xf32> to vector<16xf32>
        %swap3A_143 = vector.shape_cast %mul3A_138 : vector<16xf32> to vector<1x16xf32>
        tpu.vector_store %arg10[%swap3A_139, %swap3A_140], %swap3A_143 {strides = array<i32>} : memref<128x128xf32, #tpu.memory_space<vmem>>, vector<1x16xf32>,
        %get3A_144 = arith.index_cast %add3A_124 : i32 to index
        %get3A_145 = arith.constant 32 : index
        %get3A_146 = tpu.vector_load %arg10[%get3A_144, %get3A_145] {strides = array<i32>} : memref<128x128xf32, #tpu.memory_space<vmem>>, vector<1x16xf32>,
        %get3A_147 = vector.shape_cast %get3A_146 : vector<1x16xf32> to vector<16xf32>
        %mul3A_148 = arith.mulf %get3A_147, %gather3A_122 : vector<16xf32>
        %swap3A_149 = arith.index_cast %add3A_124 : i32 to index
        %swap3A_150 = arith.constant 32 : index
        %swap3A_151 = tpu.vector_load %arg10[%swap3A_149, %swap3A_150] {strides = array<i32>} : memref<128x128xf32, #tpu.memory_space<vmem>>, vector<1x16xf32>,
        %swap3A_152 = vector.shape_cast %swap3A_151 : vector<1x16xf32> to vector<16xf32>
        %swap3A_153 = vector.shape_cast %mul3A_148 : vector<16xf32> to vector<1x16xf32>
        tpu.vector_store %arg10[%swap3A_149, %swap3A_150], %swap3A_153 {strides = array<i32>} : memref<128x128xf32, #tpu.memory_space<vmem>>, vector<1x16xf32>,
        %get3A_154 = arith.index_cast %add3A_124 : i32 to index
        %get3A_155 = arith.constant 48 : index
        %get3A_156 = tpu.vector_load %arg10[%get3A_154, %get3A_155] {strides = array<i32>} : memref<128x128xf32, #tpu.memory_space<vmem>>, vector<1x16xf32>,
        %get3A_157 = vector.shape_cast %get3A_156 : vector<1x16xf32> to vector<16xf32>
        %mul3A_158 = arith.mulf %get3A_157, %gather3A_122 : vector<16xf32>
        %swap3A_159 = arith.index_cast %add3A_124 : i32 to index
        %swap3A_160 = arith.constant 48 : index
        %swap3A_161 = tpu.vector_load %arg10[%swap3A_159, %swap3A_160] {strides = array<i32>} : memref<128x128xf32, #tpu.memory_space<vmem>>, vector<1x16xf32>,
        %swap3A_162 = vector.shape_cast %swap3A_161 : vector<1x16xf32> to vector<16xf32>
        %swap3A_163 = vector.shape_cast %mul3A_158 : vector<16xf32> to vector<1x16xf32>
        tpu.vector_store %arg10[%swap3A_159, %swap3A_160], %swap3A_163 {strides = array<i32>} : memref<128x128xf32, #tpu.memory_space<vmem>>, vector<1x16xf32>,
        %get3A_164 = arith.index_cast %add3A_124 : i32 to index
        %get3A_165 = arith.constant 64 : index
        %get3A_166 = tpu.vector_load %arg10[%get3A_164, %get3A_165] {strides = array<i32>} : memref<128x128xf32, #tpu.memory_space<vmem>>, vector<1x16xf32>,
        %get3A_167 = vector.shape_cast %get3A_166 : vector<1x16xf32> to vector<16xf32>
        %mul3A_168 = arith.mulf %get3A_167, %gather3A_122 : vector<16xf32>
        %swap3A_169 = arith.index_cast %add3A_124 : i32 to index
        %swap3A_170 = arith.constant 64 : index
        %swap3A_171 = tpu.vector_load %arg10[%swap3A_169, %swap3A_170] {strides = array<i32>} : memref<128x128xf32, #tpu.memory_space<vmem>>, vector<1x16xf32>,
        %swap3A_172 = vector.shape_cast %swap3A_171 : vector<1x16xf32> to vector<16xf32>
        %swap3A_173 = vector.shape_cast %mul3A_168 : vector<16xf32> to vector<1x16xf32>
        tpu.vector_store %arg10[%swap3A_169, %swap3A_170], %swap3A_173 {strides = array<i32>} : memref<128x128xf32, #tpu.memory_space<vmem>>, vector<1x16xf32>,
        %get3A_174 = arith.index_cast %add3A_124 : i32 to index
        %get3A_175 = arith.constant 80 : index
        %get3A_176 = tpu.vector_load %arg10[%get3A_174, %get3A_175] {strides = array<i32>} : memref<128x128xf32, #tpu.memory_space<vmem>>, vector<1x16xf32>,
        %get3A_177 = vector.shape_cast %get3A_176 : vector<1x16xf32> to vector<16xf32>
        %mul3A_178 = arith.mulf %get3A_177, %gather3A_122 : vector<16xf32>
        %swap3A_179 = arith.index_cast %add3A_124 : i32 to index
        %swap3A_180 = arith.constant 80 : index
        %swap3A_181 = tpu.vector_load %arg10[%swap3A_179, %swap3A_180] {strides = array<i32>} : memref<128x128xf32, #tpu.memory_space<vmem>>, vector<1x16xf32>,
        %swap3A_182 = vector.shape_cast %swap3A_181 : vector<1x16xf32> to vector<16xf32>
        %swap3A_183 = vector.shape_cast %mul3A_178 : vector<16xf32> to vector<1x16xf32>
        tpu.vector_store %arg10[%swap3A_179, %swap3A_180], %swap3A_183 {strides = array<i32>} : memref<128x128xf32, #tpu.memory_space<vmem>>, vector<1x16xf32>,
        %get3A_184 = arith.index_cast %add3A_124 : i32 to index
        %get3A_185 = arith.constant 96 : index
        %get3A_186 = tpu.vector_load %arg10[%get3A_184, %get3A_185] {strides = array<i32>} : memref<128x128xf32, #tpu.memory_space<vmem>>, vector<1x16xf32>,
        %get3A_187 = vector.shape_cast %get3A_186 : vector<1x16xf32> to vector<16xf32>
        %mul3A_188 = arith.mulf %get3A_187, %gather3A_122 : vector<16xf32>
        %swap3A_189 = arith.index_cast %add3A_124 : i32 to index
        %swap3A_190 = arith.constant 96 : index
        %swap3A_191 = tpu.vector_load %arg10[%swap3A_189, %swap3A_190] {strides = array<i32>} : memref<128x128xf32, #tpu.memory_space<vmem>>, vector<1x16xf32>,
        %swap3A_192 = vector.shape_cast %swap3A_191 : vector<1x16xf32> to vector<16xf32>
        %swap3A_193 = vector.shape_cast %mul3A_188 : vector<16xf32> to vector<1x16xf32>
        tpu.vector_store %arg10[%swap3A_189, %swap3A_190], %swap3A_193 {strides = array<i32>} : memref<128x128xf32, #tpu.memory_space<vmem>>, vector<1x16xf32>,
        %get3A_194 = arith.index_cast %add3A_124 : i32 to index
        %get3A_195 = arith.constant 112 : index
        %get3A_196 = tpu.vector_load %arg10[%get3A_194, %get3A_195] {strides = array<i32>} : memref<128x128xf32, #tpu.memory_space<vmem>>, vector<1x16xf32>,
        %get3A_197 = vector.shape_cast %get3A_196 : vector<1x16xf32> to vector<16xf32>
        %mul3A_198 = arith.mulf %get3A_197, %gather3A_122 : vector<16xf32>
        %swap3A_199 = arith.index_cast %add3A_124 : i32 to index
        %swap3A_200 = arith.constant 112 : index
        %swap3A_201 = tpu.vector_load %arg10[%swap3A_199, %swap3A_200] {strides = array<i32>} : memref<128x128xf32, #tpu.memory_space<vmem>>, vector<1x16xf32>,
        %swap3A_202 = vector.shape_cast %swap3A_201 : vector<1x16xf32> to vector<16xf32>
        %swap3A_203 = vector.shape_cast %mul3A_198 : vector<16xf32> to vector<1x16xf32>
        tpu.vector_store %arg10[%swap3A_199, %swap3A_200], %swap3A_203 {strides = array<i32>} : memref<128x128xf32, #tpu.memory_space<vmem>>, vector<1x16xf32>,
      }
      %scan3A_104 = arith.constant 16 : i32
      %get3A_105 = arith.index_cast %scan3A_25 : i32 to index
      %get3A_106 = arith.constant 112 : index
      %get3A_107 = tpu.vector_load %arg9[%get3A_105, %get3A_106] {strides = array<i32>} : memref<79x128xf32, #tpu.memory_space<vmem>>, vector<1x16xf32>,
      %get3A_108 = vector.shape_cast %get3A_107 : vector<1x16xf32> to vector<16xf32>
      %scan3A_109 = arith.constant 0 : i32
      %scan3A_110 = arith.constant 0 : i32
      %scan3A_111 = arith.constant 16 : i32
      %scan3A_112 = arith.addi %scan3A_110, %scan3A_111 : i32
      %scan3A_113 = arith.constant 1 : i32
      scf.for %scan3A_115 = %scan3A_110 to %scan3A_112 step %scan3A_113  : i32 {
        %broadcast_in_dim3A = vector.broadcast %scan3A_115 : i32 to vector<16xi32>
        %lt3A = arith.constant 0 : i32
        %lt3A_116 = vector.broadcast %lt3A : i32 to vector<16xi32>
        %lt3A_117 = arith.cmpi slt, %broadcast_in_dim3A, %lt3A_116 : vector<16xi32>
        %add3A_118 = arith.constant 16 : i32
        %add3A_119 = vector.broadcast %add3A_118 : i32 to vector<16xi32>
        %add3A_120 = arith.addi %broadcast_in_dim3A, %add3A_119 : vector<16xi32>
        %select_n3A = arith.select %lt3A_117, %add3A_120, %broadcast_in_dim3A : vector<16xi1>, vector<16xi32>
        %broadcast_in_dim3A_121 = vector.shape_cast %select_n3A : vector<16xi32> to vector<16x1xi32>
        %gather3A = vector.shape_cast %broadcast_in_dim3A_121 : vector<16x1xi32> to vector<16xi32>
        %gather3A_122 = tpu.dynamic_gather %get3A_108[%gather3A] in [0] : vector<16xf32>, vector<16xi32> -> vector<16xf32>
        %add3A_123 = arith.constant 112 : i32
        %add3A_124 = arith.addi %add3A_123, %scan3A_115 : i32
        %get3A_125 = arith.index_cast %add3A_124 : i32 to index
        %get3A_126 = arith.constant 0 : index
        %get3A_127 = tpu.vector_load %arg10[%get3A_125, %get3A_126] {strides = array<i32>} : memref<128x128xf32, #tpu.memory_space<vmem>>, vector<1x16xf32>,
        %get3A_128 = vector.shape_cast %get3A_127 : vector<1x16xf32> to vector<16xf32>
        %mul3A_129 = arith.mulf %get3A_128, %gather3A_122 : vector<16xf32>
        %swap3A = arith.index_cast %add3A_124 : i32 to index
        %swap3A_130 = arith.constant 0 : index
        %swap3A_131 = tpu.vector_load %arg10[%swap3A, %swap3A_130] {strides = array<i32>} : memref<128x128xf32, #tpu.memory_space<vmem>>, vector<1x16xf32>,
        %swap3A_132 = vector.shape_cast %swap3A_131 : vector<1x16xf32> to vector<16xf32>
        %swap3A_133 = vector.shape_cast %mul3A_129 : vector<16xf32> to vector<1x16xf32>
        tpu.vector_store %arg10[%swap3A, %swap3A_130], %swap3A_133 {strides = array<i32>} : memref<128x128xf32, #tpu.memory_space<vmem>>, vector<1x16xf32>,
        %get3A_134 = arith.index_cast %add3A_124 : i32 to index
        %get3A_135 = arith.constant 16 : index
        %get3A_136 = tpu.vector_load %arg10[%get3A_134, %get3A_135] {strides = array<i32>} : memref<128x128xf32, #tpu.memory_space<vmem>>, vector<1x16xf32>,
        %get3A_137 = vector.shape_cast %get3A_136 : vector<1x16xf32> to vector<16xf32>
        %mul3A_138 = arith.mulf %get3A_137, %gather3A_122 : vector<16xf32>
        %swap3A_139 = arith.index_cast %add3A_124 : i32 to index
        %swap3A_140 = arith.constant 16 : index
        %swap3A_141 = tpu.vector_load %arg10[%swap3A_139, %swap3A_140] {strides = array<i32>} : memref<128x128xf32, #tpu.memory_space<vmem>>, vector<1x16xf32>,
        %swap3A_142 = vector.shape_cast %swap3A_141 : vector<1x16xf32> to vector<16xf32>
        %swap3A_143 = vector.shape_cast %mul3A_138 : vector<16xf32> to vector<1x16xf32>
        tpu.vector_store %arg10[%swap3A_139, %swap3A_140], %swap3A_143 {strides = array<i32>} : memref<128x128xf32, #tpu.memory_space<vmem>>, vector<1x16xf32>,
        %get3A_144 = arith.index_cast %add3A_124 : i32 to index
        %get3A_145 = arith.constant 32 : index
        %get3A_146 = tpu.vector_load %arg10[%get3A_144, %get3A_145] {strides = array<i32>} : memref<128x128xf32, #tpu.memory_space<vmem>>, vector<1x16xf32>,
        %get3A_147 = vector.shape_cast %get3A_146 : vector<1x16xf32> to vector<16xf32>
        %mul3A_148 = arith.mulf %get3A_147, %gather3A_122 : vector<16xf32>
        %swap3A_149 = arith.index_cast %add3A_124 : i32 to index
        %swap3A_150 = arith.constant 32 : index
        %swap3A_151 = tpu.vector_load %arg10[%swap3A_149, %swap3A_150] {strides = array<i32>} : memref<128x128xf32, #tpu.memory_space<vmem>>, vector<1x16xf32>,
        %swap3A_152 = vector.shape_cast %swap3A_151 : vector<1x16xf32> to vector<16xf32>
        %swap3A_153 = vector.shape_cast %mul3A_148 : vector<16xf32> to vector<1x16xf32>
        tpu.vector_store %arg10[%swap3A_149, %swap3A_150], %swap3A_153 {strides = array<i32>} : memref<128x128xf32, #tpu.memory_space<vmem>>, vector<1x16xf32>,
        %get3A_154 = arith.index_cast %add3A_124 : i32 to index
        %get3A_155 = arith.constant 48 : index
        %get3A_156 = tpu.vector_load %arg10[%get3A_154, %get3A_155] {strides = array<i32>} : memref<128x128xf32, #tpu.memory_space<vmem>>, vector<1x16xf32>,
        %get3A_157 = vector.shape_cast %get3A_156 : vector<1x16xf32> to vector<16xf32>
        %mul3A_158 = arith.mulf %get3A_157, %gather3A_122 : vector<16xf32>
        %swap3A_159 = arith.index_cast %add3A_124 : i32 to index
        %swap3A_160 = arith.constant 48 : index
        %swap3A_161 = tpu.vector_load %arg10[%swap3A_159, %swap3A_160] {strides = array<i32>} : memref<128x128xf32, #tpu.memory_space<vmem>>, vector<1x16xf32>,
        %swap3A_162 = vector.shape_cast %swap3A_161 : vector<1x16xf32> to vector<16xf32>
        %swap3A_163 = vector.shape_cast %mul3A_158 : vector<16xf32> to vector<1x16xf32>
        tpu.vector_store %arg10[%swap3A_159, %swap3A_160], %swap3A_163 {strides = array<i32>} : memref<128x128xf32, #tpu.memory_space<vmem>>, vector<1x16xf32>,
        %get3A_164 = arith.index_cast %add3A_124 : i32 to index
        %get3A_165 = arith.constant 64 : index
        %get3A_166 = tpu.vector_load %arg10[%get3A_164, %get3A_165] {strides = array<i32>} : memref<128x128xf32, #tpu.memory_space<vmem>>, vector<1x16xf32>,
        %get3A_167 = vector.shape_cast %get3A_166 : vector<1x16xf32> to vector<16xf32>
        %mul3A_168 = arith.mulf %get3A_167, %gather3A_122 : vector<16xf32>
        %swap3A_169 = arith.index_cast %add3A_124 : i32 to index
        %swap3A_170 = arith.constant 64 : index
        %swap3A_171 = tpu.vector_load %arg10[%swap3A_169, %swap3A_170] {strides = array<i32>} : memref<128x128xf32, #tpu.memory_space<vmem>>, vector<1x16xf32>,
        %swap3A_172 = vector.shape_cast %swap3A_171 : vector<1x16xf32> to vector<16xf32>
        %swap3A_173 = vector.shape_cast %mul3A_168 : vector<16xf32> to vector<1x16xf32>
        tpu.vector_store %arg10[%swap3A_169, %swap3A_170], %swap3A_173 {strides = array<i32>} : memref<128x128xf32, #tpu.memory_space<vmem>>, vector<1x16xf32>,
        %get3A_174 = arith.index_cast %add3A_124 : i32 to index
        %get3A_175 = arith.constant 80 : index
        %get3A_176 = tpu.vector_load %arg10[%get3A_174, %get3A_175] {strides = array<i32>} : memref<128x128xf32, #tpu.memory_space<vmem>>, vector<1x16xf32>,
        %get3A_177 = vector.shape_cast %get3A_176 : vector<1x16xf32> to vector<16xf32>
        %mul3A_178 = arith.mulf %get3A_177, %gather3A_122 : vector<16xf32>
        %swap3A_179 = arith.index_cast %add3A_124 : i32 to index
        %swap3A_180 = arith.constant 80 : index
        %swap3A_181 = tpu.vector_load %arg10[%swap3A_179, %swap3A_180] {strides = array<i32>} : memref<128x128xf32, #tpu.memory_space<vmem>>, vector<1x16xf32>,
        %swap3A_182 = vector.shape_cast %swap3A_181 : vector<1x16xf32> to vector<16xf32>
        %swap3A_183 = vector.shape_cast %mul3A_178 : vector<16xf32> to vector<1x16xf32>
        tpu.vector_store %arg10[%swap3A_179, %swap3A_180], %swap3A_183 {strides = array<i32>} : memref<128x128xf32, #tpu.memory_space<vmem>>, vector<1x16xf32>,
        %get3A_184 = arith.index_cast %add3A_124 : i32 to index
        %get3A_185 = arith.constant 96 : index
        %get3A_186 = tpu.vector_load %arg10[%get3A_184, %get3A_185] {strides = array<i32>} : memref<128x128xf32, #tpu.memory_space<vmem>>, vector<1x16xf32>,
        %get3A_187 = vector.shape_cast %get3A_186 : vector<1x16xf32> to vector<16xf32>
        %mul3A_188 = arith.mulf %get3A_187, %gather3A_122 : vector<16xf32>
        %swap3A_189 = arith.index_cast %add3A_124 : i32 to index
        %swap3A_190 = arith.constant 96 : index
        %swap3A_191 = tpu.vector_load %arg10[%swap3A_189, %swap3A_190] {strides = array<i32>} : memref<128x128xf32, #tpu.memory_space<vmem>>, vector<1x16xf32>,
        %swap3A_192 = vector.shape_cast %swap3A_191 : vector<1x16xf32> to vector<16xf32>
        %swap3A_193 = vector.shape_cast %mul3A_188 : vector<16xf32> to vector<1x16xf32>
        tpu.vector_store %arg10[%swap3A_189, %swap3A_190], %swap3A_193 {strides = array<i32>} : memref<128x128xf32, #tpu.memory_space<vmem>>, vector<1x16xf32>,
        %get3A_194 = arith.index_cast %add3A_124 : i32 to index
        %get3A_195 = arith.constant 112 : index
        %get3A_196 = tpu.vector_load %arg10[%get3A_194, %get3A_195] {strides = array<i32>} : memref<128x128xf32, #tpu.memory_space<vmem>>, vector<1x16xf32>,
        %get3A_197 = vector.shape_cast %get3A_196 : vector<1x16xf32> to vector<16xf32>
        %mul3A_198 = arith.mulf %get3A_197, %gather3A_122 : vector<16xf32>
        %swap3A_199 = arith.index_cast %add3A_124 : i32 to index
        %swap3A_200 = arith.constant 112 : index
        %swap3A_201 = tpu.vector_load %arg10[%swap3A_199, %swap3A_200] {strides = array<i32>} : memref<128x128xf32, #tpu.memory_space<vmem>>, vector<1x16xf32>,
        %swap3A_202 = vector.shape_cast %swap3A_201 : vector<1x16xf32> to vector<16xf32>
        %swap3A_203 = vector.shape_cast %mul3A_198 : vector<16xf32> to vector<1x16xf32>
        tpu.vector_store %arg10[%swap3A_199, %swap3A_200], %swap3A_203 {strides = array<i32>} : memref<128x128xf32, #tpu.memory_space<vmem>>, vector<1x16xf32>,
      }
      %scan3A_114 = arith.constant 16 : i32
      "tpu.region"() ({
        %run_scoped3A = tpu.sem_alloc : memref<!tpu.dma_semaphore, #tpu.memory_space<semaphore_mem>>
        %dma_start3A_115 = arith.constant 0 : i32
        %dma_start3A_116 = tpu.memref_slice %arg8[%scan3A_25, %dma_start3A_115] : memref<79x128xi32, #tpu.memory_space<vmem>> -> memref<1x128xi32, #tpu.memory_space<vmem>>
        %dma_start3A_117 = tpu.memref_squeeze %dma_start3A_116 : memref<1x128xi32, #tpu.memory_space<vmem>> -> memref<128xi32, #tpu.memory_space<vmem>>
        %dma_start3A_118 = arith.constant 0 : i32
        %dma_start3A_119 = arith.constant 0 : i32
        %dma_start3A_120 = tpu.memref_slice %arg11[%dma_start3A_118, %dma_start3A_119] : memref<10112x128xf32, #tpu.memory_space<vmem_shared>> -> memref<10112x128xf32, #tpu.memory_space<vmem_shared>>
        tpu.enqueue_indirect_dma source(%arg10 : memref<128x128xf32, #tpu.memory_space<vmem>>) target(%dma_start3A_120 : memref<10112x128xf32, #tpu.memory_space<vmem_shared>>) offsets(%dma_start3A_117 : memref<128xi32, #tpu.memory_space<vmem>>) semaphore(%run_scoped3A : memref<!tpu.dma_semaphore, #tpu.memory_space<semaphore_mem>>) {add = true}
        %dma_wait3A_121 = arith.constant 0 : i32
        %dma_wait3A_122 = tpu.memref_slice %arg8[%scan3A_25, %dma_wait3A_121] : memref<79x128xi32, #tpu.memory_space<vmem>> -> memref<1x128xi32, #tpu.memory_space<vmem>>
        %dma_wait3A_123 = tpu.memref_squeeze %dma_wait3A_122 : memref<1x128xi32, #tpu.memory_space<vmem>> -> memref<128xi32, #tpu.memory_space<vmem>>
        %dma_wait3A_124 = arith.constant 0 : i32
        %dma_wait3A_125 = arith.constant 0 : i32
        %dma_wait3A_126 = tpu.memref_slice %arg11[%dma_wait3A_124, %dma_wait3A_125] : memref<10112x128xf32, #tpu.memory_space<vmem_shared>> -> memref<10112x128xf32, #tpu.memory_space<vmem_shared>>
        tpu.wait_indirect_dma semaphore(%run_scoped3A : memref<!tpu.dma_semaphore, #tpu.memory_space<semaphore_mem>>) src(%arg10 : memref<128x128xf32, #tpu.memory_space<vmem>>) dst(%dma_wait3A_126 : memref<10112x128xf32, #tpu.memory_space<vmem_shared>>)
        tpu.yield
      }) : () -> ()
    }
    %scan3A_23 = arith.constant 79 : i32
    %barrier3A_24 = arith.constant 0 : index
    tpu.barrier barrier_id(%barrier3A_24)
    "tpu.region"() ({
      %run_scoped3A = tpu.sem_alloc : memref<!tpu.dma_semaphore, #tpu.memory_space<semaphore_mem>>
      %dma_start3A = arith.constant 0 : i32
      %dma_start3A_25 = tpu.memref_slice %arg6[%arg0, %mul3A_7, %dma_start3A] : memref<2x10112x128xf32, #tpu.memory_space<hbm>> -> memref<1x632x128xf32, #tpu.memory_space<hbm>>
      %dma_start3A_26 = tpu.memref_squeeze %dma_start3A_25 : memref<1x632x128xf32, #tpu.memory_space<hbm>> -> memref<632x128xf32, #tpu.memory_space<hbm>>
      %dma_start3A_27 = arith.constant 0 : i32
      %dma_start3A_28 = tpu.memref_slice %arg11[%mul3A_7, %dma_start3A_27] : memref<10112x128xf32, #tpu.memory_space<vmem_shared>> -> memref<632x128xf32, #tpu.memory_space<vmem_shared>>
      tpu.enqueue_dma source(%dma_start3A_28 : memref<632x128xf32, #tpu.memory_space<vmem_shared>>) target(%dma_start3A_26 : memref<632x128xf32, #tpu.memory_space<hbm>>) target_semaphore(%run_scoped3A : memref<!tpu.dma_semaphore, #tpu.memory_space<semaphore_mem>>)
      %dma_wait3A = arith.constant 0 : i32
      %dma_wait3A_29 = tpu.memref_slice %arg6[%arg0, %mul3A_7, %dma_wait3A] : memref<2x10112x128xf32, #tpu.memory_space<hbm>> -> memref<1x632x128xf32, #tpu.memory_space<hbm>>
      %dma_wait3A_30 = tpu.memref_squeeze %dma_wait3A_29 : memref<1x632x128xf32, #tpu.memory_space<hbm>> -> memref<632x128xf32, #tpu.memory_space<hbm>>
      %dma_wait3A_31 = arith.constant 0 : i32
      %dma_wait3A_32 = tpu.memref_slice %arg11[%mul3A_7, %dma_wait3A_31] : memref<10112x128xf32, #tpu.memory_space<vmem_shared>> -> memref<632x128xf32, #tpu.memory_space<vmem_shared>>
      tpu.wait_dma2 semaphore(%run_scoped3A : memref<!tpu.dma_semaphore, #tpu.memory_space<semaphore_mem>>) src(%dma_wait3A_32 : memref<632x128xf32, #tpu.memory_space<vmem_shared>>) dst(%dma_wait3A_30 : memref<632x128xf32, #tpu.memory_space<hbm>>)
      tpu.yield
    }) : () -> ()
    return
  }
}

#map = affine_map<(d0, d1) -> (0, 0)>
#map1 = affine_map<(d0, d1) -> (0, 0, 0)>
module attributes {stable_mosaic.version = 14 : i64} {
  func.func @_agg_kernel(%arg0: i32, %arg1: i32, %arg2: memref<90000x128xf32, #tpu.memory_space<hbm>>, %arg3: memref<32x79x128xi32, #tpu.memory_space<hbm>>, %arg4: memref<32x79x128xi32, #tpu.memory_space<hbm>>, %arg5: memref<32x79x128xf32, #tpu.memory_space<hbm>>, %arg6: memref<2x10112x128xf32, #tpu.memory_space<hbm>>, %arg7: memref<79x128xi32, #tpu.memory_space<vmem>>, %arg8: memref<79x128xi32, #tpu.memory_space<vmem>>, %arg9: memref<79x128xf32, #tpu.memory_space<vmem>>, %arg10: memref<128x128xf32, #tpu.memory_space<vmem>>, %arg11: memref<10112x128xf32, #tpu.memory_space<vmem_shared>>, %arg12: memref<!tpu.dma_semaphore, #tpu.memory_space<semaphore_mem>>) attributes {dimension_semantics = [#tpu.dimension_semantics<core_parallel>, #tpu.dimension_semantics<subcore_parallel>], iteration_bounds = array<i64: 2, 16>, scalar_prefetch = 0 : i64, scratch_operands = 6 : i64, tpu.core_type = #tpu.core_type<sc_vector_subcore>, window_params = [{transform_indices = #map}, {transform_indices = #map1}, {transform_indices = #map1}, {transform_indices = #map1}, {transform_indices = #map1}]} {
    %mul3A = arith.constant 16 : i32
    %mul3A_0 = arith.muli %arg0, %mul3A : i32
    %add3A = arith.addi %mul3A_0, %arg1 : i32
    %scan3A = arith.constant 0 : i32
    %scan3A_1 = arith.constant 0 : i32
    %scan3A_2 = arith.constant 128 : i32
    %scan3A_3 = arith.addi %scan3A_1, %scan3A_2 : i32
    %scan3A_4 = arith.constant 1 : i32
    scf.for %scan3A_25 = %scan3A_1 to %scan3A_3 step %scan3A_4  : i32 {
      %broadcast_in_dim3A = arith.constant 0.000000e+00 : f32
      %broadcast_in_dim3A_26 = vector.broadcast %broadcast_in_dim3A : f32 to vector<16xf32>
      %swap3A = arith.index_cast %scan3A_25 : i32 to index
      %swap3A_27 = arith.constant 0 : index
      %swap3A_28 = tpu.vector_load %arg10[%swap3A, %swap3A_27] {strides = array<i32>} : memref<128x128xf32, #tpu.memory_space<vmem>>, vector<1x16xf32>,
      %swap3A_29 = vector.shape_cast %swap3A_28 : vector<1x16xf32> to vector<16xf32>
      %swap3A_30 = vector.shape_cast %broadcast_in_dim3A_26 : vector<16xf32> to vector<1x16xf32>
      tpu.vector_store %arg10[%swap3A, %swap3A_27], %swap3A_30 {strides = array<i32>} : memref<128x128xf32, #tpu.memory_space<vmem>>, vector<1x16xf32>,
      %broadcast_in_dim3A_31 = arith.constant 0.000000e+00 : f32
      %broadcast_in_dim3A_32 = vector.broadcast %broadcast_in_dim3A_31 : f32 to vector<16xf32>
      %swap3A_33 = arith.index_cast %scan3A_25 : i32 to index
      %swap3A_34 = arith.constant 16 : index
      %swap3A_35 = tpu.vector_load %arg10[%swap3A_33, %swap3A_34] {strides = array<i32>} : memref<128x128xf32, #tpu.memory_space<vmem>>, vector<1x16xf32>,
      %swap3A_36 = vector.shape_cast %swap3A_35 : vector<1x16xf32> to vector<16xf32>
      %swap3A_37 = vector.shape_cast %broadcast_in_dim3A_32 : vector<16xf32> to vector<1x16xf32>
      tpu.vector_store %arg10[%swap3A_33, %swap3A_34], %swap3A_37 {strides = array<i32>} : memref<128x128xf32, #tpu.memory_space<vmem>>, vector<1x16xf32>,
      %broadcast_in_dim3A_38 = arith.constant 0.000000e+00 : f32
      %broadcast_in_dim3A_39 = vector.broadcast %broadcast_in_dim3A_38 : f32 to vector<16xf32>
      %swap3A_40 = arith.index_cast %scan3A_25 : i32 to index
      %swap3A_41 = arith.constant 32 : index
      %swap3A_42 = tpu.vector_load %arg10[%swap3A_40, %swap3A_41] {strides = array<i32>} : memref<128x128xf32, #tpu.memory_space<vmem>>, vector<1x16xf32>,
      %swap3A_43 = vector.shape_cast %swap3A_42 : vector<1x16xf32> to vector<16xf32>
      %swap3A_44 = vector.shape_cast %broadcast_in_dim3A_39 : vector<16xf32> to vector<1x16xf32>
      tpu.vector_store %arg10[%swap3A_40, %swap3A_41], %swap3A_44 {strides = array<i32>} : memref<128x128xf32, #tpu.memory_space<vmem>>, vector<1x16xf32>,
      %broadcast_in_dim3A_45 = arith.constant 0.000000e+00 : f32
      %broadcast_in_dim3A_46 = vector.broadcast %broadcast_in_dim3A_45 : f32 to vector<16xf32>
      %swap3A_47 = arith.index_cast %scan3A_25 : i32 to index
      %swap3A_48 = arith.constant 48 : index
      %swap3A_49 = tpu.vector_load %arg10[%swap3A_47, %swap3A_48] {strides = array<i32>} : memref<128x128xf32, #tpu.memory_space<vmem>>, vector<1x16xf32>,
      %swap3A_50 = vector.shape_cast %swap3A_49 : vector<1x16xf32> to vector<16xf32>
      %swap3A_51 = vector.shape_cast %broadcast_in_dim3A_46 : vector<16xf32> to vector<1x16xf32>
      tpu.vector_store %arg10[%swap3A_47, %swap3A_48], %swap3A_51 {strides = array<i32>} : memref<128x128xf32, #tpu.memory_space<vmem>>, vector<1x16xf32>,
      %broadcast_in_dim3A_52 = arith.constant 0.000000e+00 : f32
      %broadcast_in_dim3A_53 = vector.broadcast %broadcast_in_dim3A_52 : f32 to vector<16xf32>
      %swap3A_54 = arith.index_cast %scan3A_25 : i32 to index
      %swap3A_55 = arith.constant 64 : index
      %swap3A_56 = tpu.vector_load %arg10[%swap3A_54, %swap3A_55] {strides = array<i32>} : memref<128x128xf32, #tpu.memory_space<vmem>>, vector<1x16xf32>,
      %swap3A_57 = vector.shape_cast %swap3A_56 : vector<1x16xf32> to vector<16xf32>
      %swap3A_58 = vector.shape_cast %broadcast_in_dim3A_53 : vector<16xf32> to vector<1x16xf32>
      tpu.vector_store %arg10[%swap3A_54, %swap3A_55], %swap3A_58 {strides = array<i32>} : memref<128x128xf32, #tpu.memory_space<vmem>>, vector<1x16xf32>,
      %broadcast_in_dim3A_59 = arith.constant 0.000000e+00 : f32
      %broadcast_in_dim3A_60 = vector.broadcast %broadcast_in_dim3A_59 : f32 to vector<16xf32>
      %swap3A_61 = arith.index_cast %scan3A_25 : i32 to index
      %swap3A_62 = arith.constant 80 : index
      %swap3A_63 = tpu.vector_load %arg10[%swap3A_61, %swap3A_62] {strides = array<i32>} : memref<128x128xf32, #tpu.memory_space<vmem>>, vector<1x16xf32>,
      %swap3A_64 = vector.shape_cast %swap3A_63 : vector<1x16xf32> to vector<16xf32>
      %swap3A_65 = vector.shape_cast %broadcast_in_dim3A_60 : vector<16xf32> to vector<1x16xf32>
      tpu.vector_store %arg10[%swap3A_61, %swap3A_62], %swap3A_65 {strides = array<i32>} : memref<128x128xf32, #tpu.memory_space<vmem>>, vector<1x16xf32>,
      %broadcast_in_dim3A_66 = arith.constant 0.000000e+00 : f32
      %broadcast_in_dim3A_67 = vector.broadcast %broadcast_in_dim3A_66 : f32 to vector<16xf32>
      %swap3A_68 = arith.index_cast %scan3A_25 : i32 to index
      %swap3A_69 = arith.constant 96 : index
      %swap3A_70 = tpu.vector_load %arg10[%swap3A_68, %swap3A_69] {strides = array<i32>} : memref<128x128xf32, #tpu.memory_space<vmem>>, vector<1x16xf32>,
      %swap3A_71 = vector.shape_cast %swap3A_70 : vector<1x16xf32> to vector<16xf32>
      %swap3A_72 = vector.shape_cast %broadcast_in_dim3A_67 : vector<16xf32> to vector<1x16xf32>
      tpu.vector_store %arg10[%swap3A_68, %swap3A_69], %swap3A_72 {strides = array<i32>} : memref<128x128xf32, #tpu.memory_space<vmem>>, vector<1x16xf32>,
      %broadcast_in_dim3A_73 = arith.constant 0.000000e+00 : f32
      %broadcast_in_dim3A_74 = vector.broadcast %broadcast_in_dim3A_73 : f32 to vector<16xf32>
      %swap3A_75 = arith.index_cast %scan3A_25 : i32 to index
      %swap3A_76 = arith.constant 112 : index
      %swap3A_77 = tpu.vector_load %arg10[%swap3A_75, %swap3A_76] {strides = array<i32>} : memref<128x128xf32, #tpu.memory_space<vmem>>, vector<1x16xf32>,
      %swap3A_78 = vector.shape_cast %swap3A_77 : vector<1x16xf32> to vector<16xf32>
      %swap3A_79 = vector.shape_cast %broadcast_in_dim3A_74 : vector<16xf32> to vector<1x16xf32>
      tpu.vector_store %arg10[%swap3A_75, %swap3A_76], %swap3A_79 {strides = array<i32>} : memref<128x128xf32, #tpu.memory_space<vmem>>, vector<1x16xf32>,
    }
    %scan3A_5 = arith.constant 128 : i32
    %mul3A_6 = arith.constant 632 : i32
    %mul3A_7 = arith.muli %arg1, %mul3A_6 : i32
    %add3A_8 = arith.constant 0 : i32
    %add3A_9 = arith.addi %mul3A_7, %add3A_8 : i32
    "tpu.region"() ({
      %run_scoped3A = tpu.sem_alloc : memref<!tpu.dma_semaphore, #tpu.memory_space<semaphore_mem>>
      %dma_start3A = arith.constant 0 : i32
      %dma_start3A_25 = tpu.memref_slice %arg11[%add3A_9, %dma_start3A] : memref<10112x128xf32, #tpu.memory_space<vmem_shared>> -> memref<128x128xf32, #tpu.memory_space<vmem_shared>>
      %dma_start3A_26 = arith.constant 0 : i32
      %dma_start3A_27 = tpu.memref_slice %arg11[%add3A_9, %dma_start3A_26] : memref<10112x128xf32, #tpu.memory_space<vmem_shared>> -> memref<128x128xf32, #tpu.memory_space<vmem_shared>>
      tpu.enqueue_dma source(%arg10 : memref<128x128xf32, #tpu.memory_space<vmem>>) target(%dma_start3A_27 : memref<128x128xf32, #tpu.memory_space<vmem_shared>>) target_semaphore(%run_scoped3A : memref<!tpu.dma_semaphore, #tpu.memory_space<semaphore_mem>>)
      %dma_wait3A = arith.constant 0 : i32
      %dma_wait3A_28 = tpu.memref_slice %arg11[%add3A_9, %dma_wait3A] : memref<10112x128xf32, #tpu.memory_space<vmem_shared>> -> memref<128x128xf32, #tpu.memory_space<vmem_shared>>
      %dma_wait3A_29 = arith.constant 0 : i32
      %dma_wait3A_30 = tpu.memref_slice %arg11[%add3A_9, %dma_wait3A_29] : memref<10112x128xf32, #tpu.memory_space<vmem_shared>> -> memref<128x128xf32, #tpu.memory_space<vmem_shared>>
      tpu.wait_dma2 semaphore(%run_scoped3A : memref<!tpu.dma_semaphore, #tpu.memory_space<semaphore_mem>>) src(%arg10 : memref<128x128xf32, #tpu.memory_space<vmem>>) dst(%dma_wait3A_30 : memref<128x128xf32, #tpu.memory_space<vmem_shared>>)
      tpu.yield
    }) : () -> ()
    %add3A_10 = arith.constant 128 : i32
    %add3A_11 = arith.addi %mul3A_7, %add3A_10 : i32
    "tpu.region"() ({
      %run_scoped3A = tpu.sem_alloc : memref<!tpu.dma_semaphore, #tpu.memory_space<semaphore_mem>>
      %dma_start3A = arith.constant 0 : i32
      %dma_start3A_25 = tpu.memref_slice %arg11[%add3A_11, %dma_start3A] : memref<10112x128xf32, #tpu.memory_space<vmem_shared>> -> memref<128x128xf32, #tpu.memory_space<vmem_shared>>
      %dma_start3A_26 = arith.constant 0 : i32
      %dma_start3A_27 = tpu.memref_slice %arg11[%add3A_11, %dma_start3A_26] : memref<10112x128xf32, #tpu.memory_space<vmem_shared>> -> memref<128x128xf32, #tpu.memory_space<vmem_shared>>
      tpu.enqueue_dma source(%arg10 : memref<128x128xf32, #tpu.memory_space<vmem>>) target(%dma_start3A_27 : memref<128x128xf32, #tpu.memory_space<vmem_shared>>) target_semaphore(%run_scoped3A : memref<!tpu.dma_semaphore, #tpu.memory_space<semaphore_mem>>)
      %dma_wait3A = arith.constant 0 : i32
      %dma_wait3A_28 = tpu.memref_slice %arg11[%add3A_11, %dma_wait3A] : memref<10112x128xf32, #tpu.memory_space<vmem_shared>> -> memref<128x128xf32, #tpu.memory_space<vmem_shared>>
      %dma_wait3A_29 = arith.constant 0 : i32
      %dma_wait3A_30 = tpu.memref_slice %arg11[%add3A_11, %dma_wait3A_29] : memref<10112x128xf32, #tpu.memory_space<vmem_shared>> -> memref<128x128xf32, #tpu.memory_space<vmem_shared>>
      tpu.wait_dma2 semaphore(%run_scoped3A : memref<!tpu.dma_semaphore, #tpu.memory_space<semaphore_mem>>) src(%arg10 : memref<128x128xf32, #tpu.memory_space<vmem>>) dst(%dma_wait3A_30 : memref<128x128xf32, #tpu.memory_space<vmem_shared>>)
      tpu.yield
    }) : () -> ()
    %add3A_12 = arith.constant 256 : i32
    %add3A_13 = arith.addi %mul3A_7, %add3A_12 : i32
    "tpu.region"() ({
      %run_scoped3A = tpu.sem_alloc : memref<!tpu.dma_semaphore, #tpu.memory_space<semaphore_mem>>
      %dma_start3A = arith.constant 0 : i32
      %dma_start3A_25 = tpu.memref_slice %arg11[%add3A_13, %dma_start3A] : memref<10112x128xf32, #tpu.memory_space<vmem_shared>> -> memref<128x128xf32, #tpu.memory_space<vmem_shared>>
      %dma_start3A_26 = arith.constant 0 : i32
      %dma_start3A_27 = tpu.memref_slice %arg11[%add3A_13, %dma_start3A_26] : memref<10112x128xf32, #tpu.memory_space<vmem_shared>> -> memref<128x128xf32, #tpu.memory_space<vmem_shared>>
      tpu.enqueue_dma source(%arg10 : memref<128x128xf32, #tpu.memory_space<vmem>>) target(%dma_start3A_27 : memref<128x128xf32, #tpu.memory_space<vmem_shared>>) target_semaphore(%run_scoped3A : memref<!tpu.dma_semaphore, #tpu.memory_space<semaphore_mem>>)
      %dma_wait3A = arith.constant 0 : i32
      %dma_wait3A_28 = tpu.memref_slice %arg11[%add3A_13, %dma_wait3A] : memref<10112x128xf32, #tpu.memory_space<vmem_shared>> -> memref<128x128xf32, #tpu.memory_space<vmem_shared>>
      %dma_wait3A_29 = arith.constant 0 : i32
      %dma_wait3A_30 = tpu.memref_slice %arg11[%add3A_13, %dma_wait3A_29] : memref<10112x128xf32, #tpu.memory_space<vmem_shared>> -> memref<128x128xf32, #tpu.memory_space<vmem_shared>>
      tpu.wait_dma2 semaphore(%run_scoped3A : memref<!tpu.dma_semaphore, #tpu.memory_space<semaphore_mem>>) src(%arg10 : memref<128x128xf32, #tpu.memory_space<vmem>>) dst(%dma_wait3A_30 : memref<128x128xf32, #tpu.memory_space<vmem_shared>>)
      tpu.yield
    }) : () -> ()
    %add3A_14 = arith.constant 384 : i32
    %add3A_15 = arith.addi %mul3A_7, %add3A_14 : i32
    "tpu.region"() ({
      %run_scoped3A = tpu.sem_alloc : memref<!tpu.dma_semaphore, #tpu.memory_space<semaphore_mem>>
      %dma_start3A = arith.constant 0 : i32
      %dma_start3A_25 = tpu.memref_slice %arg11[%add3A_15, %dma_start3A] : memref<10112x128xf32, #tpu.memory_space<vmem_shared>> -> memref<128x128xf32, #tpu.memory_space<vmem_shared>>
      %dma_start3A_26 = arith.constant 0 : i32
      %dma_start3A_27 = tpu.memref_slice %arg11[%add3A_15, %dma_start3A_26] : memref<10112x128xf32, #tpu.memory_space<vmem_shared>> -> memref<128x128xf32, #tpu.memory_space<vmem_shared>>
      tpu.enqueue_dma source(%arg10 : memref<128x128xf32, #tpu.memory_space<vmem>>) target(%dma_start3A_27 : memref<128x128xf32, #tpu.memory_space<vmem_shared>>) target_semaphore(%run_scoped3A : memref<!tpu.dma_semaphore, #tpu.memory_space<semaphore_mem>>)
      %dma_wait3A = arith.constant 0 : i32
      %dma_wait3A_28 = tpu.memref_slice %arg11[%add3A_15, %dma_wait3A] : memref<10112x128xf32, #tpu.memory_space<vmem_shared>> -> memref<128x128xf32, #tpu.memory_space<vmem_shared>>
      %dma_wait3A_29 = arith.constant 0 : i32
      %dma_wait3A_30 = tpu.memref_slice %arg11[%add3A_15, %dma_wait3A_29] : memref<10112x128xf32, #tpu.memory_space<vmem_shared>> -> memref<128x128xf32, #tpu.memory_space<vmem_shared>>
      tpu.wait_dma2 semaphore(%run_scoped3A : memref<!tpu.dma_semaphore, #tpu.memory_space<semaphore_mem>>) src(%arg10 : memref<128x128xf32, #tpu.memory_space<vmem>>) dst(%dma_wait3A_30 : memref<128x128xf32, #tpu.memory_space<vmem_shared>>)
      tpu.yield
    }) : () -> ()
    %add3A_16 = arith.constant 512 : i32
    %add3A_17 = arith.addi %mul3A_7, %add3A_16 : i32
    "tpu.region"() ({
      %run_scoped3A = tpu.sem_alloc : memref<!tpu.dma_semaphore, #tpu.memory_space<semaphore_mem>>
      %dma_start3A = arith.constant 0 : i32
      %dma_start3A_25 = arith.constant 0 : i32
      %dma_start3A_26 = tpu.memref_slice %arg10[%dma_start3A, %dma_start3A_25] : memref<128x128xf32, #tpu.memory_space<vmem>> -> memref<120x128xf32, #tpu.memory_space<vmem>>
      %dma_start3A_27 = arith.constant 0 : i32
      %dma_start3A_28 = tpu.memref_slice %arg11[%add3A_17, %dma_start3A_27] : memref<10112x128xf32, #tpu.memory_space<vmem_shared>> -> memref<120x128xf32, #tpu.memory_space<vmem_shared>>
      %dma_start3A_29 = arith.constant 0 : i32
      %dma_start3A_30 = tpu.memref_slice %arg11[%add3A_17, %dma_start3A_29] : memref<10112x128xf32, #tpu.memory_space<vmem_shared>> -> memref<120x128xf32, #tpu.memory_space<vmem_shared>>
      %dma_start3A_31 = arith.constant 0 : i32
      %dma_start3A_32 = arith.constant 0 : i32
      %dma_start3A_33 = tpu.memref_slice %arg10[%dma_start3A_31, %dma_start3A_32] : memref<128x128xf32, #tpu.memory_space<vmem>> -> memref<120x128xf32, #tpu.memory_space<vmem>>
      tpu.enqueue_dma source(%dma_start3A_33 : memref<120x128xf32, #tpu.memory_space<vmem>>) target(%dma_start3A_30 : memref<120x128xf32, #tpu.memory_space<vmem_shared>>) target_semaphore(%run_scoped3A : memref<!tpu.dma_semaphore, #tpu.memory_space<semaphore_mem>>)
      %dma_wait3A = arith.constant 0 : i32
      %dma_wait3A_34 = arith.constant 0 : i32
      %dma_wait3A_35 = tpu.memref_slice %arg10[%dma_wait3A, %dma_wait3A_34] : memref<128x128xf32, #tpu.memory_space<vmem>> -> memref<120x128xf32, #tpu.memory_space<vmem>>
      %dma_wait3A_36 = arith.constant 0 : i32
      %dma_wait3A_37 = tpu.memref_slice %arg11[%add3A_17, %dma_wait3A_36] : memref<10112x128xf32, #tpu.memory_space<vmem_shared>> -> memref<120x128xf32, #tpu.memory_space<vmem_shared>>
      %dma_wait3A_38 = arith.constant 0 : i32
      %dma_wait3A_39 = tpu.memref_slice %arg11[%add3A_17, %dma_wait3A_38] : memref<10112x128xf32, #tpu.memory_space<vmem_shared>> -> memref<120x128xf32, #tpu.memory_space<vmem_shared>>
      %dma_wait3A_40 = arith.constant 0 : i32
      %dma_wait3A_41 = arith.constant 0 : i32
      %dma_wait3A_42 = tpu.memref_slice %arg10[%dma_wait3A_40, %dma_wait3A_41] : memref<128x128xf32, #tpu.memory_space<vmem>> -> memref<120x128xf32, #tpu.memory_space<vmem>>
      tpu.wait_dma2 semaphore(%run_scoped3A : memref<!tpu.dma_semaphore, #tpu.memory_space<semaphore_mem>>) src(%dma_wait3A_42 : memref<120x128xf32, #tpu.memory_space<vmem>>) dst(%dma_wait3A_39 : memref<120x128xf32, #tpu.memory_space<vmem_shared>>)
      tpu.yield
    }) : () -> ()
    %barrier3A = arith.constant 0 : index
    tpu.barrier barrier_id(%barrier3A)
    "tpu.region"() ({
      %run_scoped3A = tpu.sem_alloc : memref<!tpu.dma_semaphore, #tpu.memory_space<semaphore_mem>>
      %dma_start3A = arith.constant 0 : i32
      %dma_start3A_25 = arith.constant 0 : i32
      %dma_start3A_26 = tpu.memref_slice %arg3[%add3A, %dma_start3A, %dma_start3A_25] : memref<32x79x128xi32, #tpu.memory_space<hbm>> -> memref<1x79x128xi32, #tpu.memory_space<hbm>>
      %dma_start3A_27 = tpu.memref_squeeze %dma_start3A_26 : memref<1x79x128xi32, #tpu.memory_space<hbm>> -> memref<79x128xi32, #tpu.memory_space<hbm>>
      %dma_start3A_28 = arith.constant 0 : i32
      %dma_start3A_29 = arith.constant 0 : i32
      %dma_start3A_30 = tpu.memref_slice %arg3[%add3A, %dma_start3A_28, %dma_start3A_29] : memref<32x79x128xi32, #tpu.memory_space<hbm>> -> memref<1x79x128xi32, #tpu.memory_space<hbm>>
      %dma_start3A_31 = tpu.memref_squeeze %dma_start3A_30 : memref<1x79x128xi32, #tpu.memory_space<hbm>> -> memref<79x128xi32, #tpu.memory_space<hbm>>
      tpu.enqueue_dma source(%dma_start3A_31 : memref<79x128xi32, #tpu.memory_space<hbm>>) target(%arg7 : memref<79x128xi32, #tpu.memory_space<vmem>>) target_semaphore(%run_scoped3A : memref<!tpu.dma_semaphore, #tpu.memory_space<semaphore_mem>>)
      %dma_wait3A = arith.constant 0 : i32
      %dma_wait3A_32 = arith.constant 0 : i32
      %dma_wait3A_33 = tpu.memref_slice %arg3[%add3A, %dma_wait3A, %dma_wait3A_32] : memref<32x79x128xi32, #tpu.memory_space<hbm>> -> memref<1x79x128xi32, #tpu.memory_space<hbm>>
      %dma_wait3A_34 = tpu.memref_squeeze %dma_wait3A_33 : memref<1x79x128xi32, #tpu.memory_space<hbm>> -> memref<79x128xi32, #tpu.memory_space<hbm>>
      %dma_wait3A_35 = arith.constant 0 : i32
      %dma_wait3A_36 = arith.constant 0 : i32
      %dma_wait3A_37 = tpu.memref_slice %arg3[%add3A, %dma_wait3A_35, %dma_wait3A_36] : memref<32x79x128xi32, #tpu.memory_space<hbm>> -> memref<1x79x128xi32, #tpu.memory_space<hbm>>
      %dma_wait3A_38 = tpu.memref_squeeze %dma_wait3A_37 : memref<1x79x128xi32, #tpu.memory_space<hbm>> -> memref<79x128xi32, #tpu.memory_space<hbm>>
      tpu.wait_dma2 semaphore(%run_scoped3A : memref<!tpu.dma_semaphore, #tpu.memory_space<semaphore_mem>>) src(%dma_wait3A_38 : memref<79x128xi32, #tpu.memory_space<hbm>>) dst(%arg7 : memref<79x128xi32, #tpu.memory_space<vmem>>)
      tpu.yield
    }) : () -> ()
    "tpu.region"() ({
      %run_scoped3A = tpu.sem_alloc : memref<!tpu.dma_semaphore, #tpu.memory_space<semaphore_mem>>
      %dma_start3A = arith.constant 0 : i32
      %dma_start3A_25 = arith.constant 0 : i32
      %dma_start3A_26 = tpu.memref_slice %arg4[%add3A, %dma_start3A, %dma_start3A_25] : memref<32x79x128xi32, #tpu.memory_space<hbm>> -> memref<1x79x128xi32, #tpu.memory_space<hbm>>
      %dma_start3A_27 = tpu.memref_squeeze %dma_start3A_26 : memref<1x79x128xi32, #tpu.memory_space<hbm>> -> memref<79x128xi32, #tpu.memory_space<hbm>>
      %dma_start3A_28 = arith.constant 0 : i32
      %dma_start3A_29 = arith.constant 0 : i32
      %dma_start3A_30 = tpu.memref_slice %arg4[%add3A, %dma_start3A_28, %dma_start3A_29] : memref<32x79x128xi32, #tpu.memory_space<hbm>> -> memref<1x79x128xi32, #tpu.memory_space<hbm>>
      %dma_start3A_31 = tpu.memref_squeeze %dma_start3A_30 : memref<1x79x128xi32, #tpu.memory_space<hbm>> -> memref<79x128xi32, #tpu.memory_space<hbm>>
      tpu.enqueue_dma source(%dma_start3A_31 : memref<79x128xi32, #tpu.memory_space<hbm>>) target(%arg8 : memref<79x128xi32, #tpu.memory_space<vmem>>) target_semaphore(%run_scoped3A : memref<!tpu.dma_semaphore, #tpu.memory_space<semaphore_mem>>)
      %dma_wait3A = arith.constant 0 : i32
      %dma_wait3A_32 = arith.constant 0 : i32
      %dma_wait3A_33 = tpu.memref_slice %arg4[%add3A, %dma_wait3A, %dma_wait3A_32] : memref<32x79x128xi32, #tpu.memory_space<hbm>> -> memref<1x79x128xi32, #tpu.memory_space<hbm>>
      %dma_wait3A_34 = tpu.memref_squeeze %dma_wait3A_33 : memref<1x79x128xi32, #tpu.memory_space<hbm>> -> memref<79x128xi32, #tpu.memory_space<hbm>>
      %dma_wait3A_35 = arith.constant 0 : i32
      %dma_wait3A_36 = arith.constant 0 : i32
      %dma_wait3A_37 = tpu.memref_slice %arg4[%add3A, %dma_wait3A_35, %dma_wait3A_36] : memref<32x79x128xi32, #tpu.memory_space<hbm>> -> memref<1x79x128xi32, #tpu.memory_space<hbm>>
      %dma_wait3A_38 = tpu.memref_squeeze %dma_wait3A_37 : memref<1x79x128xi32, #tpu.memory_space<hbm>> -> memref<79x128xi32, #tpu.memory_space<hbm>>
      tpu.wait_dma2 semaphore(%run_scoped3A : memref<!tpu.dma_semaphore, #tpu.memory_space<semaphore_mem>>) src(%dma_wait3A_38 : memref<79x128xi32, #tpu.memory_space<hbm>>) dst(%arg8 : memref<79x128xi32, #tpu.memory_space<vmem>>)
      tpu.yield
    }) : () -> ()
    "tpu.region"() ({
      %run_scoped3A = tpu.sem_alloc : memref<!tpu.dma_semaphore, #tpu.memory_space<semaphore_mem>>
      %dma_start3A = arith.constant 0 : i32
      %dma_start3A_25 = arith.constant 0 : i32
      %dma_start3A_26 = tpu.memref_slice %arg5[%add3A, %dma_start3A, %dma_start3A_25] : memref<32x79x128xf32, #tpu.memory_space<hbm>> -> memref<1x79x128xf32, #tpu.memory_space<hbm>>
      %dma_start3A_27 = tpu.memref_squeeze %dma_start3A_26 : memref<1x79x128xf32, #tpu.memory_space<hbm>> -> memref<79x128xf32, #tpu.memory_space<hbm>>
      %dma_start3A_28 = arith.constant 0 : i32
      %dma_start3A_29 = arith.constant 0 : i32
      %dma_start3A_30 = tpu.memref_slice %arg5[%add3A, %dma_start3A_28, %dma_start3A_29] : memref<32x79x128xf32, #tpu.memory_space<hbm>> -> memref<1x79x128xf32, #tpu.memory_space<hbm>>
      %dma_start3A_31 = tpu.memref_squeeze %dma_start3A_30 : memref<1x79x128xf32, #tpu.memory_space<hbm>> -> memref<79x128xf32, #tpu.memory_space<hbm>>
      tpu.enqueue_dma source(%dma_start3A_31 : memref<79x128xf32, #tpu.memory_space<hbm>>) target(%arg9 : memref<79x128xf32, #tpu.memory_space<vmem>>) target_semaphore(%run_scoped3A : memref<!tpu.dma_semaphore, #tpu.memory_space<semaphore_mem>>)
      %dma_wait3A = arith.constant 0 : i32
      %dma_wait3A_32 = arith.constant 0 : i32
      %dma_wait3A_33 = tpu.memref_slice %arg5[%add3A, %dma_wait3A, %dma_wait3A_32] : memref<32x79x128xf32, #tpu.memory_space<hbm>> -> memref<1x79x128xf32, #tpu.memory_space<hbm>>
      %dma_wait3A_34 = tpu.memref_squeeze %dma_wait3A_33 : memref<1x79x128xf32, #tpu.memory_space<hbm>> -> memref<79x128xf32, #tpu.memory_space<hbm>>
      %dma_wait3A_35 = arith.constant 0 : i32
      %dma_wait3A_36 = arith.constant 0 : i32
      %dma_wait3A_37 = tpu.memref_slice %arg5[%add3A, %dma_wait3A_35, %dma_wait3A_36] : memref<32x79x128xf32, #tpu.memory_space<hbm>> -> memref<1x79x128xf32, #tpu.memory_space<hbm>>
      %dma_wait3A_38 = tpu.memref_squeeze %dma_wait3A_37 : memref<1x79x128xf32, #tpu.memory_space<hbm>> -> memref<79x128xf32, #tpu.memory_space<hbm>>
      tpu.wait_dma2 semaphore(%run_scoped3A : memref<!tpu.dma_semaphore, #tpu.memory_space<semaphore_mem>>) src(%dma_wait3A_38 : memref<79x128xf32, #tpu.memory_space<hbm>>) dst(%arg9 : memref<79x128xf32, #tpu.memory_space<vmem>>)
      tpu.yield
    }) : () -> ()
    %scan3A_18 = arith.constant 0 : i32
    %scan3A_19 = arith.constant 0 : i32
    %scan3A_20 = arith.constant 79 : i32
    %scan3A_21 = arith.addi %scan3A_19, %scan3A_20 : i32
    %scan3A_22 = arith.constant 1 : i32
    scf.for %scan3A_25 = %scan3A_19 to %scan3A_21 step %scan3A_22  : i32 {
      %dma_start3A = arith.constant 0 : i32
      %dma_start3A_26 = tpu.memref_slice %arg7[%scan3A_25, %dma_start3A] : memref<79x128xi32, #tpu.memory_space<vmem>> -> memref<1x128xi32, #tpu.memory_space<vmem>>
      %dma_start3A_27 = tpu.memref_squeeze %dma_start3A_26 : memref<1x128xi32, #tpu.memory_space<vmem>> -> memref<128xi32, #tpu.memory_space<vmem>>
      %dma_start3A_28 = arith.constant 0 : i32
      %dma_start3A_29 = arith.constant 0 : i32
      %dma_start3A_30 = tpu.memref_slice %arg2[%dma_start3A_28, %dma_start3A_29] : memref<90000x128xf32, #tpu.memory_space<hbm>> -> memref<90000x128xf32, #tpu.memory_space<hbm>>
      tpu.enqueue_indirect_dma source(%dma_start3A_30 : memref<90000x128xf32, #tpu.memory_space<hbm>>) target(%arg10 : memref<128x128xf32, #tpu.memory_space<vmem>>) offsets(%dma_start3A_27 : memref<128xi32, #tpu.memory_space<vmem>>) semaphore(%arg12 : memref<!tpu.dma_semaphore, #tpu.memory_space<semaphore_mem>>)
      %dma_wait3A = arith.constant 0 : i32
      %dma_wait3A_31 = tpu.memref_slice %arg7[%scan3A_25, %dma_wait3A] : memref<79x128xi32, #tpu.memory_space<vmem>> -> memref<1x128xi32, #tpu.memory_space<vmem>>
      %dma_wait3A_32 = tpu.memref_squeeze %dma_wait3A_31 : memref<1x128xi32, #tpu.memory_space<vmem>> -> memref<128xi32, #tpu.memory_space<vmem>>
      %dma_wait3A_33 = arith.constant 0 : i32
      %dma_wait3A_34 = arith.constant 0 : i32
      %dma_wait3A_35 = tpu.memref_slice %arg2[%dma_wait3A_33, %dma_wait3A_34] : memref<90000x128xf32, #tpu.memory_space<hbm>> -> memref<90000x128xf32, #tpu.memory_space<hbm>>
      tpu.wait_indirect_dma semaphore(%arg12 : memref<!tpu.dma_semaphore, #tpu.memory_space<semaphore_mem>>) src(%dma_wait3A_35 : memref<90000x128xf32, #tpu.memory_space<hbm>>) dst(%arg10 : memref<128x128xf32, #tpu.memory_space<vmem>>)
      %get3A = arith.index_cast %scan3A_25 : i32 to index
      %get3A_36 = arith.constant 0 : index
      %get3A_37 = tpu.vector_load %arg9[%get3A, %get3A_36] {strides = array<i32>} : memref<79x128xf32, #tpu.memory_space<vmem>>, vector<1x16xf32>,
      %get3A_38 = vector.shape_cast %get3A_37 : vector<1x16xf32> to vector<16xf32>
      %scan3A_39 = arith.constant 0 : i32
      %scan3A_40 = arith.constant 0 : i32
      %scan3A_41 = arith.constant 16 : i32
      %scan3A_42 = arith.addi %scan3A_40, %scan3A_41 : i32
      %scan3A_43 = arith.constant 1 : i32
      scf.for %scan3A_115 = %scan3A_40 to %scan3A_42 step %scan3A_43  : i32 {
        %broadcast_in_dim3A = vector.broadcast %scan3A_115 : i32 to vector<16xi32>
        %lt3A = arith.constant 0 : i32
        %lt3A_116 = vector.broadcast %lt3A : i32 to vector<16xi32>
        %lt3A_117 = arith.cmpi slt, %broadcast_in_dim3A, %lt3A_116 : vector<16xi32>
        %add3A_118 = arith.constant 16 : i32
        %add3A_119 = vector.broadcast %add3A_118 : i32 to vector<16xi32>
        %add3A_120 = arith.addi %broadcast_in_dim3A, %add3A_119 : vector<16xi32>
        %select_n3A = arith.select %lt3A_117, %add3A_120, %broadcast_in_dim3A : vector<16xi1>, vector<16xi32>
        %broadcast_in_dim3A_121 = vector.shape_cast %select_n3A : vector<16xi32> to vector<16x1xi32>
        %gather3A = vector.shape_cast %broadcast_in_dim3A_121 : vector<16x1xi32> to vector<16xi32>
        %gather3A_122 = tpu.dynamic_gather %get3A_38[%gather3A] in [0] : vector<16xf32>, vector<16xi32> -> vector<16xf32>
        %add3A_123 = arith.constant 0 : i32
        %add3A_124 = arith.addi %add3A_123, %scan3A_115 : i32
        %get3A_125 = arith.index_cast %add3A_124 : i32 to index
        %get3A_126 = arith.constant 0 : index
        %get3A_127 = tpu.vector_load %arg10[%get3A_125, %get3A_126] {strides = array<i32>} : memref<128x128xf32, #tpu.memory_space<vmem>>, vector<1x16xf32>,
        %get3A_128 = vector.shape_cast %get3A_127 : vector<1x16xf32> to vector<16xf32>
        %mul3A_129 = arith.mulf %get3A_128, %gather3A_122 : vector<16xf32>
        %swap3A = arith.index_cast %add3A_124 : i32 to index
        %swap3A_130 = arith.constant 0 : index
        %swap3A_131 = tpu.vector_load %arg10[%swap3A, %swap3A_130] {strides = array<i32>} : memref<128x128xf32, #tpu.memory_space<vmem>>, vector<1x16xf32>,
        %swap3A_132 = vector.shape_cast %swap3A_131 : vector<1x16xf32> to vector<16xf32>
        %swap3A_133 = vector.shape_cast %mul3A_129 : vector<16xf32> to vector<1x16xf32>
        tpu.vector_store %arg10[%swap3A, %swap3A_130], %swap3A_133 {strides = array<i32>} : memref<128x128xf32, #tpu.memory_space<vmem>>, vector<1x16xf32>,
        %get3A_134 = arith.index_cast %add3A_124 : i32 to index
        %get3A_135 = arith.constant 16 : index
        %get3A_136 = tpu.vector_load %arg10[%get3A_134, %get3A_135] {strides = array<i32>} : memref<128x128xf32, #tpu.memory_space<vmem>>, vector<1x16xf32>,
        %get3A_137 = vector.shape_cast %get3A_136 : vector<1x16xf32> to vector<16xf32>
        %mul3A_138 = arith.mulf %get3A_137, %gather3A_122 : vector<16xf32>
        %swap3A_139 = arith.index_cast %add3A_124 : i32 to index
        %swap3A_140 = arith.constant 16 : index
        %swap3A_141 = tpu.vector_load %arg10[%swap3A_139, %swap3A_140] {strides = array<i32>} : memref<128x128xf32, #tpu.memory_space<vmem>>, vector<1x16xf32>,
        %swap3A_142 = vector.shape_cast %swap3A_141 : vector<1x16xf32> to vector<16xf32>
        %swap3A_143 = vector.shape_cast %mul3A_138 : vector<16xf32> to vector<1x16xf32>
        tpu.vector_store %arg10[%swap3A_139, %swap3A_140], %swap3A_143 {strides = array<i32>} : memref<128x128xf32, #tpu.memory_space<vmem>>, vector<1x16xf32>,
        %get3A_144 = arith.index_cast %add3A_124 : i32 to index
        %get3A_145 = arith.constant 32 : index
        %get3A_146 = tpu.vector_load %arg10[%get3A_144, %get3A_145] {strides = array<i32>} : memref<128x128xf32, #tpu.memory_space<vmem>>, vector<1x16xf32>,
        %get3A_147 = vector.shape_cast %get3A_146 : vector<1x16xf32> to vector<16xf32>
        %mul3A_148 = arith.mulf %get3A_147, %gather3A_122 : vector<16xf32>
        %swap3A_149 = arith.index_cast %add3A_124 : i32 to index
        %swap3A_150 = arith.constant 32 : index
        %swap3A_151 = tpu.vector_load %arg10[%swap3A_149, %swap3A_150] {strides = array<i32>} : memref<128x128xf32, #tpu.memory_space<vmem>>, vector<1x16xf32>,
        %swap3A_152 = vector.shape_cast %swap3A_151 : vector<1x16xf32> to vector<16xf32>
        %swap3A_153 = vector.shape_cast %mul3A_148 : vector<16xf32> to vector<1x16xf32>
        tpu.vector_store %arg10[%swap3A_149, %swap3A_150], %swap3A_153 {strides = array<i32>} : memref<128x128xf32, #tpu.memory_space<vmem>>, vector<1x16xf32>,
        %get3A_154 = arith.index_cast %add3A_124 : i32 to index
        %get3A_155 = arith.constant 48 : index
        %get3A_156 = tpu.vector_load %arg10[%get3A_154, %get3A_155] {strides = array<i32>} : memref<128x128xf32, #tpu.memory_space<vmem>>, vector<1x16xf32>,
        %get3A_157 = vector.shape_cast %get3A_156 : vector<1x16xf32> to vector<16xf32>
        %mul3A_158 = arith.mulf %get3A_157, %gather3A_122 : vector<16xf32>
        %swap3A_159 = arith.index_cast %add3A_124 : i32 to index
        %swap3A_160 = arith.constant 48 : index
        %swap3A_161 = tpu.vector_load %arg10[%swap3A_159, %swap3A_160] {strides = array<i32>} : memref<128x128xf32, #tpu.memory_space<vmem>>, vector<1x16xf32>,
        %swap3A_162 = vector.shape_cast %swap3A_161 : vector<1x16xf32> to vector<16xf32>
        %swap3A_163 = vector.shape_cast %mul3A_158 : vector<16xf32> to vector<1x16xf32>
        tpu.vector_store %arg10[%swap3A_159, %swap3A_160], %swap3A_163 {strides = array<i32>} : memref<128x128xf32, #tpu.memory_space<vmem>>, vector<1x16xf32>,
        %get3A_164 = arith.index_cast %add3A_124 : i32 to index
        %get3A_165 = arith.constant 64 : index
        %get3A_166 = tpu.vector_load %arg10[%get3A_164, %get3A_165] {strides = array<i32>} : memref<128x128xf32, #tpu.memory_space<vmem>>, vector<1x16xf32>,
        %get3A_167 = vector.shape_cast %get3A_166 : vector<1x16xf32> to vector<16xf32>
        %mul3A_168 = arith.mulf %get3A_167, %gather3A_122 : vector<16xf32>
        %swap3A_169 = arith.index_cast %add3A_124 : i32 to index
        %swap3A_170 = arith.constant 64 : index
        %swap3A_171 = tpu.vector_load %arg10[%swap3A_169, %swap3A_170] {strides = array<i32>} : memref<128x128xf32, #tpu.memory_space<vmem>>, vector<1x16xf32>,
        %swap3A_172 = vector.shape_cast %swap3A_171 : vector<1x16xf32> to vector<16xf32>
        %swap3A_173 = vector.shape_cast %mul3A_168 : vector<16xf32> to vector<1x16xf32>
        tpu.vector_store %arg10[%swap3A_169, %swap3A_170], %swap3A_173 {strides = array<i32>} : memref<128x128xf32, #tpu.memory_space<vmem>>, vector<1x16xf32>,
        %get3A_174 = arith.index_cast %add3A_124 : i32 to index
        %get3A_175 = arith.constant 80 : index
        %get3A_176 = tpu.vector_load %arg10[%get3A_174, %get3A_175] {strides = array<i32>} : memref<128x128xf32, #tpu.memory_space<vmem>>, vector<1x16xf32>,
        %get3A_177 = vector.shape_cast %get3A_176 : vector<1x16xf32> to vector<16xf32>
        %mul3A_178 = arith.mulf %get3A_177, %gather3A_122 : vector<16xf32>
        %swap3A_179 = arith.index_cast %add3A_124 : i32 to index
        %swap3A_180 = arith.constant 80 : index
        %swap3A_181 = tpu.vector_load %arg10[%swap3A_179, %swap3A_180] {strides = array<i32>} : memref<128x128xf32, #tpu.memory_space<vmem>>, vector<1x16xf32>,
        %swap3A_182 = vector.shape_cast %swap3A_181 : vector<1x16xf32> to vector<16xf32>
        %swap3A_183 = vector.shape_cast %mul3A_178 : vector<16xf32> to vector<1x16xf32>
        tpu.vector_store %arg10[%swap3A_179, %swap3A_180], %swap3A_183 {strides = array<i32>} : memref<128x128xf32, #tpu.memory_space<vmem>>, vector<1x16xf32>,
        %get3A_184 = arith.index_cast %add3A_124 : i32 to index
        %get3A_185 = arith.constant 96 : index
        %get3A_186 = tpu.vector_load %arg10[%get3A_184, %get3A_185] {strides = array<i32>} : memref<128x128xf32, #tpu.memory_space<vmem>>, vector<1x16xf32>,
        %get3A_187 = vector.shape_cast %get3A_186 : vector<1x16xf32> to vector<16xf32>
        %mul3A_188 = arith.mulf %get3A_187, %gather3A_122 : vector<16xf32>
        %swap3A_189 = arith.index_cast %add3A_124 : i32 to index
        %swap3A_190 = arith.constant 96 : index
        %swap3A_191 = tpu.vector_load %arg10[%swap3A_189, %swap3A_190] {strides = array<i32>} : memref<128x128xf32, #tpu.memory_space<vmem>>, vector<1x16xf32>,
        %swap3A_192 = vector.shape_cast %swap3A_191 : vector<1x16xf32> to vector<16xf32>
        %swap3A_193 = vector.shape_cast %mul3A_188 : vector<16xf32> to vector<1x16xf32>
        tpu.vector_store %arg10[%swap3A_189, %swap3A_190], %swap3A_193 {strides = array<i32>} : memref<128x128xf32, #tpu.memory_space<vmem>>, vector<1x16xf32>,
        %get3A_194 = arith.index_cast %add3A_124 : i32 to index
        %get3A_195 = arith.constant 112 : index
        %get3A_196 = tpu.vector_load %arg10[%get3A_194, %get3A_195] {strides = array<i32>} : memref<128x128xf32, #tpu.memory_space<vmem>>, vector<1x16xf32>,
        %get3A_197 = vector.shape_cast %get3A_196 : vector<1x16xf32> to vector<16xf32>
        %mul3A_198 = arith.mulf %get3A_197, %gather3A_122 : vector<16xf32>
        %swap3A_199 = arith.index_cast %add3A_124 : i32 to index
        %swap3A_200 = arith.constant 112 : index
        %swap3A_201 = tpu.vector_load %arg10[%swap3A_199, %swap3A_200] {strides = array<i32>} : memref<128x128xf32, #tpu.memory_space<vmem>>, vector<1x16xf32>,
        %swap3A_202 = vector.shape_cast %swap3A_201 : vector<1x16xf32> to vector<16xf32>
        %swap3A_203 = vector.shape_cast %mul3A_198 : vector<16xf32> to vector<1x16xf32>
        tpu.vector_store %arg10[%swap3A_199, %swap3A_200], %swap3A_203 {strides = array<i32>} : memref<128x128xf32, #tpu.memory_space<vmem>>, vector<1x16xf32>,
      }
      %scan3A_44 = arith.constant 16 : i32
      %get3A_45 = arith.index_cast %scan3A_25 : i32 to index
      %get3A_46 = arith.constant 16 : index
      %get3A_47 = tpu.vector_load %arg9[%get3A_45, %get3A_46] {strides = array<i32>} : memref<79x128xf32, #tpu.memory_space<vmem>>, vector<1x16xf32>,
      %get3A_48 = vector.shape_cast %get3A_47 : vector<1x16xf32> to vector<16xf32>
      %scan3A_49 = arith.constant 0 : i32
      %scan3A_50 = arith.constant 0 : i32
      %scan3A_51 = arith.constant 16 : i32
      %scan3A_52 = arith.addi %scan3A_50, %scan3A_51 : i32
      %scan3A_53 = arith.constant 1 : i32
      scf.for %scan3A_115 = %scan3A_50 to %scan3A_52 step %scan3A_53  : i32 {
        %broadcast_in_dim3A = vector.broadcast %scan3A_115 : i32 to vector<16xi32>
        %lt3A = arith.constant 0 : i32
        %lt3A_116 = vector.broadcast %lt3A : i32 to vector<16xi32>
        %lt3A_117 = arith.cmpi slt, %broadcast_in_dim3A, %lt3A_116 : vector<16xi32>
        %add3A_118 = arith.constant 16 : i32
        %add3A_119 = vector.broadcast %add3A_118 : i32 to vector<16xi32>
        %add3A_120 = arith.addi %broadcast_in_dim3A, %add3A_119 : vector<16xi32>
        %select_n3A = arith.select %lt3A_117, %add3A_120, %broadcast_in_dim3A : vector<16xi1>, vector<16xi32>
        %broadcast_in_dim3A_121 = vector.shape_cast %select_n3A : vector<16xi32> to vector<16x1xi32>
        %gather3A = vector.shape_cast %broadcast_in_dim3A_121 : vector<16x1xi32> to vector<16xi32>
        %gather3A_122 = tpu.dynamic_gather %get3A_48[%gather3A] in [0] : vector<16xf32>, vector<16xi32> -> vector<16xf32>
        %add3A_123 = arith.constant 16 : i32
        %add3A_124 = arith.addi %add3A_123, %scan3A_115 : i32
        %get3A_125 = arith.index_cast %add3A_124 : i32 to index
        %get3A_126 = arith.constant 0 : index
        %get3A_127 = tpu.vector_load %arg10[%get3A_125, %get3A_126] {strides = array<i32>} : memref<128x128xf32, #tpu.memory_space<vmem>>, vector<1x16xf32>,
        %get3A_128 = vector.shape_cast %get3A_127 : vector<1x16xf32> to vector<16xf32>
        %mul3A_129 = arith.mulf %get3A_128, %gather3A_122 : vector<16xf32>
        %swap3A = arith.index_cast %add3A_124 : i32 to index
        %swap3A_130 = arith.constant 0 : index
        %swap3A_131 = tpu.vector_load %arg10[%swap3A, %swap3A_130] {strides = array<i32>} : memref<128x128xf32, #tpu.memory_space<vmem>>, vector<1x16xf32>,
        %swap3A_132 = vector.shape_cast %swap3A_131 : vector<1x16xf32> to vector<16xf32>
        %swap3A_133 = vector.shape_cast %mul3A_129 : vector<16xf32> to vector<1x16xf32>
        tpu.vector_store %arg10[%swap3A, %swap3A_130], %swap3A_133 {strides = array<i32>} : memref<128x128xf32, #tpu.memory_space<vmem>>, vector<1x16xf32>,
        %get3A_134 = arith.index_cast %add3A_124 : i32 to index
        %get3A_135 = arith.constant 16 : index
        %get3A_136 = tpu.vector_load %arg10[%get3A_134, %get3A_135] {strides = array<i32>} : memref<128x128xf32, #tpu.memory_space<vmem>>, vector<1x16xf32>,
        %get3A_137 = vector.shape_cast %get3A_136 : vector<1x16xf32> to vector<16xf32>
        %mul3A_138 = arith.mulf %get3A_137, %gather3A_122 : vector<16xf32>
        %swap3A_139 = arith.index_cast %add3A_124 : i32 to index
        %swap3A_140 = arith.constant 16 : index
        %swap3A_141 = tpu.vector_load %arg10[%swap3A_139, %swap3A_140] {strides = array<i32>} : memref<128x128xf32, #tpu.memory_space<vmem>>, vector<1x16xf32>,
        %swap3A_142 = vector.shape_cast %swap3A_141 : vector<1x16xf32> to vector<16xf32>
        %swap3A_143 = vector.shape_cast %mul3A_138 : vector<16xf32> to vector<1x16xf32>
        tpu.vector_store %arg10[%swap3A_139, %swap3A_140], %swap3A_143 {strides = array<i32>} : memref<128x128xf32, #tpu.memory_space<vmem>>, vector<1x16xf32>,
        %get3A_144 = arith.index_cast %add3A_124 : i32 to index
        %get3A_145 = arith.constant 32 : index
        %get3A_146 = tpu.vector_load %arg10[%get3A_144, %get3A_145] {strides = array<i32>} : memref<128x128xf32, #tpu.memory_space<vmem>>, vector<1x16xf32>,
        %get3A_147 = vector.shape_cast %get3A_146 : vector<1x16xf32> to vector<16xf32>
        %mul3A_148 = arith.mulf %get3A_147, %gather3A_122 : vector<16xf32>
        %swap3A_149 = arith.index_cast %add3A_124 : i32 to index
        %swap3A_150 = arith.constant 32 : index
        %swap3A_151 = tpu.vector_load %arg10[%swap3A_149, %swap3A_150] {strides = array<i32>} : memref<128x128xf32, #tpu.memory_space<vmem>>, vector<1x16xf32>,
        %swap3A_152 = vector.shape_cast %swap3A_151 : vector<1x16xf32> to vector<16xf32>
        %swap3A_153 = vector.shape_cast %mul3A_148 : vector<16xf32> to vector<1x16xf32>
        tpu.vector_store %arg10[%swap3A_149, %swap3A_150], %swap3A_153 {strides = array<i32>} : memref<128x128xf32, #tpu.memory_space<vmem>>, vector<1x16xf32>,
        %get3A_154 = arith.index_cast %add3A_124 : i32 to index
        %get3A_155 = arith.constant 48 : index
        %get3A_156 = tpu.vector_load %arg10[%get3A_154, %get3A_155] {strides = array<i32>} : memref<128x128xf32, #tpu.memory_space<vmem>>, vector<1x16xf32>,
        %get3A_157 = vector.shape_cast %get3A_156 : vector<1x16xf32> to vector<16xf32>
        %mul3A_158 = arith.mulf %get3A_157, %gather3A_122 : vector<16xf32>
        %swap3A_159 = arith.index_cast %add3A_124 : i32 to index
        %swap3A_160 = arith.constant 48 : index
        %swap3A_161 = tpu.vector_load %arg10[%swap3A_159, %swap3A_160] {strides = array<i32>} : memref<128x128xf32, #tpu.memory_space<vmem>>, vector<1x16xf32>,
        %swap3A_162 = vector.shape_cast %swap3A_161 : vector<1x16xf32> to vector<16xf32>
        %swap3A_163 = vector.shape_cast %mul3A_158 : vector<16xf32> to vector<1x16xf32>
        tpu.vector_store %arg10[%swap3A_159, %swap3A_160], %swap3A_163 {strides = array<i32>} : memref<128x128xf32, #tpu.memory_space<vmem>>, vector<1x16xf32>,
        %get3A_164 = arith.index_cast %add3A_124 : i32 to index
        %get3A_165 = arith.constant 64 : index
        %get3A_166 = tpu.vector_load %arg10[%get3A_164, %get3A_165] {strides = array<i32>} : memref<128x128xf32, #tpu.memory_space<vmem>>, vector<1x16xf32>,
        %get3A_167 = vector.shape_cast %get3A_166 : vector<1x16xf32> to vector<16xf32>
        %mul3A_168 = arith.mulf %get3A_167, %gather3A_122 : vector<16xf32>
        %swap3A_169 = arith.index_cast %add3A_124 : i32 to index
        %swap3A_170 = arith.constant 64 : index
        %swap3A_171 = tpu.vector_load %arg10[%swap3A_169, %swap3A_170] {strides = array<i32>} : memref<128x128xf32, #tpu.memory_space<vmem>>, vector<1x16xf32>,
        %swap3A_172 = vector.shape_cast %swap3A_171 : vector<1x16xf32> to vector<16xf32>
        %swap3A_173 = vector.shape_cast %mul3A_168 : vector<16xf32> to vector<1x16xf32>
        tpu.vector_store %arg10[%swap3A_169, %swap3A_170], %swap3A_173 {strides = array<i32>} : memref<128x128xf32, #tpu.memory_space<vmem>>, vector<1x16xf32>,
        %get3A_174 = arith.index_cast %add3A_124 : i32 to index
        %get3A_175 = arith.constant 80 : index
        %get3A_176 = tpu.vector_load %arg10[%get3A_174, %get3A_175] {strides = array<i32>} : memref<128x128xf32, #tpu.memory_space<vmem>>, vector<1x16xf32>,
        %get3A_177 = vector.shape_cast %get3A_176 : vector<1x16xf32> to vector<16xf32>
        %mul3A_178 = arith.mulf %get3A_177, %gather3A_122 : vector<16xf32>
        %swap3A_179 = arith.index_cast %add3A_124 : i32 to index
        %swap3A_180 = arith.constant 80 : index
        %swap3A_181 = tpu.vector_load %arg10[%swap3A_179, %swap3A_180] {strides = array<i32>} : memref<128x128xf32, #tpu.memory_space<vmem>>, vector<1x16xf32>,
        %swap3A_182 = vector.shape_cast %swap3A_181 : vector<1x16xf32> to vector<16xf32>
        %swap3A_183 = vector.shape_cast %mul3A_178 : vector<16xf32> to vector<1x16xf32>
        tpu.vector_store %arg10[%swap3A_179, %swap3A_180], %swap3A_183 {strides = array<i32>} : memref<128x128xf32, #tpu.memory_space<vmem>>, vector<1x16xf32>,
        %get3A_184 = arith.index_cast %add3A_124 : i32 to index
        %get3A_185 = arith.constant 96 : index
        %get3A_186 = tpu.vector_load %arg10[%get3A_184, %get3A_185] {strides = array<i32>} : memref<128x128xf32, #tpu.memory_space<vmem>>, vector<1x16xf32>,
        %get3A_187 = vector.shape_cast %get3A_186 : vector<1x16xf32> to vector<16xf32>
        %mul3A_188 = arith.mulf %get3A_187, %gather3A_122 : vector<16xf32>
        %swap3A_189 = arith.index_cast %add3A_124 : i32 to index
        %swap3A_190 = arith.constant 96 : index
        %swap3A_191 = tpu.vector_load %arg10[%swap3A_189, %swap3A_190] {strides = array<i32>} : memref<128x128xf32, #tpu.memory_space<vmem>>, vector<1x16xf32>,
        %swap3A_192 = vector.shape_cast %swap3A_191 : vector<1x16xf32> to vector<16xf32>
        %swap3A_193 = vector.shape_cast %mul3A_188 : vector<16xf32> to vector<1x16xf32>
        tpu.vector_store %arg10[%swap3A_189, %swap3A_190], %swap3A_193 {strides = array<i32>} : memref<128x128xf32, #tpu.memory_space<vmem>>, vector<1x16xf32>,
        %get3A_194 = arith.index_cast %add3A_124 : i32 to index
        %get3A_195 = arith.constant 112 : index
        %get3A_196 = tpu.vector_load %arg10[%get3A_194, %get3A_195] {strides = array<i32>} : memref<128x128xf32, #tpu.memory_space<vmem>>, vector<1x16xf32>,
        %get3A_197 = vector.shape_cast %get3A_196 : vector<1x16xf32> to vector<16xf32>
        %mul3A_198 = arith.mulf %get3A_197, %gather3A_122 : vector<16xf32>
        %swap3A_199 = arith.index_cast %add3A_124 : i32 to index
        %swap3A_200 = arith.constant 112 : index
        %swap3A_201 = tpu.vector_load %arg10[%swap3A_199, %swap3A_200] {strides = array<i32>} : memref<128x128xf32, #tpu.memory_space<vmem>>, vector<1x16xf32>,
        %swap3A_202 = vector.shape_cast %swap3A_201 : vector<1x16xf32> to vector<16xf32>
        %swap3A_203 = vector.shape_cast %mul3A_198 : vector<16xf32> to vector<1x16xf32>
        tpu.vector_store %arg10[%swap3A_199, %swap3A_200], %swap3A_203 {strides = array<i32>} : memref<128x128xf32, #tpu.memory_space<vmem>>, vector<1x16xf32>,
      }
      %scan3A_54 = arith.constant 16 : i32
      %get3A_55 = arith.index_cast %scan3A_25 : i32 to index
      %get3A_56 = arith.constant 32 : index
      %get3A_57 = tpu.vector_load %arg9[%get3A_55, %get3A_56] {strides = array<i32>} : memref<79x128xf32, #tpu.memory_space<vmem>>, vector<1x16xf32>,
      %get3A_58 = vector.shape_cast %get3A_57 : vector<1x16xf32> to vector<16xf32>
      %scan3A_59 = arith.constant 0 : i32
      %scan3A_60 = arith.constant 0 : i32
      %scan3A_61 = arith.constant 16 : i32
      %scan3A_62 = arith.addi %scan3A_60, %scan3A_61 : i32
      %scan3A_63 = arith.constant 1 : i32
      scf.for %scan3A_115 = %scan3A_60 to %scan3A_62 step %scan3A_63  : i32 {
        %broadcast_in_dim3A = vector.broadcast %scan3A_115 : i32 to vector<16xi32>
        %lt3A = arith.constant 0 : i32
        %lt3A_116 = vector.broadcast %lt3A : i32 to vector<16xi32>
        %lt3A_117 = arith.cmpi slt, %broadcast_in_dim3A, %lt3A_116 : vector<16xi32>
        %add3A_118 = arith.constant 16 : i32
        %add3A_119 = vector.broadcast %add3A_118 : i32 to vector<16xi32>
        %add3A_120 = arith.addi %broadcast_in_dim3A, %add3A_119 : vector<16xi32>
        %select_n3A = arith.select %lt3A_117, %add3A_120, %broadcast_in_dim3A : vector<16xi1>, vector<16xi32>
        %broadcast_in_dim3A_121 = vector.shape_cast %select_n3A : vector<16xi32> to vector<16x1xi32>
        %gather3A = vector.shape_cast %broadcast_in_dim3A_121 : vector<16x1xi32> to vector<16xi32>
        %gather3A_122 = tpu.dynamic_gather %get3A_58[%gather3A] in [0] : vector<16xf32>, vector<16xi32> -> vector<16xf32>
        %add3A_123 = arith.constant 32 : i32
        %add3A_124 = arith.addi %add3A_123, %scan3A_115 : i32
        %get3A_125 = arith.index_cast %add3A_124 : i32 to index
        %get3A_126 = arith.constant 0 : index
        %get3A_127 = tpu.vector_load %arg10[%get3A_125, %get3A_126] {strides = array<i32>} : memref<128x128xf32, #tpu.memory_space<vmem>>, vector<1x16xf32>,
        %get3A_128 = vector.shape_cast %get3A_127 : vector<1x16xf32> to vector<16xf32>
        %mul3A_129 = arith.mulf %get3A_128, %gather3A_122 : vector<16xf32>
        %swap3A = arith.index_cast %add3A_124 : i32 to index
        %swap3A_130 = arith.constant 0 : index
        %swap3A_131 = tpu.vector_load %arg10[%swap3A, %swap3A_130] {strides = array<i32>} : memref<128x128xf32, #tpu.memory_space<vmem>>, vector<1x16xf32>,
        %swap3A_132 = vector.shape_cast %swap3A_131 : vector<1x16xf32> to vector<16xf32>
        %swap3A_133 = vector.shape_cast %mul3A_129 : vector<16xf32> to vector<1x16xf32>
        tpu.vector_store %arg10[%swap3A, %swap3A_130], %swap3A_133 {strides = array<i32>} : memref<128x128xf32, #tpu.memory_space<vmem>>, vector<1x16xf32>,
        %get3A_134 = arith.index_cast %add3A_124 : i32 to index
        %get3A_135 = arith.constant 16 : index
        %get3A_136 = tpu.vector_load %arg10[%get3A_134, %get3A_135] {strides = array<i32>} : memref<128x128xf32, #tpu.memory_space<vmem>>, vector<1x16xf32>,
        %get3A_137 = vector.shape_cast %get3A_136 : vector<1x16xf32> to vector<16xf32>
        %mul3A_138 = arith.mulf %get3A_137, %gather3A_122 : vector<16xf32>
        %swap3A_139 = arith.index_cast %add3A_124 : i32 to index
        %swap3A_140 = arith.constant 16 : index
        %swap3A_141 = tpu.vector_load %arg10[%swap3A_139, %swap3A_140] {strides = array<i32>} : memref<128x128xf32, #tpu.memory_space<vmem>>, vector<1x16xf32>,
        %swap3A_142 = vector.shape_cast %swap3A_141 : vector<1x16xf32> to vector<16xf32>
        %swap3A_143 = vector.shape_cast %mul3A_138 : vector<16xf32> to vector<1x16xf32>
        tpu.vector_store %arg10[%swap3A_139, %swap3A_140], %swap3A_143 {strides = array<i32>} : memref<128x128xf32, #tpu.memory_space<vmem>>, vector<1x16xf32>,
        %get3A_144 = arith.index_cast %add3A_124 : i32 to index
        %get3A_145 = arith.constant 32 : index
        %get3A_146 = tpu.vector_load %arg10[%get3A_144, %get3A_145] {strides = array<i32>} : memref<128x128xf32, #tpu.memory_space<vmem>>, vector<1x16xf32>,
        %get3A_147 = vector.shape_cast %get3A_146 : vector<1x16xf32> to vector<16xf32>
        %mul3A_148 = arith.mulf %get3A_147, %gather3A_122 : vector<16xf32>
        %swap3A_149 = arith.index_cast %add3A_124 : i32 to index
        %swap3A_150 = arith.constant 32 : index
        %swap3A_151 = tpu.vector_load %arg10[%swap3A_149, %swap3A_150] {strides = array<i32>} : memref<128x128xf32, #tpu.memory_space<vmem>>, vector<1x16xf32>,
        %swap3A_152 = vector.shape_cast %swap3A_151 : vector<1x16xf32> to vector<16xf32>
        %swap3A_153 = vector.shape_cast %mul3A_148 : vector<16xf32> to vector<1x16xf32>
        tpu.vector_store %arg10[%swap3A_149, %swap3A_150], %swap3A_153 {strides = array<i32>} : memref<128x128xf32, #tpu.memory_space<vmem>>, vector<1x16xf32>,
        %get3A_154 = arith.index_cast %add3A_124 : i32 to index
        %get3A_155 = arith.constant 48 : index
        %get3A_156 = tpu.vector_load %arg10[%get3A_154, %get3A_155] {strides = array<i32>} : memref<128x128xf32, #tpu.memory_space<vmem>>, vector<1x16xf32>,
        %get3A_157 = vector.shape_cast %get3A_156 : vector<1x16xf32> to vector<16xf32>
        %mul3A_158 = arith.mulf %get3A_157, %gather3A_122 : vector<16xf32>
        %swap3A_159 = arith.index_cast %add3A_124 : i32 to index
        %swap3A_160 = arith.constant 48 : index
        %swap3A_161 = tpu.vector_load %arg10[%swap3A_159, %swap3A_160] {strides = array<i32>} : memref<128x128xf32, #tpu.memory_space<vmem>>, vector<1x16xf32>,
        %swap3A_162 = vector.shape_cast %swap3A_161 : vector<1x16xf32> to vector<16xf32>
        %swap3A_163 = vector.shape_cast %mul3A_158 : vector<16xf32> to vector<1x16xf32>
        tpu.vector_store %arg10[%swap3A_159, %swap3A_160], %swap3A_163 {strides = array<i32>} : memref<128x128xf32, #tpu.memory_space<vmem>>, vector<1x16xf32>,
        %get3A_164 = arith.index_cast %add3A_124 : i32 to index
        %get3A_165 = arith.constant 64 : index
        %get3A_166 = tpu.vector_load %arg10[%get3A_164, %get3A_165] {strides = array<i32>} : memref<128x128xf32, #tpu.memory_space<vmem>>, vector<1x16xf32>,
        %get3A_167 = vector.shape_cast %get3A_166 : vector<1x16xf32> to vector<16xf32>
        %mul3A_168 = arith.mulf %get3A_167, %gather3A_122 : vector<16xf32>
        %swap3A_169 = arith.index_cast %add3A_124 : i32 to index
        %swap3A_170 = arith.constant 64 : index
        %swap3A_171 = tpu.vector_load %arg10[%swap3A_169, %swap3A_170] {strides = array<i32>} : memref<128x128xf32, #tpu.memory_space<vmem>>, vector<1x16xf32>,
        %swap3A_172 = vector.shape_cast %swap3A_171 : vector<1x16xf32> to vector<16xf32>
        %swap3A_173 = vector.shape_cast %mul3A_168 : vector<16xf32> to vector<1x16xf32>
        tpu.vector_store %arg10[%swap3A_169, %swap3A_170], %swap3A_173 {strides = array<i32>} : memref<128x128xf32, #tpu.memory_space<vmem>>, vector<1x16xf32>,
        %get3A_174 = arith.index_cast %add3A_124 : i32 to index
        %get3A_175 = arith.constant 80 : index
        %get3A_176 = tpu.vector_load %arg10[%get3A_174, %get3A_175] {strides = array<i32>} : memref<128x128xf32, #tpu.memory_space<vmem>>, vector<1x16xf32>,
        %get3A_177 = vector.shape_cast %get3A_176 : vector<1x16xf32> to vector<16xf32>
        %mul3A_178 = arith.mulf %get3A_177, %gather3A_122 : vector<16xf32>
        %swap3A_179 = arith.index_cast %add3A_124 : i32 to index
        %swap3A_180 = arith.constant 80 : index
        %swap3A_181 = tpu.vector_load %arg10[%swap3A_179, %swap3A_180] {strides = array<i32>} : memref<128x128xf32, #tpu.memory_space<vmem>>, vector<1x16xf32>,
        %swap3A_182 = vector.shape_cast %swap3A_181 : vector<1x16xf32> to vector<16xf32>
        %swap3A_183 = vector.shape_cast %mul3A_178 : vector<16xf32> to vector<1x16xf32>
        tpu.vector_store %arg10[%swap3A_179, %swap3A_180], %swap3A_183 {strides = array<i32>} : memref<128x128xf32, #tpu.memory_space<vmem>>, vector<1x16xf32>,
        %get3A_184 = arith.index_cast %add3A_124 : i32 to index
        %get3A_185 = arith.constant 96 : index
        %get3A_186 = tpu.vector_load %arg10[%get3A_184, %get3A_185] {strides = array<i32>} : memref<128x128xf32, #tpu.memory_space<vmem>>, vector<1x16xf32>,
        %get3A_187 = vector.shape_cast %get3A_186 : vector<1x16xf32> to vector<16xf32>
        %mul3A_188 = arith.mulf %get3A_187, %gather3A_122 : vector<16xf32>
        %swap3A_189 = arith.index_cast %add3A_124 : i32 to index
        %swap3A_190 = arith.constant 96 : index
        %swap3A_191 = tpu.vector_load %arg10[%swap3A_189, %swap3A_190] {strides = array<i32>} : memref<128x128xf32, #tpu.memory_space<vmem>>, vector<1x16xf32>,
        %swap3A_192 = vector.shape_cast %swap3A_191 : vector<1x16xf32> to vector<16xf32>
        %swap3A_193 = vector.shape_cast %mul3A_188 : vector<16xf32> to vector<1x16xf32>
        tpu.vector_store %arg10[%swap3A_189, %swap3A_190], %swap3A_193 {strides = array<i32>} : memref<128x128xf32, #tpu.memory_space<vmem>>, vector<1x16xf32>,
        %get3A_194 = arith.index_cast %add3A_124 : i32 to index
        %get3A_195 = arith.constant 112 : index
        %get3A_196 = tpu.vector_load %arg10[%get3A_194, %get3A_195] {strides = array<i32>} : memref<128x128xf32, #tpu.memory_space<vmem>>, vector<1x16xf32>,
        %get3A_197 = vector.shape_cast %get3A_196 : vector<1x16xf32> to vector<16xf32>
        %mul3A_198 = arith.mulf %get3A_197, %gather3A_122 : vector<16xf32>
        %swap3A_199 = arith.index_cast %add3A_124 : i32 to index
        %swap3A_200 = arith.constant 112 : index
        %swap3A_201 = tpu.vector_load %arg10[%swap3A_199, %swap3A_200] {strides = array<i32>} : memref<128x128xf32, #tpu.memory_space<vmem>>, vector<1x16xf32>,
        %swap3A_202 = vector.shape_cast %swap3A_201 : vector<1x16xf32> to vector<16xf32>
        %swap3A_203 = vector.shape_cast %mul3A_198 : vector<16xf32> to vector<1x16xf32>
        tpu.vector_store %arg10[%swap3A_199, %swap3A_200], %swap3A_203 {strides = array<i32>} : memref<128x128xf32, #tpu.memory_space<vmem>>, vector<1x16xf32>,
      }
      %scan3A_64 = arith.constant 16 : i32
      %get3A_65 = arith.index_cast %scan3A_25 : i32 to index
      %get3A_66 = arith.constant 48 : index
      %get3A_67 = tpu.vector_load %arg9[%get3A_65, %get3A_66] {strides = array<i32>} : memref<79x128xf32, #tpu.memory_space<vmem>>, vector<1x16xf32>,
      %get3A_68 = vector.shape_cast %get3A_67 : vector<1x16xf32> to vector<16xf32>
      %scan3A_69 = arith.constant 0 : i32
      %scan3A_70 = arith.constant 0 : i32
      %scan3A_71 = arith.constant 16 : i32
      %scan3A_72 = arith.addi %scan3A_70, %scan3A_71 : i32
      %scan3A_73 = arith.constant 1 : i32
      scf.for %scan3A_115 = %scan3A_70 to %scan3A_72 step %scan3A_73  : i32 {
        %broadcast_in_dim3A = vector.broadcast %scan3A_115 : i32 to vector<16xi32>
        %lt3A = arith.constant 0 : i32
        %lt3A_116 = vector.broadcast %lt3A : i32 to vector<16xi32>
        %lt3A_117 = arith.cmpi slt, %broadcast_in_dim3A, %lt3A_116 : vector<16xi32>
        %add3A_118 = arith.constant 16 : i32
        %add3A_119 = vector.broadcast %add3A_118 : i32 to vector<16xi32>
        %add3A_120 = arith.addi %broadcast_in_dim3A, %add3A_119 : vector<16xi32>
        %select_n3A = arith.select %lt3A_117, %add3A_120, %broadcast_in_dim3A : vector<16xi1>, vector<16xi32>
        %broadcast_in_dim3A_121 = vector.shape_cast %select_n3A : vector<16xi32> to vector<16x1xi32>
        %gather3A = vector.shape_cast %broadcast_in_dim3A_121 : vector<16x1xi32> to vector<16xi32>
        %gather3A_122 = tpu.dynamic_gather %get3A_68[%gather3A] in [0] : vector<16xf32>, vector<16xi32> -> vector<16xf32>
        %add3A_123 = arith.constant 48 : i32
        %add3A_124 = arith.addi %add3A_123, %scan3A_115 : i32
        %get3A_125 = arith.index_cast %add3A_124 : i32 to index
        %get3A_126 = arith.constant 0 : index
        %get3A_127 = tpu.vector_load %arg10[%get3A_125, %get3A_126] {strides = array<i32>} : memref<128x128xf32, #tpu.memory_space<vmem>>, vector<1x16xf32>,
        %get3A_128 = vector.shape_cast %get3A_127 : vector<1x16xf32> to vector<16xf32>
        %mul3A_129 = arith.mulf %get3A_128, %gather3A_122 : vector<16xf32>
        %swap3A = arith.index_cast %add3A_124 : i32 to index
        %swap3A_130 = arith.constant 0 : index
        %swap3A_131 = tpu.vector_load %arg10[%swap3A, %swap3A_130] {strides = array<i32>} : memref<128x128xf32, #tpu.memory_space<vmem>>, vector<1x16xf32>,
        %swap3A_132 = vector.shape_cast %swap3A_131 : vector<1x16xf32> to vector<16xf32>
        %swap3A_133 = vector.shape_cast %mul3A_129 : vector<16xf32> to vector<1x16xf32>
        tpu.vector_store %arg10[%swap3A, %swap3A_130], %swap3A_133 {strides = array<i32>} : memref<128x128xf32, #tpu.memory_space<vmem>>, vector<1x16xf32>,
        %get3A_134 = arith.index_cast %add3A_124 : i32 to index
        %get3A_135 = arith.constant 16 : index
        %get3A_136 = tpu.vector_load %arg10[%get3A_134, %get3A_135] {strides = array<i32>} : memref<128x128xf32, #tpu.memory_space<vmem>>, vector<1x16xf32>,
        %get3A_137 = vector.shape_cast %get3A_136 : vector<1x16xf32> to vector<16xf32>
        %mul3A_138 = arith.mulf %get3A_137, %gather3A_122 : vector<16xf32>
        %swap3A_139 = arith.index_cast %add3A_124 : i32 to index
        %swap3A_140 = arith.constant 16 : index
        %swap3A_141 = tpu.vector_load %arg10[%swap3A_139, %swap3A_140] {strides = array<i32>} : memref<128x128xf32, #tpu.memory_space<vmem>>, vector<1x16xf32>,
        %swap3A_142 = vector.shape_cast %swap3A_141 : vector<1x16xf32> to vector<16xf32>
        %swap3A_143 = vector.shape_cast %mul3A_138 : vector<16xf32> to vector<1x16xf32>
        tpu.vector_store %arg10[%swap3A_139, %swap3A_140], %swap3A_143 {strides = array<i32>} : memref<128x128xf32, #tpu.memory_space<vmem>>, vector<1x16xf32>,
        %get3A_144 = arith.index_cast %add3A_124 : i32 to index
        %get3A_145 = arith.constant 32 : index
        %get3A_146 = tpu.vector_load %arg10[%get3A_144, %get3A_145] {strides = array<i32>} : memref<128x128xf32, #tpu.memory_space<vmem>>, vector<1x16xf32>,
        %get3A_147 = vector.shape_cast %get3A_146 : vector<1x16xf32> to vector<16xf32>
        %mul3A_148 = arith.mulf %get3A_147, %gather3A_122 : vector<16xf32>
        %swap3A_149 = arith.index_cast %add3A_124 : i32 to index
        %swap3A_150 = arith.constant 32 : index
        %swap3A_151 = tpu.vector_load %arg10[%swap3A_149, %swap3A_150] {strides = array<i32>} : memref<128x128xf32, #tpu.memory_space<vmem>>, vector<1x16xf32>,
        %swap3A_152 = vector.shape_cast %swap3A_151 : vector<1x16xf32> to vector<16xf32>
        %swap3A_153 = vector.shape_cast %mul3A_148 : vector<16xf32> to vector<1x16xf32>
        tpu.vector_store %arg10[%swap3A_149, %swap3A_150], %swap3A_153 {strides = array<i32>} : memref<128x128xf32, #tpu.memory_space<vmem>>, vector<1x16xf32>,
        %get3A_154 = arith.index_cast %add3A_124 : i32 to index
        %get3A_155 = arith.constant 48 : index
        %get3A_156 = tpu.vector_load %arg10[%get3A_154, %get3A_155] {strides = array<i32>} : memref<128x128xf32, #tpu.memory_space<vmem>>, vector<1x16xf32>,
        %get3A_157 = vector.shape_cast %get3A_156 : vector<1x16xf32> to vector<16xf32>
        %mul3A_158 = arith.mulf %get3A_157, %gather3A_122 : vector<16xf32>
        %swap3A_159 = arith.index_cast %add3A_124 : i32 to index
        %swap3A_160 = arith.constant 48 : index
        %swap3A_161 = tpu.vector_load %arg10[%swap3A_159, %swap3A_160] {strides = array<i32>} : memref<128x128xf32, #tpu.memory_space<vmem>>, vector<1x16xf32>,
        %swap3A_162 = vector.shape_cast %swap3A_161 : vector<1x16xf32> to vector<16xf32>
        %swap3A_163 = vector.shape_cast %mul3A_158 : vector<16xf32> to vector<1x16xf32>
        tpu.vector_store %arg10[%swap3A_159, %swap3A_160], %swap3A_163 {strides = array<i32>} : memref<128x128xf32, #tpu.memory_space<vmem>>, vector<1x16xf32>,
        %get3A_164 = arith.index_cast %add3A_124 : i32 to index
        %get3A_165 = arith.constant 64 : index
        %get3A_166 = tpu.vector_load %arg10[%get3A_164, %get3A_165] {strides = array<i32>} : memref<128x128xf32, #tpu.memory_space<vmem>>, vector<1x16xf32>,
        %get3A_167 = vector.shape_cast %get3A_166 : vector<1x16xf32> to vector<16xf32>
        %mul3A_168 = arith.mulf %get3A_167, %gather3A_122 : vector<16xf32>
        %swap3A_169 = arith.index_cast %add3A_124 : i32 to index
        %swap3A_170 = arith.constant 64 : index
        %swap3A_171 = tpu.vector_load %arg10[%swap3A_169, %swap3A_170] {strides = array<i32>} : memref<128x128xf32, #tpu.memory_space<vmem>>, vector<1x16xf32>,
        %swap3A_172 = vector.shape_cast %swap3A_171 : vector<1x16xf32> to vector<16xf32>
        %swap3A_173 = vector.shape_cast %mul3A_168 : vector<16xf32> to vector<1x16xf32>
        tpu.vector_store %arg10[%swap3A_169, %swap3A_170], %swap3A_173 {strides = array<i32>} : memref<128x128xf32, #tpu.memory_space<vmem>>, vector<1x16xf32>,
        %get3A_174 = arith.index_cast %add3A_124 : i32 to index
        %get3A_175 = arith.constant 80 : index
        %get3A_176 = tpu.vector_load %arg10[%get3A_174, %get3A_175] {strides = array<i32>} : memref<128x128xf32, #tpu.memory_space<vmem>>, vector<1x16xf32>,
        %get3A_177 = vector.shape_cast %get3A_176 : vector<1x16xf32> to vector<16xf32>
        %mul3A_178 = arith.mulf %get3A_177, %gather3A_122 : vector<16xf32>
        %swap3A_179 = arith.index_cast %add3A_124 : i32 to index
        %swap3A_180 = arith.constant 80 : index
        %swap3A_181 = tpu.vector_load %arg10[%swap3A_179, %swap3A_180] {strides = array<i32>} : memref<128x128xf32, #tpu.memory_space<vmem>>, vector<1x16xf32>,
        %swap3A_182 = vector.shape_cast %swap3A_181 : vector<1x16xf32> to vector<16xf32>
        %swap3A_183 = vector.shape_cast %mul3A_178 : vector<16xf32> to vector<1x16xf32>
        tpu.vector_store %arg10[%swap3A_179, %swap3A_180], %swap3A_183 {strides = array<i32>} : memref<128x128xf32, #tpu.memory_space<vmem>>, vector<1x16xf32>,
        %get3A_184 = arith.index_cast %add3A_124 : i32 to index
        %get3A_185 = arith.constant 96 : index
        %get3A_186 = tpu.vector_load %arg10[%get3A_184, %get3A_185] {strides = array<i32>} : memref<128x128xf32, #tpu.memory_space<vmem>>, vector<1x16xf32>,
        %get3A_187 = vector.shape_cast %get3A_186 : vector<1x16xf32> to vector<16xf32>
        %mul3A_188 = arith.mulf %get3A_187, %gather3A_122 : vector<16xf32>
        %swap3A_189 = arith.index_cast %add3A_124 : i32 to index
        %swap3A_190 = arith.constant 96 : index
        %swap3A_191 = tpu.vector_load %arg10[%swap3A_189, %swap3A_190] {strides = array<i32>} : memref<128x128xf32, #tpu.memory_space<vmem>>, vector<1x16xf32>,
        %swap3A_192 = vector.shape_cast %swap3A_191 : vector<1x16xf32> to vector<16xf32>
        %swap3A_193 = vector.shape_cast %mul3A_188 : vector<16xf32> to vector<1x16xf32>
        tpu.vector_store %arg10[%swap3A_189, %swap3A_190], %swap3A_193 {strides = array<i32>} : memref<128x128xf32, #tpu.memory_space<vmem>>, vector<1x16xf32>,
        %get3A_194 = arith.index_cast %add3A_124 : i32 to index
        %get3A_195 = arith.constant 112 : index
        %get3A_196 = tpu.vector_load %arg10[%get3A_194, %get3A_195] {strides = array<i32>} : memref<128x128xf32, #tpu.memory_space<vmem>>, vector<1x16xf32>,
        %get3A_197 = vector.shape_cast %get3A_196 : vector<1x16xf32> to vector<16xf32>
        %mul3A_198 = arith.mulf %get3A_197, %gather3A_122 : vector<16xf32>
        %swap3A_199 = arith.index_cast %add3A_124 : i32 to index
        %swap3A_200 = arith.constant 112 : index
        %swap3A_201 = tpu.vector_load %arg10[%swap3A_199, %swap3A_200] {strides = array<i32>} : memref<128x128xf32, #tpu.memory_space<vmem>>, vector<1x16xf32>,
        %swap3A_202 = vector.shape_cast %swap3A_201 : vector<1x16xf32> to vector<16xf32>
        %swap3A_203 = vector.shape_cast %mul3A_198 : vector<16xf32> to vector<1x16xf32>
        tpu.vector_store %arg10[%swap3A_199, %swap3A_200], %swap3A_203 {strides = array<i32>} : memref<128x128xf32, #tpu.memory_space<vmem>>, vector<1x16xf32>,
      }
      %scan3A_74 = arith.constant 16 : i32
      %get3A_75 = arith.index_cast %scan3A_25 : i32 to index
      %get3A_76 = arith.constant 64 : index
      %get3A_77 = tpu.vector_load %arg9[%get3A_75, %get3A_76] {strides = array<i32>} : memref<79x128xf32, #tpu.memory_space<vmem>>, vector<1x16xf32>,
      %get3A_78 = vector.shape_cast %get3A_77 : vector<1x16xf32> to vector<16xf32>
      %scan3A_79 = arith.constant 0 : i32
      %scan3A_80 = arith.constant 0 : i32
      %scan3A_81 = arith.constant 16 : i32
      %scan3A_82 = arith.addi %scan3A_80, %scan3A_81 : i32
      %scan3A_83 = arith.constant 1 : i32
      scf.for %scan3A_115 = %scan3A_80 to %scan3A_82 step %scan3A_83  : i32 {
        %broadcast_in_dim3A = vector.broadcast %scan3A_115 : i32 to vector<16xi32>
        %lt3A = arith.constant 0 : i32
        %lt3A_116 = vector.broadcast %lt3A : i32 to vector<16xi32>
        %lt3A_117 = arith.cmpi slt, %broadcast_in_dim3A, %lt3A_116 : vector<16xi32>
        %add3A_118 = arith.constant 16 : i32
        %add3A_119 = vector.broadcast %add3A_118 : i32 to vector<16xi32>
        %add3A_120 = arith.addi %broadcast_in_dim3A, %add3A_119 : vector<16xi32>
        %select_n3A = arith.select %lt3A_117, %add3A_120, %broadcast_in_dim3A : vector<16xi1>, vector<16xi32>
        %broadcast_in_dim3A_121 = vector.shape_cast %select_n3A : vector<16xi32> to vector<16x1xi32>
        %gather3A = vector.shape_cast %broadcast_in_dim3A_121 : vector<16x1xi32> to vector<16xi32>
        %gather3A_122 = tpu.dynamic_gather %get3A_78[%gather3A] in [0] : vector<16xf32>, vector<16xi32> -> vector<16xf32>
        %add3A_123 = arith.constant 64 : i32
        %add3A_124 = arith.addi %add3A_123, %scan3A_115 : i32
        %get3A_125 = arith.index_cast %add3A_124 : i32 to index
        %get3A_126 = arith.constant 0 : index
        %get3A_127 = tpu.vector_load %arg10[%get3A_125, %get3A_126] {strides = array<i32>} : memref<128x128xf32, #tpu.memory_space<vmem>>, vector<1x16xf32>,
        %get3A_128 = vector.shape_cast %get3A_127 : vector<1x16xf32> to vector<16xf32>
        %mul3A_129 = arith.mulf %get3A_128, %gather3A_122 : vector<16xf32>
        %swap3A = arith.index_cast %add3A_124 : i32 to index
        %swap3A_130 = arith.constant 0 : index
        %swap3A_131 = tpu.vector_load %arg10[%swap3A, %swap3A_130] {strides = array<i32>} : memref<128x128xf32, #tpu.memory_space<vmem>>, vector<1x16xf32>,
        %swap3A_132 = vector.shape_cast %swap3A_131 : vector<1x16xf32> to vector<16xf32>
        %swap3A_133 = vector.shape_cast %mul3A_129 : vector<16xf32> to vector<1x16xf32>
        tpu.vector_store %arg10[%swap3A, %swap3A_130], %swap3A_133 {strides = array<i32>} : memref<128x128xf32, #tpu.memory_space<vmem>>, vector<1x16xf32>,
        %get3A_134 = arith.index_cast %add3A_124 : i32 to index
        %get3A_135 = arith.constant 16 : index
        %get3A_136 = tpu.vector_load %arg10[%get3A_134, %get3A_135] {strides = array<i32>} : memref<128x128xf32, #tpu.memory_space<vmem>>, vector<1x16xf32>,
        %get3A_137 = vector.shape_cast %get3A_136 : vector<1x16xf32> to vector<16xf32>
        %mul3A_138 = arith.mulf %get3A_137, %gather3A_122 : vector<16xf32>
        %swap3A_139 = arith.index_cast %add3A_124 : i32 to index
        %swap3A_140 = arith.constant 16 : index
        %swap3A_141 = tpu.vector_load %arg10[%swap3A_139, %swap3A_140] {strides = array<i32>} : memref<128x128xf32, #tpu.memory_space<vmem>>, vector<1x16xf32>,
        %swap3A_142 = vector.shape_cast %swap3A_141 : vector<1x16xf32> to vector<16xf32>
        %swap3A_143 = vector.shape_cast %mul3A_138 : vector<16xf32> to vector<1x16xf32>
        tpu.vector_store %arg10[%swap3A_139, %swap3A_140], %swap3A_143 {strides = array<i32>} : memref<128x128xf32, #tpu.memory_space<vmem>>, vector<1x16xf32>,
        %get3A_144 = arith.index_cast %add3A_124 : i32 to index
        %get3A_145 = arith.constant 32 : index
        %get3A_146 = tpu.vector_load %arg10[%get3A_144, %get3A_145] {strides = array<i32>} : memref<128x128xf32, #tpu.memory_space<vmem>>, vector<1x16xf32>,
        %get3A_147 = vector.shape_cast %get3A_146 : vector<1x16xf32> to vector<16xf32>
        %mul3A_148 = arith.mulf %get3A_147, %gather3A_122 : vector<16xf32>
        %swap3A_149 = arith.index_cast %add3A_124 : i32 to index
        %swap3A_150 = arith.constant 32 : index
        %swap3A_151 = tpu.vector_load %arg10[%swap3A_149, %swap3A_150] {strides = array<i32>} : memref<128x128xf32, #tpu.memory_space<vmem>>, vector<1x16xf32>,
        %swap3A_152 = vector.shape_cast %swap3A_151 : vector<1x16xf32> to vector<16xf32>
        %swap3A_153 = vector.shape_cast %mul3A_148 : vector<16xf32> to vector<1x16xf32>
        tpu.vector_store %arg10[%swap3A_149, %swap3A_150], %swap3A_153 {strides = array<i32>} : memref<128x128xf32, #tpu.memory_space<vmem>>, vector<1x16xf32>,
        %get3A_154 = arith.index_cast %add3A_124 : i32 to index
        %get3A_155 = arith.constant 48 : index
        %get3A_156 = tpu.vector_load %arg10[%get3A_154, %get3A_155] {strides = array<i32>} : memref<128x128xf32, #tpu.memory_space<vmem>>, vector<1x16xf32>,
        %get3A_157 = vector.shape_cast %get3A_156 : vector<1x16xf32> to vector<16xf32>
        %mul3A_158 = arith.mulf %get3A_157, %gather3A_122 : vector<16xf32>
        %swap3A_159 = arith.index_cast %add3A_124 : i32 to index
        %swap3A_160 = arith.constant 48 : index
        %swap3A_161 = tpu.vector_load %arg10[%swap3A_159, %swap3A_160] {strides = array<i32>} : memref<128x128xf32, #tpu.memory_space<vmem>>, vector<1x16xf32>,
        %swap3A_162 = vector.shape_cast %swap3A_161 : vector<1x16xf32> to vector<16xf32>
        %swap3A_163 = vector.shape_cast %mul3A_158 : vector<16xf32> to vector<1x16xf32>
        tpu.vector_store %arg10[%swap3A_159, %swap3A_160], %swap3A_163 {strides = array<i32>} : memref<128x128xf32, #tpu.memory_space<vmem>>, vector<1x16xf32>,
        %get3A_164 = arith.index_cast %add3A_124 : i32 to index
        %get3A_165 = arith.constant 64 : index
        %get3A_166 = tpu.vector_load %arg10[%get3A_164, %get3A_165] {strides = array<i32>} : memref<128x128xf32, #tpu.memory_space<vmem>>, vector<1x16xf32>,
        %get3A_167 = vector.shape_cast %get3A_166 : vector<1x16xf32> to vector<16xf32>
        %mul3A_168 = arith.mulf %get3A_167, %gather3A_122 : vector<16xf32>
        %swap3A_169 = arith.index_cast %add3A_124 : i32 to index
        %swap3A_170 = arith.constant 64 : index
        %swap3A_171 = tpu.vector_load %arg10[%swap3A_169, %swap3A_170] {strides = array<i32>} : memref<128x128xf32, #tpu.memory_space<vmem>>, vector<1x16xf32>,
        %swap3A_172 = vector.shape_cast %swap3A_171 : vector<1x16xf32> to vector<16xf32>
        %swap3A_173 = vector.shape_cast %mul3A_168 : vector<16xf32> to vector<1x16xf32>
        tpu.vector_store %arg10[%swap3A_169, %swap3A_170], %swap3A_173 {strides = array<i32>} : memref<128x128xf32, #tpu.memory_space<vmem>>, vector<1x16xf32>,
        %get3A_174 = arith.index_cast %add3A_124 : i32 to index
        %get3A_175 = arith.constant 80 : index
        %get3A_176 = tpu.vector_load %arg10[%get3A_174, %get3A_175] {strides = array<i32>} : memref<128x128xf32, #tpu.memory_space<vmem>>, vector<1x16xf32>,
        %get3A_177 = vector.shape_cast %get3A_176 : vector<1x16xf32> to vector<16xf32>
        %mul3A_178 = arith.mulf %get3A_177, %gather3A_122 : vector<16xf32>
        %swap3A_179 = arith.index_cast %add3A_124 : i32 to index
        %swap3A_180 = arith.constant 80 : index
        %swap3A_181 = tpu.vector_load %arg10[%swap3A_179, %swap3A_180] {strides = array<i32>} : memref<128x128xf32, #tpu.memory_space<vmem>>, vector<1x16xf32>,
        %swap3A_182 = vector.shape_cast %swap3A_181 : vector<1x16xf32> to vector<16xf32>
        %swap3A_183 = vector.shape_cast %mul3A_178 : vector<16xf32> to vector<1x16xf32>
        tpu.vector_store %arg10[%swap3A_179, %swap3A_180], %swap3A_183 {strides = array<i32>} : memref<128x128xf32, #tpu.memory_space<vmem>>, vector<1x16xf32>,
        %get3A_184 = arith.index_cast %add3A_124 : i32 to index
        %get3A_185 = arith.constant 96 : index
        %get3A_186 = tpu.vector_load %arg10[%get3A_184, %get3A_185] {strides = array<i32>} : memref<128x128xf32, #tpu.memory_space<vmem>>, vector<1x16xf32>,
        %get3A_187 = vector.shape_cast %get3A_186 : vector<1x16xf32> to vector<16xf32>
        %mul3A_188 = arith.mulf %get3A_187, %gather3A_122 : vector<16xf32>
        %swap3A_189 = arith.index_cast %add3A_124 : i32 to index
        %swap3A_190 = arith.constant 96 : index
        %swap3A_191 = tpu.vector_load %arg10[%swap3A_189, %swap3A_190] {strides = array<i32>} : memref<128x128xf32, #tpu.memory_space<vmem>>, vector<1x16xf32>,
        %swap3A_192 = vector.shape_cast %swap3A_191 : vector<1x16xf32> to vector<16xf32>
        %swap3A_193 = vector.shape_cast %mul3A_188 : vector<16xf32> to vector<1x16xf32>
        tpu.vector_store %arg10[%swap3A_189, %swap3A_190], %swap3A_193 {strides = array<i32>} : memref<128x128xf32, #tpu.memory_space<vmem>>, vector<1x16xf32>,
        %get3A_194 = arith.index_cast %add3A_124 : i32 to index
        %get3A_195 = arith.constant 112 : index
        %get3A_196 = tpu.vector_load %arg10[%get3A_194, %get3A_195] {strides = array<i32>} : memref<128x128xf32, #tpu.memory_space<vmem>>, vector<1x16xf32>,
        %get3A_197 = vector.shape_cast %get3A_196 : vector<1x16xf32> to vector<16xf32>
        %mul3A_198 = arith.mulf %get3A_197, %gather3A_122 : vector<16xf32>
        %swap3A_199 = arith.index_cast %add3A_124 : i32 to index
        %swap3A_200 = arith.constant 112 : index
        %swap3A_201 = tpu.vector_load %arg10[%swap3A_199, %swap3A_200] {strides = array<i32>} : memref<128x128xf32, #tpu.memory_space<vmem>>, vector<1x16xf32>,
        %swap3A_202 = vector.shape_cast %swap3A_201 : vector<1x16xf32> to vector<16xf32>
        %swap3A_203 = vector.shape_cast %mul3A_198 : vector<16xf32> to vector<1x16xf32>
        tpu.vector_store %arg10[%swap3A_199, %swap3A_200], %swap3A_203 {strides = array<i32>} : memref<128x128xf32, #tpu.memory_space<vmem>>, vector<1x16xf32>,
      }
      %scan3A_84 = arith.constant 16 : i32
      %get3A_85 = arith.index_cast %scan3A_25 : i32 to index
      %get3A_86 = arith.constant 80 : index
      %get3A_87 = tpu.vector_load %arg9[%get3A_85, %get3A_86] {strides = array<i32>} : memref<79x128xf32, #tpu.memory_space<vmem>>, vector<1x16xf32>,
      %get3A_88 = vector.shape_cast %get3A_87 : vector<1x16xf32> to vector<16xf32>
      %scan3A_89 = arith.constant 0 : i32
      %scan3A_90 = arith.constant 0 : i32
      %scan3A_91 = arith.constant 16 : i32
      %scan3A_92 = arith.addi %scan3A_90, %scan3A_91 : i32
      %scan3A_93 = arith.constant 1 : i32
      scf.for %scan3A_115 = %scan3A_90 to %scan3A_92 step %scan3A_93  : i32 {
        %broadcast_in_dim3A = vector.broadcast %scan3A_115 : i32 to vector<16xi32>
        %lt3A = arith.constant 0 : i32
        %lt3A_116 = vector.broadcast %lt3A : i32 to vector<16xi32>
        %lt3A_117 = arith.cmpi slt, %broadcast_in_dim3A, %lt3A_116 : vector<16xi32>
        %add3A_118 = arith.constant 16 : i32
        %add3A_119 = vector.broadcast %add3A_118 : i32 to vector<16xi32>
        %add3A_120 = arith.addi %broadcast_in_dim3A, %add3A_119 : vector<16xi32>
        %select_n3A = arith.select %lt3A_117, %add3A_120, %broadcast_in_dim3A : vector<16xi1>, vector<16xi32>
        %broadcast_in_dim3A_121 = vector.shape_cast %select_n3A : vector<16xi32> to vector<16x1xi32>
        %gather3A = vector.shape_cast %broadcast_in_dim3A_121 : vector<16x1xi32> to vector<16xi32>
        %gather3A_122 = tpu.dynamic_gather %get3A_88[%gather3A] in [0] : vector<16xf32>, vector<16xi32> -> vector<16xf32>
        %add3A_123 = arith.constant 80 : i32
        %add3A_124 = arith.addi %add3A_123, %scan3A_115 : i32
        %get3A_125 = arith.index_cast %add3A_124 : i32 to index
        %get3A_126 = arith.constant 0 : index
        %get3A_127 = tpu.vector_load %arg10[%get3A_125, %get3A_126] {strides = array<i32>} : memref<128x128xf32, #tpu.memory_space<vmem>>, vector<1x16xf32>,
        %get3A_128 = vector.shape_cast %get3A_127 : vector<1x16xf32> to vector<16xf32>
        %mul3A_129 = arith.mulf %get3A_128, %gather3A_122 : vector<16xf32>
        %swap3A = arith.index_cast %add3A_124 : i32 to index
        %swap3A_130 = arith.constant 0 : index
        %swap3A_131 = tpu.vector_load %arg10[%swap3A, %swap3A_130] {strides = array<i32>} : memref<128x128xf32, #tpu.memory_space<vmem>>, vector<1x16xf32>,
        %swap3A_132 = vector.shape_cast %swap3A_131 : vector<1x16xf32> to vector<16xf32>
        %swap3A_133 = vector.shape_cast %mul3A_129 : vector<16xf32> to vector<1x16xf32>
        tpu.vector_store %arg10[%swap3A, %swap3A_130], %swap3A_133 {strides = array<i32>} : memref<128x128xf32, #tpu.memory_space<vmem>>, vector<1x16xf32>,
        %get3A_134 = arith.index_cast %add3A_124 : i32 to index
        %get3A_135 = arith.constant 16 : index
        %get3A_136 = tpu.vector_load %arg10[%get3A_134, %get3A_135] {strides = array<i32>} : memref<128x128xf32, #tpu.memory_space<vmem>>, vector<1x16xf32>,
        %get3A_137 = vector.shape_cast %get3A_136 : vector<1x16xf32> to vector<16xf32>
        %mul3A_138 = arith.mulf %get3A_137, %gather3A_122 : vector<16xf32>
        %swap3A_139 = arith.index_cast %add3A_124 : i32 to index
        %swap3A_140 = arith.constant 16 : index
        %swap3A_141 = tpu.vector_load %arg10[%swap3A_139, %swap3A_140] {strides = array<i32>} : memref<128x128xf32, #tpu.memory_space<vmem>>, vector<1x16xf32>,
        %swap3A_142 = vector.shape_cast %swap3A_141 : vector<1x16xf32> to vector<16xf32>
        %swap3A_143 = vector.shape_cast %mul3A_138 : vector<16xf32> to vector<1x16xf32>
        tpu.vector_store %arg10[%swap3A_139, %swap3A_140], %swap3A_143 {strides = array<i32>} : memref<128x128xf32, #tpu.memory_space<vmem>>, vector<1x16xf32>,
        %get3A_144 = arith.index_cast %add3A_124 : i32 to index
        %get3A_145 = arith.constant 32 : index
        %get3A_146 = tpu.vector_load %arg10[%get3A_144, %get3A_145] {strides = array<i32>} : memref<128x128xf32, #tpu.memory_space<vmem>>, vector<1x16xf32>,
        %get3A_147 = vector.shape_cast %get3A_146 : vector<1x16xf32> to vector<16xf32>
        %mul3A_148 = arith.mulf %get3A_147, %gather3A_122 : vector<16xf32>
        %swap3A_149 = arith.index_cast %add3A_124 : i32 to index
        %swap3A_150 = arith.constant 32 : index
        %swap3A_151 = tpu.vector_load %arg10[%swap3A_149, %swap3A_150] {strides = array<i32>} : memref<128x128xf32, #tpu.memory_space<vmem>>, vector<1x16xf32>,
        %swap3A_152 = vector.shape_cast %swap3A_151 : vector<1x16xf32> to vector<16xf32>
        %swap3A_153 = vector.shape_cast %mul3A_148 : vector<16xf32> to vector<1x16xf32>
        tpu.vector_store %arg10[%swap3A_149, %swap3A_150], %swap3A_153 {strides = array<i32>} : memref<128x128xf32, #tpu.memory_space<vmem>>, vector<1x16xf32>,
        %get3A_154 = arith.index_cast %add3A_124 : i32 to index
        %get3A_155 = arith.constant 48 : index
        %get3A_156 = tpu.vector_load %arg10[%get3A_154, %get3A_155] {strides = array<i32>} : memref<128x128xf32, #tpu.memory_space<vmem>>, vector<1x16xf32>,
        %get3A_157 = vector.shape_cast %get3A_156 : vector<1x16xf32> to vector<16xf32>
        %mul3A_158 = arith.mulf %get3A_157, %gather3A_122 : vector<16xf32>
        %swap3A_159 = arith.index_cast %add3A_124 : i32 to index
        %swap3A_160 = arith.constant 48 : index
        %swap3A_161 = tpu.vector_load %arg10[%swap3A_159, %swap3A_160] {strides = array<i32>} : memref<128x128xf32, #tpu.memory_space<vmem>>, vector<1x16xf32>,
        %swap3A_162 = vector.shape_cast %swap3A_161 : vector<1x16xf32> to vector<16xf32>
        %swap3A_163 = vector.shape_cast %mul3A_158 : vector<16xf32> to vector<1x16xf32>
        tpu.vector_store %arg10[%swap3A_159, %swap3A_160], %swap3A_163 {strides = array<i32>} : memref<128x128xf32, #tpu.memory_space<vmem>>, vector<1x16xf32>,
        %get3A_164 = arith.index_cast %add3A_124 : i32 to index
        %get3A_165 = arith.constant 64 : index
        %get3A_166 = tpu.vector_load %arg10[%get3A_164, %get3A_165] {strides = array<i32>} : memref<128x128xf32, #tpu.memory_space<vmem>>, vector<1x16xf32>,
        %get3A_167 = vector.shape_cast %get3A_166 : vector<1x16xf32> to vector<16xf32>
        %mul3A_168 = arith.mulf %get3A_167, %gather3A_122 : vector<16xf32>
        %swap3A_169 = arith.index_cast %add3A_124 : i32 to index
        %swap3A_170 = arith.constant 64 : index
        %swap3A_171 = tpu.vector_load %arg10[%swap3A_169, %swap3A_170] {strides = array<i32>} : memref<128x128xf32, #tpu.memory_space<vmem>>, vector<1x16xf32>,
        %swap3A_172 = vector.shape_cast %swap3A_171 : vector<1x16xf32> to vector<16xf32>
        %swap3A_173 = vector.shape_cast %mul3A_168 : vector<16xf32> to vector<1x16xf32>
        tpu.vector_store %arg10[%swap3A_169, %swap3A_170], %swap3A_173 {strides = array<i32>} : memref<128x128xf32, #tpu.memory_space<vmem>>, vector<1x16xf32>,
        %get3A_174 = arith.index_cast %add3A_124 : i32 to index
        %get3A_175 = arith.constant 80 : index
        %get3A_176 = tpu.vector_load %arg10[%get3A_174, %get3A_175] {strides = array<i32>} : memref<128x128xf32, #tpu.memory_space<vmem>>, vector<1x16xf32>,
        %get3A_177 = vector.shape_cast %get3A_176 : vector<1x16xf32> to vector<16xf32>
        %mul3A_178 = arith.mulf %get3A_177, %gather3A_122 : vector<16xf32>
        %swap3A_179 = arith.index_cast %add3A_124 : i32 to index
        %swap3A_180 = arith.constant 80 : index
        %swap3A_181 = tpu.vector_load %arg10[%swap3A_179, %swap3A_180] {strides = array<i32>} : memref<128x128xf32, #tpu.memory_space<vmem>>, vector<1x16xf32>,
        %swap3A_182 = vector.shape_cast %swap3A_181 : vector<1x16xf32> to vector<16xf32>
        %swap3A_183 = vector.shape_cast %mul3A_178 : vector<16xf32> to vector<1x16xf32>
        tpu.vector_store %arg10[%swap3A_179, %swap3A_180], %swap3A_183 {strides = array<i32>} : memref<128x128xf32, #tpu.memory_space<vmem>>, vector<1x16xf32>,
        %get3A_184 = arith.index_cast %add3A_124 : i32 to index
        %get3A_185 = arith.constant 96 : index
        %get3A_186 = tpu.vector_load %arg10[%get3A_184, %get3A_185] {strides = array<i32>} : memref<128x128xf32, #tpu.memory_space<vmem>>, vector<1x16xf32>,
        %get3A_187 = vector.shape_cast %get3A_186 : vector<1x16xf32> to vector<16xf32>
        %mul3A_188 = arith.mulf %get3A_187, %gather3A_122 : vector<16xf32>
        %swap3A_189 = arith.index_cast %add3A_124 : i32 to index
        %swap3A_190 = arith.constant 96 : index
        %swap3A_191 = tpu.vector_load %arg10[%swap3A_189, %swap3A_190] {strides = array<i32>} : memref<128x128xf32, #tpu.memory_space<vmem>>, vector<1x16xf32>,
        %swap3A_192 = vector.shape_cast %swap3A_191 : vector<1x16xf32> to vector<16xf32>
        %swap3A_193 = vector.shape_cast %mul3A_188 : vector<16xf32> to vector<1x16xf32>
        tpu.vector_store %arg10[%swap3A_189, %swap3A_190], %swap3A_193 {strides = array<i32>} : memref<128x128xf32, #tpu.memory_space<vmem>>, vector<1x16xf32>,
        %get3A_194 = arith.index_cast %add3A_124 : i32 to index
        %get3A_195 = arith.constant 112 : index
        %get3A_196 = tpu.vector_load %arg10[%get3A_194, %get3A_195] {strides = array<i32>} : memref<128x128xf32, #tpu.memory_space<vmem>>, vector<1x16xf32>,
        %get3A_197 = vector.shape_cast %get3A_196 : vector<1x16xf32> to vector<16xf32>
        %mul3A_198 = arith.mulf %get3A_197, %gather3A_122 : vector<16xf32>
        %swap3A_199 = arith.index_cast %add3A_124 : i32 to index
        %swap3A_200 = arith.constant 112 : index
        %swap3A_201 = tpu.vector_load %arg10[%swap3A_199, %swap3A_200] {strides = array<i32>} : memref<128x128xf32, #tpu.memory_space<vmem>>, vector<1x16xf32>,
        %swap3A_202 = vector.shape_cast %swap3A_201 : vector<1x16xf32> to vector<16xf32>
        %swap3A_203 = vector.shape_cast %mul3A_198 : vector<16xf32> to vector<1x16xf32>
        tpu.vector_store %arg10[%swap3A_199, %swap3A_200], %swap3A_203 {strides = array<i32>} : memref<128x128xf32, #tpu.memory_space<vmem>>, vector<1x16xf32>,
      }
      %scan3A_94 = arith.constant 16 : i32
      %get3A_95 = arith.index_cast %scan3A_25 : i32 to index
      %get3A_96 = arith.constant 96 : index
      %get3A_97 = tpu.vector_load %arg9[%get3A_95, %get3A_96] {strides = array<i32>} : memref<79x128xf32, #tpu.memory_space<vmem>>, vector<1x16xf32>,
      %get3A_98 = vector.shape_cast %get3A_97 : vector<1x16xf32> to vector<16xf32>
      %scan3A_99 = arith.constant 0 : i32
      %scan3A_100 = arith.constant 0 : i32
      %scan3A_101 = arith.constant 16 : i32
      %scan3A_102 = arith.addi %scan3A_100, %scan3A_101 : i32
      %scan3A_103 = arith.constant 1 : i32
      scf.for %scan3A_115 = %scan3A_100 to %scan3A_102 step %scan3A_103  : i32 {
        %broadcast_in_dim3A = vector.broadcast %scan3A_115 : i32 to vector<16xi32>
        %lt3A = arith.constant 0 : i32
        %lt3A_116 = vector.broadcast %lt3A : i32 to vector<16xi32>
        %lt3A_117 = arith.cmpi slt, %broadcast_in_dim3A, %lt3A_116 : vector<16xi32>
        %add3A_118 = arith.constant 16 : i32
        %add3A_119 = vector.broadcast %add3A_118 : i32 to vector<16xi32>
        %add3A_120 = arith.addi %broadcast_in_dim3A, %add3A_119 : vector<16xi32>
        %select_n3A = arith.select %lt3A_117, %add3A_120, %broadcast_in_dim3A : vector<16xi1>, vector<16xi32>
        %broadcast_in_dim3A_121 = vector.shape_cast %select_n3A : vector<16xi32> to vector<16x1xi32>
        %gather3A = vector.shape_cast %broadcast_in_dim3A_121 : vector<16x1xi32> to vector<16xi32>
        %gather3A_122 = tpu.dynamic_gather %get3A_98[%gather3A] in [0] : vector<16xf32>, vector<16xi32> -> vector<16xf32>
        %add3A_123 = arith.constant 96 : i32
        %add3A_124 = arith.addi %add3A_123, %scan3A_115 : i32
        %get3A_125 = arith.index_cast %add3A_124 : i32 to index
        %get3A_126 = arith.constant 0 : index
        %get3A_127 = tpu.vector_load %arg10[%get3A_125, %get3A_126] {strides = array<i32>} : memref<128x128xf32, #tpu.memory_space<vmem>>, vector<1x16xf32>,
        %get3A_128 = vector.shape_cast %get3A_127 : vector<1x16xf32> to vector<16xf32>
        %mul3A_129 = arith.mulf %get3A_128, %gather3A_122 : vector<16xf32>
        %swap3A = arith.index_cast %add3A_124 : i32 to index
        %swap3A_130 = arith.constant 0 : index
        %swap3A_131 = tpu.vector_load %arg10[%swap3A, %swap3A_130] {strides = array<i32>} : memref<128x128xf32, #tpu.memory_space<vmem>>, vector<1x16xf32>,
        %swap3A_132 = vector.shape_cast %swap3A_131 : vector<1x16xf32> to vector<16xf32>
        %swap3A_133 = vector.shape_cast %mul3A_129 : vector<16xf32> to vector<1x16xf32>
        tpu.vector_store %arg10[%swap3A, %swap3A_130], %swap3A_133 {strides = array<i32>} : memref<128x128xf32, #tpu.memory_space<vmem>>, vector<1x16xf32>,
        %get3A_134 = arith.index_cast %add3A_124 : i32 to index
        %get3A_135 = arith.constant 16 : index
        %get3A_136 = tpu.vector_load %arg10[%get3A_134, %get3A_135] {strides = array<i32>} : memref<128x128xf32, #tpu.memory_space<vmem>>, vector<1x16xf32>,
        %get3A_137 = vector.shape_cast %get3A_136 : vector<1x16xf32> to vector<16xf32>
        %mul3A_138 = arith.mulf %get3A_137, %gather3A_122 : vector<16xf32>
        %swap3A_139 = arith.index_cast %add3A_124 : i32 to index
        %swap3A_140 = arith.constant 16 : index
        %swap3A_141 = tpu.vector_load %arg10[%swap3A_139, %swap3A_140] {strides = array<i32>} : memref<128x128xf32, #tpu.memory_space<vmem>>, vector<1x16xf32>,
        %swap3A_142 = vector.shape_cast %swap3A_141 : vector<1x16xf32> to vector<16xf32>
        %swap3A_143 = vector.shape_cast %mul3A_138 : vector<16xf32> to vector<1x16xf32>
        tpu.vector_store %arg10[%swap3A_139, %swap3A_140], %swap3A_143 {strides = array<i32>} : memref<128x128xf32, #tpu.memory_space<vmem>>, vector<1x16xf32>,
        %get3A_144 = arith.index_cast %add3A_124 : i32 to index
        %get3A_145 = arith.constant 32 : index
        %get3A_146 = tpu.vector_load %arg10[%get3A_144, %get3A_145] {strides = array<i32>} : memref<128x128xf32, #tpu.memory_space<vmem>>, vector<1x16xf32>,
        %get3A_147 = vector.shape_cast %get3A_146 : vector<1x16xf32> to vector<16xf32>
        %mul3A_148 = arith.mulf %get3A_147, %gather3A_122 : vector<16xf32>
        %swap3A_149 = arith.index_cast %add3A_124 : i32 to index
        %swap3A_150 = arith.constant 32 : index
        %swap3A_151 = tpu.vector_load %arg10[%swap3A_149, %swap3A_150] {strides = array<i32>} : memref<128x128xf32, #tpu.memory_space<vmem>>, vector<1x16xf32>,
        %swap3A_152 = vector.shape_cast %swap3A_151 : vector<1x16xf32> to vector<16xf32>
        %swap3A_153 = vector.shape_cast %mul3A_148 : vector<16xf32> to vector<1x16xf32>
        tpu.vector_store %arg10[%swap3A_149, %swap3A_150], %swap3A_153 {strides = array<i32>} : memref<128x128xf32, #tpu.memory_space<vmem>>, vector<1x16xf32>,
        %get3A_154 = arith.index_cast %add3A_124 : i32 to index
        %get3A_155 = arith.constant 48 : index
        %get3A_156 = tpu.vector_load %arg10[%get3A_154, %get3A_155] {strides = array<i32>} : memref<128x128xf32, #tpu.memory_space<vmem>>, vector<1x16xf32>,
        %get3A_157 = vector.shape_cast %get3A_156 : vector<1x16xf32> to vector<16xf32>
        %mul3A_158 = arith.mulf %get3A_157, %gather3A_122 : vector<16xf32>
        %swap3A_159 = arith.index_cast %add3A_124 : i32 to index
        %swap3A_160 = arith.constant 48 : index
        %swap3A_161 = tpu.vector_load %arg10[%swap3A_159, %swap3A_160] {strides = array<i32>} : memref<128x128xf32, #tpu.memory_space<vmem>>, vector<1x16xf32>,
        %swap3A_162 = vector.shape_cast %swap3A_161 : vector<1x16xf32> to vector<16xf32>
        %swap3A_163 = vector.shape_cast %mul3A_158 : vector<16xf32> to vector<1x16xf32>
        tpu.vector_store %arg10[%swap3A_159, %swap3A_160], %swap3A_163 {strides = array<i32>} : memref<128x128xf32, #tpu.memory_space<vmem>>, vector<1x16xf32>,
        %get3A_164 = arith.index_cast %add3A_124 : i32 to index
        %get3A_165 = arith.constant 64 : index
        %get3A_166 = tpu.vector_load %arg10[%get3A_164, %get3A_165] {strides = array<i32>} : memref<128x128xf32, #tpu.memory_space<vmem>>, vector<1x16xf32>,
        %get3A_167 = vector.shape_cast %get3A_166 : vector<1x16xf32> to vector<16xf32>
        %mul3A_168 = arith.mulf %get3A_167, %gather3A_122 : vector<16xf32>
        %swap3A_169 = arith.index_cast %add3A_124 : i32 to index
        %swap3A_170 = arith.constant 64 : index
        %swap3A_171 = tpu.vector_load %arg10[%swap3A_169, %swap3A_170] {strides = array<i32>} : memref<128x128xf32, #tpu.memory_space<vmem>>, vector<1x16xf32>,
        %swap3A_172 = vector.shape_cast %swap3A_171 : vector<1x16xf32> to vector<16xf32>
        %swap3A_173 = vector.shape_cast %mul3A_168 : vector<16xf32> to vector<1x16xf32>
        tpu.vector_store %arg10[%swap3A_169, %swap3A_170], %swap3A_173 {strides = array<i32>} : memref<128x128xf32, #tpu.memory_space<vmem>>, vector<1x16xf32>,
        %get3A_174 = arith.index_cast %add3A_124 : i32 to index
        %get3A_175 = arith.constant 80 : index
        %get3A_176 = tpu.vector_load %arg10[%get3A_174, %get3A_175] {strides = array<i32>} : memref<128x128xf32, #tpu.memory_space<vmem>>, vector<1x16xf32>,
        %get3A_177 = vector.shape_cast %get3A_176 : vector<1x16xf32> to vector<16xf32>
        %mul3A_178 = arith.mulf %get3A_177, %gather3A_122 : vector<16xf32>
        %swap3A_179 = arith.index_cast %add3A_124 : i32 to index
        %swap3A_180 = arith.constant 80 : index
        %swap3A_181 = tpu.vector_load %arg10[%swap3A_179, %swap3A_180] {strides = array<i32>} : memref<128x128xf32, #tpu.memory_space<vmem>>, vector<1x16xf32>,
        %swap3A_182 = vector.shape_cast %swap3A_181 : vector<1x16xf32> to vector<16xf32>
        %swap3A_183 = vector.shape_cast %mul3A_178 : vector<16xf32> to vector<1x16xf32>
        tpu.vector_store %arg10[%swap3A_179, %swap3A_180], %swap3A_183 {strides = array<i32>} : memref<128x128xf32, #tpu.memory_space<vmem>>, vector<1x16xf32>,
        %get3A_184 = arith.index_cast %add3A_124 : i32 to index
        %get3A_185 = arith.constant 96 : index
        %get3A_186 = tpu.vector_load %arg10[%get3A_184, %get3A_185] {strides = array<i32>} : memref<128x128xf32, #tpu.memory_space<vmem>>, vector<1x16xf32>,
        %get3A_187 = vector.shape_cast %get3A_186 : vector<1x16xf32> to vector<16xf32>
        %mul3A_188 = arith.mulf %get3A_187, %gather3A_122 : vector<16xf32>
        %swap3A_189 = arith.index_cast %add3A_124 : i32 to index
        %swap3A_190 = arith.constant 96 : index
        %swap3A_191 = tpu.vector_load %arg10[%swap3A_189, %swap3A_190] {strides = array<i32>} : memref<128x128xf32, #tpu.memory_space<vmem>>, vector<1x16xf32>,
        %swap3A_192 = vector.shape_cast %swap3A_191 : vector<1x16xf32> to vector<16xf32>
        %swap3A_193 = vector.shape_cast %mul3A_188 : vector<16xf32> to vector<1x16xf32>
        tpu.vector_store %arg10[%swap3A_189, %swap3A_190], %swap3A_193 {strides = array<i32>} : memref<128x128xf32, #tpu.memory_space<vmem>>, vector<1x16xf32>,
        %get3A_194 = arith.index_cast %add3A_124 : i32 to index
        %get3A_195 = arith.constant 112 : index
        %get3A_196 = tpu.vector_load %arg10[%get3A_194, %get3A_195] {strides = array<i32>} : memref<128x128xf32, #tpu.memory_space<vmem>>, vector<1x16xf32>,
        %get3A_197 = vector.shape_cast %get3A_196 : vector<1x16xf32> to vector<16xf32>
        %mul3A_198 = arith.mulf %get3A_197, %gather3A_122 : vector<16xf32>
        %swap3A_199 = arith.index_cast %add3A_124 : i32 to index
        %swap3A_200 = arith.constant 112 : index
        %swap3A_201 = tpu.vector_load %arg10[%swap3A_199, %swap3A_200] {strides = array<i32>} : memref<128x128xf32, #tpu.memory_space<vmem>>, vector<1x16xf32>,
        %swap3A_202 = vector.shape_cast %swap3A_201 : vector<1x16xf32> to vector<16xf32>
        %swap3A_203 = vector.shape_cast %mul3A_198 : vector<16xf32> to vector<1x16xf32>
        tpu.vector_store %arg10[%swap3A_199, %swap3A_200], %swap3A_203 {strides = array<i32>} : memref<128x128xf32, #tpu.memory_space<vmem>>, vector<1x16xf32>,
      }
      %scan3A_104 = arith.constant 16 : i32
      %get3A_105 = arith.index_cast %scan3A_25 : i32 to index
      %get3A_106 = arith.constant 112 : index
      %get3A_107 = tpu.vector_load %arg9[%get3A_105, %get3A_106] {strides = array<i32>} : memref<79x128xf32, #tpu.memory_space<vmem>>, vector<1x16xf32>,
      %get3A_108 = vector.shape_cast %get3A_107 : vector<1x16xf32> to vector<16xf32>
      %scan3A_109 = arith.constant 0 : i32
      %scan3A_110 = arith.constant 0 : i32
      %scan3A_111 = arith.constant 16 : i32
      %scan3A_112 = arith.addi %scan3A_110, %scan3A_111 : i32
      %scan3A_113 = arith.constant 1 : i32
      scf.for %scan3A_115 = %scan3A_110 to %scan3A_112 step %scan3A_113  : i32 {
        %broadcast_in_dim3A = vector.broadcast %scan3A_115 : i32 to vector<16xi32>
        %lt3A = arith.constant 0 : i32
        %lt3A_116 = vector.broadcast %lt3A : i32 to vector<16xi32>
        %lt3A_117 = arith.cmpi slt, %broadcast_in_dim3A, %lt3A_116 : vector<16xi32>
        %add3A_118 = arith.constant 16 : i32
        %add3A_119 = vector.broadcast %add3A_118 : i32 to vector<16xi32>
        %add3A_120 = arith.addi %broadcast_in_dim3A, %add3A_119 : vector<16xi32>
        %select_n3A = arith.select %lt3A_117, %add3A_120, %broadcast_in_dim3A : vector<16xi1>, vector<16xi32>
        %broadcast_in_dim3A_121 = vector.shape_cast %select_n3A : vector<16xi32> to vector<16x1xi32>
        %gather3A = vector.shape_cast %broadcast_in_dim3A_121 : vector<16x1xi32> to vector<16xi32>
        %gather3A_122 = tpu.dynamic_gather %get3A_108[%gather3A] in [0] : vector<16xf32>, vector<16xi32> -> vector<16xf32>
        %add3A_123 = arith.constant 112 : i32
        %add3A_124 = arith.addi %add3A_123, %scan3A_115 : i32
        %get3A_125 = arith.index_cast %add3A_124 : i32 to index
        %get3A_126 = arith.constant 0 : index
        %get3A_127 = tpu.vector_load %arg10[%get3A_125, %get3A_126] {strides = array<i32>} : memref<128x128xf32, #tpu.memory_space<vmem>>, vector<1x16xf32>,
        %get3A_128 = vector.shape_cast %get3A_127 : vector<1x16xf32> to vector<16xf32>
        %mul3A_129 = arith.mulf %get3A_128, %gather3A_122 : vector<16xf32>
        %swap3A = arith.index_cast %add3A_124 : i32 to index
        %swap3A_130 = arith.constant 0 : index
        %swap3A_131 = tpu.vector_load %arg10[%swap3A, %swap3A_130] {strides = array<i32>} : memref<128x128xf32, #tpu.memory_space<vmem>>, vector<1x16xf32>,
        %swap3A_132 = vector.shape_cast %swap3A_131 : vector<1x16xf32> to vector<16xf32>
        %swap3A_133 = vector.shape_cast %mul3A_129 : vector<16xf32> to vector<1x16xf32>
        tpu.vector_store %arg10[%swap3A, %swap3A_130], %swap3A_133 {strides = array<i32>} : memref<128x128xf32, #tpu.memory_space<vmem>>, vector<1x16xf32>,
        %get3A_134 = arith.index_cast %add3A_124 : i32 to index
        %get3A_135 = arith.constant 16 : index
        %get3A_136 = tpu.vector_load %arg10[%get3A_134, %get3A_135] {strides = array<i32>} : memref<128x128xf32, #tpu.memory_space<vmem>>, vector<1x16xf32>,
        %get3A_137 = vector.shape_cast %get3A_136 : vector<1x16xf32> to vector<16xf32>
        %mul3A_138 = arith.mulf %get3A_137, %gather3A_122 : vector<16xf32>
        %swap3A_139 = arith.index_cast %add3A_124 : i32 to index
        %swap3A_140 = arith.constant 16 : index
        %swap3A_141 = tpu.vector_load %arg10[%swap3A_139, %swap3A_140] {strides = array<i32>} : memref<128x128xf32, #tpu.memory_space<vmem>>, vector<1x16xf32>,
        %swap3A_142 = vector.shape_cast %swap3A_141 : vector<1x16xf32> to vector<16xf32>
        %swap3A_143 = vector.shape_cast %mul3A_138 : vector<16xf32> to vector<1x16xf32>
        tpu.vector_store %arg10[%swap3A_139, %swap3A_140], %swap3A_143 {strides = array<i32>} : memref<128x128xf32, #tpu.memory_space<vmem>>, vector<1x16xf32>,
        %get3A_144 = arith.index_cast %add3A_124 : i32 to index
        %get3A_145 = arith.constant 32 : index
        %get3A_146 = tpu.vector_load %arg10[%get3A_144, %get3A_145] {strides = array<i32>} : memref<128x128xf32, #tpu.memory_space<vmem>>, vector<1x16xf32>,
        %get3A_147 = vector.shape_cast %get3A_146 : vector<1x16xf32> to vector<16xf32>
        %mul3A_148 = arith.mulf %get3A_147, %gather3A_122 : vector<16xf32>
        %swap3A_149 = arith.index_cast %add3A_124 : i32 to index
        %swap3A_150 = arith.constant 32 : index
        %swap3A_151 = tpu.vector_load %arg10[%swap3A_149, %swap3A_150] {strides = array<i32>} : memref<128x128xf32, #tpu.memory_space<vmem>>, vector<1x16xf32>,
        %swap3A_152 = vector.shape_cast %swap3A_151 : vector<1x16xf32> to vector<16xf32>
        %swap3A_153 = vector.shape_cast %mul3A_148 : vector<16xf32> to vector<1x16xf32>
        tpu.vector_store %arg10[%swap3A_149, %swap3A_150], %swap3A_153 {strides = array<i32>} : memref<128x128xf32, #tpu.memory_space<vmem>>, vector<1x16xf32>,
        %get3A_154 = arith.index_cast %add3A_124 : i32 to index
        %get3A_155 = arith.constant 48 : index
        %get3A_156 = tpu.vector_load %arg10[%get3A_154, %get3A_155] {strides = array<i32>} : memref<128x128xf32, #tpu.memory_space<vmem>>, vector<1x16xf32>,
        %get3A_157 = vector.shape_cast %get3A_156 : vector<1x16xf32> to vector<16xf32>
        %mul3A_158 = arith.mulf %get3A_157, %gather3A_122 : vector<16xf32>
        %swap3A_159 = arith.index_cast %add3A_124 : i32 to index
        %swap3A_160 = arith.constant 48 : index
        %swap3A_161 = tpu.vector_load %arg10[%swap3A_159, %swap3A_160] {strides = array<i32>} : memref<128x128xf32, #tpu.memory_space<vmem>>, vector<1x16xf32>,
        %swap3A_162 = vector.shape_cast %swap3A_161 : vector<1x16xf32> to vector<16xf32>
        %swap3A_163 = vector.shape_cast %mul3A_158 : vector<16xf32> to vector<1x16xf32>
        tpu.vector_store %arg10[%swap3A_159, %swap3A_160], %swap3A_163 {strides = array<i32>} : memref<128x128xf32, #tpu.memory_space<vmem>>, vector<1x16xf32>,
        %get3A_164 = arith.index_cast %add3A_124 : i32 to index
        %get3A_165 = arith.constant 64 : index
        %get3A_166 = tpu.vector_load %arg10[%get3A_164, %get3A_165] {strides = array<i32>} : memref<128x128xf32, #tpu.memory_space<vmem>>, vector<1x16xf32>,
        %get3A_167 = vector.shape_cast %get3A_166 : vector<1x16xf32> to vector<16xf32>
        %mul3A_168 = arith.mulf %get3A_167, %gather3A_122 : vector<16xf32>
        %swap3A_169 = arith.index_cast %add3A_124 : i32 to index
        %swap3A_170 = arith.constant 64 : index
        %swap3A_171 = tpu.vector_load %arg10[%swap3A_169, %swap3A_170] {strides = array<i32>} : memref<128x128xf32, #tpu.memory_space<vmem>>, vector<1x16xf32>,
        %swap3A_172 = vector.shape_cast %swap3A_171 : vector<1x16xf32> to vector<16xf32>
        %swap3A_173 = vector.shape_cast %mul3A_168 : vector<16xf32> to vector<1x16xf32>
        tpu.vector_store %arg10[%swap3A_169, %swap3A_170], %swap3A_173 {strides = array<i32>} : memref<128x128xf32, #tpu.memory_space<vmem>>, vector<1x16xf32>,
        %get3A_174 = arith.index_cast %add3A_124 : i32 to index
        %get3A_175 = arith.constant 80 : index
        %get3A_176 = tpu.vector_load %arg10[%get3A_174, %get3A_175] {strides = array<i32>} : memref<128x128xf32, #tpu.memory_space<vmem>>, vector<1x16xf32>,
        %get3A_177 = vector.shape_cast %get3A_176 : vector<1x16xf32> to vector<16xf32>
        %mul3A_178 = arith.mulf %get3A_177, %gather3A_122 : vector<16xf32>
        %swap3A_179 = arith.index_cast %add3A_124 : i32 to index
        %swap3A_180 = arith.constant 80 : index
        %swap3A_181 = tpu.vector_load %arg10[%swap3A_179, %swap3A_180] {strides = array<i32>} : memref<128x128xf32, #tpu.memory_space<vmem>>, vector<1x16xf32>,
        %swap3A_182 = vector.shape_cast %swap3A_181 : vector<1x16xf32> to vector<16xf32>
        %swap3A_183 = vector.shape_cast %mul3A_178 : vector<16xf32> to vector<1x16xf32>
        tpu.vector_store %arg10[%swap3A_179, %swap3A_180], %swap3A_183 {strides = array<i32>} : memref<128x128xf32, #tpu.memory_space<vmem>>, vector<1x16xf32>,
        %get3A_184 = arith.index_cast %add3A_124 : i32 to index
        %get3A_185 = arith.constant 96 : index
        %get3A_186 = tpu.vector_load %arg10[%get3A_184, %get3A_185] {strides = array<i32>} : memref<128x128xf32, #tpu.memory_space<vmem>>, vector<1x16xf32>,
        %get3A_187 = vector.shape_cast %get3A_186 : vector<1x16xf32> to vector<16xf32>
        %mul3A_188 = arith.mulf %get3A_187, %gather3A_122 : vector<16xf32>
        %swap3A_189 = arith.index_cast %add3A_124 : i32 to index
        %swap3A_190 = arith.constant 96 : index
        %swap3A_191 = tpu.vector_load %arg10[%swap3A_189, %swap3A_190] {strides = array<i32>} : memref<128x128xf32, #tpu.memory_space<vmem>>, vector<1x16xf32>,
        %swap3A_192 = vector.shape_cast %swap3A_191 : vector<1x16xf32> to vector<16xf32>
        %swap3A_193 = vector.shape_cast %mul3A_188 : vector<16xf32> to vector<1x16xf32>
        tpu.vector_store %arg10[%swap3A_189, %swap3A_190], %swap3A_193 {strides = array<i32>} : memref<128x128xf32, #tpu.memory_space<vmem>>, vector<1x16xf32>,
        %get3A_194 = arith.index_cast %add3A_124 : i32 to index
        %get3A_195 = arith.constant 112 : index
        %get3A_196 = tpu.vector_load %arg10[%get3A_194, %get3A_195] {strides = array<i32>} : memref<128x128xf32, #tpu.memory_space<vmem>>, vector<1x16xf32>,
        %get3A_197 = vector.shape_cast %get3A_196 : vector<1x16xf32> to vector<16xf32>
        %mul3A_198 = arith.mulf %get3A_197, %gather3A_122 : vector<16xf32>
        %swap3A_199 = arith.index_cast %add3A_124 : i32 to index
        %swap3A_200 = arith.constant 112 : index
        %swap3A_201 = tpu.vector_load %arg10[%swap3A_199, %swap3A_200] {strides = array<i32>} : memref<128x128xf32, #tpu.memory_space<vmem>>, vector<1x16xf32>,
        %swap3A_202 = vector.shape_cast %swap3A_201 : vector<1x16xf32> to vector<16xf32>
        %swap3A_203 = vector.shape_cast %mul3A_198 : vector<16xf32> to vector<1x16xf32>
        tpu.vector_store %arg10[%swap3A_199, %swap3A_200], %swap3A_203 {strides = array<i32>} : memref<128x128xf32, #tpu.memory_space<vmem>>, vector<1x16xf32>,
      }
      %scan3A_114 = arith.constant 16 : i32
      "tpu.region"() ({
        %run_scoped3A = tpu.sem_alloc : memref<!tpu.dma_semaphore, #tpu.memory_space<semaphore_mem>>
        %dma_start3A_115 = arith.constant 0 : i32
        %dma_start3A_116 = tpu.memref_slice %arg8[%scan3A_25, %dma_start3A_115] : memref<79x128xi32, #tpu.memory_space<vmem>> -> memref<1x128xi32, #tpu.memory_space<vmem>>
        %dma_start3A_117 = tpu.memref_squeeze %dma_start3A_116 : memref<1x128xi32, #tpu.memory_space<vmem>> -> memref<128xi32, #tpu.memory_space<vmem>>
        %dma_start3A_118 = arith.constant 0 : i32
        %dma_start3A_119 = arith.constant 0 : i32
        %dma_start3A_120 = tpu.memref_slice %arg11[%dma_start3A_118, %dma_start3A_119] : memref<10112x128xf32, #tpu.memory_space<vmem_shared>> -> memref<10112x128xf32, #tpu.memory_space<vmem_shared>>
        tpu.enqueue_indirect_dma source(%arg10 : memref<128x128xf32, #tpu.memory_space<vmem>>) target(%dma_start3A_120 : memref<10112x128xf32, #tpu.memory_space<vmem_shared>>) offsets(%dma_start3A_117 : memref<128xi32, #tpu.memory_space<vmem>>) semaphore(%run_scoped3A : memref<!tpu.dma_semaphore, #tpu.memory_space<semaphore_mem>>) {add = true}
        %dma_wait3A_121 = arith.constant 0 : i32
        %dma_wait3A_122 = tpu.memref_slice %arg8[%scan3A_25, %dma_wait3A_121] : memref<79x128xi32, #tpu.memory_space<vmem>> -> memref<1x128xi32, #tpu.memory_space<vmem>>
        %dma_wait3A_123 = tpu.memref_squeeze %dma_wait3A_122 : memref<1x128xi32, #tpu.memory_space<vmem>> -> memref<128xi32, #tpu.memory_space<vmem>>
        %dma_wait3A_124 = arith.constant 0 : i32
        %dma_wait3A_125 = arith.constant 0 : i32
        %dma_wait3A_126 = tpu.memref_slice %arg11[%dma_wait3A_124, %dma_wait3A_125] : memref<10112x128xf32, #tpu.memory_space<vmem_shared>> -> memref<10112x128xf32, #tpu.memory_space<vmem_shared>>
        tpu.wait_indirect_dma semaphore(%run_scoped3A : memref<!tpu.dma_semaphore, #tpu.memory_space<semaphore_mem>>) src(%arg10 : memref<128x128xf32, #tpu.memory_space<vmem>>) dst(%dma_wait3A_126 : memref<10112x128xf32, #tpu.memory_space<vmem_shared>>)
        tpu.yield
      }) : () -> ()
    }
    %scan3A_23 = arith.constant 79 : i32
    %barrier3A_24 = arith.constant 0 : index
    tpu.barrier barrier_id(%barrier3A_24)
    "tpu.region"() ({
      %run_scoped3A = tpu.sem_alloc : memref<!tpu.dma_semaphore, #tpu.memory_space<semaphore_mem>>
      %dma_start3A = arith.constant 0 : i32
      %dma_start3A_25 = tpu.memref_slice %arg6[%arg0, %mul3A_7, %dma_start3A] : memref<2x10112x128xf32, #tpu.memory_space<hbm>> -> memref<1x632x128xf32, #tpu.memory_space<hbm>>
      %dma_start3A_26 = tpu.memref_squeeze %dma_start3A_25 : memref<1x632x128xf32, #tpu.memory_space<hbm>> -> memref<632x128xf32, #tpu.memory_space<hbm>>
      %dma_start3A_27 = arith.constant 0 : i32
      %dma_start3A_28 = tpu.memref_slice %arg11[%mul3A_7, %dma_start3A_27] : memref<10112x128xf32, #tpu.memory_space<vmem_shared>> -> memref<632x128xf32, #tpu.memory_space<vmem_shared>>
      tpu.enqueue_dma source(%dma_start3A_28 : memref<632x128xf32, #tpu.memory_space<vmem_shared>>) target(%dma_start3A_26 : memref<632x128xf32, #tpu.memory_space<hbm>>) target_semaphore(%run_scoped3A : memref<!tpu.dma_semaphore, #tpu.memory_space<semaphore_mem>>)
      %dma_wait3A = arith.constant 0 : i32
      %dma_wait3A_29 = tpu.memref_slice %arg6[%arg0, %mul3A_7, %dma_wait3A] : memref<2x10112x128xf32, #tpu.memory_space<hbm>> -> memref<1x632x128xf32, #tpu.memory_space<hbm>>
      %dma_wait3A_30 = tpu.memref_squeeze %dma_wait3A_29 : memref<1x632x128xf32, #tpu.memory_space<hbm>> -> memref<632x128xf32, #tpu.memory_space<hbm>>
      %dma_wait3A_31 = arith.constant 0 : i32
      %dma_wait3A_32 = tpu.memref_slice %arg11[%mul3A_7, %dma_wait3A_31] : memref<10112x128xf32, #tpu.memory_space<vmem_shared>> -> memref<632x128xf32, #tpu.memory_space<vmem_shared>>
      tpu.wait_dma2 semaphore(%run_scoped3A : memref<!tpu.dma_semaphore, #tpu.memory_space<semaphore_mem>>) src(%dma_wait3A_32 : memref<632x128xf32, #tpu.memory_space<vmem_shared>>) dst(%dma_wait3A_30 : memref<632x128xf32, #tpu.memory_space<hbm>>)
      tpu.yield
    }) : () -> ()
    return
  }
}

#map = affine_map<(d0, d1) -> (0, 0, 0)>
#map1 = affine_map<(d0, d1) -> (0)>
module attributes {stable_mosaic.version = 14 : i64} {
  func.func @_count_kernel(%arg0: i32, %arg1: i32, %arg2: memref<32x79x128xi32, #tpu.memory_space<hbm>>, %arg3: memref<163840xf32, #tpu.memory_space<hbm>>, %arg4: memref<79x128xi32, #tpu.memory_space<vmem>>, %arg5: memref<128xf32, #tpu.memory_space<vmem>>, %arg6: memref<5120xf32, #tpu.memory_space<vmem>>, %arg7: memref<81920xf32, #tpu.memory_space<vmem_shared>>) attributes {dimension_semantics = [#tpu.dimension_semantics<core_parallel>, #tpu.dimension_semantics<subcore_parallel>], iteration_bounds = array<i64: 2, 16>, scalar_prefetch = 0 : i64, scratch_operands = 4 : i64, tpu.core_type = #tpu.core_type<sc_vector_subcore>, window_params = [{transform_indices = #map}, {transform_indices = #map1}]} {
    %mul3A = arith.constant 16 : i32
    %mul3A_0 = arith.muli %arg0, %mul3A : i32
    %add3A = arith.addi %mul3A_0, %arg1 : i32
    %scan3A = arith.constant 0 : i32
    %scan3A_1 = arith.constant 0 : i32
    %scan3A_2 = arith.constant 320 : i32
    %scan3A_3 = arith.addi %scan3A_1, %scan3A_2 : i32
    %scan3A_4 = arith.constant 1 : i32
    scf.for %scan3A_68 = %scan3A_1 to %scan3A_3 step %scan3A_4  : i32 {
      %broadcast_in_dim3A_69 = arith.constant 0.000000e+00 : f32
      %broadcast_in_dim3A_70 = vector.broadcast %broadcast_in_dim3A_69 : f32 to vector<16xf32>
      %mul3A_71 = arith.constant 16 : i32
      %mul3A_72 = arith.muli %scan3A_68, %mul3A_71 : i32
      %swap3A_73 = arith.index_cast %mul3A_72 : i32 to index
      %swap3A_74 = tpu.vector_load %arg6[%swap3A_73] {strides = array<i32>} : memref<5120xf32, #tpu.memory_space<vmem>>, vector<16xf32>,
      %swap3A_75 = vector.shape_cast %swap3A_74 : vector<16xf32> to vector<16xf32>
      %swap3A_76 = vector.shape_cast %broadcast_in_dim3A_70 : vector<16xf32> to vector<16xf32>
      tpu.vector_store %arg6[%swap3A_73], %swap3A_76 {strides = array<i32>} : memref<5120xf32, #tpu.memory_space<vmem>>, vector<16xf32>,
    }
    %scan3A_5 = arith.constant 320 : i32
    %broadcast_in_dim3A = arith.constant 1.000000e+00 : f32
    %broadcast_in_dim3A_6 = vector.broadcast %broadcast_in_dim3A : f32 to vector<16xf32>
    %swap3A = arith.constant 0 : index
    %swap3A_7 = tpu.vector_load %arg5[%swap3A] {strides = array<i32>} : memref<128xf32, #tpu.memory_space<vmem>>, vector<16xf32>,
    %swap3A_8 = vector.shape_cast %swap3A_7 : vector<16xf32> to vector<16xf32>
    %swap3A_9 = vector.shape_cast %broadcast_in_dim3A_6 : vector<16xf32> to vector<16xf32>
    tpu.vector_store %arg5[%swap3A], %swap3A_9 {strides = array<i32>} : memref<128xf32, #tpu.memory_space<vmem>>, vector<16xf32>,
    %broadcast_in_dim3A_10 = arith.constant 1.000000e+00 : f32
    %broadcast_in_dim3A_11 = vector.broadcast %broadcast_in_dim3A_10 : f32 to vector<16xf32>
    %swap3A_12 = arith.constant 16 : index
    %swap3A_13 = tpu.vector_load %arg5[%swap3A_12] {strides = array<i32>} : memref<128xf32, #tpu.memory_space<vmem>>, vector<16xf32>,
    %swap3A_14 = vector.shape_cast %swap3A_13 : vector<16xf32> to vector<16xf32>
    %swap3A_15 = vector.shape_cast %broadcast_in_dim3A_11 : vector<16xf32> to vector<16xf32>
    tpu.vector_store %arg5[%swap3A_12], %swap3A_15 {strides = array<i32>} : memref<128xf32, #tpu.memory_space<vmem>>, vector<16xf32>,
    %broadcast_in_dim3A_16 = arith.constant 1.000000e+00 : f32
    %broadcast_in_dim3A_17 = vector.broadcast %broadcast_in_dim3A_16 : f32 to vector<16xf32>
    %swap3A_18 = arith.constant 32 : index
    %swap3A_19 = tpu.vector_load %arg5[%swap3A_18] {strides = array<i32>} : memref<128xf32, #tpu.memory_space<vmem>>, vector<16xf32>,
    %swap3A_20 = vector.shape_cast %swap3A_19 : vector<16xf32> to vector<16xf32>
    %swap3A_21 = vector.shape_cast %broadcast_in_dim3A_17 : vector<16xf32> to vector<16xf32>
    tpu.vector_store %arg5[%swap3A_18], %swap3A_21 {strides = array<i32>} : memref<128xf32, #tpu.memory_space<vmem>>, vector<16xf32>,
    %broadcast_in_dim3A_22 = arith.constant 1.000000e+00 : f32
    %broadcast_in_dim3A_23 = vector.broadcast %broadcast_in_dim3A_22 : f32 to vector<16xf32>
    %swap3A_24 = arith.constant 48 : index
    %swap3A_25 = tpu.vector_load %arg5[%swap3A_24] {strides = array<i32>} : memref<128xf32, #tpu.memory_space<vmem>>, vector<16xf32>,
    %swap3A_26 = vector.shape_cast %swap3A_25 : vector<16xf32> to vector<16xf32>
    %swap3A_27 = vector.shape_cast %broadcast_in_dim3A_23 : vector<16xf32> to vector<16xf32>
    tpu.vector_store %arg5[%swap3A_24], %swap3A_27 {strides = array<i32>} : memref<128xf32, #tpu.memory_space<vmem>>, vector<16xf32>,
    %broadcast_in_dim3A_28 = arith.constant 1.000000e+00 : f32
    %broadcast_in_dim3A_29 = vector.broadcast %broadcast_in_dim3A_28 : f32 to vector<16xf32>
    %swap3A_30 = arith.constant 64 : index
    %swap3A_31 = tpu.vector_load %arg5[%swap3A_30] {strides = array<i32>} : memref<128xf32, #tpu.memory_space<vmem>>, vector<16xf32>,
    %swap3A_32 = vector.shape_cast %swap3A_31 : vector<16xf32> to vector<16xf32>
    %swap3A_33 = vector.shape_cast %broadcast_in_dim3A_29 : vector<16xf32> to vector<16xf32>
    tpu.vector_store %arg5[%swap3A_30], %swap3A_33 {strides = array<i32>} : memref<128xf32, #tpu.memory_space<vmem>>, vector<16xf32>,
    %broadcast_in_dim3A_34 = arith.constant 1.000000e+00 : f32
    %broadcast_in_dim3A_35 = vector.broadcast %broadcast_in_dim3A_34 : f32 to vector<16xf32>
    %swap3A_36 = arith.constant 80 : index
    %swap3A_37 = tpu.vector_load %arg5[%swap3A_36] {strides = array<i32>} : memref<128xf32, #tpu.memory_space<vmem>>, vector<16xf32>,
    %swap3A_38 = vector.shape_cast %swap3A_37 : vector<16xf32> to vector<16xf32>
    %swap3A_39 = vector.shape_cast %broadcast_in_dim3A_35 : vector<16xf32> to vector<16xf32>
    tpu.vector_store %arg5[%swap3A_36], %swap3A_39 {strides = array<i32>} : memref<128xf32, #tpu.memory_space<vmem>>, vector<16xf32>,
    %broadcast_in_dim3A_40 = arith.constant 1.000000e+00 : f32
    %broadcast_in_dim3A_41 = vector.broadcast %broadcast_in_dim3A_40 : f32 to vector<16xf32>
    %swap3A_42 = arith.constant 96 : index
    %swap3A_43 = tpu.vector_load %arg5[%swap3A_42] {strides = array<i32>} : memref<128xf32, #tpu.memory_space<vmem>>, vector<16xf32>,
    %swap3A_44 = vector.shape_cast %swap3A_43 : vector<16xf32> to vector<16xf32>
    %swap3A_45 = vector.shape_cast %broadcast_in_dim3A_41 : vector<16xf32> to vector<16xf32>
    tpu.vector_store %arg5[%swap3A_42], %swap3A_45 {strides = array<i32>} : memref<128xf32, #tpu.memory_space<vmem>>, vector<16xf32>,
    %broadcast_in_dim3A_46 = arith.constant 1.000000e+00 : f32
    %broadcast_in_dim3A_47 = vector.broadcast %broadcast_in_dim3A_46 : f32 to vector<16xf32>
    %swap3A_48 = arith.constant 112 : index
    %swap3A_49 = tpu.vector_load %arg5[%swap3A_48] {strides = array<i32>} : memref<128xf32, #tpu.memory_space<vmem>>, vector<16xf32>,
    %swap3A_50 = vector.shape_cast %swap3A_49 : vector<16xf32> to vector<16xf32>
    %swap3A_51 = vector.shape_cast %broadcast_in_dim3A_47 : vector<16xf32> to vector<16xf32>
    tpu.vector_store %arg5[%swap3A_48], %swap3A_51 {strides = array<i32>} : memref<128xf32, #tpu.memory_space<vmem>>, vector<16xf32>,
    %mul3A_52 = arith.constant 5120 : i32
    %mul3A_53 = arith.muli %arg1, %mul3A_52 : i32
    "tpu.region"() ({
      %run_scoped3A = tpu.sem_alloc : memref<!tpu.dma_semaphore, #tpu.memory_space<semaphore_mem>>
      %dma_start3A = tpu.memref_slice %arg7[%mul3A_53] : memref<81920xf32, #tpu.memory_space<vmem_shared>> -> memref<5120xf32, #tpu.memory_space<vmem_shared>>
      %dma_start3A_68 = tpu.memref_slice %arg7[%mul3A_53] : memref<81920xf32, #tpu.memory_space<vmem_shared>> -> memref<5120xf32, #tpu.memory_space<vmem_shared>>
      tpu.enqueue_dma source(%arg6 : memref<5120xf32, #tpu.memory_space<vmem>>) target(%dma_start3A_68 : memref<5120xf32, #tpu.memory_space<vmem_shared>>) target_semaphore(%run_scoped3A : memref<!tpu.dma_semaphore, #tpu.memory_space<semaphore_mem>>)
      %dma_wait3A = tpu.memref_slice %arg7[%mul3A_53] : memref<81920xf32, #tpu.memory_space<vmem_shared>> -> memref<5120xf32, #tpu.memory_space<vmem_shared>>
      %dma_wait3A_69 = tpu.memref_slice %arg7[%mul3A_53] : memref<81920xf32, #tpu.memory_space<vmem_shared>> -> memref<5120xf32, #tpu.memory_space<vmem_shared>>
      tpu.wait_dma2 semaphore(%run_scoped3A : memref<!tpu.dma_semaphore, #tpu.memory_space<semaphore_mem>>) src(%arg6 : memref<5120xf32, #tpu.memory_space<vmem>>) dst(%dma_wait3A_69 : memref<5120xf32, #tpu.memory_space<vmem_shared>>)
      tpu.yield
    }) : () -> ()
    %barrier3A = arith.constant 0 : index
    tpu.barrier barrier_id(%barrier3A)
    "tpu.region"() ({
      %run_scoped3A = tpu.sem_alloc : memref<!tpu.dma_semaphore, #tpu.memory_space<semaphore_mem>>
      %dma_start3A = arith.constant 0 : i32
      %dma_start3A_68 = arith.constant 0 : i32
      %dma_start3A_69 = tpu.memref_slice %arg2[%add3A, %dma_start3A, %dma_start3A_68] : memref<32x79x128xi32, #tpu.memory_space<hbm>> -> memref<1x79x128xi32, #tpu.memory_space<hbm>>
      %dma_start3A_70 = tpu.memref_squeeze %dma_start3A_69 : memref<1x79x128xi32, #tpu.memory_space<hbm>> -> memref<79x128xi32, #tpu.memory_space<hbm>>
      %dma_start3A_71 = arith.constant 0 : i32
      %dma_start3A_72 = arith.constant 0 : i32
      %dma_start3A_73 = tpu.memref_slice %arg2[%add3A, %dma_start3A_71, %dma_start3A_72] : memref<32x79x128xi32, #tpu.memory_space<hbm>> -> memref<1x79x128xi32, #tpu.memory_space<hbm>>
      %dma_start3A_74 = tpu.memref_squeeze %dma_start3A_73 : memref<1x79x128xi32, #tpu.memory_space<hbm>> -> memref<79x128xi32, #tpu.memory_space<hbm>>
      tpu.enqueue_dma source(%dma_start3A_74 : memref<79x128xi32, #tpu.memory_space<hbm>>) target(%arg4 : memref<79x128xi32, #tpu.memory_space<vmem>>) target_semaphore(%run_scoped3A : memref<!tpu.dma_semaphore, #tpu.memory_space<semaphore_mem>>)
      %dma_wait3A = arith.constant 0 : i32
      %dma_wait3A_75 = arith.constant 0 : i32
      %dma_wait3A_76 = tpu.memref_slice %arg2[%add3A, %dma_wait3A, %dma_wait3A_75] : memref<32x79x128xi32, #tpu.memory_space<hbm>> -> memref<1x79x128xi32, #tpu.memory_space<hbm>>
      %dma_wait3A_77 = tpu.memref_squeeze %dma_wait3A_76 : memref<1x79x128xi32, #tpu.memory_space<hbm>> -> memref<79x128xi32, #tpu.memory_space<hbm>>
      %dma_wait3A_78 = arith.constant 0 : i32
      %dma_wait3A_79 = arith.constant 0 : i32
      %dma_wait3A_80 = tpu.memref_slice %arg2[%add3A, %dma_wait3A_78, %dma_wait3A_79] : memref<32x79x128xi32, #tpu.memory_space<hbm>> -> memref<1x79x128xi32, #tpu.memory_space<hbm>>
      %dma_wait3A_81 = tpu.memref_squeeze %dma_wait3A_80 : memref<1x79x128xi32, #tpu.memory_space<hbm>> -> memref<79x128xi32, #tpu.memory_space<hbm>>
      tpu.wait_dma2 semaphore(%run_scoped3A : memref<!tpu.dma_semaphore, #tpu.memory_space<semaphore_mem>>) src(%dma_wait3A_81 : memref<79x128xi32, #tpu.memory_space<hbm>>) dst(%arg4 : memref<79x128xi32, #tpu.memory_space<vmem>>)
      tpu.yield
    }) : () -> ()
    %scan3A_54 = arith.constant 0 : i32
    %scan3A_55 = arith.constant 0 : i32
    %scan3A_56 = arith.constant 79 : i32
    %scan3A_57 = arith.addi %scan3A_55, %scan3A_56 : i32
    %scan3A_58 = arith.constant 1 : i32
    scf.for %scan3A_68 = %scan3A_55 to %scan3A_57 step %scan3A_58  : i32 {
      "tpu.region"() ({
        %run_scoped3A = tpu.sem_alloc : memref<!tpu.dma_semaphore, #tpu.memory_space<semaphore_mem>>
        %dma_start3A = arith.constant 0 : i32
        %dma_start3A_69 = tpu.memref_slice %arg4[%scan3A_68, %dma_start3A] : memref<79x128xi32, #tpu.memory_space<vmem>> -> memref<1x128xi32, #tpu.memory_space<vmem>>
        %dma_start3A_70 = tpu.memref_squeeze %dma_start3A_69 : memref<1x128xi32, #tpu.memory_space<vmem>> -> memref<128xi32, #tpu.memory_space<vmem>>
        %dma_start3A_71 = arith.constant 0 : i32
        %dma_start3A_72 = tpu.memref_slice %arg7[%dma_start3A_71] : memref<81920xf32, #tpu.memory_space<vmem_shared>> -> memref<81920xf32, #tpu.memory_space<vmem_shared>>
        tpu.enqueue_indirect_dma source(%arg5 : memref<128xf32, #tpu.memory_space<vmem>>) target(%dma_start3A_72 : memref<81920xf32, #tpu.memory_space<vmem_shared>>) offsets(%dma_start3A_70 : memref<128xi32, #tpu.memory_space<vmem>>) semaphore(%run_scoped3A : memref<!tpu.dma_semaphore, #tpu.memory_space<semaphore_mem>>) {add = true}
        %dma_wait3A = arith.constant 0 : i32
        %dma_wait3A_73 = tpu.memref_slice %arg4[%scan3A_68, %dma_wait3A] : memref<79x128xi32, #tpu.memory_space<vmem>> -> memref<1x128xi32, #tpu.memory_space<vmem>>
        %dma_wait3A_74 = tpu.memref_squeeze %dma_wait3A_73 : memref<1x128xi32, #tpu.memory_space<vmem>> -> memref<128xi32, #tpu.memory_space<vmem>>
        %dma_wait3A_75 = arith.constant 0 : i32
        %dma_wait3A_76 = tpu.memref_slice %arg7[%dma_wait3A_75] : memref<81920xf32, #tpu.memory_space<vmem_shared>> -> memref<81920xf32, #tpu.memory_space<vmem_shared>>
        tpu.wait_indirect_dma semaphore(%run_scoped3A : memref<!tpu.dma_semaphore, #tpu.memory_space<semaphore_mem>>) src(%arg5 : memref<128xf32, #tpu.memory_space<vmem>>) dst(%dma_wait3A_76 : memref<81920xf32, #tpu.memory_space<vmem_shared>>)
        tpu.yield
      }) : () -> ()
    }
    %scan3A_59 = arith.constant 79 : i32
    %barrier3A_60 = arith.constant 0 : index
    tpu.barrier barrier_id(%barrier3A_60)
    %mul3A_61 = arith.constant 5120 : i32
    %mul3A_62 = arith.muli %arg1, %mul3A_61 : i32
    %mul3A_63 = arith.constant 81920 : i32
    %mul3A_64 = arith.muli %arg0, %mul3A_63 : i32
    %mul3A_65 = arith.constant 5120 : i32
    %mul3A_66 = arith.muli %arg1, %mul3A_65 : i32
    %add3A_67 = arith.addi %mul3A_64, %mul3A_66 : i32
    "tpu.region"() ({
      %run_scoped3A = tpu.sem_alloc : memref<!tpu.dma_semaphore, #tpu.memory_space<semaphore_mem>>
      %dma_start3A = tpu.memref_slice %arg3[%add3A_67] : memref<163840xf32, #tpu.memory_space<hbm>> -> memref<5120xf32, #tpu.memory_space<hbm>>
      %dma_start3A_68 = tpu.memref_slice %arg7[%mul3A_62] : memref<81920xf32, #tpu.memory_space<vmem_shared>> -> memref<5120xf32, #tpu.memory_space<vmem_shared>>
      tpu.enqueue_dma source(%dma_start3A_68 : memref<5120xf32, #tpu.memory_space<vmem_shared>>) target(%dma_start3A : memref<5120xf32, #tpu.memory_space<hbm>>) target_semaphore(%run_scoped3A : memref<!tpu.dma_semaphore, #tpu.memory_space<semaphore_mem>>)
      %dma_wait3A = tpu.memref_slice %arg3[%add3A_67] : memref<163840xf32, #tpu.memory_space<hbm>> -> memref<5120xf32, #tpu.memory_space<hbm>>
      %dma_wait3A_69 = tpu.memref_slice %arg7[%mul3A_62] : memref<81920xf32, #tpu.memory_space<vmem_shared>> -> memref<5120xf32, #tpu.memory_space<vmem_shared>>
      tpu.wait_dma2 semaphore(%run_scoped3A : memref<!tpu.dma_semaphore, #tpu.memory_space<semaphore_mem>>) src(%dma_wait3A_69 : memref<5120xf32, #tpu.memory_space<vmem_shared>>) dst(%dma_wait3A : memref<5120xf32, #tpu.memory_space<hbm>>)
      tpu.yield
    }) : () -> ()
    return
  }
}

module attributes {stable_mosaic.version = 14 : i64} {
  func.func @_prep_body(%arg0: i32, %arg1: memref<8x32000xf32, #tpu.memory_space<vmem>>, %arg2: memref<1x32000xi32, #tpu.memory_space<vmem>>, %arg3: memref<1x32000xi32, #tpu.memory_space<vmem>>, %arg4: memref<1x32000xi32, #tpu.memory_space<vmem>>, %arg5: memref<1x32000xi32, #tpu.memory_space<vmem>>) attributes {dimension_semantics = [#tpu.dimension_semantics<arbitrary>], iteration_bounds = array<i64: 10>, scalar_prefetch = 0 : i64, scratch_operands = 0 : i64, tpu.core_type = #tpu.core_type<tc>, window_params = [{transform_indices = @transform_0, window_bounds = array<i64: 8, 32000>}, {transform_indices = @transform_1, window_bounds = array<i64: 1, 32000>}, {transform_indices = @transform_2, window_bounds = array<i64: 1, 32000>}, {transform_indices = @transform_3, window_bounds = array<i64: 1, 32000>}, {transform_indices = @transform_4, window_bounds = array<i64: 1, 32000>}]} {
    %get3A = arith.constant 0 : index
    %get3A_0 = arith.constant 0 : index
    %get3A_1 = vector.load %arg1[%get3A, %get3A_0] : memref<8x32000xf32, #tpu.memory_space<vmem>>, vector<8x32000xf32>
    %reduce_max3A = arith.constant dense<0xFF800000> : vector<32000xf32>
    %reduce_max3A_2 = vector.multi_reduction <maximumf>, %get3A_1, %reduce_max3A [0] : vector<8x32000xf32> to vector<32000xf32>
    %broadcast_in_dim3A = vector.shape_cast %reduce_max3A_2 : vector<32000xf32> to vector<1x32000xf32>
    %iota3A = tpu.iota {dimensions = array<i32: 0>} : vector<8x32000xi32>
    %eq3A = vector.broadcast %broadcast_in_dim3A : vector<1x32000xf32> to vector<8x32000xf32>
    %eq3A_3 = arith.cmpf oeq, %get3A_1, %eq3A : vector<8x32000xf32>
    %jit3A = arith.constant 8 : i32
    %broadcast_in_dim3A_4 = vector.broadcast %jit3A : i32 to vector<8x32000xi32>
    %select_n3A = arith.select %eq3A_3, %iota3A, %broadcast_in_dim3A_4 : vector<8x32000xi1>, vector<8x32000xi32>
    %reduce_min3A = arith.constant dense<2147483647> : vector<32000xi32>
    %reduce_min3A_5 = vector.multi_reduction <minsi>, %select_n3A, %reduce_min3A [0] : vector<8x32000xi32> to vector<32000xi32>
    %broadcast_in_dim3A_6 = vector.shape_cast %reduce_min3A_5 : vector<32000xi32> to vector<1x32000xi32>
    %mul3A = arith.constant 10000 : i32
    %mul3A_7 = vector.broadcast %mul3A : i32 to vector<1x32000xi32>
    %mul3A_8 = arith.muli %broadcast_in_dim3A_6, %mul3A_7 : vector<1x32000xi32>
    %get3A_9 = arith.constant 0 : index
    %get3A_10 = arith.constant 0 : index
    %get3A_11 = vector.load %arg2[%get3A_9, %get3A_10] : memref<1x32000xi32, #tpu.memory_space<vmem>>, vector<1x32000xi32>
    %add3A = arith.addi %mul3A_8, %get3A_11 : vector<1x32000xi32>
    %swap3A = arith.constant 0 : index
    %swap3A_12 = arith.constant 0 : index
    %swap3A_13 = vector.load %arg4[%swap3A, %swap3A_12] : memref<1x32000xi32, #tpu.memory_space<vmem>>, vector<1x32000xi32>
    tpu.vector_store %arg4[%swap3A, %swap3A_12], %add3A {strides = array<i32>} : memref<1x32000xi32, #tpu.memory_space<vmem>>, vector<1x32000xi32>,
    %mul3A_14 = arith.constant 10000 : i32
    %mul3A_15 = vector.broadcast %mul3A_14 : i32 to vector<1x32000xi32>
    %mul3A_16 = arith.muli %broadcast_in_dim3A_6, %mul3A_15 : vector<1x32000xi32>
    %get3A_17 = arith.constant 0 : index
    %get3A_18 = arith.constant 0 : index
    %get3A_19 = vector.load %arg3[%get3A_17, %get3A_18] : memref<1x32000xi32, #tpu.memory_space<vmem>>, vector<1x32000xi32>
    %add3A_20 = arith.addi %mul3A_16, %get3A_19 : vector<1x32000xi32>
    %swap3A_21 = arith.constant 0 : index
    %swap3A_22 = arith.constant 0 : index
    %swap3A_23 = vector.load %arg5[%swap3A_21, %swap3A_22] : memref<1x32000xi32, #tpu.memory_space<vmem>>, vector<1x32000xi32>
    tpu.vector_store %arg5[%swap3A_21, %swap3A_22], %add3A_20 {strides = array<i32>} : memref<1x32000xi32, #tpu.memory_space<vmem>>, vector<1x32000xi32>,
    return
  }
  func.func @transform_0(%arg0: i32) -> (i32, i32) {
    %c0_i32 = arith.constant 0 : i32
    %c0_i32_0 = arith.constant 0 : i32
    return %c0_i32, %arg0 : i32, i32
  }
  func.func @transform_1(%arg0: i32) -> (i32, i32) {
    %c0_i32 = arith.constant 0 : i32
    %c0_i32_0 = arith.constant 0 : i32
    return %c0_i32, %arg0 : i32, i32
  }
  func.func @transform_2(%arg0: i32) -> (i32, i32) {
    %c0_i32 = arith.constant 0 : i32
    %c0_i32_0 = arith.constant 0 : i32
    return %c0_i32, %arg0 : i32, i32
  }
  func.func @transform_3(%arg0: i32) -> (i32, i32) {
    %c0_i32 = arith.constant 0 : i32
    %c0_i32_0 = arith.constant 0 : i32
    return %c0_i32, %arg0 : i32, i32
  }
  func.func @transform_4(%arg0: i32) -> (i32, i32) {
    %c0_i32 = arith.constant 0 : i32
    %c0_i32_0 = arith.constant 0 : i32
    return %c0_i32, %arg0 : i32, i32
  }
}

module attributes {stable_mosaic.version = 14 : i64} {
  func.func @_mm_body(%arg0: i32, %arg1: i32, %arg2: memref<400x128xf32, #tpu.memory_space<vmem>>, %arg3: memref<1x128x128xf32, #tpu.memory_space<vmem>>, %arg4: memref<1x400x128xf32, #tpu.memory_space<vmem>>) attributes {dimension_semantics = [#tpu.dimension_semantics<arbitrary>, #tpu.dimension_semantics<arbitrary>], iteration_bounds = array<i64: 9, 25>, scalar_prefetch = 0 : i64, scratch_operands = 0 : i64, tpu.core_type = #tpu.core_type<tc>, window_params = [{transform_indices = @transform_0, window_bounds = array<i64: 400, 128>}, {transform_indices = @transform_1, window_bounds = array<i64: 1, 128, 128>}, {transform_indices = @transform_2, window_bounds = array<i64: 1, 400, 128>}]} {
    %get3A = arith.constant 0 : index
    %get3A_0 = arith.constant 0 : index
    %get3A_1 = vector.load %arg2[%get3A, %get3A_0] : memref<400x128xf32, #tpu.memory_space<vmem>>, vector<400x128xf32>
    %get3A_2 = arith.constant 0 : index
    %get3A_3 = arith.constant 0 : index
    %get3A_4 = arith.constant 0 : index
    %get3A_5 = vector.load %arg3[%get3A_2, %get3A_3, %get3A_4] : memref<1x128x128xf32, #tpu.memory_space<vmem>>, vector<1x128x128xf32>
    %get3A_6 = vector.shape_cast %get3A_5 : vector<1x128x128xf32> to vector<128x128xf32>
    %dot_general3A = arith.constant dense<0.000000e+00> : vector<400x128xf32>
    %dot_general3A_7 = tpu.matmul %get3A_1, %get3A_6, %dot_general3A {dimension_numbers = #tpu.dot_dimension_numbers<[1], [0], [0], [1], [0, 0, 1, 1], [], []>, transpose_lhs_hint = false} : vector<400x128xf32>, vector<128x128xf32>, vector<400x128xf32> -> vector<400x128xf32>
    %swap3A = arith.constant 0 : index
    %swap3A_8 = arith.constant 0 : index
    %swap3A_9 = arith.constant 0 : index
    %swap3A_10 = vector.load %arg4[%swap3A, %swap3A_8, %swap3A_9] : memref<1x400x128xf32, #tpu.memory_space<vmem>>, vector<1x400x128xf32>
    %swap3A_11 = vector.shape_cast %swap3A_10 : vector<1x400x128xf32> to vector<400x128xf32>
    %swap3A_12 = vector.shape_cast %dot_general3A_7 : vector<400x128xf32> to vector<1x400x128xf32>
    tpu.vector_store %arg4[%swap3A, %swap3A_8, %swap3A_9], %swap3A_12 {strides = array<i32>} : memref<1x400x128xf32, #tpu.memory_space<vmem>>, vector<1x400x128xf32>,
    return
  }
  func.func @transform_0(%arg0: i32, %arg1: i32) -> (i32, i32) {
    %c0_i32 = arith.constant 0 : i32
    %c0_i32_0 = arith.constant 0 : i32
    return %arg1, %c0_i32 : i32, i32
  }
  func.func @transform_1(%arg0: i32, %arg1: i32) -> (i32, i32, i32) {
    %c0_i32 = arith.constant 0 : i32
    %c0_i32_0 = arith.constant 0 : i32
    %c0_i32_1 = arith.constant 0 : i32
    return %arg0, %c0_i32, %c0_i32_0 : i32, i32, i32
  }
  func.func @transform_2(%arg0: i32, %arg1: i32) -> (i32, i32, i32) {
    %c0_i32 = arith.constant 0 : i32
    %c0_i32_0 = arith.constant 0 : i32
    return %arg0, %arg1, %c0_i32 : i32, i32, i32
  }
}

module attributes {stable_mosaic.version = 14 : i64} {
  func.func @_comb_body(%arg0: i32, %arg1: memref<2x400x128xf32, #tpu.memory_space<vmem>>, %arg2: memref<1x400x128xf32, #tpu.memory_space<vmem>>, %arg3: memref<1x128xf32, #tpu.memory_space<vmem>>, %arg4: memref<400x128xf32, #tpu.memory_space<vmem>>) attributes {dimension_semantics = [#tpu.dimension_semantics<arbitrary>], iteration_bounds = array<i64: 25>, scalar_prefetch = 0 : i64, scratch_operands = 0 : i64, tpu.core_type = #tpu.core_type<tc>, window_params = [{transform_indices = @transform_0, window_bounds = array<i64: 2, 400, 128>}, {transform_indices = @transform_1, window_bounds = array<i64: 1, 400, 128>}, {pipeline_mode = #tpu.pipeline_mode<synchronous>, transform_indices = @transform_2, window_bounds = array<i64: 1, 128>}, {transform_indices = @transform_3, window_bounds = array<i64: 400, 128>}]} {
    %get3A = arith.constant 0 : index
    %get3A_0 = arith.constant 0 : index
    %get3A_1 = arith.constant 0 : index
    %get3A_2 = vector.load %arg1[%get3A, %get3A_0, %get3A_1] : memref<2x400x128xf32, #tpu.memory_space<vmem>>, vector<1x400x128xf32>
    %get3A_3 = vector.shape_cast %get3A_2 : vector<1x400x128xf32> to vector<400x128xf32>
    %get3A_4 = arith.constant 1 : index
    %get3A_5 = arith.constant 0 : index
    %get3A_6 = arith.constant 0 : index
    %get3A_7 = vector.load %arg1[%get3A_4, %get3A_5, %get3A_6] : memref<2x400x128xf32, #tpu.memory_space<vmem>>, vector<1x400x128xf32>
    %get3A_8 = vector.shape_cast %get3A_7 : vector<1x400x128xf32> to vector<400x128xf32>
    %add3A = arith.addf %get3A_3, %get3A_8 : vector<400x128xf32>
    %get3A_9 = arith.constant 0 : index
    %get3A_10 = arith.constant 0 : index
    %get3A_11 = arith.constant 0 : index
    %get3A_12 = vector.load %arg2[%get3A_9, %get3A_10, %get3A_11] : memref<1x400x128xf32, #tpu.memory_space<vmem>>, vector<1x400x128xf32>
    %get3A_13 = vector.shape_cast %get3A_12 : vector<1x400x128xf32> to vector<400x128xf32>
    %add3A_14 = arith.addf %add3A, %get3A_13 : vector<400x128xf32>
    %get3A_15 = arith.constant 0 : index
    %get3A_16 = arith.constant 0 : index
    %get3A_17 = vector.load %arg3[%get3A_15, %get3A_16] : memref<1x128xf32, #tpu.memory_space<vmem>>, vector<1x128xf32>
    %add3A_18 = vector.broadcast %get3A_17 : vector<1x128xf32> to vector<400x128xf32>
    %add3A_19 = arith.addf %add3A_14, %add3A_18 : vector<400x128xf32>
    %max3A = arith.constant 0.000000e+00 : f32
    %max3A_20 = vector.broadcast %max3A : f32 to vector<400x128xf32>
    %max3A_21 = arith.maximumf %add3A_19, %max3A_20 : vector<400x128xf32>
    %swap3A = arith.constant 0 : index
    %swap3A_22 = arith.constant 0 : index
    %swap3A_23 = vector.load %arg4[%swap3A, %swap3A_22] : memref<400x128xf32, #tpu.memory_space<vmem>>, vector<400x128xf32>
    tpu.vector_store %arg4[%swap3A, %swap3A_22], %max3A_21 {strides = array<i32>} : memref<400x128xf32, #tpu.memory_space<vmem>>, vector<400x128xf32>,
    return
  }
  func.func @transform_0(%arg0: i32) -> (i32, i32, i32) {
    %c0_i32 = arith.constant 0 : i32
    %c0_i32_0 = arith.constant 0 : i32
    %c0_i32_1 = arith.constant 0 : i32
    return %c0_i32, %arg0, %c0_i32_0 : i32, i32, i32
  }
  func.func @transform_1(%arg0: i32) -> (i32, i32, i32) {
    %c8_i32 = arith.constant 8 : i32
    %c0_i32 = arith.constant 0 : i32
    %c0_i32_0 = arith.constant 0 : i32
    return %c8_i32, %arg0, %c0_i32 : i32, i32, i32
  }
  func.func @transform_2(%arg0: i32) -> (i32, i32) {
    %c0_i32 = arith.constant 0 : i32
    %c0_i32_0 = arith.constant 0 : i32
    %c0_i32_1 = arith.constant 0 : i32
    return %c0_i32, %c0_i32_0 : i32, i32
  }
  func.func @transform_3(%arg0: i32) -> (i32, i32) {
    %c0_i32 = arith.constant 0 : i32
    %c0_i32_0 = arith.constant 0 : i32
    return %arg0, %c0_i32 : i32, i32
  }
}

module attributes {stable_mosaic.version = 14 : i64} {
  func.func @_comb_body(%arg0: i32, %arg1: memref<2x400x128xf32, #tpu.memory_space<vmem>>, %arg2: memref<1x400x128xf32, #tpu.memory_space<vmem>>, %arg3: memref<1x128xf32, #tpu.memory_space<vmem>>, %arg4: memref<400x128xf32, #tpu.memory_space<vmem>>) attributes {dimension_semantics = [#tpu.dimension_semantics<arbitrary>], iteration_bounds = array<i64: 25>, scalar_prefetch = 0 : i64, scratch_operands = 0 : i64, tpu.core_type = #tpu.core_type<tc>, window_params = [{transform_indices = @transform_0, window_bounds = array<i64: 2, 400, 128>}, {transform_indices = @transform_1, window_bounds = array<i64: 1, 400, 128>}, {pipeline_mode = #tpu.pipeline_mode<synchronous>, transform_indices = @transform_2, window_bounds = array<i64: 1, 128>}, {transform_indices = @transform_3, window_bounds = array<i64: 400, 128>}]} {
    %get3A = arith.constant 0 : index
    %get3A_0 = arith.constant 0 : index
    %get3A_1 = arith.constant 0 : index
    %get3A_2 = vector.load %arg1[%get3A, %get3A_0, %get3A_1] : memref<2x400x128xf32, #tpu.memory_space<vmem>>, vector<1x400x128xf32>
    %get3A_3 = vector.shape_cast %get3A_2 : vector<1x400x128xf32> to vector<400x128xf32>
    %get3A_4 = arith.constant 1 : index
    %get3A_5 = arith.constant 0 : index
    %get3A_6 = arith.constant 0 : index
    %get3A_7 = vector.load %arg1[%get3A_4, %get3A_5, %get3A_6] : memref<2x400x128xf32, #tpu.memory_space<vmem>>, vector<1x400x128xf32>
    %get3A_8 = vector.shape_cast %get3A_7 : vector<1x400x128xf32> to vector<400x128xf32>
    %add3A = arith.addf %get3A_3, %get3A_8 : vector<400x128xf32>
    %get3A_9 = arith.constant 0 : index
    %get3A_10 = arith.constant 0 : index
    %get3A_11 = arith.constant 0 : index
    %get3A_12 = vector.load %arg2[%get3A_9, %get3A_10, %get3A_11] : memref<1x400x128xf32, #tpu.memory_space<vmem>>, vector<1x400x128xf32>
    %get3A_13 = vector.shape_cast %get3A_12 : vector<1x400x128xf32> to vector<400x128xf32>
    %add3A_14 = arith.addf %add3A, %get3A_13 : vector<400x128xf32>
    %get3A_15 = arith.constant 0 : index
    %get3A_16 = arith.constant 0 : index
    %get3A_17 = vector.load %arg3[%get3A_15, %get3A_16] : memref<1x128xf32, #tpu.memory_space<vmem>>, vector<1x128xf32>
    %add3A_18 = vector.broadcast %get3A_17 : vector<1x128xf32> to vector<400x128xf32>
    %add3A_19 = arith.addf %add3A_14, %add3A_18 : vector<400x128xf32>
    %swap3A = arith.constant 0 : index
    %swap3A_20 = arith.constant 0 : index
    %swap3A_21 = vector.load %arg4[%swap3A, %swap3A_20] : memref<400x128xf32, #tpu.memory_space<vmem>>, vector<400x128xf32>
    tpu.vector_store %arg4[%swap3A, %swap3A_20], %add3A_19 {strides = array<i32>} : memref<400x128xf32, #tpu.memory_space<vmem>>, vector<400x128xf32>,
    return
  }
  func.func @transform_0(%arg0: i32) -> (i32, i32, i32) {
    %c0_i32 = arith.constant 0 : i32
    %c0_i32_0 = arith.constant 0 : i32
    %c0_i32_1 = arith.constant 0 : i32
    return %c0_i32, %arg0, %c0_i32_0 : i32, i32, i32
  }
  func.func @transform_1(%arg0: i32) -> (i32, i32, i32) {
    %c8_i32 = arith.constant 8 : i32
    %c0_i32 = arith.constant 0 : i32
    %c0_i32_0 = arith.constant 0 : i32
    return %c8_i32, %arg0, %c0_i32 : i32, i32, i32
  }
  func.func @transform_2(%arg0: i32) -> (i32, i32) {
    %c0_i32 = arith.constant 0 : i32
    %c0_i32_0 = arith.constant 0 : i32
    %c0_i32_1 = arith.constant 0 : i32
    return %c0_i32, %c0_i32_0 : i32, i32
  }
  func.func @transform_3(%arg0: i32) -> (i32, i32) {
    %c0_i32 = arith.constant 0 : i32
    %c0_i32_0 = arith.constant 0 : i32
    return %arg0, %c0_i32 : i32, i32
  }
}

</mosaic_0001>

<sc_bundles>
// kernel: _run.11.cloned.1.call-start
scs
__scs_entry_jumppad:
0x0: {  	(pc) =	sbr.rel $0x88, $3  }
0x1: {  	(tag) =	ssettag $0x0;
	lr =	simm.s32 $0x1  }
0x2: {  	[smem:$0x3F98] =	sst lr;
	_ =	strace $0xD0000000  }
0x3: {  	_ = 	snop  }
0x4: {  	_ = 	snop  }
0x5: {  	_ = 	snop  }
0x6: {  	_ = 	snop  }
0x7: {  	_ = 	snop  }
__scs_overlays_trampoline_lowered:
0x8: {  	[smem:$0x3FA7] =	sst s0  }
0x9: {  	[smem:$0x3FA8] =	sst s1  }
0xa: {  	[smem:$0x3FA9] =	sst s2  }
0xb: {  	[smem:$0x3FAA] =	sst s3  }
0xc: {  	[smem:$0x3FAB] =	sst s4  }
0xd: {  	[smem:$0x3FAC] =	sst s5  }
0xe: {  	[smem:$0x3FAD] =	sst s6  }
0xf: {  	[smem:$0x3FAE] =	sst s7  }
0x10: {  	[smem:$0x3FAF] =	sst s8  }
0x11: {  	[smem:$0x3FB0] =	sst s9;
	s0 =	simm.s32 @!p0 $0x0  }
0x12: {  	s1 =	sld [smem:$0x3F96];
	s0 =	simm.s32 @p0 $0x1  }
0x13: {  	[smem:$0x3FB1] =	sst s0;
	s0 =	simm.s32 @!p1 $0x0  }
0x14: {  	s2 =	sld [smem:$0x3F95];
	s0 =	simm.s32 @p1 $0x1  }
0x15: {  	[smem:$0x3FB2] =	sst s0;
	s0 =	simm.s32 @!p2 $0x0  }
0x16: {  	s3 =	sld [smem:$0x3FDB];
	s0 =	simm.s32 @p2 $0x1  }
0x17: {  	s4 =	simm.s32 $0x1BF5;
	[smem:$0x3FB4] =	sst s0  }
0x18: {  	s0 =	sld [smem:$0x3F97];
	_ =	swait.ge [sflag:s4], $0x0  }
0x19: {  	s7 =	sld [smem:$0x3F98]  }
0x1a: {  	s8 =	sadd.s32 $0xFFFFE003, lr  }
0x1b: {  	s9 =	sadd.s32 $0xFFFFFEF7, lr;
	s5 =	simm.s32 $0xFFFFFFFF;
	p2 =	slt.u32 s8, $0xFFFFF086  }
0x1c: {  	p1 =	slt.u32 s9, $0xF7A;
	s5 =	simm.s32 @!p2 $0x0  }
0x1d: {  	s5 =	simm.s32 @p1 $0x1;
	p0 =	seq.s32 s7, s2  }
0x1e: {  	s7 =	smul.u32 @!p0 $0xF7A, s2;
	p2 =	seq.s32 @!p0 s5, $0x0  }
0x1f: {  	s9 =	smul.u32 $0xF7A, s1;
	s8 =	simm.s32 @!p0 $0x1BF5;
	p2 =	por !p2, p0  }
0x20: {  	[sflag:s8] =	ssyncset.s32 @!p0 $0xFFFFF086;
	s6 =	sadd.s32 @!p0 s3, s7;
	s7 =	simm.s32 @!p0 $0x108  }
0x21: {  	s3 =	sadd.s32 s3, s9;
	s6 =	sadd.s32 @!p0 $0x88, s6;
	s7 =	simm.s32 @p2 $0x1082  }
0x22: {  	[simem:s7], [sflag:s8] =	dma.local @!p0 [hbm:s6], $0xF7A  }
0x23: {  	s9 =	sor.u32 $0xD0000000, s2;
	s6 =	simm.s32 $0x108;
	_ =	swait.ge @!p0 [sflag:s8], $0x0  }
0x24: {  	s3 =	sadd.s32 $0x88, s3;
	s6 =	simm.s32 @!p1 $0x1082;
	[sflag:s4] =	ssyncset.s32 $0xFFFFF086  }
0x25: {  	[simem:s6], [sflag:s4] =	dma.local [hbm:s3], $0xF7A  }
0x26: {  	[smem:$0x3F98] =	sst s1;
	(tag) =	ssettag s2;
	_ =	strace s9  }
0x27: {  	s1 =	sld [smem:$0x3FA8]  }
0x28: {  	s2 =	sld [smem:$0x3FA9]  }
0x29: {  	s4 =	sld [smem:$0x3FAB]  }
0x2a: {  	p0 =	seq.s32 s5, $0x0;
	s5 =	sld [smem:$0x3FAC]  }
0x2b: {  	s6 =	sld [smem:$0x3FAD]  }
0x2c: {  	s7 =	sld [smem:$0x3FAE]  }
0x2d: {  	s3 =	simm.s32 $0x108;
	s8 =	sld [smem:$0x3FAF]  }
0x2e: {  	s3 =	simm.s32 @!p0 $0x1082;
	s9 =	sld [smem:$0x3FB0]  }
0x2f: {  	lr =	sadd.s32 s0, s3;
	s0 =	sld [smem:$0x3FA7]  }
0x30: {  	s3 =	sld [smem:$0x3FAA]  }
0x31: {  	[smem:$0x3FB3] =	sst s10  }
0x32: {  	s10 =	sld [smem:$0x3FB1];
	_ =	sdelay $0x3  }
0x33: {  	p0 =	seq.s32 s10, $0x1;
	s10 =	sld [smem:$0x3FB3];
	_ =	sdelay $0x3  }
0x34: {  	[smem:$0x3FB3] =	sst s10  }
0x35: {  	s10 =	sld [smem:$0x3FB2];
	_ =	sdelay $0x3  }
0x36: {  	p1 =	seq.s32 s10, $0x1;
	s10 =	sld [smem:$0x3FB3];
	_ =	sdelay $0x3  }
0x37: {  	[smem:$0x3FB3] =	sst s10  }
0x38: {  	s10 =	sld [smem:$0x3FB4]  }
0x39: {  	_ = 	snop;
	(pc) =	sbr.ind lr, $3  }
0x3a: {  	_ = 	snop  }
0x3b: {  	_ = 	snop  }
0x3c: {  	p2 =	seq.s32 s10, $0x1;
	s10 =	sld [smem:$0x3FB3]  }
0x3d: {  	_ =	shalt  }
0x3e: {  	_ =	shalt  }
0x3f: {  	_ =	shalt  }
0x40: {  	_ =	shalt  }
0x41: {  	_ =	shalt  }
0x42: {  	_ =	shalt  }
0x43: {  	_ =	shalt  }
0x44: {  	_ =	shalt  }
0x45: {  	_ =	shalt  }
0x46: {  	_ =	shalt  }
0x47: {  	_ =	shalt  }
0x48: {  	_ =	shalt  }
0x49: {  	_ =	shalt  }
0x4a: {  	_ =	shalt  }
0x4b: {  	_ =	shalt  }
0x4c: {  	_ =	shalt  }
0x4d: {  	_ =	shalt  }
0x4e: {  	_ =	shalt  }
0x4f: {  	_ =	shalt  }
0x50: {  	_ =	shalt  }
0x51: {  	_ =	shalt  }
0x52: {  	_ =	shalt  }
0x53: {  	_ =	shalt  }
0x54: {  	_ =	shalt  }
0x55: {  	_ =	shalt  }
0x56: {  	_ =	shalt  }
0x57: {  	_ =	shalt  }
0x58: {  	_ =	shalt  }
0x59: {  	_ =	shalt  }
0x5a: {  	_ =	shalt  }
0x5b: {  	_ =	shalt  }
0x5c: {  	_ =	shalt  }
0x5d: {  	_ =	shalt  }
0x5e: {  	_ =	shalt  }
0x5f: {  	_ =	shalt  }
0x60: {  	_ =	shalt  }
0x61: {  	_ =	shalt  }
0x62: {  	_ =	shalt  }
0x63: {  	_ =	shalt  }
0x64: {  	_ =	shalt  }
0x65: {  	_ =	shalt  }
0x66: {  	_ =	shalt  }
0x67: {  	_ =	shalt  }
0x68: {  	_ =	shalt  }
0x69: {  	_ =	shalt  }
0x6a: {  	_ =	shalt  }
0x6b: {  	_ =	shalt  }
0x6c: {  	_ =	shalt  }
0x6d: {  	_ =	shalt  }
0x6e: {  	_ =	shalt  }
0x6f: {  	_ =	shalt  }
0x70: {  	_ =	shalt  }
0x71: {  	_ =	shalt  }
0x72: {  	_ =	shalt  }
0x73: {  	_ =	shalt  }
0x74: {  	_ =	shalt  }
0x75: {  	_ =	shalt  }
0x76: {  	_ =	shalt  }
0x77: {  	_ =	shalt  }
0x78: {  	_ =	shalt  }
0x79: {  	_ =	shalt  }
0x7a: {  	_ =	shalt  }
0x7b: {  	_ =	shalt  }
0x7c: {  	_ =	shalt  }
0x7d: {  	_ =	shalt  }
0x7e: {  	_ =	shalt  }
0x7f: {  	_ =	shalt  }
0x80: {  	_ =	shalt  }
0x81: {  	_ =	shalt  }
0x82: {  	_ =	shalt  }
0x83: {  	_ =	shalt  }
0x84: {  	_ =	shalt  }
0x85: {  	_ =	shalt  }
0x86: {  	_ =	shalt  }
0x87: {  	_ =	shalt  }
.Lfunc_end0:
.L_simem_size_0:
called_computation_lowered:
.L_overlay_start_0:
0x88: {  	s2 =	sld [smem:$0x3FD9]  }
0x89: {  	s3 =	sld [smem:$0x3FFE];
	_ =	sdelay $0x1  }
0x8a: {  	s1 =	srdreg.scid  }
0x8b: {  	s0 =	sand.u32 $0x1, s1  }
0x8c: {  	s17 =	sshll.u32 s0, $0xA;
	s2 =	sadd.s32 s3, s2  }
0x8d: {  	s2 =	sadd.s32 s2, s17  }
0x8e: {  	[smem:$0x3FBF] =	sst s2  }
0x8f: {  	_ = 	snop  }
0x90: {  	s2 =	sld [smem:$0x3FD0];
	(tm) =	ssettm $0x1  }
0x91: {  	s18 =	sld [smem:$0x3FFB];
	_ =	sdelay $0x3  }
0x92: {  	_ =	strace s18  }
0x93: {  	s3 =	sld [smem:$0x3FFC];
	_ =	sdelay $0x3  }
0x94: {  	_ =	strace s3  }
0x95: {  	s3 =	sld [smem:$0x3FFD];
	_ =	sdelay $0x3  }
0x96: {  	_ =	strace s3  }
0x97: {  	_ =	strace $0x8FFFFFFF  }
0x98: {  	s19 =	sld [smem:$0x3FDB];
	_ =	sdelay $0x1  }
0x99: {  	s4 =	simm.s32 $_scs_section_size  }
0x9a: {  	s5 =	simm.s32 $_size__tile_overlayer_lowered;
	s6 =	simm.s32 $_tile_overlayer_lowered  }
0x9b: {  	s22 =	simm.s32 $0x1BFF;
	s21 =	sshll.u32 s6, $0x1;
	s3 =	sadd.s32 s4, s19  }
0x9c: {  	s7 =	simm.s32 $0x0;
	s20 =	sshll.u32 s5, $0x1;
	s5 =	sadd.s32 s21, s3  }
0x9d: {  	[timem:s7], [sflag:s22] =	dma.local [hbm:s5], s20  }
0x9e: {  	_ =	swait.ge [sflag:s22], s20  }
0x9f: {  	s4 =	ssub.s32 $0x0, s20;
	[sflag:s22] =	ssyncset.done $0x0  }
0xa0: {  	[sflag:s22] =	ssyncadd.s32 s4;
	_ =	sdelay $0x1  }
0xa1: {  	s23 =	simm.s32 $0x1B8B  }
0xa2: {  	_ =	swait.ge [sflag:s23], $0x1  }
0xa3: {  	[sflag:s23] =	ssyncset.done $0x0  }
0xa4: {  	s25 =	simm.s32 $0x1B8E;
	s24 =	sld [smem:$0x3FFE];
	[sflag:s23] =	ssyncadd.s32 $0xFFFFFFFF  }
0xa5: {  	s26 =	simm.s32 $execute0_lowered;
	[smem:$0x3FD2] =	sst s25  }
0xa6: {  	s5 =	sshll.u32 s26, $0x1;
	_ =	strace $0x80000046;
	[dreg:$0x1] =	wrdreg $0xFFFFFFFF  }
0xa7: {  	s28 =	simm.s32 $_size_execute0_lowered;
	s3 =	sadd.s32 s3, s5;
	[dreg:$0x0] =	wrdreg $0x0  }
0xa8: {  	s5 =	sshll.u32 s28, $0x1;
	[dreg:$0x2] =	wrdreg s3  }
0xa9: {  	[dreg:$0x3] =	wrdreg s5  }
0xaa: {  	[dreg:$0x4] =	wrdreg $0xC0  }
0xab: {  	_ =	task [dreg:s7], $0x5FFFF  }
0xac: {  	[dreg:$0x1] =	wrdreg $0xFFFFFFFF  }
0xad: {  	[dreg:$0x0] =	wrdreg $0x60  }
0xae: {  	[dreg:$0x2] =	wrdreg s24  }
0xaf: {  	[dreg:$0x3] =	wrdreg s2  }
0xb0: {  	[dreg:$0x4] =	wrdreg $0x3C800  }
0xb1: {  	[dreg:$0x5] =	wrdreg $0x9  }
0xb2: {  	_ =	task.clear_ibuf [dreg:s7], $0x6FFFF;
	_ =	strace $0x90000046  }
0xb3: {  	s29 =	simm.s32 $0x9;
	_ =	strace $0x80000048  }
0xb4: {  	_ =	swait.ge [sflag:s29], $0x1  }
0xb5: {  	[sflag:s29] =	ssyncadd.s32 $0xFFFFFFFF  }
0xb6: {  	_ =	strace $0x90000048  }
0xb7: {  	_ =	sfence  }
0xb8: {  	s30 =	sld [smem:$0x0];
	_ =	sdelay $0x2  }
0xb9: {  	s31 =	sshll.u32 s1, $0xD;
	s1 =	sshrl.u32 s1, $0x2  }
0xba: {  	s3 =	sand.u32 $0x4000, s31;
	s1 =	sadd.s32 s1, s30  }
0xbb: {  	s0 =	sor.u32 s3, s0;
	s1 =	sshll.u32 s1, $0x11  }
0xbc: {  	s0 =	sor.u32 s1, s0  }
0xbd: {  	s0 =	sadd.s32 $0x8F2B, s0  }
0xbe: {  	[sflag:s0] =	ssyncadd.remote.s32 $0x1  }
0xbf: {  	_ =	sfence.sel $0xFFFF  }
0xc0: {  	[dreg:$0x0] =	wrdreg $0xFFFFFFFF;
	(pc) =	sbr.abs _section_cstart, $3  }
0xc1: {  	[dreg:$0x1] =	wrdreg $0xFFFFFFFF  }
0xc2: {  	_ =	task.clear_ibuf [dreg:s7], $0x2FFFF;
	_ =	strace $0x9FFFFFFF  }
0xc3: {  	(tm) =	ssettm $0x7FFFFFFF  }
tec
execute0_lowered:
.L_overlay_start_1:
0x0: {  	(tag) =	ssettag $0x1  }
0x1: {  	s5 =	rddreg [dreg:$0x0]  }
0x2: {  	s6 =	rddreg [dreg:$0x1]  }
0x3: {  	s0 =	srdreg.scid;
	s2 =	rddreg [dreg:$0x2];
	s3 =	simm.s32 $0x0  }
0x4: {  	s11 =	simm.s32 $0x2800;
	s4 =	sand.u32 $0x1, s0;
	s0 =	stileid.u32  }
0x5: {  	[smem:$0x7FF] =	sst s3;
	s1 =	sshll.u32 s4, $0x4;
	s8 =	smul.u32 $0x1400, s0  }
0x6: {  	s9 =	ssub.s32 $0x2, s4;
	s4 =	smul.u32 $0x14000, s4;
	s12 =	sshll.u32 s0, $0x6  }
0x7: {  	s1 =	sor.u32 s0, s1;
	s10 =	sshrl.u32 s9, $0x1;
	s12 =	sor.u32 $0x1C01, s12  }
0x8: {  	s7 =	smul.u32 $0x500, s1;
	s1 =	rddreg [dreg:$0x3];
	_ =	strace $0x80000047  }
0x9: {  	s29 =	ssub.s32 s9, s10;
	s30 =	sadd.s32 s8, s4;
	s4 =	sadd.s32 s8, s2  }
0xa: {  	s8 =	simm.s32 $0x2880;
	s9 =	simm.s32 $0x1;
	s10 =	simm.s32 $0x80  }
0xb: {  	s31 =	sshrl.u32 s30, $0x3;
	s13 =	sshrl.u32 s4, $0x3;
	s5 =	sadd.s32 s7, s5  }
0xc: {  	v0 =	vimm.f32 $0.0e+00;
	v1 =	vimm.f32 $1.000000000e+00;
	s6 =	sadd.s32 s6, s31;
	s7 =	smax.u32 s29, $0x1;
	s5 =	sadd.s32 $0x1E00, s5  }
.LBB2_1:
0xd: {  	s14 =	simm.s32 $0x40;
	s15 =	simm.s32 $0x0  }
.LBB2_2:
0xe: {  	p0 =	sne.s32 s14, $0x4FC0;
	[tilespmem:s15+$0x2880] =	vst v0;
	s15 =	smov.u32 s14;
	s14 =	sadd.s32 $0x40, s14  }
.Ltmp0:
0xf: {  	(pc) =	sbr.rel @p0 .LBB2_2-.Ltmp0, $2  }
0x10: {  	_ =	sdelay $0x2  }
0x11: {  	s15 =	sshra.s32 s15, $0x2  }
0x12: {  	[tilespmem:s15+$0x2880] =	vst v0  }
0x13: {  	[tilespmem:$0x2800] =	vst v1  }
0x14: {  	[tilespmem:$0x2810] =	vst v1  }
0x15: {  	[tilespmem:$0x2820] =	vst v1  }
0x16: {  	[tilespmem:$0x2830] =	vst v1  }
0x17: {  	[tilespmem:$0x2840] =	vst v1  }
0x18: {  	[tilespmem:$0x2850] =	vst v1  }
0x19: {  	[tilespmem:$0x2860] =	vst v1  }
0x1a: {  	[tilespmem:$0x2870] =	vst v1  }
0x1b: {  	[spmem:s4] =	stream.linear.scatter [tilespmem:s8], [sflag:$0x1], $0x1400, $0x38;
	[tilespmem:$0x5080] =	vst v63  }
0x1c: {  	_ =	swait.ge [sflag:s9], $0x1400  }
0x1d: {  	[sflag:s9] =	ssyncset.done $0x0  }
0x1e: {  	[sflag:s9] =	ssyncadd.s32 $0xFFFFEC00  }
0x1f: {  	s14 =	simm.s32 $0x0;
	[bflag:$0x0] =	sbarrier.arrive $0xFFFF  }
0x20: {  	[tilespmem:s14], [sflag:$0x1] =	stream.linear.gather [hbm4b:s5+s14], $0x2780, $0x38;
	[tilespmem:$0x5080] =	vst v63  }
0x21: {  	_ =	swait.ge [sflag:s9], $0x2780  }
0x22: {  	[sflag:s9] =	ssyncset.done $0x0  }
0x23: {  	s31 =	simm.s32 $0x0;
	[sflag:s9] =	ssyncadd.s32 $0xFFFFD880  }
0x24: {  	[spmem:s2] =	stream.indirect.scatter.add.f32 [tilespmem:s11], [sflag:$0x1], $0x1, s31, s10, $0xb8;
	[tilespmem:$0x5080] =	vst v63  }
0x25: {  	_ =	swait.ge [sflag:s9], $0x80  }
0x26: {  	s14 =	simm.s32 $0x200;
	[sflag:s9] =	ssyncset.done $0x0  }
.LBB2_4:
0x27: {  	s15 =	sshra.s32 s14, $0x2;
	[sflag:s9] =	ssyncadd.s32 $0xFFFFFF80;
	p0 =	sne.s32 s14, $0x9C00  }
0x28: {  	[spmem:s2] =	stream.indirect.scatter.add.f32 [tilespmem:s11], [sflag:$0x1], $0x1, s15, s10, $0xb8;
	[tilespmem:$0x5080] =	vst v63  }
.Ltmp1:
0x29: {  	_ = 	snop;
	(pc) =	sbr.rel @p0 .LBB2_4-.Ltmp1, $4  }
0x2a: {  	_ = 	snop  }
0x2b: {  	s14 =	sadd.s32 $0x200, s14  }
0x2c: {  	_ =	swait.ge [sflag:s9], $0x80  }
0x2d: {  	[sflag:s9] =	ssyncset.done $0x0  }
0x2e: {  	s3 =	sadd.s32 $0x1, s3  }
0x2f: {  	[sflag:s9] =	ssyncadd.s32 $0xFFFFFF80;
	p0 =	sne.s32 s3, s7  }
.Ltmp2:
0x30: {  	[bflag:$0x0] =	sbarrier.arrive $0xFFFF;
	(pc) =	sbr.rel @p0 .LBB2_1-.Ltmp2, $4  }
0x31: {  	[hbm:s6], [sflag:s12] =	dma.local [spmem:s13], $0x280  }
0x32: {  	_ =	swait.ge [sflag:s9], $0x280  }
0x33: {  	[sflag:s9] =	ssyncset.done $0x0  }
0x34: {  	[sflag:s9] =	ssyncadd.s32 $0xFFFFFD80  }
0x35: {  	_ =	sfence.sel $0x180000  }
0x36: {  	[bflag:$0x0] =	sbarrier.arrive $0xFFFF  }
0x37: {  	p0 =	sne.s32 s0, $0x0;
	_ =	strace $0x90000047  }
0x38: {  	s0 =	sadd.s32 @!p0 $0x100000, s1;
	[bflag:$0x2] =	sbarrier.arrive $0xFFFF  }
0x39: {  	[sflag:s0] =	ssyncadd.tile.s32 @!p0 $0x1;
	_ =	shalt  }
.Lfunc_end2:
_tile_overlayer_lowered:
.L_overlay_start_2:
0x3a: {  	(tag) =	ssettag $0x2  }
0x3b: {  	s0 =	rddreg [dreg:$0x0];
	s2 =	stileid.u32  }
0x3c: {  	s1 =	rddreg [dreg:$0x1];
	p0 =	sne.s32 s2, $0x0  }
0x3d: {  	s3 =	rddreg [dreg:$0x2];
	[bflag:$0x3] =	sbarrier.arrive $0xFFFF;
	s2 =	simm.s32 @!p0 $0x1C01  }
0x3e: {  	[timem:s3], [sflag:s2] =	dma.local @!p0 [hbm:s0], s1  }
0x3f: {  	s0 =	simm.s32 @!p0 $0x1  }
0x40: {  	_ =	swait.ge @!p0 [sflag:s0], s1  }
0x41: {  	s1 =	ssub.s32 @!p0 $0x0, s1;
	[sflag:s0] =	ssyncset.done @!p0 $0x0  }
0x42: {  	[sflag:s0] =	ssyncadd.s32 @!p0 s1  }
0x43: {  	[bflag:$0x3] =	sbarrier.arrive $0xFFFF  }
0x44: {  	_ =	shalt  }

// kernel: _run.14.cloned.1.call-start
scs
__scs_entry_jumppad:
0x0: {  	(pc) =	sbr.rel $0x88, $3  }
0x1: {  	(tag) =	ssettag $0x0;
	lr =	simm.s32 $0x1  }
0x2: {  	[smem:$0x3F98] =	sst lr;
	_ =	strace $0xD0000000  }
0x3: {  	_ = 	snop  }
0x4: {  	_ = 	snop  }
0x5: {  	_ = 	snop  }
0x6: {  	_ = 	snop  }
0x7: {  	_ = 	snop  }
__scs_overlays_trampoline_lowered:
0x8: {  	[smem:$0x3FA7] =	sst s0  }
0x9: {  	[smem:$0x3FA8] =	sst s1  }
0xa: {  	[smem:$0x3FA9] =	sst s2  }
0xb: {  	[smem:$0x3FAA] =	sst s3  }
0xc: {  	[smem:$0x3FAB] =	sst s4  }
0xd: {  	[smem:$0x3FAC] =	sst s5  }
0xe: {  	[smem:$0x3FAD] =	sst s6  }
0xf: {  	[smem:$0x3FAE] =	sst s7  }
0x10: {  	[smem:$0x3FAF] =	sst s8  }
0x11: {  	[smem:$0x3FB0] =	sst s9;
	s0 =	simm.s32 @!p0 $0x0  }
0x12: {  	s1 =	sld [smem:$0x3F96];
	s0 =	simm.s32 @p0 $0x1  }
0x13: {  	[smem:$0x3FB1] =	sst s0;
	s0 =	simm.s32 @!p1 $0x0  }
0x14: {  	s2 =	sld [smem:$0x3F95];
	s0 =	simm.s32 @p1 $0x1  }
0x15: {  	[smem:$0x3FB2] =	sst s0;
	s0 =	simm.s32 @!p2 $0x0  }
0x16: {  	s3 =	sld [smem:$0x3FDB];
	s0 =	simm.s32 @p2 $0x1  }
0x17: {  	s4 =	simm.s32 $0x1BF5;
	[smem:$0x3FB4] =	sst s0  }
0x18: {  	s0 =	sld [smem:$0x3F97];
	_ =	swait.ge [sflag:s4], $0x0  }
0x19: {  	s7 =	sld [smem:$0x3F98]  }
0x1a: {  	s8 =	sadd.s32 $0xFFFFE003, lr  }
0x1b: {  	s9 =	sadd.s32 $0xFFFFFEF7, lr;
	s5 =	simm.s32 $0xFFFFFFFF;
	p2 =	slt.u32 s8, $0xFFFFF086  }
0x1c: {  	p1 =	slt.u32 s9, $0xF7A;
	s5 =	simm.s32 @!p2 $0x0  }
0x1d: {  	s5 =	simm.s32 @p1 $0x1;
	p0 =	seq.s32 s7, s2  }
0x1e: {  	s7 =	smul.u32 @!p0 $0xF7A, s2;
	p2 =	seq.s32 @!p0 s5, $0x0  }
0x1f: {  	s9 =	smul.u32 $0xF7A, s1;
	s8 =	simm.s32 @!p0 $0x1BF5;
	p2 =	por !p2, p0  }
0x20: {  	[sflag:s8] =	ssyncset.s32 @!p0 $0xFFFFF086;
	s6 =	sadd.s32 @!p0 s3, s7;
	s7 =	simm.s32 @!p0 $0x108  }
0x21: {  	s3 =	sadd.s32 s3, s9;
	s6 =	sadd.s32 @!p0 $0x88, s6;
	s7 =	simm.s32 @p2 $0x1082  }
0x22: {  	[simem:s7], [sflag:s8] =	dma.local @!p0 [hbm:s6], $0xF7A  }
0x23: {  	s9 =	sor.u32 $0xD0000000, s2;
	s6 =	simm.s32 $0x108;
	_ =	swait.ge @!p0 [sflag:s8], $0x0  }
0x24: {  	s3 =	sadd.s32 $0x88, s3;
	s6 =	simm.s32 @!p1 $0x1082;
	[sflag:s4] =	ssyncset.s32 $0xFFFFF086  }
0x25: {  	[simem:s6], [sflag:s4] =	dma.local [hbm:s3], $0xF7A  }
0x26: {  	[smem:$0x3F98] =	sst s1;
	(tag) =	ssettag s2;
	_ =	strace s9  }
0x27: {  	s1 =	sld [smem:$0x3FA8]  }
0x28: {  	s2 =	sld [smem:$0x3FA9]  }
0x29: {  	s4 =	sld [smem:$0x3FAB]  }
0x2a: {  	p0 =	seq.s32 s5, $0x0;
	s5 =	sld [smem:$0x3FAC]  }
0x2b: {  	s6 =	sld [smem:$0x3FAD]  }
0x2c: {  	s7 =	sld [smem:$0x3FAE]  }
0x2d: {  	s3 =	simm.s32 $0x108;
	s8 =	sld [smem:$0x3FAF]  }
0x2e: {  	s3 =	simm.s32 @!p0 $0x1082;
	s9 =	sld [smem:$0x3FB0]  }
0x2f: {  	lr =	sadd.s32 s0, s3;
	s0 =	sld [smem:$0x3FA7]  }
0x30: {  	s3 =	sld [smem:$0x3FAA]  }
0x31: {  	[smem:$0x3FB3] =	sst s10  }
0x32: {  	s10 =	sld [smem:$0x3FB1];
	_ =	sdelay $0x3  }
0x33: {  	p0 =	seq.s32 s10, $0x1;
	s10 =	sld [smem:$0x3FB3];
	_ =	sdelay $0x3  }
0x34: {  	[smem:$0x3FB3] =	sst s10  }
0x35: {  	s10 =	sld [smem:$0x3FB2];
	_ =	sdelay $0x3  }
0x36: {  	p1 =	seq.s32 s10, $0x1;
	s10 =	sld [smem:$0x3FB3];
	_ =	sdelay $0x3  }
0x37: {  	[smem:$0x3FB3] =	sst s10  }
0x38: {  	s10 =	sld [smem:$0x3FB4]  }
0x39: {  	_ = 	snop;
	(pc) =	sbr.ind lr, $3  }
0x3a: {  	_ = 	snop  }
0x3b: {  	_ = 	snop  }
0x3c: {  	p2 =	seq.s32 s10, $0x1;
	s10 =	sld [smem:$0x3FB3]  }
0x3d: {  	_ =	shalt  }
0x3e: {  	_ =	shalt  }
0x3f: {  	_ =	shalt  }
0x40: {  	_ =	shalt  }
0x41: {  	_ =	shalt  }
0x42: {  	_ =	shalt  }
0x43: {  	_ =	shalt  }
0x44: {  	_ =	shalt  }
0x45: {  	_ =	shalt  }
0x46: {  	_ =	shalt  }
0x47: {  	_ =	shalt  }
0x48: {  	_ =	shalt  }
0x49: {  	_ =	shalt  }
0x4a: {  	_ =	shalt  }
0x4b: {  	_ =	shalt  }
0x4c: {  	_ =	shalt  }
0x4d: {  	_ =	shalt  }
0x4e: {  	_ =	shalt  }
0x4f: {  	_ =	shalt  }
0x50: {  	_ =	shalt  }
0x51: {  	_ =	shalt  }
0x52: {  	_ =	shalt  }
0x53: {  	_ =	shalt  }
0x54: {  	_ =	shalt  }
0x55: {  	_ =	shalt  }
0x56: {  	_ =	shalt  }
0x57: {  	_ =	shalt  }
0x58: {  	_ =	shalt  }
0x59: {  	_ =	shalt  }
0x5a: {  	_ =	shalt  }
0x5b: {  	_ =	shalt  }
0x5c: {  	_ =	shalt  }
0x5d: {  	_ =	shalt  }
0x5e: {  	_ =	shalt  }
0x5f: {  	_ =	shalt  }
0x60: {  	_ =	shalt  }
0x61: {  	_ =	shalt  }
0x62: {  	_ =	shalt  }
0x63: {  	_ =	shalt  }
0x64: {  	_ =	shalt  }
0x65: {  	_ =	shalt  }
0x66: {  	_ =	shalt  }
0x67: {  	_ =	shalt  }
0x68: {  	_ =	shalt  }
0x69: {  	_ =	shalt  }
0x6a: {  	_ =	shalt  }
0x6b: {  	_ =	shalt  }
0x6c: {  	_ =	shalt  }
0x6d: {  	_ =	shalt  }
0x6e: {  	_ =	shalt  }
0x6f: {  	_ =	shalt  }
0x70: {  	_ =	shalt  }
0x71: {  	_ =	shalt  }
0x72: {  	_ =	shalt  }
0x73: {  	_ =	shalt  }
0x74: {  	_ =	shalt  }
0x75: {  	_ =	shalt  }
0x76: {  	_ =	shalt  }
0x77: {  	_ =	shalt  }
0x78: {  	_ =	shalt  }
0x79: {  	_ =	shalt  }
0x7a: {  	_ =	shalt  }
0x7b: {  	_ =	shalt  }
0x7c: {  	_ =	shalt  }
0x7d: {  	_ =	shalt  }
0x7e: {  	_ =	shalt  }
0x7f: {  	_ =	shalt  }
0x80: {  	_ =	shalt  }
0x81: {  	_ =	shalt  }
0x82: {  	_ =	shalt  }
0x83: {  	_ =	shalt  }
0x84: {  	_ =	shalt  }
0x85: {  	_ =	shalt  }
0x86: {  	_ =	shalt  }
0x87: {  	_ =	shalt  }
.Lfunc_end0:
.L_simem_size_0:
called_computation.1_lowered:
.L_overlay_start_0:
0x88: {  	s2 =	sld [smem:$0x3FD9]  }
0x89: {  	s3 =	sld [smem:$0x3FFE];
	_ =	sdelay $0x1  }
0x8a: {  	s1 =	srdreg.scid  }
0x8b: {  	s0 =	sand.u32 $0x1, s1  }
0x8c: {  	s16 =	sshll.u32 s0, $0xA;
	s2 =	sadd.s32 s3, s2  }
0x8d: {  	s2 =	sadd.s32 s2, s16  }
0x8e: {  	[smem:$0x3FBF] =	sst s2  }
0x8f: {  	_ = 	snop  }
0x90: {  	(tm) =	ssettm $0x1  }
0x91: {  	s17 =	sld [smem:$0x3FFB];
	_ =	sdelay $0x3  }
0x92: {  	_ =	strace s17  }
0x93: {  	s2 =	sld [smem:$0x3FFC];
	_ =	sdelay $0x3  }
0x94: {  	_ =	strace s2  }
0x95: {  	s2 =	sld [smem:$0x3FFD];
	_ =	sdelay $0x3  }
0x96: {  	_ =	strace s2  }
0x97: {  	_ =	strace $0x8FFFFFFF  }
0x98: {  	s18 =	sld [smem:$0x3FDB];
	_ =	sdelay $0x1  }
0x99: {  	s19 =	simm.s32 $_scs_section_size  }
0x9a: {  	s4 =	simm.s32 $_size__tile_overlayer_lowered;
	s5 =	simm.s32 $_tile_overlayer_lowered  }
0x9b: {  	s22 =	simm.s32 $0x1BFF;
	s21 =	sshll.u32 s5, $0x1;
	s2 =	sadd.s32 s19, s18  }
0x9c: {  	s6 =	simm.s32 $0x0;
	s20 =	sshll.u32 s4, $0x1;
	s4 =	sadd.s32 s21, s2  }
0x9d: {  	[timem:s6], [sflag:s22] =	dma.local [hbm:s4], s20  }
0x9e: {  	_ =	swait.ge [sflag:s22], s20  }
0x9f: {  	s3 =	ssub.s32 $0x0, s20;
	[sflag:s22] =	ssyncset.done $0x0  }
0xa0: {  	[sflag:s22] =	ssyncadd.s32 s3;
	_ =	sdelay $0x1  }
0xa1: {  	s23 =	simm.s32 $0x1B8B  }
0xa2: {  	_ =	swait.ge [sflag:s23], $0x1  }
0xa3: {  	[sflag:s23] =	ssyncset.done $0x0  }
0xa4: {  	s25 =	simm.s32 $0x1B8E;
	s24 =	sld [smem:$0x3FFE];
	[sflag:s23] =	ssyncadd.s32 $0xFFFFFFFF  }
0xa5: {  	s26 =	simm.s32 $execute0_lowered;
	[smem:$0x3FD2] =	sst s25  }
0xa6: {  	s4 =	sshll.u32 s26, $0x1;
	_ =	strace $0x80000049;
	[dreg:$0x1] =	wrdreg $0xFFFFFFFF  }
0xa7: {  	s28 =	simm.s32 $_size_execute0_lowered;
	s2 =	sadd.s32 s2, s4;
	[dreg:$0x0] =	wrdreg $0x0  }
0xa8: {  	s4 =	sshll.u32 s28, $0x1;
	[dreg:$0x2] =	wrdreg s2  }
0xa9: {  	[dreg:$0x3] =	wrdreg s4  }
0xaa: {  	[dreg:$0x4] =	wrdreg $0xC0  }
0xab: {  	_ =	task [dreg:s6], $0x5FFFF  }
0xac: {  	[dreg:$0x1] =	wrdreg $0xFFFFFFFF  }
0xad: {  	[dreg:$0x0] =	wrdreg $0x60  }
0xae: {  	[dreg:$0x2] =	wrdreg s24  }
0xaf: {  	[dreg:$0x3] =	wrdreg $0x9  }
0xb0: {  	_ =	task.clear_ibuf [dreg:s6], $0x4FFFF;
	_ =	strace $0x90000049  }
0xb1: {  	s29 =	simm.s32 $0x9;
	_ =	strace $0x8000004B  }
0xb2: {  	_ =	swait.ge [sflag:s29], $0x1  }
0xb3: {  	[sflag:s29] =	ssyncadd.s32 $0xFFFFFFFF  }
0xb4: {  	_ =	strace $0x9000004B  }
0xb5: {  	_ =	sfence  }
0xb6: {  	s30 =	sld [smem:$0x0];
	_ =	sdelay $0x2  }
0xb7: {  	s31 =	sshll.u32 s1, $0xD;
	s1 =	sshrl.u32 s1, $0x2  }
0xb8: {  	s3 =	sand.u32 $0x4000, s31;
	s1 =	sadd.s32 s1, s30  }
0xb9: {  	s0 =	sor.u32 s3, s0;
	s1 =	sshll.u32 s1, $0x11  }
0xba: {  	s0 =	sor.u32 s1, s0  }
0xbb: {  	s0 =	sadd.s32 $0x8F2B, s0  }
0xbc: {  	[sflag:s0] =	ssyncadd.remote.s32 $0x1  }
0xbd: {  	_ =	sfence.sel $0xFFFF  }
0xbe: {  	[dreg:$0x0] =	wrdreg $0xFFFFFFFF;
	(pc) =	sbr.abs _section_cstart, $3  }
0xbf: {  	[dreg:$0x1] =	wrdreg $0xFFFFFFFF  }
0xc0: {  	_ =	task.clear_ibuf [dreg:s6], $0x2FFFF;
	_ =	strace $0x9FFFFFFF  }
0xc1: {  	(tm) =	ssettm $0x7FFFFFFF  }
tec
execute0_lowered:
.L_overlay_start_1:
0x0: {  	(tag) =	ssettag $0x1  }
0x1: {  	s0 =	srdreg.scid  }
0x2: {  	s1 =	rddreg [dreg:$0x0];
	s4 =	stileid.u32;
	s2 =	simm.s32 $0x0  }
0x3: {  	s8 =	simm.s32 $0x2;
	s9 =	simm.s32 $0x80;
	s14 =	simm.s32 $0x100  }
0x4: {  	s17 =	simm.s32 $0x180;
	s20 =	simm.s32 $0x200;
	s22 =	simm.s32 $0x5200  }
0x5: {  	s23 =	simm.s32 $0x280;
	s24 =	simm.s32 $0x2A80;
	s25 =	simm.s32 $0x5280  }
0x6: {  	s26 =	simm.s32 $0x300;
	s28 =	simm.s32 $0x2B00;
	s29 =	simm.s32 $0x5300  }
0x7: {  	s30 =	simm.s32 $0x380;
	s31 =	simm.s32 $0x2B80;
	s0 =	sand.u32 $0x1, s0  }
0x8: {  	s10 =	simm.s32 $0x7800;
	s11 =	simm.s32 $0x0;
	s3 =	sshll.u32 s0, $0x4  }
0x9: {  	[smem:$0x7FF] =	sst s2;
	s0 =	ssub.s32 $0x2, s0;
	s3 =	sor.u32 s4, s3  }
0xa: {  	_ =	strace $0x8000004A;
	s6 =	sshrl.u32 s0, $0x1;
	s5 =	smul.u32 $0x500, s3  }
0xb: {  	s4 =	sadd.s32 $0xBE00, s1;
	s3 =	sadd.s32 $0xE600, s1;
	s0 =	ssub.s32 s0, s6  }
0xc: {  	s7 =	smax.u32 s0, $0x1;
	s0 =	simm.s32 $0x5380;
	s1 =	sadd.s32 s5, s1  }
0xd: {  	s5 =	sadd.s32 $0x1E00, s1;
	s6 =	sadd.s32 $0x10E00, s1;
	s1 =	simm.s32 $0x1  }
.LBB2_1:
0xe: {  	[tilespmem:s2], [sflag:$0x2] =	stream.linear.gather [hbm4b:s5+s2], $0x2780, $0x38;
	[tilespmem:$0xA000] =	vst v63  }
0xf: {  	_ =	swait.ge [sflag:s8], $0x2780  }
0x10: {  	[sflag:s8] =	ssyncset.done $0x0  }
0x11: {  	s12 =	simm.s32 $0x2800;
	[sflag:s8] =	ssyncadd.s32 $0xFFFFD880  }
0x12: {  	[tilespmem:s12], [sflag:$0x1] =	stream.indirect.gather [hbm4b:s3+s9], $0x1, s2, s9, $0xb8;
	[tilespmem:$0xA000] =	vst v63  }
0x13: {  	s19 =	simm.s32 $0x5000  }
0x14: {  	[tilespmem:s19], [sflag:$0x1] =	stream.indirect.gather [hbm4b:s4+s9], $0x1, s2, s9, $0xb8;
	[tilespmem:$0xA000] =	vst v63  }
0x15: {  	s21 =	simm.s32 $0x2880  }
0x16: {  	[tilespmem:s21], [sflag:$0x1] =	stream.indirect.gather [hbm4b:s3+s9], $0x1, s9, s9, $0xb8;
	[tilespmem:$0xA000] =	vst v63  }
0x17: {  	s13 =	simm.s32 $0x5080  }
0x18: {  	[tilespmem:s13], [sflag:$0x1] =	stream.indirect.gather [hbm4b:s4+s9], $0x1, s9, s9, $0xb8;
	[tilespmem:$0xA000] =	vst v63  }
0x19: {  	s15 =	simm.s32 $0x2900  }
0x1a: {  	[tilespmem:s15], [sflag:$0x1] =	stream.indirect.gather [hbm4b:s3+s9], $0x1, s14, s9, $0xb8;
	[tilespmem:$0xA000] =	vst v63  }
0x1b: {  	s16 =	simm.s32 $0x5100  }
0x1c: {  	[tilespmem:s16], [sflag:$0x1] =	stream.indirect.gather [hbm4b:s4+s9], $0x1, s14, s9, $0xb8;
	[tilespmem:$0xA000] =	vst v63  }
0x1d: {  	s18 =	simm.s32 $0x2980  }
0x1e: {  	[tilespmem:s18], [sflag:$0x1] =	stream.indirect.gather [hbm4b:s3+s9], $0x1, s17, s9, $0xb8;
	[tilespmem:$0xA000] =	vst v63  }
0x1f: {  	s19 =	simm.s32 $0x5180  }
0x20: {  	[tilespmem:s19], [sflag:$0x1] =	stream.indirect.gather [hbm4b:s4+s9], $0x1, s17, s9, $0xb8;
	[tilespmem:$0xA000] =	vst v63  }
0x21: {  	s21 =	simm.s32 $0x2A00  }
0x22: {  	[tilespmem:s21], [sflag:$0x1] =	stream.indirect.gather [hbm4b:s3+s9], $0x1, s20, s9, $0xb8;
	[tilespmem:$0xA000] =	vst v63  }
0x23: {  	_ = 	snop  }
0x24: {  	[tilespmem:s22], [sflag:$0x1] =	stream.indirect.gather [hbm4b:s4+s9], $0x1, s20, s9, $0xb8;
	[tilespmem:$0xA000] =	vst v63  }
0x25: {  	_ = 	snop  }
0x26: {  	[tilespmem:s24], [sflag:$0x1] =	stream.indirect.gather [hbm4b:s3+s9], $0x1, s23, s9, $0xb8;
	[tilespmem:$0xA000] =	vst v63  }
0x27: {  	_ = 	snop  }
0x28: {  	[tilespmem:s25], [sflag:$0x1] =	stream.indirect.gather [hbm4b:s4+s9], $0x1, s23, s9, $0xb8;
	[tilespmem:$0xA000] =	vst v63  }
0x29: {  	_ = 	snop  }
0x2a: {  	[tilespmem:s28], [sflag:$0x1] =	stream.indirect.gather [hbm4b:s3+s9], $0x1, s26, s9, $0xb8;
	[tilespmem:$0xA000] =	vst v63  }
0x2b: {  	_ = 	snop  }
0x2c: {  	[tilespmem:s29], [sflag:$0x1] =	stream.indirect.gather [hbm4b:s4+s9], $0x1, s26, s9, $0xb8;
	[tilespmem:$0xA000] =	vst v63  }
0x2d: {  	_ = 	snop  }
0x2e: {  	[tilespmem:s31], [sflag:$0x1] =	stream.indirect.gather [hbm4b:s3+s9], $0x1, s30, s9, $0xb8;
	[tilespmem:$0xA000] =	vst v63  }
0x2f: {  	_ = 	snop  }
0x30: {  	[tilespmem:s0], [sflag:$0x1] =	stream.indirect.gather [hbm4b:s4+s9], $0x1, s30, s9, $0xb8;
	[tilespmem:$0xA000] =	vst v63  }
0x31: {  	_ =	swait.ge [sflag:s1], $0x80  }
0x32: {  	[sflag:s1] =	ssyncset.done $0x0  }
0x33: {  	[sflag:s1] =	ssyncadd.s32 $0xFFFFFF80  }
0x34: {  	p0 =	por $0x0, $0x0;
	_ =	swait.ge [sflag:s1], $0x80  }
0x35: {  	s12 =	simm.s32 @!p0 $0x80;
	[sflag:s1] =	ssyncset.done $0x0  }
0x36: {  	s13 =	simm.s32 @!p0 $0x2C00;
	s15 =	simm.s32 @!p0 $0x400;
	[sflag:s1] =	ssyncadd.s32 $0xFFFFFF80  }
0x37: {  	[tilespmem:s13], [sflag:$0x1] =	stream.indirect.gather @!p0 [hbm4b:s3+s12], $0x1, s15, s12, $0xb8;
	[tilespmem:$0xA000] =	vst v63  }
0x38: {  	s13 =	simm.s32 @!p0 $0x5400  }
0x39: {  	[tilespmem:s13], [sflag:$0x1] =	stream.indirect.gather @!p0 [hbm4b:s4+s12], $0x1, s15, s12, $0xb8;
	[tilespmem:$0xA000] =	vst v63  }
0x3a: {  	s12 =	simm.s32 $0x0  }
0x3b: {  	v1 =	vld [tilespmem:s12+$0x5050]  }
0x3c: {  	v3 =	vld [tilespmem:s12+$0x5060]  }
0x3d: {  	v2 =	vld [tilespmem:s12+$0x5030]  }
0x3e: {  	v4 =	vld [tilespmem:s12+$0x5020]  }
0x3f: {  	v9 =	vld [tilespmem:s12+$0x5040]  }
0x40: {  	v10 =	vld [tilespmem:s12+$0x2840]  }
0x41: {  	v0 =	vld [tilespmem:s12+$0x2870]  }
0x42: {  	v7 =	vld [tilespmem:s12+$0x2860]  }
0x43: {  	v5 =	vld [tilespmem:s12+$0x2830]  }
0x44: {  	v6 =	vld [tilespmem:s12+$0x2850]  }
0x45: {  	s13 =	simm.s32 $0x200;
	s15 =	simm.s32 $0x0;
	v8 =	vld [tilespmem:s12+$0x2820];
	v9 =	vadd.f32 v9, v10  }
.LBB2_2:
0x46: {  	v10 =	vld [tilespmem:s12+$0x2810];
	s15 =	sadd.s32 $0x1, s15;
	s16 =	smov.u32 s13;
	s13 =	sadd.s32 $0x200, s13  }
0x47: {  	p0 =	sne.s32 s13, $0x9E00;
	v11 =	vld [tilespmem:s12+$0x5010];
	v9 =	vmax.f32 v9, $1.000000000e+00  }
0x48: {  	v12 =	vld [tilespmem:s12+$0x2800];
	(erf) = vrcp.f32 v9  }
0x49: {  	v3 =	vadd.f32 v3, v7;
	v2 =	vadd.f32 v2, v5;
	v9 =	vld [tilespmem:s12+$0x5000]  }
0x4a: {  	v1 =	vadd.f32 v1, v6;
	v4 =	vadd.f32 v4, v8;
	v5 =	vld [tilespmem:s12+$0x5070]  }
0x4b: {  	v3 =	vmax.f32 v3, $1.000000000e+00;
	v2 =	vmax.f32 v2, $1.000000000e+00  }
0x4c: {  	v6 =	vadd.f32 v11, v10;
	v4 =	vmax.f32 v4, $1.000000000e+00;
	(erf) = vrcp.f32 v3  }
0x4d: {  	v1 =	vmax.f32 v1, $1.000000000e+00;
	(erf) = vrcp.f32 v4  }
0x4e: {  	v3 =	vadd.f32 v9, v12;
	v4 =	vmax.f32 v6, $1.000000000e+00;
	(erf) = vrcp.f32 v1  }
0x4f: {  	v0 =	vadd.f32 v5, v0;
	(erf) = vrcp.f32 v4  }
0x50: {  	v3 =	vmax.f32 v3, $1.000000000e+00;
	(erf) = vrcp.f32 v2  }
0x51: {  	v0 =	vmax.f32 v0, $1.000000000e+00;
	(erf) = vrcp.f32 v3;
	v1 =	vpop (erf)  }
0x52: {  	[tilespmem:s12+$0x7840] =	vst v1;
	(erf) = vrcp.f32 v0;
	_ =	sdelay $0x2  }
0x53: {  	v0 =	vpop (erf)  }
0x54: {  	[tilespmem:s12+$0x7860] =	vst v0;
	v0 =	vpop (erf)  }
0x55: {  	[tilespmem:s12+$0x7820] =	vst v0;
	v0 =	vpop (erf)  }
0x56: {  	[tilespmem:s12+$0x7850] =	vst v0;
	v0 =	vpop (erf)  }
0x57: {  	[tilespmem:s12+$0x7810] =	vst v0;
	v0 =	vpop (erf)  }
0x58: {  	[tilespmem:s12+$0x7830] =	vst v0;
	v0 =	vpop (erf)  }
0x59: {  	[tilespmem:s12+$0x7800] =	vst v0;
	v0 =	vpop (erf)  }
0x5a: {  	[tilespmem:s12+$0x7870] =	vst v0  }
0x5b: {  	_ =	swait.ge [sflag:s1], $0x80  }
0x5c: {  	[sflag:s1] =	ssyncset.done $0x0  }
0x5d: {  	[sflag:s1] =	ssyncadd.s32 $0xFFFFFF80  }
0x5e: {  	p1 =	sgt.u32 s15, $0x46;
	_ =	swait.ge [sflag:s1], $0x80  }
0x5f: {  	s18 =	simm.s32 @!p1 $0x80;
	s12 =	sshra.s32 @!p1 s16, $0x2;
	[sflag:s1] =	ssyncset.done $0x0  }
0x60: {  	s19 =	sadd.s32 @!p1 $0x2C00, s12;
	s21 =	sadd.s32 @!p1 $0x400, s12;
	[sflag:s1] =	ssyncadd.s32 $0xFFFFFF80  }
0x61: {  	[tilespmem:s19], [sflag:$0x1] =	stream.indirect.gather @!p1 [hbm4b:s3+s18], $0x1, s21, s18, $0xb8;
	[tilespmem:$0xA000] =	vst v63  }
0x62: {  	s19 =	sadd.s32 @!p1 $0x5400, s12;
	s12 =	sshra.s32 s16, $0x2  }
0x63: {  	[tilespmem:s19], [sflag:$0x1] =	stream.indirect.gather @!p1 [hbm4b:s4+s18], $0x1, s21, s18, $0xb8;
	[tilespmem:$0xA000] =	vst v63  }
0x64: {  	v1 =	vld [tilespmem:s12+$0x5050]  }
0x65: {  	v3 =	vld [tilespmem:s12+$0x5060]  }
0x66: {  	v2 =	vld [tilespmem:s12+$0x5030]  }
0x67: {  	v4 =	vld [tilespmem:s12+$0x5020]  }
0x68: {  	v9 =	vld [tilespmem:s12+$0x5040]  }
0x69: {  	v10 =	vld [tilespmem:s12+$0x2840]  }
.Ltmp0:
0x6a: {  	v0 =	vld [tilespmem:s12+$0x2870];
	(pc) =	sbr.rel @p0 .LBB2_2-.Ltmp0, $4  }
0x6b: {  	v7 =	vld [tilespmem:s12+$0x2860]  }
0x6c: {  	v5 =	vld [tilespmem:s12+$0x2830]  }
0x6d: {  	v6 =	vld [tilespmem:s12+$0x2850]  }
0x6e: {  	v8 =	vld [tilespmem:s12+$0x2820];
	v9 =	vadd.f32 v9, v10  }
0x6f: {  	v10 =	vld [tilespmem:s12+$0x2810]  }
0x70: {  	v11 =	vld [tilespmem:s12+$0x5010]  }
0x71: {  	v12 =	vld [tilespmem:s12+$0x2800]  }
0x72: {  	v49 =	vld [tilespmem:s12+$0x5000];
	v3 =	vadd.f32 v3, v7  }
0x73: {  	v50 =	vld [tilespmem:s12+$0x5070];
	v9 =	vmax.f32 v9, $1.000000000e+00;
	v4 =	vadd.f32 v4, v8  }
0x74: {  	(erf) = vrcp.f32 v9;
	v1 =	vadd.f32 v1, v6;
	v3 =	vmax.f32 v3, $1.000000000e+00  }
0x75: {  	(erf) = vrcp.f32 v3;
	v51 =	vadd.f32 v11, v10;
	v4 =	vmax.f32 v4, $1.000000000e+00  }
0x76: {  	v2 =	vadd.f32 v2, v5;
	v1 =	vmax.f32 v1, $1.000000000e+00;
	(erf) = vrcp.f32 v4  }
0x77: {  	v52 =	vadd.f32 v49, v12;
	v53 =	vmax.f32 v51, $1.000000000e+00;
	(erf) = vrcp.f32 v1  }
0x78: {  	v54 =	vmax.f32 v2, $1.000000000e+00;
	v0 =	vadd.f32 v50, v0;
	(erf) = vrcp.f32 v53  }
0x79: {  	v55 =	vmax.f32 v52, $1.000000000e+00;
	(erf) = vrcp.f32 v54  }
0x7a: {  	v0 =	vmax.f32 v0, $1.000000000e+00;
	(erf) = vrcp.f32 v55  }
0x7b: {  	(erf) = vrcp.f32 v0;
	_ =	sdelay $0x1  }
0x7c: {  	v56 =	vpop (erf)  }
0x7d: {  	[tilespmem:s12+$0x7840] =	vst v56;
	v57 =	vpop (erf)  }
0x7e: {  	[tilespmem:s12+$0x7860] =	vst v57;
	v58 =	vpop (erf)  }
0x7f: {  	[tilespmem:s12+$0x7820] =	vst v58;
	v59 =	vpop (erf)  }
0x80: {  	[tilespmem:s12+$0x7850] =	vst v59;
	v60 =	vpop (erf)  }
0x81: {  	[tilespmem:s12+$0x7810] =	vst v60;
	v61 =	vpop (erf)  }
0x82: {  	s11 =	sadd.s32 $0x1, s11;
	[tilespmem:s12+$0x7830] =	vst v61;
	v62 =	vpop (erf)  }
0x83: {  	p0 =	sne.s32 s11, s7;
	[tilespmem:s12+$0x7800] =	vst v62;
	v63 =	vpop (erf)  }
.Ltmp1:
0x84: {  	[tilespmem:s12+$0x7870] =	vst v63;
	(pc) =	sbr.rel @p0 .LBB2_1-.Ltmp1, $4  }
0x85: {  	[hbm4b:s6+s2] =	stream.linear.scatter [tilespmem:s10], [sflag:$0x2], $0x2780, $0x38;
	[tilespmem:$0xA000] =	vst v63  }
0x86: {  	_ =	swait.ge [sflag:s8], $0x2780  }
0x87: {  	[sflag:s8] =	ssyncset.done $0x0  }
0x88: {  	[sflag:s8] =	ssyncadd.s32 $0xFFFFD880  }
0x89: {  	_ =	sfence.sel $0x180000  }
0x8a: {  	[bflag:$0x0] =	sbarrier.arrive $0xFFFF  }
0x8b: {  	_ =	strace $0x9000004A  }
0x8c: {  	s0 =	stileid.u32;
	[bflag:$0x2] =	sbarrier.arrive $0xFFFF  }
0x8d: {  	p0 =	sne.s32 s0, $0x0;
	s0 =	rddreg [dreg:$0x1]  }
0x8e: {  	s0 =	sadd.s32 @!p0 $0x100000, s0  }
0x8f: {  	[sflag:s0] =	ssyncadd.tile.s32 @!p0 $0x1;
	_ =	shalt  }
.Lfunc_end2:
_tile_overlayer_lowered:
.L_overlay_start_2:
0x90: {  	(tag) =	ssettag $0x2  }
0x91: {  	s0 =	rddreg [dreg:$0x0];
	s2 =	stileid.u32  }
0x92: {  	s1 =	rddreg [dreg:$0x1];
	p0 =	sne.s32 s2, $0x0  }
0x93: {  	s3 =	rddreg [dreg:$0x2];
	[bflag:$0x3] =	sbarrier.arrive $0xFFFF;
	s2 =	simm.s32 @!p0 $0x1C02  }
0x94: {  	[timem:s3], [sflag:s2] =	dma.local @!p0 [hbm:s0], s1  }
0x95: {  	s0 =	simm.s32 @!p0 $0x2  }
0x96: {  	_ =	swait.ge @!p0 [sflag:s0], s1  }
0x97: {  	s1 =	ssub.s32 @!p0 $0x0, s1;
	[sflag:s0] =	ssyncset.done @!p0 $0x0  }
0x98: {  	[sflag:s0] =	ssyncadd.s32 @!p0 s1  }
0x99: {  	[bflag:$0x3] =	sbarrier.arrive $0xFFFF  }
0x9a: {  	_ =	shalt  }

// kernel: _run.17.cloned.1.call-start
scs
__scs_entry_jumppad:
0x0: {  	(pc) =	sbr.rel $0x88, $3  }
0x1: {  	(tag) =	ssettag $0x0;
	lr =	simm.s32 $0x1  }
0x2: {  	[smem:$0x3F98] =	sst lr;
	_ =	strace $0xD0000000  }
0x3: {  	_ = 	snop  }
0x4: {  	_ = 	snop  }
0x5: {  	_ = 	snop  }
0x6: {  	_ = 	snop  }
0x7: {  	_ = 	snop  }
__scs_overlays_trampoline_lowered:
0x8: {  	[smem:$0x3FA7] =	sst s0  }
0x9: {  	[smem:$0x3FA8] =	sst s1  }
0xa: {  	[smem:$0x3FA9] =	sst s2  }
0xb: {  	[smem:$0x3FAA] =	sst s3  }
0xc: {  	[smem:$0x3FAB] =	sst s4  }
0xd: {  	[smem:$0x3FAC] =	sst s5  }
0xe: {  	[smem:$0x3FAD] =	sst s6  }
0xf: {  	[smem:$0x3FAE] =	sst s7  }
0x10: {  	[smem:$0x3FAF] =	sst s8  }
0x11: {  	[smem:$0x3FB0] =	sst s9;
	s0 =	simm.s32 @!p0 $0x0  }
0x12: {  	s1 =	sld [smem:$0x3F96];
	s0 =	simm.s32 @p0 $0x1  }
0x13: {  	[smem:$0x3FB1] =	sst s0;
	s0 =	simm.s32 @!p1 $0x0  }
0x14: {  	s2 =	sld [smem:$0x3F95];
	s0 =	simm.s32 @p1 $0x1  }
0x15: {  	[smem:$0x3FB2] =	sst s0;
	s0 =	simm.s32 @!p2 $0x0  }
0x16: {  	s3 =	sld [smem:$0x3FDB];
	s0 =	simm.s32 @p2 $0x1  }
0x17: {  	s4 =	simm.s32 $0x1BF5;
	[smem:$0x3FB4] =	sst s0  }
0x18: {  	s0 =	sld [smem:$0x3F97];
	_ =	swait.ge [sflag:s4], $0x0  }
0x19: {  	s7 =	sld [smem:$0x3F98]  }
0x1a: {  	s8 =	sadd.s32 $0xFFFFE003, lr  }
0x1b: {  	s9 =	sadd.s32 $0xFFFFFEF7, lr;
	s5 =	simm.s32 $0xFFFFFFFF;
	p2 =	slt.u32 s8, $0xFFFFF086  }
0x1c: {  	p1 =	slt.u32 s9, $0xF7A;
	s5 =	simm.s32 @!p2 $0x0  }
0x1d: {  	s5 =	simm.s32 @p1 $0x1;
	p0 =	seq.s32 s7, s2  }
0x1e: {  	s7 =	smul.u32 @!p0 $0xF7A, s2;
	p2 =	seq.s32 @!p0 s5, $0x0  }
0x1f: {  	s9 =	smul.u32 $0xF7A, s1;
	s8 =	simm.s32 @!p0 $0x1BF5;
	p2 =	por !p2, p0  }
0x20: {  	[sflag:s8] =	ssyncset.s32 @!p0 $0xFFFFF086;
	s6 =	sadd.s32 @!p0 s3, s7;
	s7 =	simm.s32 @!p0 $0x108  }
0x21: {  	s3 =	sadd.s32 s3, s9;
	s6 =	sadd.s32 @!p0 $0x88, s6;
	s7 =	simm.s32 @p2 $0x1082  }
0x22: {  	[simem:s7], [sflag:s8] =	dma.local @!p0 [hbm:s6], $0xF7A  }
0x23: {  	s9 =	sor.u32 $0xD0000000, s2;
	s6 =	simm.s32 $0x108;
	_ =	swait.ge @!p0 [sflag:s8], $0x0  }
0x24: {  	s3 =	sadd.s32 $0x88, s3;
	s6 =	simm.s32 @!p1 $0x1082;
	[sflag:s4] =	ssyncset.s32 $0xFFFFF086  }
0x25: {  	[simem:s6], [sflag:s4] =	dma.local [hbm:s3], $0xF7A  }
0x26: {  	[smem:$0x3F98] =	sst s1;
	(tag) =	ssettag s2;
	_ =	strace s9  }
0x27: {  	s1 =	sld [smem:$0x3FA8]  }
0x28: {  	s2 =	sld [smem:$0x3FA9]  }
0x29: {  	s4 =	sld [smem:$0x3FAB]  }
0x2a: {  	p0 =	seq.s32 s5, $0x0;
	s5 =	sld [smem:$0x3FAC]  }
0x2b: {  	s6 =	sld [smem:$0x3FAD]  }
0x2c: {  	s7 =	sld [smem:$0x3FAE]  }
0x2d: {  	s3 =	simm.s32 $0x108;
	s8 =	sld [smem:$0x3FAF]  }
0x2e: {  	s3 =	simm.s32 @!p0 $0x1082;
	s9 =	sld [smem:$0x3FB0]  }
0x2f: {  	lr =	sadd.s32 s0, s3;
	s0 =	sld [smem:$0x3FA7]  }
0x30: {  	s3 =	sld [smem:$0x3FAA]  }
0x31: {  	[smem:$0x3FB3] =	sst s10  }
0x32: {  	s10 =	sld [smem:$0x3FB1];
	_ =	sdelay $0x3  }
0x33: {  	p0 =	seq.s32 s10, $0x1;
	s10 =	sld [smem:$0x3FB3];
	_ =	sdelay $0x3  }
0x34: {  	[smem:$0x3FB3] =	sst s10  }
0x35: {  	s10 =	sld [smem:$0x3FB2];
	_ =	sdelay $0x3  }
0x36: {  	p1 =	seq.s32 s10, $0x1;
	s10 =	sld [smem:$0x3FB3];
	_ =	sdelay $0x3  }
0x37: {  	[smem:$0x3FB3] =	sst s10  }
0x38: {  	s10 =	sld [smem:$0x3FB4]  }
0x39: {  	_ = 	snop;
	(pc) =	sbr.ind lr, $3  }
0x3a: {  	_ = 	snop  }
0x3b: {  	_ = 	snop  }
0x3c: {  	p2 =	seq.s32 s10, $0x1;
	s10 =	sld [smem:$0x3FB3]  }
0x3d: {  	_ =	shalt  }
0x3e: {  	_ =	shalt  }
0x3f: {  	_ =	shalt  }
0x40: {  	_ =	shalt  }
0x41: {  	_ =	shalt  }
0x42: {  	_ =	shalt  }
0x43: {  	_ =	shalt  }
0x44: {  	_ =	shalt  }
0x45: {  	_ =	shalt  }
0x46: {  	_ =	shalt  }
0x47: {  	_ =	shalt  }
0x48: {  	_ =	shalt  }
0x49: {  	_ =	shalt  }
0x4a: {  	_ =	shalt  }
0x4b: {  	_ =	shalt  }
0x4c: {  	_ =	shalt  }
0x4d: {  	_ =	shalt  }
0x4e: {  	_ =	shalt  }
0x4f: {  	_ =	shalt  }
0x50: {  	_ =	shalt  }
0x51: {  	_ =	shalt  }
0x52: {  	_ =	shalt  }
0x53: {  	_ =	shalt  }
0x54: {  	_ =	shalt  }
0x55: {  	_ =	shalt  }
0x56: {  	_ =	shalt  }
0x57: {  	_ =	shalt  }
0x58: {  	_ =	shalt  }
0x59: {  	_ =	shalt  }
0x5a: {  	_ =	shalt  }
0x5b: {  	_ =	shalt  }
0x5c: {  	_ =	shalt  }
0x5d: {  	_ =	shalt  }
0x5e: {  	_ =	shalt  }
0x5f: {  	_ =	shalt  }
0x60: {  	_ =	shalt  }
0x61: {  	_ =	shalt  }
0x62: {  	_ =	shalt  }
0x63: {  	_ =	shalt  }
0x64: {  	_ =	shalt  }
0x65: {  	_ =	shalt  }
0x66: {  	_ =	shalt  }
0x67: {  	_ =	shalt  }
0x68: {  	_ =	shalt  }
0x69: {  	_ =	shalt  }
0x6a: {  	_ =	shalt  }
0x6b: {  	_ =	shalt  }
0x6c: {  	_ =	shalt  }
0x6d: {  	_ =	shalt  }
0x6e: {  	_ =	shalt  }
0x6f: {  	_ =	shalt  }
0x70: {  	_ =	shalt  }
0x71: {  	_ =	shalt  }
0x72: {  	_ =	shalt  }
0x73: {  	_ =	shalt  }
0x74: {  	_ =	shalt  }
0x75: {  	_ =	shalt  }
0x76: {  	_ =	shalt  }
0x77: {  	_ =	shalt  }
0x78: {  	_ =	shalt  }
0x79: {  	_ =	shalt  }
0x7a: {  	_ =	shalt  }
0x7b: {  	_ =	shalt  }
0x7c: {  	_ =	shalt  }
0x7d: {  	_ =	shalt  }
0x7e: {  	_ =	shalt  }
0x7f: {  	_ =	shalt  }
0x80: {  	_ =	shalt  }
0x81: {  	_ =	shalt  }
0x82: {  	_ =	shalt  }
0x83: {  	_ =	shalt  }
0x84: {  	_ =	shalt  }
0x85: {  	_ =	shalt  }
0x86: {  	_ =	shalt  }
0x87: {  	_ =	shalt  }
.Lfunc_end0:
.L_simem_size_0:
called_computation.2_lowered:
.L_overlay_start_0:
0x88: {  	s2 =	sld [smem:$0x3FD9]  }
0x89: {  	s3 =	sld [smem:$0x3FFE];
	_ =	sdelay $0x1  }
0x8a: {  	s1 =	srdreg.scid  }
0x8b: {  	s0 =	sand.u32 $0x1, s1  }
0x8c: {  	s17 =	sshll.u32 s0, $0xA;
	s2 =	sadd.s32 s3, s2  }
0x8d: {  	s2 =	sadd.s32 s2, s17  }
0x8e: {  	[smem:$0x3FBF] =	sst s2  }
0x8f: {  	_ = 	snop  }
0x90: {  	s2 =	sld [smem:$0x3FD0];
	(tm) =	ssettm $0x1  }
0x91: {  	s18 =	sld [smem:$0x3FFB];
	_ =	sdelay $0x3  }
0x92: {  	_ =	strace s18  }
0x93: {  	s3 =	sld [smem:$0x3FFC];
	_ =	sdelay $0x3  }
0x94: {  	_ =	strace s3  }
0x95: {  	s3 =	sld [smem:$0x3FFD];
	_ =	sdelay $0x3  }
0x96: {  	_ =	strace s3  }
0x97: {  	_ =	strace $0x8FFFFFFF  }
0x98: {  	s19 =	sld [smem:$0x3FDB];
	_ =	sdelay $0x1  }
0x99: {  	s4 =	simm.s32 $_scs_section_size  }
0x9a: {  	s5 =	simm.s32 $_size__tile_overlayer_lowered;
	s6 =	simm.s32 $_tile_overlayer_lowered  }
0x9b: {  	s22 =	simm.s32 $0x1BFF;
	s21 =	sshll.u32 s6, $0x1;
	s3 =	sadd.s32 s4, s19  }
0x9c: {  	s7 =	simm.s32 $0x0;
	s20 =	sshll.u32 s5, $0x1;
	s5 =	sadd.s32 s21, s3  }
0x9d: {  	[timem:s7], [sflag:s22] =	dma.local [hbm:s5], s20  }
0x9e: {  	_ =	swait.ge [sflag:s22], s20  }
0x9f: {  	s4 =	ssub.s32 $0x0, s20;
	[sflag:s22] =	ssyncset.done $0x0  }
0xa0: {  	[sflag:s22] =	ssyncadd.s32 s4;
	_ =	sdelay $0x1  }
0xa1: {  	s23 =	simm.s32 $0x1B8B  }
0xa2: {  	_ =	swait.ge [sflag:s23], $0x1  }
0xa3: {  	[sflag:s23] =	ssyncset.done $0x0  }
0xa4: {  	s25 =	simm.s32 $0x1B8E;
	s24 =	sld [smem:$0x3FFE];
	[sflag:s23] =	ssyncadd.s32 $0xFFFFFFFF  }
0xa5: {  	s26 =	simm.s32 $execute0_lowered;
	[smem:$0x3FD2] =	sst s25  }
0xa6: {  	s5 =	sshll.u32 s26, $0x1;
	_ =	strace $0x8000004C;
	[dreg:$0x1] =	wrdreg $0xFFFFFFFF  }
0xa7: {  	s28 =	simm.s32 $_size_execute0_lowered;
	s3 =	sadd.s32 s3, s5;
	[dreg:$0x0] =	wrdreg $0x0  }
0xa8: {  	s5 =	sshll.u32 s28, $0x1;
	[dreg:$0x2] =	wrdreg s3  }
0xa9: {  	[dreg:$0x3] =	wrdreg s5  }
0xaa: {  	[dreg:$0x4] =	wrdreg $0xC0  }
0xab: {  	_ =	task [dreg:s7], $0x5FFFF  }
0xac: {  	[dreg:$0x1] =	wrdreg $0xFFFFFFFF  }
0xad: {  	[dreg:$0x0] =	wrdreg $0x60  }
0xae: {  	[dreg:$0x2] =	wrdreg s24  }
0xaf: {  	[dreg:$0x3] =	wrdreg s2  }
0xb0: {  	[dreg:$0x4] =	wrdreg $0xB8000  }
0xb1: {  	[dreg:$0x5] =	wrdreg $0x9  }
0xb2: {  	_ =	task.clear_ibuf [dreg:s7], $0x6FFFF;
	_ =	strace $0x9000004C  }
0xb3: {  	s29 =	simm.s32 $0x9;
	_ =	strace $0x8000004E  }
0xb4: {  	_ =	swait.ge [sflag:s29], $0x1  }
0xb5: {  	[sflag:s29] =	ssyncadd.s32 $0xFFFFFFFF  }
0xb6: {  	_ =	strace $0x9000004E  }
0xb7: {  	_ =	sfence  }
0xb8: {  	s30 =	sld [smem:$0x0];
	_ =	sdelay $0x2  }
0xb9: {  	s31 =	sshll.u32 s1, $0xD;
	s1 =	sshrl.u32 s1, $0x2  }
0xba: {  	s3 =	sand.u32 $0x4000, s31;
	s1 =	sadd.s32 s1, s30  }
0xbb: {  	s0 =	sor.u32 s3, s0;
	s1 =	sshll.u32 s1, $0x11  }
0xbc: {  	s0 =	sor.u32 s1, s0  }
0xbd: {  	s0 =	sadd.s32 $0x8F2B, s0  }
0xbe: {  	[sflag:s0] =	ssyncadd.remote.s32 $0x1  }
0xbf: {  	_ =	sfence.sel $0xFFFF  }
0xc0: {  	[dreg:$0x0] =	wrdreg $0xFFFFFFFF;
	(pc) =	sbr.abs _section_cstart, $3  }
0xc1: {  	[dreg:$0x1] =	wrdreg $0xFFFFFFFF  }
0xc2: {  	_ =	task.clear_ibuf [dreg:s7], $0x2FFFF;
	_ =	strace $0x9FFFFFFF  }
0xc3: {  	(tm) =	ssettm $0x7FFFFFFF  }
tec
execute0_lowered:
.L_overlay_start_1:
0x0: {  	(tag) =	ssettag $0x1  }
0x1: {  	s6 =	rddreg [dreg:$0x0]  }
0x2: {  	s10 =	rddreg [dreg:$0x1]  }
0x3: {  	s0 =	srdreg.scid;
	s2 =	rddreg [dreg:$0x2];
	s3 =	simm.s32 $0x0  }
0x4: {  	s15 =	simm.s32 $0x7800;
	s16 =	simm.s32 $0x2;
	s17 =	simm.s32 $0x2800  }
0x5: {  	s18 =	simm.s32 $0x5000;
	s19 =	simm.s32 $0x80;
	s5 =	sand.u32 $0x1, s0  }
0x6: {  	s20 =	simm.s32 $0x1;
	s0 =	stileid.u32;
	s7 =	smul.u32 $0x13C000, s5  }
0x7: {  	[smem:$0x7FF] =	sst s3;
	s1 =	sshll.u32 s5, $0x4;
	s8 =	smul.u32 $0x13C00, s0  }
0x8: {  	s9 =	smul.u32 $0x4F000, s0;
	s5 =	ssub.s32 $0x2, s5;
	s1 =	sor.u32 s0, s1  }
0x9: {  	s4 =	sadd.s32 $0x24E00, s6;
	s31 =	sshrl.u32 s5, $0x1;
	s11 =	smul.u32 $0x500, s1  }
0xa: {  	s1 =	rddreg [dreg:$0x3];
	_ =	strace $0x8000004D;
	s7 =	sadd.s32 s8, s7  }
0xb: {  	s9 =	sshrl.u32 s9, $0x2;
	s14 =	ssub.s32 s5, s31;
	s7 =	sshrl.u32 s7, $0x3  }
0xc: {  	s5 =	sadd.s32 s9, s2;
	s14 =	smax.u32 s14, $0x1;
	s12 =	sadd.s32 s11, s6  }
0xd: {  	s13 =	sadd.s32 s7, s6;
	s6 =	sadd.s32 $0x4000, s5;
	s7 =	sadd.s32 $0x8000, s5  }
0xe: {  	s8 =	sadd.s32 $0xC000, s5;
	s9 =	sadd.s32 $0x10000, s5;
	s10 =	sadd.s32 s10, s11  }
0xf: {  	v0 =	vimm.f32 $0.0e+00;
	s11 =	sadd.s32 $0x1AE00, s12;
	s12 =	sadd.s32 $0x10E00, s12;
	s13 =	sadd.s32 $0x184800, s13  }
.LBB2_1:
0x10: {  	s21 =	simm.s32 $0x0;
	s22 =	simm.s32 $0x200  }
.LBB2_2:
0x11: {  	p0 =	sne.s32 s22, $0xFE00;
	[tilespmem:s21+$0x7870] =	vst v0  }
0x12: {  	[tilespmem:s21+$0x7800] =	vst v0  }
0x13: {  	[tilespmem:s21+$0x7810] =	vst v0  }
.Ltmp0:
0x14: {  	[tilespmem:s21+$0x7820] =	vst v0;
	(pc) =	sbr.rel @p0 .LBB2_2-.Ltmp0, $4  }
0x15: {  	[tilespmem:s21+$0x7830] =	vst v0  }
0x16: {  	[tilespmem:s21+$0x7840] =	vst v0  }
0x17: {  	[tilespmem:s21+$0x7850] =	vst v0  }
0x18: {  	[tilespmem:s21+$0x7860] =	vst v0;
	s21 =	sshra.s32 s22, $0x2;
	s22 =	sadd.s32 $0x200, s22  }
0x19: {  	[tilespmem:s21+$0x7870] =	vst v0  }
0x1a: {  	[tilespmem:s21+$0x7800] =	vst v0  }
0x1b: {  	[tilespmem:s21+$0x7810] =	vst v0  }
0x1c: {  	[tilespmem:s21+$0x7820] =	vst v0  }
0x1d: {  	[tilespmem:s21+$0x7830] =	vst v0  }
0x1e: {  	[tilespmem:s21+$0x7840] =	vst v0  }
0x1f: {  	[tilespmem:s21+$0x7850] =	vst v0  }
0x20: {  	[tilespmem:s21+$0x7860] =	vst v0  }
0x21: {  	[spmem:s5] =	stream.linear.scatter [tilespmem:s15], [sflag:$0x2], $0x4000, $0x38;
	[tilespmem:$0x1F400] =	vst v63  }
0x22: {  	_ =	swait.ge [sflag:s16], $0x4000  }
0x23: {  	[sflag:s16] =	ssyncset.done $0x0  }
0x24: {  	[sflag:s16] =	ssyncadd.s32 $0xFFFFC000  }
0x25: {  	[spmem:s6] =	stream.linear.scatter [tilespmem:s15], [sflag:$0x2], $0x4000, $0x38;
	[tilespmem:$0x1F400] =	vst v63  }
0x26: {  	_ =	swait.ge [sflag:s16], $0x4000  }
0x27: {  	[sflag:s16] =	ssyncset.done $0x0  }
0x28: {  	[sflag:s16] =	ssyncadd.s32 $0xFFFFC000  }
0x29: {  	[spmem:s7] =	stream.linear.scatter [tilespmem:s15], [sflag:$0x2], $0x4000, $0x38;
	[tilespmem:$0x1F400] =	vst v63  }
0x2a: {  	_ =	swait.ge [sflag:s16], $0x4000  }
0x2b: {  	[sflag:s16] =	ssyncset.done $0x0  }
0x2c: {  	[sflag:s16] =	ssyncadd.s32 $0xFFFFC000  }
0x2d: {  	[spmem:s8] =	stream.linear.scatter [tilespmem:s15], [sflag:$0x2], $0x4000, $0x38;
	[tilespmem:$0x1F400] =	vst v63  }
0x2e: {  	_ =	swait.ge [sflag:s16], $0x4000  }
0x2f: {  	[sflag:s16] =	ssyncset.done $0x0  }
0x30: {  	[sflag:s16] =	ssyncadd.s32 $0xFFFFC000  }
0x31: {  	[spmem:s9] =	stream.linear.scatter [tilespmem:s15], [sflag:$0x2], $0x3C00, $0x38;
	[tilespmem:$0x1F400] =	vst v63  }
0x32: {  	_ =	swait.ge [sflag:s16], $0x3C00  }
0x33: {  	[sflag:s16] =	ssyncset.done $0x0  }
0x34: {  	[sflag:s16] =	ssyncadd.s32 $0xFFFFC400  }
0x35: {  	s21 =	simm.s32 $0x0;
	[bflag:$0x0] =	sbarrier.arrive $0xFFFF  }
0x36: {  	[tilespmem:s21], [sflag:$0x2] =	stream.linear.gather [hbm4b:s10+s21], $0x2780, $0x38;
	[tilespmem:$0x1F400] =	vst v63  }
0x37: {  	_ =	swait.ge [sflag:s16], $0x2780  }
0x38: {  	[sflag:s16] =	ssyncset.done $0x0  }
0x39: {  	[sflag:s16] =	ssyncadd.s32 $0xFFFFD880  }
0x3a: {  	[tilespmem:s17], [sflag:$0x2] =	stream.linear.gather [hbm4b:s11+s21], $0x2780, $0x38;
	[tilespmem:$0x1F400] =	vst v63  }
0x3b: {  	_ =	swait.ge [sflag:s16], $0x2780  }
0x3c: {  	[sflag:s16] =	ssyncset.done $0x0  }
0x3d: {  	[sflag:s16] =	ssyncadd.s32 $0xFFFFD880  }
0x3e: {  	[tilespmem:s18], [sflag:$0x2] =	stream.linear.gather [hbm4b:s12+s21], $0x2780, $0x38;
	[tilespmem:$0x1F400] =	vst v63  }
0x3f: {  	_ =	swait.ge [sflag:s16], $0x2780  }
0x40: {  	[sflag:s16] =	ssyncset.done $0x0  }
0x41: {  	s22 =	simm.s32 $0x0;
	[sflag:s16] =	ssyncadd.s32 $0xFFFFD880  }
.LBB2_4:
0x42: {  	s23 =	sshll.u32 s22, $0x7  }
0x43: {  	[tilespmem:s15], [sflag:$0x1] =	stream.indirect.gather [hbm4b:s4+s19], $0x80, s23, s19, $0xb8;
	[tilespmem:$0x1F400] =	vst v63  }
0x44: {  	_ =	swait.ge [sflag:s20], $0x4000  }
0x45: {  	[sflag:s20] =	ssyncset.done $0x0  }
0x46: {  	[sflag:s20] =	ssyncadd.s32 $0xFFFFC000  }
0x47: {  	v1 =	vld [tilespmem:s23+$0x5000]  }
0x48: {  	s24 =	simm.s32 $0x7840  }
0x49: {  	v6 =	vld [tilespmem:s24+$0xFFFFFFC0]  }
0x4a: {  	v8 =	vld [tilespmem:s24+$0xFFFFFFD0]  }
0x4b: {  	v2 =	vmov s21;
	v7 =	vld [tilespmem:s24+$0xFFFFFFE0]  }
0x4c: {  	v4 =	vld [tilespmem:s24+$0x0];
	v2 =	vperm.xlane v1, v2  }
0x4d: {  	v5 =	vld [tilespmem:s24+$0x10]  }
0x4e: {  	v3 =	vld [tilespmem:s24+$0x20];
	v9 =	vmul.f32 v6, v2  }
0x4f: {  	s25 =	simm.s32 $0x1;
	s26 =	simm.s32 $0x7840;
	v8 =	vmul.f32 v8, v2;
	v6 =	vld [tilespmem:s24+$0x30]  }
.LBB2_5:
0x50: {  	p0 =	sne.s32 s25, $0xF;
	[tilespmem:s24+$0xFFFFFFC0] =	vst v9;
	v7 =	vmul.f32 v7, v2;
	v9 =	vld [tilespmem:s24+$0xFFFFFFF0];
	s26 =	sadd.s32 $0x80, s26  }
0x51: {  	v10 =	vld [tilespmem:s26+$0xFFFFFFC0];
	[tilespmem:s24+$0xFFFFFFD0] =	vst v8;
	v4 =	vmul.f32 v4, v2  }
0x52: {  	v8 =	vld [tilespmem:s26+$0xFFFFFFD0];
	[tilespmem:s24+$0xFFFFFFE0] =	vst v7;
	v5 =	vmul.f32 v5, v2  }
.Ltmp1:
0x53: {  	v11 =	vmov s25;
	v7 =	vld [tilespmem:s26+$0xFFFFFFE0];
	[tilespmem:s24+$0x0] =	vst v4;
	v3 =	vmul.f32 v3, v2;
	(pc) =	sbr.rel @p0 .LBB2_5-.Ltmp1, $4  }
0x54: {  	v11 =	vperm.xlane v1, v11;
	v4 =	vld [tilespmem:s26+$0x0];
	[tilespmem:s24+$0x10] =	vst v5;
	v6 =	vmul.f32 v6, v2  }
0x55: {  	v5 =	vld [tilespmem:s26+$0x10];
	v12 =	vmul.f32 v9, v2;
	[tilespmem:s24+$0x20] =	vst v3  }
0x56: {  	v2 =	vmov v11;
	v9 =	vmul.f32 v10, v11;
	v3 =	vld [tilespmem:s26+$0x20];
	[tilespmem:s24+$0x30] =	vst v6  }
0x57: {  	s25 =	sadd.s32 $0x1, s25;
	v8 =	vmul.f32 v8, v2;
	v6 =	vld [tilespmem:s26+$0x30];
	[tilespmem:s24+$0xFFFFFFF0] =	vst v12;
	s24 =	smov.u32 s26  }
0x58: {  	[tilespmem:s24+$0xFFFFFFC0] =	vst v9;
	v1 =	vmul.f32 v7, v2;
	v7 =	vld [tilespmem:s24+$0xFFFFFFF0]  }
0x59: {  	[tilespmem:s24+$0xFFFFFFD0] =	vst v8;
	v4 =	vmul.f32 v4, v2  }
0x5a: {  	[tilespmem:s24+$0xFFFFFFE0] =	vst v1;
	v1 =	vmul.f32 v5, v2  }
0x5b: {  	[tilespmem:s24+$0x0] =	vst v4;
	v3 =	vmul.f32 v3, v2  }
0x5c: {  	[tilespmem:s24+$0x10] =	vst v1;
	v1 =	vmul.f32 v6, v2  }
0x5d: {  	v2 =	vmul.f32 v7, v2;
	[tilespmem:s24+$0x20] =	vst v3  }
0x5e: {  	[tilespmem:s24+$0x30] =	vst v1  }
0x5f: {  	[tilespmem:s24+$0xFFFFFFF0] =	vst v2  }
0x60: {  	v2 =	vld [tilespmem:s23+$0x5010]  }
0x61: {  	s24 =	simm.s32 $0x8070  }
0x62: {  	v6 =	vld [tilespmem:s24+$0xFFFFFF90]  }
0x63: {  	s25 =	simm.s32 $0x0;
	v8 =	vld [tilespmem:s24+$0xFFFFFFA0]  }
0x64: {  	v1 =	vmov s25;
	v7 =	vld [tilespmem:s24+$0xFFFFFFB0]  }
0x65: {  	v4 =	vld [tilespmem:s24+$0xFFFFFFC0];
	v1 =	vperm.xlane v2, v1  }
0x66: {  	v5 =	vld [tilespmem:s24+$0xFFFFFFD0]  }
0x67: {  	v3 =	vld [tilespmem:s24+$0xFFFFFFE0];
	v9 =	vmul.f32 v6, v1  }
0x68: {  	s26 =	simm.s32 $0x8070;
	s25 =	simm.s32 $0x1;
	v8 =	vmul.f32 v8, v1;
	v6 =	vld [tilespmem:s24+$0x0]  }
.LBB2_7:
0x69: {  	p0 =	sne.s32 s25, $0xF;
	[tilespmem:s24+$0xFFFFFF90] =	vst v9;
	v7 =	vmul.f32 v7, v1;
	v9 =	vld [tilespmem:s24+$0xFFFFFFF0];
	s26 =	sadd.s32 $0x80, s26  }
0x6a: {  	v10 =	vld [tilespmem:s26+$0xFFFFFF90];
	[tilespmem:s24+$0xFFFFFFA0] =	vst v8;
	v4 =	vmul.f32 v4, v1  }
0x6b: {  	v8 =	vld [tilespmem:s26+$0xFFFFFFA0];
	[tilespmem:s24+$0xFFFFFFB0] =	vst v7;
	v5 =	vmul.f32 v5, v1  }
.Ltmp2:
0x6c: {  	v11 =	vmov s25;
	v7 =	vld [tilespmem:s26+$0xFFFFFFB0];
	[tilespmem:s24+$0xFFFFFFC0] =	vst v4;
	v3 =	vmul.f32 v3, v1;
	(pc) =	sbr.rel @p0 .LBB2_7-.Ltmp2, $4  }
0x6d: {  	v11 =	vperm.xlane v2, v11;
	v4 =	vld [tilespmem:s26+$0xFFFFFFC0];
	[tilespmem:s24+$0xFFFFFFD0] =	vst v5;
	v6 =	vmul.f32 v6, v1  }
0x6e: {  	v5 =	vld [tilespmem:s26+$0xFFFFFFD0];
	[tilespmem:s24+$0xFFFFFFE0] =	vst v3;
	v12 =	vmul.f32 v9, v1  }
0x6f: {  	v1 =	vmov v11;
	v9 =	vmul.f32 v10, v11;
	v3 =	vld [tilespmem:s26+$0xFFFFFFE0];
	[tilespmem:s24+$0x0] =	vst v6  }
0x70: {  	s25 =	sadd.s32 $0x1, s25;
	v8 =	vmul.f32 v8, v1;
	v6 =	vld [tilespmem:s26+$0x0];
	[tilespmem:s24+$0xFFFFFFF0] =	vst v12;
	s24 =	smov.u32 s26  }
0x71: {  	[tilespmem:s24+$0xFFFFFF90] =	vst v9;
	v2 =	vmul.f32 v7, v1;
	v7 =	vld [tilespmem:s24+$0xFFFFFFF0]  }
0x72: {  	[tilespmem:s24+$0xFFFFFFA0] =	vst v8;
	v4 =	vmul.f32 v4, v1  }
0x73: {  	[tilespmem:s24+$0xFFFFFFB0] =	vst v2;
	v2 =	vmul.f32 v5, v1  }
0x74: {  	[tilespmem:s24+$0xFFFFFFC0] =	vst v4;
	v3 =	vmul.f32 v3, v1  }
0x75: {  	[tilespmem:s24+$0xFFFFFFD0] =	vst v2;
	v2 =	vmul.f32 v6, v1  }
0x76: {  	[tilespmem:s24+$0xFFFFFFE0] =	vst v3;
	v1 =	vmul.f32 v7, v1  }
0x77: {  	[tilespmem:s24+$0x0] =	vst v2  }
0x78: {  	[tilespmem:s24+$0xFFFFFFF0] =	vst v1  }
0x79: {  	v2 =	vld [tilespmem:s23+$0x5020]  }
0x7a: {  	s24 =	simm.s32 $0x8870  }
0x7b: {  	v6 =	vld [tilespmem:s24+$0xFFFFFF90]  }
0x7c: {  	s25 =	simm.s32 $0x0;
	v8 =	vld [tilespmem:s24+$0xFFFFFFA0]  }
0x7d: {  	v1 =	vmov s25;
	v7 =	vld [tilespmem:s24+$0xFFFFFFB0]  }
0x7e: {  	v4 =	vld [tilespmem:s24+$0xFFFFFFC0];
	v1 =	vperm.xlane v2, v1  }
0x7f: {  	v5 =	vld [tilespmem:s24+$0xFFFFFFD0]  }
0x80: {  	v3 =	vld [tilespmem:s24+$0xFFFFFFE0];
	v9 =	vmul.f32 v6, v1  }
0x81: {  	s26 =	simm.s32 $0x8870;
	s25 =	simm.s32 $0x1;
	v8 =	vmul.f32 v8, v1;
	v6 =	vld [tilespmem:s24+$0x0]  }
.LBB2_9:
0x82: {  	p0 =	sne.s32 s25, $0xF;
	[tilespmem:s24+$0xFFFFFF90] =	vst v9;
	v7 =	vmul.f32 v7, v1;
	v9 =	vld [tilespmem:s24+$0xFFFFFFF0];
	s26 =	sadd.s32 $0x80, s26  }
0x83: {  	v10 =	vld [tilespmem:s26+$0xFFFFFF90];
	[tilespmem:s24+$0xFFFFFFA0] =	vst v8;
	v4 =	vmul.f32 v4, v1  }
0x84: {  	v8 =	vld [tilespmem:s26+$0xFFFFFFA0];
	[tilespmem:s24+$0xFFFFFFB0] =	vst v7;
	v5 =	vmul.f32 v5, v1  }
.Ltmp3:
0x85: {  	v11 =	vmov s25;
	v7 =	vld [tilespmem:s26+$0xFFFFFFB0];
	[tilespmem:s24+$0xFFFFFFC0] =	vst v4;
	v3 =	vmul.f32 v3, v1;
	(pc) =	sbr.rel @p0 .LBB2_9-.Ltmp3, $4  }
0x86: {  	v11 =	vperm.xlane v2, v11;
	v4 =	vld [tilespmem:s26+$0xFFFFFFC0];
	[tilespmem:s24+$0xFFFFFFD0] =	vst v5;
	v6 =	vmul.f32 v6, v1  }
0x87: {  	v5 =	vld [tilespmem:s26+$0xFFFFFFD0];
	[tilespmem:s24+$0xFFFFFFE0] =	vst v3;
	v12 =	vmul.f32 v9, v1  }
0x88: {  	v1 =	vmov v11;
	v9 =	vmul.f32 v10, v11;
	v3 =	vld [tilespmem:s26+$0xFFFFFFE0];
	[tilespmem:s24+$0x0] =	vst v6  }
0x89: {  	s25 =	sadd.s32 $0x1, s25;
	v8 =	vmul.f32 v8, v1;
	v6 =	vld [tilespmem:s26+$0x0];
	[tilespmem:s24+$0xFFFFFFF0] =	vst v12;
	s24 =	smov.u32 s26  }
0x8a: {  	[tilespmem:s24+$0xFFFFFF90] =	vst v9;
	v2 =	vmul.f32 v7, v1;
	v7 =	vld [tilespmem:s24+$0xFFFFFFF0]  }
0x8b: {  	[tilespmem:s24+$0xFFFFFFA0] =	vst v8;
	v4 =	vmul.f32 v4, v1  }
0x8c: {  	[tilespmem:s24+$0xFFFFFFB0] =	vst v2;
	v2 =	vmul.f32 v5, v1  }
0x8d: {  	[tilespmem:s24+$0xFFFFFFC0] =	vst v4;
	v3 =	vmul.f32 v3, v1  }
0x8e: {  	[tilespmem:s24+$0xFFFFFFD0] =	vst v2;
	v2 =	vmul.f32 v6, v1  }
0x8f: {  	[tilespmem:s24+$0xFFFFFFE0] =	vst v3;
	v1 =	vmul.f32 v7, v1  }
0x90: {  	[tilespmem:s24+$0x0] =	vst v2  }
0x91: {  	[tilespmem:s24+$0xFFFFFFF0] =	vst v1  }
0x92: {  	v2 =	vld [tilespmem:s23+$0x5030]  }
0x93: {  	s24 =	simm.s32 $0x9070  }
0x94: {  	v6 =	vld [tilespmem:s24+$0xFFFFFF90]  }
0x95: {  	s25 =	simm.s32 $0x0;
	v8 =	vld [tilespmem:s24+$0xFFFFFFA0]  }
0x96: {  	v1 =	vmov s25;
	v7 =	vld [tilespmem:s24+$0xFFFFFFB0]  }
0x97: {  	v4 =	vld [tilespmem:s24+$0xFFFFFFC0];
	v1 =	vperm.xlane v2, v1  }
0x98: {  	v5 =	vld [tilespmem:s24+$0xFFFFFFD0]  }
0x99: {  	v3 =	vld [tilespmem:s24+$0xFFFFFFE0];
	v9 =	vmul.f32 v6, v1  }
0x9a: {  	s26 =	simm.s32 $0x9070;
	s25 =	simm.s32 $0x1;
	v8 =	vmul.f32 v8, v1;
	v6 =	vld [tilespmem:s24+$0x0]  }
.LBB2_11:
0x9b: {  	p0 =	sne.s32 s25, $0xF;
	[tilespmem:s24+$0xFFFFFF90] =	vst v9;
	v7 =	vmul.f32 v7, v1;
	v9 =	vld [tilespmem:s24+$0xFFFFFFF0];
	s26 =	sadd.s32 $0x80, s26  }
0x9c: {  	v10 =	vld [tilespmem:s26+$0xFFFFFF90];
	[tilespmem:s24+$0xFFFFFFA0] =	vst v8;
	v4 =	vmul.f32 v4, v1  }
0x9d: {  	v8 =	vld [tilespmem:s26+$0xFFFFFFA0];
	[tilespmem:s24+$0xFFFFFFB0] =	vst v7;
	v5 =	vmul.f32 v5, v1  }
.Ltmp4:
0x9e: {  	v11 =	vmov s25;
	v7 =	vld [tilespmem:s26+$0xFFFFFFB0];
	[tilespmem:s24+$0xFFFFFFC0] =	vst v4;
	v3 =	vmul.f32 v3, v1;
	(pc) =	sbr.rel @p0 .LBB2_11-.Ltmp4, $4  }
0x9f: {  	v11 =	vperm.xlane v2, v11;
	v4 =	vld [tilespmem:s26+$0xFFFFFFC0];
	[tilespmem:s24+$0xFFFFFFD0] =	vst v5;
	v6 =	vmul.f32 v6, v1  }
0xa0: {  	v5 =	vld [tilespmem:s26+$0xFFFFFFD0];
	[tilespmem:s24+$0xFFFFFFE0] =	vst v3;
	v12 =	vmul.f32 v9, v1  }
0xa1: {  	v1 =	vmov v11;
	v9 =	vmul.f32 v10, v11;
	v3 =	vld [tilespmem:s26+$0xFFFFFFE0];
	[tilespmem:s24+$0x0] =	vst v6  }
0xa2: {  	s25 =	sadd.s32 $0x1, s25;
	v8 =	vmul.f32 v8, v1;
	v6 =	vld [tilespmem:s26+$0x0];
	[tilespmem:s24+$0xFFFFFFF0] =	vst v12;
	s24 =	smov.u32 s26  }
0xa3: {  	[tilespmem:s24+$0xFFFFFF90] =	vst v9;
	v2 =	vmul.f32 v7, v1;
	v7 =	vld [tilespmem:s24+$0xFFFFFFF0]  }
0xa4: {  	[tilespmem:s24+$0xFFFFFFA0] =	vst v8;
	v4 =	vmul.f32 v4, v1  }
0xa5: {  	[tilespmem:s24+$0xFFFFFFB0] =	vst v2;
	v2 =	vmul.f32 v5, v1  }
0xa6: {  	[tilespmem:s24+$0xFFFFFFC0] =	vst v4;
	v3 =	vmul.f32 v3, v1  }
0xa7: {  	[tilespmem:s24+$0xFFFFFFD0] =	vst v2;
	v2 =	vmul.f32 v6, v1  }
0xa8: {  	[tilespmem:s24+$0xFFFFFFE0] =	vst v3;
	v1 =	vmul.f32 v7, v1  }
0xa9: {  	[tilespmem:s24+$0x0] =	vst v2  }
0xaa: {  	[tilespmem:s24+$0xFFFFFFF0] =	vst v1  }
0xab: {  	v2 =	vld [tilespmem:s23+$0x5040]  }
0xac: {  	s24 =	simm.s32 $0x9870  }
0xad: {  	v6 =	vld [tilespmem:s24+$0xFFFFFF90]  }
0xae: {  	s25 =	simm.s32 $0x0;
	v8 =	vld [tilespmem:s24+$0xFFFFFFA0]  }
0xaf: {  	v1 =	vmov s25;
	v7 =	vld [tilespmem:s24+$0xFFFFFFB0]  }
0xb0: {  	v4 =	vld [tilespmem:s24+$0xFFFFFFC0];
	v1 =	vperm.xlane v2, v1  }
0xb1: {  	v5 =	vld [tilespmem:s24+$0xFFFFFFD0]  }
0xb2: {  	v3 =	vld [tilespmem:s24+$0xFFFFFFE0];
	v9 =	vmul.f32 v6, v1  }
0xb3: {  	s26 =	simm.s32 $0x9870;
	s25 =	simm.s32 $0x1;
	v8 =	vmul.f32 v8, v1;
	v6 =	vld [tilespmem:s24+$0x0]  }
.LBB2_13:
0xb4: {  	p0 =	sne.s32 s25, $0xF;
	[tilespmem:s24+$0xFFFFFF90] =	vst v9;
	v7 =	vmul.f32 v7, v1;
	v9 =	vld [tilespmem:s24+$0xFFFFFFF0];
	s26 =	sadd.s32 $0x80, s26  }
0xb5: {  	v10 =	vld [tilespmem:s26+$0xFFFFFF90];
	[tilespmem:s24+$0xFFFFFFA0] =	vst v8;
	v4 =	vmul.f32 v4, v1  }
0xb6: {  	v8 =	vld [tilespmem:s26+$0xFFFFFFA0];
	[tilespmem:s24+$0xFFFFFFB0] =	vst v7;
	v5 =	vmul.f32 v5, v1  }
.Ltmp5:
0xb7: {  	v11 =	vmov s25;
	v7 =	vld [tilespmem:s26+$0xFFFFFFB0];
	[tilespmem:s24+$0xFFFFFFC0] =	vst v4;
	v3 =	vmul.f32 v3, v1;
	(pc) =	sbr.rel @p0 .LBB2_13-.Ltmp5, $4  }
0xb8: {  	v11 =	vperm.xlane v2, v11;
	v4 =	vld [tilespmem:s26+$0xFFFFFFC0];
	[tilespmem:s24+$0xFFFFFFD0] =	vst v5;
	v6 =	vmul.f32 v6, v1  }
0xb9: {  	v5 =	vld [tilespmem:s26+$0xFFFFFFD0];
	[tilespmem:s24+$0xFFFFFFE0] =	vst v3;
	v12 =	vmul.f32 v9, v1  }
0xba: {  	v1 =	vmov v11;
	v9 =	vmul.f32 v10, v11;
	v3 =	vld [tilespmem:s26+$0xFFFFFFE0];
	[tilespmem:s24+$0x0] =	vst v6  }
0xbb: {  	s25 =	sadd.s32 $0x1, s25;
	v8 =	vmul.f32 v8, v1;
	v6 =	vld [tilespmem:s26+$0x0];
	[tilespmem:s24+$0xFFFFFFF0] =	vst v12;
	s24 =	smov.u32 s26  }
0xbc: {  	[tilespmem:s24+$0xFFFFFF90] =	vst v9;
	v2 =	vmul.f32 v7, v1;
	v7 =	vld [tilespmem:s24+$0xFFFFFFF0]  }
0xbd: {  	[tilespmem:s24+$0xFFFFFFA0] =	vst v8;
	v4 =	vmul.f32 v4, v1  }
0xbe: {  	[tilespmem:s24+$0xFFFFFFB0] =	vst v2;
	v2 =	vmul.f32 v5, v1  }
0xbf: {  	[tilespmem:s24+$0xFFFFFFC0] =	vst v4;
	v3 =	vmul.f32 v3, v1  }
0xc0: {  	[tilespmem:s24+$0xFFFFFFD0] =	vst v2;
	v2 =	vmul.f32 v6, v1  }
0xc1: {  	[tilespmem:s24+$0xFFFFFFE0] =	vst v3;
	v1 =	vmul.f32 v7, v1  }
0xc2: {  	[tilespmem:s24+$0x0] =	vst v2  }
0xc3: {  	[tilespmem:s24+$0xFFFFFFF0] =	vst v1  }
0xc4: {  	v2 =	vld [tilespmem:s23+$0x5050]  }
0xc5: {  	s24 =	simm.s32 $0xA070  }
0xc6: {  	v6 =	vld [tilespmem:s24+$0xFFFFFF90]  }
0xc7: {  	s25 =	simm.s32 $0x0;
	v8 =	vld [tilespmem:s24+$0xFFFFFFA0]  }
0xc8: {  	v1 =	vmov s25;
	v7 =	vld [tilespmem:s24+$0xFFFFFFB0]  }
0xc9: {  	v4 =	vld [tilespmem:s24+$0xFFFFFFC0];
	v1 =	vperm.xlane v2, v1  }
0xca: {  	v5 =	vld [tilespmem:s24+$0xFFFFFFD0]  }
0xcb: {  	v3 =	vld [tilespmem:s24+$0xFFFFFFE0];
	v9 =	vmul.f32 v6, v1  }
0xcc: {  	s26 =	simm.s32 $0xA070;
	s25 =	simm.s32 $0x1;
	v8 =	vmul.f32 v8, v1;
	v6 =	vld [tilespmem:s24+$0x0]  }
.LBB2_15:
0xcd: {  	p0 =	sne.s32 s25, $0xF;
	[tilespmem:s24+$0xFFFFFF90] =	vst v9;
	v7 =	vmul.f32 v7, v1;
	v9 =	vld [tilespmem:s24+$0xFFFFFFF0];
	s26 =	sadd.s32 $0x80, s26  }
0xce: {  	v10 =	vld [tilespmem:s26+$0xFFFFFF90];
	[tilespmem:s24+$0xFFFFFFA0] =	vst v8;
	v4 =	vmul.f32 v4, v1  }
0xcf: {  	v8 =	vld [tilespmem:s26+$0xFFFFFFA0];
	[tilespmem:s24+$0xFFFFFFB0] =	vst v7;
	v5 =	vmul.f32 v5, v1  }
.Ltmp6:
0xd0: {  	v11 =	vmov s25;
	v7 =	vld [tilespmem:s26+$0xFFFFFFB0];
	[tilespmem:s24+$0xFFFFFFC0] =	vst v4;
	v3 =	vmul.f32 v3, v1;
	(pc) =	sbr.rel @p0 .LBB2_15-.Ltmp6, $4  }
0xd1: {  	v11 =	vperm.xlane v2, v11;
	v4 =	vld [tilespmem:s26+$0xFFFFFFC0];
	[tilespmem:s24+$0xFFFFFFD0] =	vst v5;
	v6 =	vmul.f32 v6, v1  }
0xd2: {  	v5 =	vld [tilespmem:s26+$0xFFFFFFD0];
	[tilespmem:s24+$0xFFFFFFE0] =	vst v3;
	v12 =	vmul.f32 v9, v1  }
0xd3: {  	v1 =	vmov v11;
	v9 =	vmul.f32 v10, v11;
	v3 =	vld [tilespmem:s26+$0xFFFFFFE0];
	[tilespmem:s24+$0x0] =	vst v6  }
0xd4: {  	s25 =	sadd.s32 $0x1, s25;
	v8 =	vmul.f32 v8, v1;
	v6 =	vld [tilespmem:s26+$0x0];
	[tilespmem:s24+$0xFFFFFFF0] =	vst v12;
	s24 =	smov.u32 s26  }
0xd5: {  	[tilespmem:s24+$0xFFFFFF90] =	vst v9;
	v2 =	vmul.f32 v7, v1;
	v7 =	vld [tilespmem:s24+$0xFFFFFFF0]  }
0xd6: {  	[tilespmem:s24+$0xFFFFFFA0] =	vst v8;
	v4 =	vmul.f32 v4, v1  }
0xd7: {  	[tilespmem:s24+$0xFFFFFFB0] =	vst v2;
	v2 =	vmul.f32 v5, v1  }
0xd8: {  	[tilespmem:s24+$0xFFFFFFC0] =	vst v4;
	v3 =	vmul.f32 v3, v1  }
0xd9: {  	[tilespmem:s24+$0xFFFFFFD0] =	vst v2;
	v2 =	vmul.f32 v6, v1  }
0xda: {  	[tilespmem:s24+$0xFFFFFFE0] =	vst v3;
	v1 =	vmul.f32 v7, v1  }
0xdb: {  	[tilespmem:s24+$0x0] =	vst v2  }
0xdc: {  	[tilespmem:s24+$0xFFFFFFF0] =	vst v1  }
0xdd: {  	v2 =	vld [tilespmem:s23+$0x5060]  }
0xde: {  	s24 =	simm.s32 $0xA870  }
0xdf: {  	v6 =	vld [tilespmem:s24+$0xFFFFFF90]  }
0xe0: {  	s25 =	simm.s32 $0x0;
	v8 =	vld [tilespmem:s24+$0xFFFFFFA0]  }
0xe1: {  	v1 =	vmov s25;
	v7 =	vld [tilespmem:s24+$0xFFFFFFB0]  }
0xe2: {  	v4 =	vld [tilespmem:s24+$0xFFFFFFC0];
	v1 =	vperm.xlane v2, v1  }
0xe3: {  	v5 =	vld [tilespmem:s24+$0xFFFFFFD0]  }
0xe4: {  	v3 =	vld [tilespmem:s24+$0xFFFFFFE0];
	v9 =	vmul.f32 v6, v1  }
0xe5: {  	s26 =	simm.s32 $0xA870;
	s25 =	simm.s32 $0x1;
	v8 =	vmul.f32 v8, v1;
	v6 =	vld [tilespmem:s24+$0x0]  }
.LBB2_17:
0xe6: {  	p0 =	sne.s32 s25, $0xF;
	[tilespmem:s24+$0xFFFFFF90] =	vst v9;
	v7 =	vmul.f32 v7, v1;
	v9 =	vld [tilespmem:s24+$0xFFFFFFF0];
	s26 =	sadd.s32 $0x80, s26  }
0xe7: {  	v10 =	vld [tilespmem:s26+$0xFFFFFF90];
	[tilespmem:s24+$0xFFFFFFA0] =	vst v8;
	v4 =	vmul.f32 v4, v1  }
0xe8: {  	v8 =	vld [tilespmem:s26+$0xFFFFFFA0];
	[tilespmem:s24+$0xFFFFFFB0] =	vst v7;
	v5 =	vmul.f32 v5, v1  }
.Ltmp7:
0xe9: {  	v11 =	vmov s25;
	v7 =	vld [tilespmem:s26+$0xFFFFFFB0];
	[tilespmem:s24+$0xFFFFFFC0] =	vst v4;
	v3 =	vmul.f32 v3, v1;
	(pc) =	sbr.rel @p0 .LBB2_17-.Ltmp7, $4  }
0xea: {  	v11 =	vperm.xlane v2, v11;
	v4 =	vld [tilespmem:s26+$0xFFFFFFC0];
	[tilespmem:s24+$0xFFFFFFD0] =	vst v5;
	v6 =	vmul.f32 v6, v1  }
0xeb: {  	v5 =	vld [tilespmem:s26+$0xFFFFFFD0];
	[tilespmem:s24+$0xFFFFFFE0] =	vst v3;
	v12 =	vmul.f32 v9, v1  }
0xec: {  	v1 =	vmov v11;
	v9 =	vmul.f32 v10, v11;
	v3 =	vld [tilespmem:s26+$0xFFFFFFE0];
	[tilespmem:s24+$0x0] =	vst v6  }
0xed: {  	s25 =	sadd.s32 $0x1, s25;
	v8 =	vmul.f32 v8, v1;
	v6 =	vld [tilespmem:s26+$0x0];
	[tilespmem:s24+$0xFFFFFFF0] =	vst v12;
	s24 =	smov.u32 s26  }
0xee: {  	[tilespmem:s24+$0xFFFFFF90] =	vst v9;
	v2 =	vmul.f32 v7, v1;
	v7 =	vld [tilespmem:s24+$0xFFFFFFF0]  }
0xef: {  	[tilespmem:s24+$0xFFFFFFA0] =	vst v8;
	v4 =	vmul.f32 v4, v1  }
0xf0: {  	[tilespmem:s24+$0xFFFFFFB0] =	vst v2;
	v2 =	vmul.f32 v5, v1  }
0xf1: {  	[tilespmem:s24+$0xFFFFFFC0] =	vst v4;
	v3 =	vmul.f32 v3, v1  }
0xf2: {  	[tilespmem:s24+$0xFFFFFFD0] =	vst v2;
	v2 =	vmul.f32 v6, v1  }
0xf3: {  	[tilespmem:s24+$0xFFFFFFE0] =	vst v3;
	v1 =	vmul.f32 v7, v1  }
0xf4: {  	[tilespmem:s24+$0x0] =	vst v2  }
0xf5: {  	[tilespmem:s24+$0xFFFFFFF0] =	vst v1  }
0xf6: {  	v2 =	vld [tilespmem:s23+$0x5070]  }
0xf7: {  	s24 =	simm.s32 $0xB070  }
0xf8: {  	v6 =	vld [tilespmem:s24+$0xFFFFFF90]  }
0xf9: {  	s25 =	simm.s32 $0x0;
	v8 =	vld [tilespmem:s24+$0xFFFFFFA0]  }
0xfa: {  	v1 =	vmov s25;
	v7 =	vld [tilespmem:s24+$0xFFFFFFB0]  }
0xfb: {  	v4 =	vld [tilespmem:s24+$0xFFFFFFC0];
	v1 =	vperm.xlane v2, v1  }
0xfc: {  	v5 =	vld [tilespmem:s24+$0xFFFFFFD0]  }
0xfd: {  	v3 =	vld [tilespmem:s24+$0xFFFFFFE0];
	v9 =	vmul.f32 v6, v1  }
0xfe: {  	s26 =	simm.s32 $0xB070;
	s25 =	simm.s32 $0x1;
	v8 =	vmul.f32 v8, v1;
	v6 =	vld [tilespmem:s24+$0x0]  }
.LBB2_19:
0xff: {  	p0 =	sne.s32 s25, $0xF;
	[tilespmem:s24+$0xFFFFFF90] =	vst v9;
	v7 =	vmul.f32 v7, v1;
	v9 =	vld [tilespmem:s24+$0xFFFFFFF0];
	s26 =	sadd.s32 $0x80, s26  }
0x100: {  	v10 =	vld [tilespmem:s26+$0xFFFFFF90];
	[tilespmem:s24+$0xFFFFFFA0] =	vst v8;
	v4 =	vmul.f32 v4, v1  }
0x101: {  	v8 =	vld [tilespmem:s26+$0xFFFFFFA0];
	[tilespmem:s24+$0xFFFFFFB0] =	vst v7;
	v5 =	vmul.f32 v5, v1  }
.Ltmp8:
0x102: {  	v11 =	vmov s25;
	v7 =	vld [tilespmem:s26+$0xFFFFFFB0];
	[tilespmem:s24+$0xFFFFFFC0] =	vst v4;
	v3 =	vmul.f32 v3, v1;
	(pc) =	sbr.rel @p0 .LBB2_19-.Ltmp8, $4  }
0x103: {  	v11 =	vperm.xlane v2, v11;
	v4 =	vld [tilespmem:s26+$0xFFFFFFC0];
	[tilespmem:s24+$0xFFFFFFD0] =	vst v5;
	v6 =	vmul.f32 v6, v1  }
0x104: {  	v5 =	vld [tilespmem:s26+$0xFFFFFFD0];
	[tilespmem:s24+$0xFFFFFFE0] =	vst v3;
	v12 =	vmul.f32 v9, v1  }
0x105: {  	v1 =	vmov v11;
	v9 =	vmul.f32 v10, v11;
	v3 =	vld [tilespmem:s26+$0xFFFFFFE0];
	[tilespmem:s24+$0x0] =	vst v6  }
0x106: {  	s25 =	sadd.s32 $0x1, s25;
	v8 =	vmul.f32 v8, v1;
	v6 =	vld [tilespmem:s26+$0x0];
	[tilespmem:s24+$0xFFFFFFF0] =	vst v12;
	s24 =	smov.u32 s26  }
0x107: {  	[tilespmem:s24+$0xFFFFFF90] =	vst v9;
	v2 =	vmul.f32 v7, v1;
	v63 =	vld [tilespmem:s24+$0xFFFFFFF0]  }
0x108: {  	[tilespmem:s24+$0xFFFFFFA0] =	vst v8;
	v4 =	vmul.f32 v4, v1  }
0x109: {  	[tilespmem:s24+$0xFFFFFFB0] =	vst v2;
	v2 =	vmul.f32 v5, v1  }
0x10a: {  	[tilespmem:s24+$0xFFFFFFC0] =	vst v4;
	v3 =	vmul.f32 v3, v1  }
0x10b: {  	[tilespmem:s24+$0xFFFFFFD0] =	vst v2;
	v2 =	vmul.f32 v6, v1  }
0x10c: {  	s22 =	sadd.s32 $0x1, s22;
	[tilespmem:s24+$0xFFFFFFE0] =	vst v3;
	v1 =	vmul.f32 v63, v1  }
0x10d: {  	p0 =	sne.s32 s22, $0x4F;
	[tilespmem:s24+$0x0] =	vst v2  }
.Ltmp9:
0x10e: {  	s23 =	sadd.s32 $0x2800, s23;
	[tilespmem:s24+$0xFFFFFFF0] =	vst v1;
	(pc) =	sbr.rel @p0 .LBB2_4-.Ltmp9, $4  }
0x10f: {  	[spmem:s2] =	stream.indirect.scatter.add.f32 [tilespmem:s15], [sflag:$0x2], $0x80, s23, s19, $0xb8;
	[tilespmem:$0x1F400] =	vst v63  }
0x110: {  	_ =	swait.ge [sflag:s16], $0x4000  }
0x111: {  	[sflag:s16] =	ssyncset.done $0x0  }
0x112: {  	[sflag:s16] =	ssyncadd.s32 $0xFFFFC000  }
0x113: {  	s3 =	sadd.s32 $0x1, s3  }
0x114: {  	s21 =	sshll.u32 s0, $0x6;
	[bflag:$0x0] =	sbarrier.arrive $0xFFFF;
	p0 =	sne.s32 s3, s14  }
.Ltmp10:
0x115: {  	s22 =	sshrl.u32 s5, $0x3;
	s21 =	sor.u32 $0x1C02, s21;
	(pc) =	sbr.rel @p0 .LBB2_1-.Ltmp10, $4  }
0x116: {  	[hbm:s13], [sflag:s21] =	dma.local [spmem:s22], $0x2780  }
0x117: {  	_ =	swait.ge [sflag:s16], $0x2780  }
0x118: {  	[sflag:s16] =	ssyncset.done $0x0  }
0x119: {  	[sflag:s16] =	ssyncadd.s32 $0xFFFFD880  }
0x11a: {  	_ =	sfence.sel $0x180000  }
0x11b: {  	[bflag:$0x0] =	sbarrier.arrive $0xFFFF  }
0x11c: {  	p0 =	sne.s32 s0, $0x0;
	_ =	strace $0x9000004D  }
0x11d: {  	s0 =	sadd.s32 @!p0 $0x100000, s1;
	[bflag:$0x2] =	sbarrier.arrive $0xFFFF  }
0x11e: {  	[sflag:s0] =	ssyncadd.tile.s32 @!p0 $0x1;
	_ =	shalt  }
.Lfunc_end2:
_tile_overlayer_lowered:
.L_overlay_start_2:
0x11f: {  	(tag) =	ssettag $0x2  }
0x120: {  	s0 =	rddreg [dreg:$0x0];
	s2 =	stileid.u32  }
0x121: {  	s1 =	rddreg [dreg:$0x1];
	p0 =	sne.s32 s2, $0x0  }
0x122: {  	s3 =	rddreg [dreg:$0x2];
	[bflag:$0x3] =	sbarrier.arrive $0xFFFF;
	s2 =	simm.s32 @!p0 $0x1C02  }
0x123: {  	[timem:s3], [sflag:s2] =	dma.local @!p0 [hbm:s0], s1  }
0x124: {  	s0 =	simm.s32 @!p0 $0x2  }
0x125: {  	_ =	swait.ge @!p0 [sflag:s0], s1  }
0x126: {  	s1 =	ssub.s32 @!p0 $0x0, s1;
	[sflag:s0] =	ssyncset.done @!p0 $0x0  }
0x127: {  	[sflag:s0] =	ssyncadd.s32 @!p0 s1  }
0x128: {  	[bflag:$0x3] =	sbarrier.arrive $0xFFFF  }
0x129: {  	_ =	shalt  }

// kernel: _run.20.cloned.1.call-start
scs
__scs_entry_jumppad:
0x0: {  	(pc) =	sbr.rel $0x88, $3  }
0x1: {  	(tag) =	ssettag $0x0;
	lr =	simm.s32 $0x1  }
0x2: {  	[smem:$0x3F98] =	sst lr;
	_ =	strace $0xD0000000  }
0x3: {  	_ = 	snop  }
0x4: {  	_ = 	snop  }
0x5: {  	_ = 	snop  }
0x6: {  	_ = 	snop  }
0x7: {  	_ = 	snop  }
__scs_overlays_trampoline_lowered:
0x8: {  	[smem:$0x3FA7] =	sst s0  }
0x9: {  	[smem:$0x3FA8] =	sst s1  }
0xa: {  	[smem:$0x3FA9] =	sst s2  }
0xb: {  	[smem:$0x3FAA] =	sst s3  }
0xc: {  	[smem:$0x3FAB] =	sst s4  }
0xd: {  	[smem:$0x3FAC] =	sst s5  }
0xe: {  	[smem:$0x3FAD] =	sst s6  }
0xf: {  	[smem:$0x3FAE] =	sst s7  }
0x10: {  	[smem:$0x3FAF] =	sst s8  }
0x11: {  	[smem:$0x3FB0] =	sst s9;
	s0 =	simm.s32 @!p0 $0x0  }
0x12: {  	s1 =	sld [smem:$0x3F96];
	s0 =	simm.s32 @p0 $0x1  }
0x13: {  	[smem:$0x3FB1] =	sst s0;
	s0 =	simm.s32 @!p1 $0x0  }
0x14: {  	s2 =	sld [smem:$0x3F95];
	s0 =	simm.s32 @p1 $0x1  }
0x15: {  	[smem:$0x3FB2] =	sst s0;
	s0 =	simm.s32 @!p2 $0x0  }
0x16: {  	s3 =	sld [smem:$0x3FDB];
	s0 =	simm.s32 @p2 $0x1  }
0x17: {  	s4 =	simm.s32 $0x1BF5;
	[smem:$0x3FB4] =	sst s0  }
0x18: {  	s0 =	sld [smem:$0x3F97];
	_ =	swait.ge [sflag:s4], $0x0  }
0x19: {  	s7 =	sld [smem:$0x3F98]  }
0x1a: {  	s8 =	sadd.s32 $0xFFFFE003, lr  }
0x1b: {  	s9 =	sadd.s32 $0xFFFFFEF7, lr;
	s5 =	simm.s32 $0xFFFFFFFF;
	p2 =	slt.u32 s8, $0xFFFFF086  }
0x1c: {  	p1 =	slt.u32 s9, $0xF7A;
	s5 =	simm.s32 @!p2 $0x0  }
0x1d: {  	s5 =	simm.s32 @p1 $0x1;
	p0 =	seq.s32 s7, s2  }
0x1e: {  	s7 =	smul.u32 @!p0 $0xF7A, s2;
	p2 =	seq.s32 @!p0 s5, $0x0  }
0x1f: {  	s9 =	smul.u32 $0xF7A, s1;
	s8 =	simm.s32 @!p0 $0x1BF5;
	p2 =	por !p2, p0  }
0x20: {  	[sflag:s8] =	ssyncset.s32 @!p0 $0xFFFFF086;
	s6 =	sadd.s32 @!p0 s3, s7;
	s7 =	simm.s32 @!p0 $0x108  }
0x21: {  	s3 =	sadd.s32 s3, s9;
	s6 =	sadd.s32 @!p0 $0x88, s6;
	s7 =	simm.s32 @p2 $0x1082  }
0x22: {  	[simem:s7], [sflag:s8] =	dma.local @!p0 [hbm:s6], $0xF7A  }
0x23: {  	s9 =	sor.u32 $0xD0000000, s2;
	s6 =	simm.s32 $0x108;
	_ =	swait.ge @!p0 [sflag:s8], $0x0  }
0x24: {  	s3 =	sadd.s32 $0x88, s3;
	s6 =	simm.s32 @!p1 $0x1082;
	[sflag:s4] =	ssyncset.s32 $0xFFFFF086  }
0x25: {  	[simem:s6], [sflag:s4] =	dma.local [hbm:s3], $0xF7A  }
0x26: {  	[smem:$0x3F98] =	sst s1;
	(tag) =	ssettag s2;
	_ =	strace s9  }
0x27: {  	s1 =	sld [smem:$0x3FA8]  }
0x28: {  	s2 =	sld [smem:$0x3FA9]  }
0x29: {  	s4 =	sld [smem:$0x3FAB]  }
0x2a: {  	p0 =	seq.s32 s5, $0x0;
	s5 =	sld [smem:$0x3FAC]  }
0x2b: {  	s6 =	sld [smem:$0x3FAD]  }
0x2c: {  	s7 =	sld [smem:$0x3FAE]  }
0x2d: {  	s3 =	simm.s32 $0x108;
	s8 =	sld [smem:$0x3FAF]  }
0x2e: {  	s3 =	simm.s32 @!p0 $0x1082;
	s9 =	sld [smem:$0x3FB0]  }
0x2f: {  	lr =	sadd.s32 s0, s3;
	s0 =	sld [smem:$0x3FA7]  }
0x30: {  	s3 =	sld [smem:$0x3FAA]  }
0x31: {  	[smem:$0x3FB3] =	sst s10  }
0x32: {  	s10 =	sld [smem:$0x3FB1];
	_ =	sdelay $0x3  }
0x33: {  	p0 =	seq.s32 s10, $0x1;
	s10 =	sld [smem:$0x3FB3];
	_ =	sdelay $0x3  }
0x34: {  	[smem:$0x3FB3] =	sst s10  }
0x35: {  	s10 =	sld [smem:$0x3FB2];
	_ =	sdelay $0x3  }
0x36: {  	p1 =	seq.s32 s10, $0x1;
	s10 =	sld [smem:$0x3FB3];
	_ =	sdelay $0x3  }
0x37: {  	[smem:$0x3FB3] =	sst s10  }
0x38: {  	s10 =	sld [smem:$0x3FB4]  }
0x39: {  	_ = 	snop;
	(pc) =	sbr.ind lr, $3  }
0x3a: {  	_ = 	snop  }
0x3b: {  	_ = 	snop  }
0x3c: {  	p2 =	seq.s32 s10, $0x1;
	s10 =	sld [smem:$0x3FB3]  }
0x3d: {  	_ =	shalt  }
0x3e: {  	_ =	shalt  }
0x3f: {  	_ =	shalt  }
0x40: {  	_ =	shalt  }
0x41: {  	_ =	shalt  }
0x42: {  	_ =	shalt  }
0x43: {  	_ =	shalt  }
0x44: {  	_ =	shalt  }
0x45: {  	_ =	shalt  }
0x46: {  	_ =	shalt  }
0x47: {  	_ =	shalt  }
0x48: {  	_ =	shalt  }
0x49: {  	_ =	shalt  }
0x4a: {  	_ =	shalt  }
0x4b: {  	_ =	shalt  }
0x4c: {  	_ =	shalt  }
0x4d: {  	_ =	shalt  }
0x4e: {  	_ =	shalt  }
0x4f: {  	_ =	shalt  }
0x50: {  	_ =	shalt  }
0x51: {  	_ =	shalt  }
0x52: {  	_ =	shalt  }
0x53: {  	_ =	shalt  }
0x54: {  	_ =	shalt  }
0x55: {  	_ =	shalt  }
0x56: {  	_ =	shalt  }
0x57: {  	_ =	shalt  }
0x58: {  	_ =	shalt  }
0x59: {  	_ =	shalt  }
0x5a: {  	_ =	shalt  }
0x5b: {  	_ =	shalt  }
0x5c: {  	_ =	shalt  }
0x5d: {  	_ =	shalt  }
0x5e: {  	_ =	shalt  }
0x5f: {  	_ =	shalt  }
0x60: {  	_ =	shalt  }
0x61: {  	_ =	shalt  }
0x62: {  	_ =	shalt  }
0x63: {  	_ =	shalt  }
0x64: {  	_ =	shalt  }
0x65: {  	_ =	shalt  }
0x66: {  	_ =	shalt  }
0x67: {  	_ =	shalt  }
0x68: {  	_ =	shalt  }
0x69: {  	_ =	shalt  }
0x6a: {  	_ =	shalt  }
0x6b: {  	_ =	shalt  }
0x6c: {  	_ =	shalt  }
0x6d: {  	_ =	shalt  }
0x6e: {  	_ =	shalt  }
0x6f: {  	_ =	shalt  }
0x70: {  	_ =	shalt  }
0x71: {  	_ =	shalt  }
0x72: {  	_ =	shalt  }
0x73: {  	_ =	shalt  }
0x74: {  	_ =	shalt  }
0x75: {  	_ =	shalt  }
0x76: {  	_ =	shalt  }
0x77: {  	_ =	shalt  }
0x78: {  	_ =	shalt  }
0x79: {  	_ =	shalt  }
0x7a: {  	_ =	shalt  }
0x7b: {  	_ =	shalt  }
0x7c: {  	_ =	shalt  }
0x7d: {  	_ =	shalt  }
0x7e: {  	_ =	shalt  }
0x7f: {  	_ =	shalt  }
0x80: {  	_ =	shalt  }
0x81: {  	_ =	shalt  }
0x82: {  	_ =	shalt  }
0x83: {  	_ =	shalt  }
0x84: {  	_ =	shalt  }
0x85: {  	_ =	shalt  }
0x86: {  	_ =	shalt  }
0x87: {  	_ =	shalt  }
.Lfunc_end0:
.L_simem_size_0:
called_computation.3_lowered:
.L_overlay_start_0:
0x88: {  	s2 =	sld [smem:$0x3FD9]  }
0x89: {  	s3 =	sld [smem:$0x3FFE];
	_ =	sdelay $0x1  }
0x8a: {  	s1 =	srdreg.scid  }
0x8b: {  	s0 =	sand.u32 $0x1, s1  }
0x8c: {  	s17 =	sshll.u32 s0, $0xA;
	s2 =	sadd.s32 s3, s2  }
0x8d: {  	s2 =	sadd.s32 s2, s17  }
0x8e: {  	[smem:$0x3FBF] =	sst s2  }
0x8f: {  	_ = 	snop  }
0x90: {  	s2 =	sld [smem:$0x3FD0];
	(tm) =	ssettm $0x1  }
0x91: {  	s18 =	sld [smem:$0x3FFB];
	_ =	sdelay $0x3  }
0x92: {  	_ =	strace s18  }
0x93: {  	s3 =	sld [smem:$0x3FFC];
	_ =	sdelay $0x3  }
0x94: {  	_ =	strace s3  }
0x95: {  	s3 =	sld [smem:$0x3FFD];
	_ =	sdelay $0x3  }
0x96: {  	_ =	strace s3  }
0x97: {  	_ =	strace $0x8FFFFFFF  }
0x98: {  	s19 =	sld [smem:$0x3FDB];
	_ =	sdelay $0x1  }
0x99: {  	s4 =	simm.s32 $_scs_section_size  }
0x9a: {  	s5 =	simm.s32 $_size__tile_overlayer_lowered;
	s6 =	simm.s32 $_tile_overlayer_lowered  }
0x9b: {  	s22 =	simm.s32 $0x1BFF;
	s21 =	sshll.u32 s6, $0x1;
	s3 =	sadd.s32 s4, s19  }
0x9c: {  	s7 =	simm.s32 $0x0;
	s20 =	sshll.u32 s5, $0x1;
	s5 =	sadd.s32 s21, s3  }
0x9d: {  	[timem:s7], [sflag:s22] =	dma.local [hbm:s5], s20  }
0x9e: {  	_ =	swait.ge [sflag:s22], s20  }
0x9f: {  	s4 =	ssub.s32 $0x0, s20;
	[sflag:s22] =	ssyncset.done $0x0  }
0xa0: {  	[sflag:s22] =	ssyncadd.s32 s4;
	_ =	sdelay $0x1  }
0xa1: {  	s23 =	simm.s32 $0x1B8B  }
0xa2: {  	_ =	swait.ge [sflag:s23], $0x1  }
0xa3: {  	[sflag:s23] =	ssyncset.done $0x0  }
0xa4: {  	s25 =	simm.s32 $0x1B8E;
	s24 =	sld [smem:$0x3FFE];
	[sflag:s23] =	ssyncadd.s32 $0xFFFFFFFF  }
0xa5: {  	s26 =	simm.s32 $execute0_lowered;
	[smem:$0x3FD2] =	sst s25  }
0xa6: {  	s5 =	sshll.u32 s26, $0x1;
	_ =	strace $0x8000004F;
	[dreg:$0x1] =	wrdreg $0xFFFFFFFF  }
0xa7: {  	s28 =	simm.s32 $_size_execute0_lowered;
	s3 =	sadd.s32 s3, s5;
	[dreg:$0x0] =	wrdreg $0x0  }
0xa8: {  	s5 =	sshll.u32 s28, $0x1;
	[dreg:$0x2] =	wrdreg s3  }
0xa9: {  	[dreg:$0x3] =	wrdreg s5  }
0xaa: {  	[dreg:$0x4] =	wrdreg $0xC0  }
0xab: {  	_ =	task [dreg:s7], $0x5FFFF  }
0xac: {  	[dreg:$0x1] =	wrdreg $0xFFFFFFFF  }
0xad: {  	[dreg:$0x0] =	wrdreg $0x60  }
0xae: {  	[dreg:$0x2] =	wrdreg s24  }
0xaf: {  	[dreg:$0x3] =	wrdreg s2  }
0xb0: {  	[dreg:$0x4] =	wrdreg $0xB8000  }
0xb1: {  	[dreg:$0x5] =	wrdreg $0x9  }
0xb2: {  	_ =	task.clear_ibuf [dreg:s7], $0x6FFFF;
	_ =	strace $0x9000004F  }
0xb3: {  	s29 =	simm.s32 $0x9;
	_ =	strace $0x80000051  }
0xb4: {  	_ =	swait.ge [sflag:s29], $0x1  }
0xb5: {  	[sflag:s29] =	ssyncadd.s32 $0xFFFFFFFF  }
0xb6: {  	_ =	strace $0x90000051  }
0xb7: {  	_ =	sfence  }
0xb8: {  	s30 =	sld [smem:$0x0];
	_ =	sdelay $0x2  }
0xb9: {  	s31 =	sshll.u32 s1, $0xD;
	s1 =	sshrl.u32 s1, $0x2  }
0xba: {  	s3 =	sand.u32 $0x4000, s31;
	s1 =	sadd.s32 s1, s30  }
0xbb: {  	s0 =	sor.u32 s3, s0;
	s1 =	sshll.u32 s1, $0x11  }
0xbc: {  	s0 =	sor.u32 s1, s0  }
0xbd: {  	s0 =	sadd.s32 $0x8F2B, s0  }
0xbe: {  	[sflag:s0] =	ssyncadd.remote.s32 $0x1  }
0xbf: {  	_ =	sfence.sel $0xFFFF  }
0xc0: {  	[dreg:$0x0] =	wrdreg $0xFFFFFFFF;
	(pc) =	sbr.abs _section_cstart, $3  }
0xc1: {  	[dreg:$0x1] =	wrdreg $0xFFFFFFFF  }
0xc2: {  	_ =	task.clear_ibuf [dreg:s7], $0x2FFFF;
	_ =	strace $0x9FFFFFFF  }
0xc3: {  	(tm) =	ssettm $0x7FFFFFFF  }
tec
execute0_lowered:
.L_overlay_start_1:
0x0: {  	(tag) =	ssettag $0x1  }
0x1: {  	s6 =	rddreg [dreg:$0x0]  }
0x2: {  	s10 =	rddreg [dreg:$0x1]  }
0x3: {  	s0 =	srdreg.scid;
	s2 =	rddreg [dreg:$0x2];
	s3 =	simm.s32 $0x0  }
0x4: {  	s15 =	simm.s32 $0x7800;
	s16 =	simm.s32 $0x2;
	s17 =	simm.s32 $0x2800  }
0x5: {  	s18 =	simm.s32 $0x5000;
	s19 =	simm.s32 $0x80;
	s5 =	sand.u32 $0x1, s0  }
0x6: {  	s20 =	simm.s32 $0x1;
	s0 =	stileid.u32;
	s7 =	smul.u32 $0x13C000, s5  }
0x7: {  	[smem:$0x7FF] =	sst s3;
	s1 =	sshll.u32 s5, $0x4;
	s8 =	smul.u32 $0x13C00, s0  }
0x8: {  	s9 =	smul.u32 $0x4F000, s0;
	s5 =	ssub.s32 $0x2, s5;
	s1 =	sor.u32 s0, s1  }
0x9: {  	s4 =	sadd.s32 $0x24E00, s6;
	s31 =	sshrl.u32 s5, $0x1;
	s11 =	smul.u32 $0x500, s1  }
0xa: {  	s1 =	rddreg [dreg:$0x3];
	_ =	strace $0x80000050;
	s7 =	sadd.s32 s8, s7  }
0xb: {  	s9 =	sshrl.u32 s9, $0x2;
	s14 =	ssub.s32 s5, s31;
	s7 =	sshrl.u32 s7, $0x3  }
0xc: {  	s5 =	sadd.s32 s9, s2;
	s14 =	smax.u32 s14, $0x1;
	s12 =	sadd.s32 s11, s6  }
0xd: {  	s13 =	sadd.s32 s7, s6;
	s6 =	sadd.s32 $0x4000, s5;
	s7 =	sadd.s32 $0x8000, s5  }
0xe: {  	s8 =	sadd.s32 $0xC000, s5;
	s9 =	sadd.s32 $0x10000, s5;
	s10 =	sadd.s32 s10, s11  }
0xf: {  	v0 =	vimm.f32 $0.0e+00;
	s11 =	sadd.s32 $0x1AE00, s12;
	s12 =	sadd.s32 $0x10E00, s12;
	s13 =	sadd.s32 $0x184800, s13  }
.LBB2_1:
0x10: {  	s21 =	simm.s32 $0x0;
	s22 =	simm.s32 $0x200  }
.LBB2_2:
0x11: {  	p0 =	sne.s32 s22, $0xFE00;
	[tilespmem:s21+$0x7870] =	vst v0  }
0x12: {  	[tilespmem:s21+$0x7800] =	vst v0  }
0x13: {  	[tilespmem:s21+$0x7810] =	vst v0  }
.Ltmp0:
0x14: {  	[tilespmem:s21+$0x7820] =	vst v0;
	(pc) =	sbr.rel @p0 .LBB2_2-.Ltmp0, $4  }
0x15: {  	[tilespmem:s21+$0x7830] =	vst v0  }
0x16: {  	[tilespmem:s21+$0x7840] =	vst v0  }
0x17: {  	[tilespmem:s21+$0x7850] =	vst v0  }
0x18: {  	[tilespmem:s21+$0x7860] =	vst v0;
	s21 =	sshra.s32 s22, $0x2;
	s22 =	sadd.s32 $0x200, s22  }
0x19: {  	[tilespmem:s21+$0x7870] =	vst v0  }
0x1a: {  	[tilespmem:s21+$0x7800] =	vst v0  }
0x1b: {  	[tilespmem:s21+$0x7810] =	vst v0  }
0x1c: {  	[tilespmem:s21+$0x7820] =	vst v0  }
0x1d: {  	[tilespmem:s21+$0x7830] =	vst v0  }
0x1e: {  	[tilespmem:s21+$0x7840] =	vst v0  }
0x1f: {  	[tilespmem:s21+$0x7850] =	vst v0  }
0x20: {  	[tilespmem:s21+$0x7860] =	vst v0  }
0x21: {  	[spmem:s5] =	stream.linear.scatter [tilespmem:s15], [sflag:$0x2], $0x4000, $0x38;
	[tilespmem:$0x1F400] =	vst v63  }
0x22: {  	_ =	swait.ge [sflag:s16], $0x4000  }
0x23: {  	[sflag:s16] =	ssyncset.done $0x0  }
0x24: {  	[sflag:s16] =	ssyncadd.s32 $0xFFFFC000  }
0x25: {  	[spmem:s6] =	stream.linear.scatter [tilespmem:s15], [sflag:$0x2], $0x4000, $0x38;
	[tilespmem:$0x1F400] =	vst v63  }
0x26: {  	_ =	swait.ge [sflag:s16], $0x4000  }
0x27: {  	[sflag:s16] =	ssyncset.done $0x0  }
0x28: {  	[sflag:s16] =	ssyncadd.s32 $0xFFFFC000  }
0x29: {  	[spmem:s7] =	stream.linear.scatter [tilespmem:s15], [sflag:$0x2], $0x4000, $0x38;
	[tilespmem:$0x1F400] =	vst v63  }
0x2a: {  	_ =	swait.ge [sflag:s16], $0x4000  }
0x2b: {  	[sflag:s16] =	ssyncset.done $0x0  }
0x2c: {  	[sflag:s16] =	ssyncadd.s32 $0xFFFFC000  }
0x2d: {  	[spmem:s8] =	stream.linear.scatter [tilespmem:s15], [sflag:$0x2], $0x4000, $0x38;
	[tilespmem:$0x1F400] =	vst v63  }
0x2e: {  	_ =	swait.ge [sflag:s16], $0x4000  }
0x2f: {  	[sflag:s16] =	ssyncset.done $0x0  }
0x30: {  	[sflag:s16] =	ssyncadd.s32 $0xFFFFC000  }
0x31: {  	[spmem:s9] =	stream.linear.scatter [tilespmem:s15], [sflag:$0x2], $0x3C00, $0x38;
	[tilespmem:$0x1F400] =	vst v63  }
0x32: {  	_ =	swait.ge [sflag:s16], $0x3C00  }
0x33: {  	[sflag:s16] =	ssyncset.done $0x0  }
0x34: {  	[sflag:s16] =	ssyncadd.s32 $0xFFFFC400  }
0x35: {  	s21 =	simm.s32 $0x0;
	[bflag:$0x0] =	sbarrier.arrive $0xFFFF  }
0x36: {  	[tilespmem:s21], [sflag:$0x2] =	stream.linear.gather [hbm4b:s10+s21], $0x2780, $0x38;
	[tilespmem:$0x1F400] =	vst v63  }
0x37: {  	_ =	swait.ge [sflag:s16], $0x2780  }
0x38: {  	[sflag:s16] =	ssyncset.done $0x0  }
0x39: {  	[sflag:s16] =	ssyncadd.s32 $0xFFFFD880  }
0x3a: {  	[tilespmem:s17], [sflag:$0x2] =	stream.linear.gather [hbm4b:s11+s21], $0x2780, $0x38;
	[tilespmem:$0x1F400] =	vst v63  }
0x3b: {  	_ =	swait.ge [sflag:s16], $0x2780  }
0x3c: {  	[sflag:s16] =	ssyncset.done $0x0  }
0x3d: {  	[sflag:s16] =	ssyncadd.s32 $0xFFFFD880  }
0x3e: {  	[tilespmem:s18], [sflag:$0x2] =	stream.linear.gather [hbm4b:s12+s21], $0x2780, $0x38;
	[tilespmem:$0x1F400] =	vst v63  }
0x3f: {  	_ =	swait.ge [sflag:s16], $0x2780  }
0x40: {  	[sflag:s16] =	ssyncset.done $0x0  }
0x41: {  	s22 =	simm.s32 $0x0;
	[sflag:s16] =	ssyncadd.s32 $0xFFFFD880  }
.LBB2_4:
0x42: {  	s23 =	sshll.u32 s22, $0x7  }
0x43: {  	[tilespmem:s15], [sflag:$0x1] =	stream.indirect.gather [hbm4b:s4+s19], $0x80, s23, s19, $0xb8;
	[tilespmem:$0x1F400] =	vst v63  }
0x44: {  	_ =	swait.ge [sflag:s20], $0x4000  }
0x45: {  	[sflag:s20] =	ssyncset.done $0x0  }
0x46: {  	[sflag:s20] =	ssyncadd.s32 $0xFFFFC000  }
0x47: {  	v1 =	vld [tilespmem:s23+$0x5000]  }
0x48: {  	s24 =	simm.s32 $0x7840  }
0x49: {  	v6 =	vld [tilespmem:s24+$0xFFFFFFC0]  }
0x4a: {  	v8 =	vld [tilespmem:s24+$0xFFFFFFD0]  }
0x4b: {  	v2 =	vmov s21;
	v7 =	vld [tilespmem:s24+$0xFFFFFFE0]  }
0x4c: {  	v4 =	vld [tilespmem:s24+$0x0];
	v2 =	vperm.xlane v1, v2  }
0x4d: {  	v5 =	vld [tilespmem:s24+$0x10]  }
0x4e: {  	v3 =	vld [tilespmem:s24+$0x20];
	v9 =	vmul.f32 v6, v2  }
0x4f: {  	s25 =	simm.s32 $0x1;
	s26 =	simm.s32 $0x7840;
	v8 =	vmul.f32 v8, v2;
	v6 =	vld [tilespmem:s24+$0x30]  }
.LBB2_5:
0x50: {  	p0 =	sne.s32 s25, $0xF;
	[tilespmem:s24+$0xFFFFFFC0] =	vst v9;
	v7 =	vmul.f32 v7, v2;
	v9 =	vld [tilespmem:s24+$0xFFFFFFF0];
	s26 =	sadd.s32 $0x80, s26  }
0x51: {  	v10 =	vld [tilespmem:s26+$0xFFFFFFC0];
	[tilespmem:s24+$0xFFFFFFD0] =	vst v8;
	v4 =	vmul.f32 v4, v2  }
0x52: {  	v8 =	vld [tilespmem:s26+$0xFFFFFFD0];
	[tilespmem:s24+$0xFFFFFFE0] =	vst v7;
	v5 =	vmul.f32 v5, v2  }
.Ltmp1:
0x53: {  	v11 =	vmov s25;
	v7 =	vld [tilespmem:s26+$0xFFFFFFE0];
	[tilespmem:s24+$0x0] =	vst v4;
	v3 =	vmul.f32 v3, v2;
	(pc) =	sbr.rel @p0 .LBB2_5-.Ltmp1, $4  }
0x54: {  	v11 =	vperm.xlane v1, v11;
	v4 =	vld [tilespmem:s26+$0x0];
	[tilespmem:s24+$0x10] =	vst v5;
	v6 =	vmul.f32 v6, v2  }
0x55: {  	v5 =	vld [tilespmem:s26+$0x10];
	v12 =	vmul.f32 v9, v2;
	[tilespmem:s24+$0x20] =	vst v3  }
0x56: {  	v2 =	vmov v11;
	v9 =	vmul.f32 v10, v11;
	v3 =	vld [tilespmem:s26+$0x20];
	[tilespmem:s24+$0x30] =	vst v6  }
0x57: {  	s25 =	sadd.s32 $0x1, s25;
	v8 =	vmul.f32 v8, v2;
	v6 =	vld [tilespmem:s26+$0x30];
	[tilespmem:s24+$0xFFFFFFF0] =	vst v12;
	s24 =	smov.u32 s26  }
0x58: {  	[tilespmem:s24+$0xFFFFFFC0] =	vst v9;
	v1 =	vmul.f32 v7, v2;
	v7 =	vld [tilespmem:s24+$0xFFFFFFF0]  }
0x59: {  	[tilespmem:s24+$0xFFFFFFD0] =	vst v8;
	v4 =	vmul.f32 v4, v2  }
0x5a: {  	[tilespmem:s24+$0xFFFFFFE0] =	vst v1;
	v1 =	vmul.f32 v5, v2  }
0x5b: {  	[tilespmem:s24+$0x0] =	vst v4;
	v3 =	vmul.f32 v3, v2  }
0x5c: {  	[tilespmem:s24+$0x10] =	vst v1;
	v1 =	vmul.f32 v6, v2  }
0x5d: {  	v2 =	vmul.f32 v7, v2;
	[tilespmem:s24+$0x20] =	vst v3  }
0x5e: {  	[tilespmem:s24+$0x30] =	vst v1  }
0x5f: {  	[tilespmem:s24+$0xFFFFFFF0] =	vst v2  }
0x60: {  	v2 =	vld [tilespmem:s23+$0x5010]  }
0x61: {  	s24 =	simm.s32 $0x8070  }
0x62: {  	v6 =	vld [tilespmem:s24+$0xFFFFFF90]  }
0x63: {  	s25 =	simm.s32 $0x0;
	v8 =	vld [tilespmem:s24+$0xFFFFFFA0]  }
0x64: {  	v1 =	vmov s25;
	v7 =	vld [tilespmem:s24+$0xFFFFFFB0]  }
0x65: {  	v4 =	vld [tilespmem:s24+$0xFFFFFFC0];
	v1 =	vperm.xlane v2, v1  }
0x66: {  	v5 =	vld [tilespmem:s24+$0xFFFFFFD0]  }
0x67: {  	v3 =	vld [tilespmem:s24+$0xFFFFFFE0];
	v9 =	vmul.f32 v6, v1  }
0x68: {  	s26 =	simm.s32 $0x8070;
	s25 =	simm.s32 $0x1;
	v8 =	vmul.f32 v8, v1;
	v6 =	vld [tilespmem:s24+$0x0]  }
.LBB2_7:
0x69: {  	p0 =	sne.s32 s25, $0xF;
	[tilespmem:s24+$0xFFFFFF90] =	vst v9;
	v7 =	vmul.f32 v7, v1;
	v9 =	vld [tilespmem:s24+$0xFFFFFFF0];
	s26 =	sadd.s32 $0x80, s26  }
0x6a: {  	v10 =	vld [tilespmem:s26+$0xFFFFFF90];
	[tilespmem:s24+$0xFFFFFFA0] =	vst v8;
	v4 =	vmul.f32 v4, v1  }
0x6b: {  	v8 =	vld [tilespmem:s26+$0xFFFFFFA0];
	[tilespmem:s24+$0xFFFFFFB0] =	vst v7;
	v5 =	vmul.f32 v5, v1  }
.Ltmp2:
0x6c: {  	v11 =	vmov s25;
	v7 =	vld [tilespmem:s26+$0xFFFFFFB0];
	[tilespmem:s24+$0xFFFFFFC0] =	vst v4;
	v3 =	vmul.f32 v3, v1;
	(pc) =	sbr.rel @p0 .LBB2_7-.Ltmp2, $4  }
0x6d: {  	v11 =	vperm.xlane v2, v11;
	v4 =	vld [tilespmem:s26+$0xFFFFFFC0];
	[tilespmem:s24+$0xFFFFFFD0] =	vst v5;
	v6 =	vmul.f32 v6, v1  }
0x6e: {  	v5 =	vld [tilespmem:s26+$0xFFFFFFD0];
	[tilespmem:s24+$0xFFFFFFE0] =	vst v3;
	v12 =	vmul.f32 v9, v1  }
0x6f: {  	v1 =	vmov v11;
	v9 =	vmul.f32 v10, v11;
	v3 =	vld [tilespmem:s26+$0xFFFFFFE0];
	[tilespmem:s24+$0x0] =	vst v6  }
0x70: {  	s25 =	sadd.s32 $0x1, s25;
	v8 =	vmul.f32 v8, v1;
	v6 =	vld [tilespmem:s26+$0x0];
	[tilespmem:s24+$0xFFFFFFF0] =	vst v12;
	s24 =	smov.u32 s26  }
0x71: {  	[tilespmem:s24+$0xFFFFFF90] =	vst v9;
	v2 =	vmul.f32 v7, v1;
	v7 =	vld [tilespmem:s24+$0xFFFFFFF0]  }
0x72: {  	[tilespmem:s24+$0xFFFFFFA0] =	vst v8;
	v4 =	vmul.f32 v4, v1  }
0x73: {  	[tilespmem:s24+$0xFFFFFFB0] =	vst v2;
	v2 =	vmul.f32 v5, v1  }
0x74: {  	[tilespmem:s24+$0xFFFFFFC0] =	vst v4;
	v3 =	vmul.f32 v3, v1  }
0x75: {  	[tilespmem:s24+$0xFFFFFFD0] =	vst v2;
	v2 =	vmul.f32 v6, v1  }
0x76: {  	[tilespmem:s24+$0xFFFFFFE0] =	vst v3;
	v1 =	vmul.f32 v7, v1  }
0x77: {  	[tilespmem:s24+$0x0] =	vst v2  }
0x78: {  	[tilespmem:s24+$0xFFFFFFF0] =	vst v1  }
0x79: {  	v2 =	vld [tilespmem:s23+$0x5020]  }
0x7a: {  	s24 =	simm.s32 $0x8870  }
0x7b: {  	v6 =	vld [tilespmem:s24+$0xFFFFFF90]  }
0x7c: {  	s25 =	simm.s32 $0x0;
	v8 =	vld [tilespmem:s24+$0xFFFFFFA0]  }
0x7d: {  	v1 =	vmov s25;
	v7 =	vld [tilespmem:s24+$0xFFFFFFB0]  }
0x7e: {  	v4 =	vld [tilespmem:s24+$0xFFFFFFC0];
	v1 =	vperm.xlane v2, v1  }
0x7f: {  	v5 =	vld [tilespmem:s24+$0xFFFFFFD0]  }
0x80: {  	v3 =	vld [tilespmem:s24+$0xFFFFFFE0];
	v9 =	vmul.f32 v6, v1  }
0x81: {  	s26 =	simm.s32 $0x8870;
	s25 =	simm.s32 $0x1;
	v8 =	vmul.f32 v8, v1;
	v6 =	vld [tilespmem:s24+$0x0]  }
.LBB2_9:
0x82: {  	p0 =	sne.s32 s25, $0xF;
	[tilespmem:s24+$0xFFFFFF90] =	vst v9;
	v7 =	vmul.f32 v7, v1;
	v9 =	vld [tilespmem:s24+$0xFFFFFFF0];
	s26 =	sadd.s32 $0x80, s26  }
0x83: {  	v10 =	vld [tilespmem:s26+$0xFFFFFF90];
	[tilespmem:s24+$0xFFFFFFA0] =	vst v8;
	v4 =	vmul.f32 v4, v1  }
0x84: {  	v8 =	vld [tilespmem:s26+$0xFFFFFFA0];
	[tilespmem:s24+$0xFFFFFFB0] =	vst v7;
	v5 =	vmul.f32 v5, v1  }
.Ltmp3:
0x85: {  	v11 =	vmov s25;
	v7 =	vld [tilespmem:s26+$0xFFFFFFB0];
	[tilespmem:s24+$0xFFFFFFC0] =	vst v4;
	v3 =	vmul.f32 v3, v1;
	(pc) =	sbr.rel @p0 .LBB2_9-.Ltmp3, $4  }
0x86: {  	v11 =	vperm.xlane v2, v11;
	v4 =	vld [tilespmem:s26+$0xFFFFFFC0];
	[tilespmem:s24+$0xFFFFFFD0] =	vst v5;
	v6 =	vmul.f32 v6, v1  }
0x87: {  	v5 =	vld [tilespmem:s26+$0xFFFFFFD0];
	[tilespmem:s24+$0xFFFFFFE0] =	vst v3;
	v12 =	vmul.f32 v9, v1  }
0x88: {  	v1 =	vmov v11;
	v9 =	vmul.f32 v10, v11;
	v3 =	vld [tilespmem:s26+$0xFFFFFFE0];
	[tilespmem:s24+$0x0] =	vst v6  }
0x89: {  	s25 =	sadd.s32 $0x1, s25;
	v8 =	vmul.f32 v8, v1;
	v6 =	vld [tilespmem:s26+$0x0];
	[tilespmem:s24+$0xFFFFFFF0] =	vst v12;
	s24 =	smov.u32 s26  }
0x8a: {  	[tilespmem:s24+$0xFFFFFF90] =	vst v9;
	v2 =	vmul.f32 v7, v1;
	v7 =	vld [tilespmem:s24+$0xFFFFFFF0]  }
0x8b: {  	[tilespmem:s24+$0xFFFFFFA0] =	vst v8;
	v4 =	vmul.f32 v4, v1  }
0x8c: {  	[tilespmem:s24+$0xFFFFFFB0] =	vst v2;
	v2 =	vmul.f32 v5, v1  }
0x8d: {  	[tilespmem:s24+$0xFFFFFFC0] =	vst v4;
	v3 =	vmul.f32 v3, v1  }
0x8e: {  	[tilespmem:s24+$0xFFFFFFD0] =	vst v2;
	v2 =	vmul.f32 v6, v1  }
0x8f: {  	[tilespmem:s24+$0xFFFFFFE0] =	vst v3;
	v1 =	vmul.f32 v7, v1  }
0x90: {  	[tilespmem:s24+$0x0] =	vst v2  }
0x91: {  	[tilespmem:s24+$0xFFFFFFF0] =	vst v1  }
0x92: {  	v2 =	vld [tilespmem:s23+$0x5030]  }
0x93: {  	s24 =	simm.s32 $0x9070  }
0x94: {  	v6 =	vld [tilespmem:s24+$0xFFFFFF90]  }
0x95: {  	s25 =	simm.s32 $0x0;
	v8 =	vld [tilespmem:s24+$0xFFFFFFA0]  }
0x96: {  	v1 =	vmov s25;
	v7 =	vld [tilespmem:s24+$0xFFFFFFB0]  }
0x97: {  	v4 =	vld [tilespmem:s24+$0xFFFFFFC0];
	v1 =	vperm.xlane v2, v1  }
0x98: {  	v5 =	vld [tilespmem:s24+$0xFFFFFFD0]  }
0x99: {  	v3 =	vld [tilespmem:s24+$0xFFFFFFE0];
	v9 =	vmul.f32 v6, v1  }
0x9a: {  	s26 =	simm.s32 $0x9070;
	s25 =	simm.s32 $0x1;
	v8 =	vmul.f32 v8, v1;
	v6 =	vld [tilespmem:s24+$0x0]  }
.LBB2_11:
0x9b: {  	p0 =	sne.s32 s25, $0xF;
	[tilespmem:s24+$0xFFFFFF90] =	vst v9;
	v7 =	vmul.f32 v7, v1;
	v9 =	vld [tilespmem:s24+$0xFFFFFFF0];
	s26 =	sadd.s32 $0x80, s26  }
0x9c: {  	v10 =	vld [tilespmem:s26+$0xFFFFFF90];
	[tilespmem:s24+$0xFFFFFFA0] =	vst v8;
	v4 =	vmul.f32 v4, v1  }
0x9d: {  	v8 =	vld [tilespmem:s26+$0xFFFFFFA0];
	[tilespmem:s24+$0xFFFFFFB0] =	vst v7;
	v5 =	vmul.f32 v5, v1  }
.Ltmp4:
0x9e: {  	v11 =	vmov s25;
	v7 =	vld [tilespmem:s26+$0xFFFFFFB0];
	[tilespmem:s24+$0xFFFFFFC0] =	vst v4;
	v3 =	vmul.f32 v3, v1;
	(pc) =	sbr.rel @p0 .LBB2_11-.Ltmp4, $4  }
0x9f: {  	v11 =	vperm.xlane v2, v11;
	v4 =	vld [tilespmem:s26+$0xFFFFFFC0];
	[tilespmem:s24+$0xFFFFFFD0] =	vst v5;
	v6 =	vmul.f32 v6, v1  }
0xa0: {  	v5 =	vld [tilespmem:s26+$0xFFFFFFD0];
	[tilespmem:s24+$0xFFFFFFE0] =	vst v3;
	v12 =	vmul.f32 v9, v1  }
0xa1: {  	v1 =	vmov v11;
	v9 =	vmul.f32 v10, v11;
	v3 =	vld [tilespmem:s26+$0xFFFFFFE0];
	[tilespmem:s24+$0x0] =	vst v6  }
0xa2: {  	s25 =	sadd.s32 $0x1, s25;
	v8 =	vmul.f32 v8, v1;
	v6 =	vld [tilespmem:s26+$0x0];
	[tilespmem:s24+$0xFFFFFFF0] =	vst v12;
	s24 =	smov.u32 s26  }
0xa3: {  	[tilespmem:s24+$0xFFFFFF90] =	vst v9;
	v2 =	vmul.f32 v7, v1;
	v7 =	vld [tilespmem:s24+$0xFFFFFFF0]  }
0xa4: {  	[tilespmem:s24+$0xFFFFFFA0] =	vst v8;
	v4 =	vmul.f32 v4, v1  }
0xa5: {  	[tilespmem:s24+$0xFFFFFFB0] =	vst v2;
	v2 =	vmul.f32 v5, v1  }
0xa6: {  	[tilespmem:s24+$0xFFFFFFC0] =	vst v4;
	v3 =	vmul.f32 v3, v1  }
0xa7: {  	[tilespmem:s24+$0xFFFFFFD0] =	vst v2;
	v2 =	vmul.f32 v6, v1  }
0xa8: {  	[tilespmem:s24+$0xFFFFFFE0] =	vst v3;
	v1 =	vmul.f32 v7, v1  }
0xa9: {  	[tilespmem:s24+$0x0] =	vst v2  }
0xaa: {  	[tilespmem:s24+$0xFFFFFFF0] =	vst v1  }
0xab: {  	v2 =	vld [tilespmem:s23+$0x5040]  }
0xac: {  	s24 =	simm.s32 $0x9870  }
0xad: {  	v6 =	vld [tilespmem:s24+$0xFFFFFF90]  }
0xae: {  	s25 =	simm.s32 $0x0;
	v8 =	vld [tilespmem:s24+$0xFFFFFFA0]  }
0xaf: {  	v1 =	vmov s25;
	v7 =	vld [tilespmem:s24+$0xFFFFFFB0]  }
0xb0: {  	v4 =	vld [tilespmem:s24+$0xFFFFFFC0];
	v1 =	vperm.xlane v2, v1  }
0xb1: {  	v5 =	vld [tilespmem:s24+$0xFFFFFFD0]  }
0xb2: {  	v3 =	vld [tilespmem:s24+$0xFFFFFFE0];
	v9 =	vmul.f32 v6, v1  }
0xb3: {  	s26 =	simm.s32 $0x9870;
	s25 =	simm.s32 $0x1;
	v8 =	vmul.f32 v8, v1;
	v6 =	vld [tilespmem:s24+$0x0]  }
.LBB2_13:
0xb4: {  	p0 =	sne.s32 s25, $0xF;
	[tilespmem:s24+$0xFFFFFF90] =	vst v9;
	v7 =	vmul.f32 v7, v1;
	v9 =	vld [tilespmem:s24+$0xFFFFFFF0];
	s26 =	sadd.s32 $0x80, s26  }
0xb5: {  	v10 =	vld [tilespmem:s26+$0xFFFFFF90];
	[tilespmem:s24+$0xFFFFFFA0] =	vst v8;
	v4 =	vmul.f32 v4, v1  }
0xb6: {  	v8 =	vld [tilespmem:s26+$0xFFFFFFA0];
	[tilespmem:s24+$0xFFFFFFB0] =	vst v7;
	v5 =	vmul.f32 v5, v1  }
.Ltmp5:
0xb7: {  	v11 =	vmov s25;
	v7 =	vld [tilespmem:s26+$0xFFFFFFB0];
	[tilespmem:s24+$0xFFFFFFC0] =	vst v4;
	v3 =	vmul.f32 v3, v1;
	(pc) =	sbr.rel @p0 .LBB2_13-.Ltmp5, $4  }
0xb8: {  	v11 =	vperm.xlane v2, v11;
	v4 =	vld [tilespmem:s26+$0xFFFFFFC0];
	[tilespmem:s24+$0xFFFFFFD0] =	vst v5;
	v6 =	vmul.f32 v6, v1  }
0xb9: {  	v5 =	vld [tilespmem:s26+$0xFFFFFFD0];
	[tilespmem:s24+$0xFFFFFFE0] =	vst v3;
	v12 =	vmul.f32 v9, v1  }
0xba: {  	v1 =	vmov v11;
	v9 =	vmul.f32 v10, v11;
	v3 =	vld [tilespmem:s26+$0xFFFFFFE0];
	[tilespmem:s24+$0x0] =	vst v6  }
0xbb: {  	s25 =	sadd.s32 $0x1, s25;
	v8 =	vmul.f32 v8, v1;
	v6 =	vld [tilespmem:s26+$0x0];
	[tilespmem:s24+$0xFFFFFFF0] =	vst v12;
	s24 =	smov.u32 s26  }
0xbc: {  	[tilespmem:s24+$0xFFFFFF90] =	vst v9;
	v2 =	vmul.f32 v7, v1;
	v7 =	vld [tilespmem:s24+$0xFFFFFFF0]  }
0xbd: {  	[tilespmem:s24+$0xFFFFFFA0] =	vst v8;
	v4 =	vmul.f32 v4, v1  }
0xbe: {  	[tilespmem:s24+$0xFFFFFFB0] =	vst v2;
	v2 =	vmul.f32 v5, v1  }
0xbf: {  	[tilespmem:s24+$0xFFFFFFC0] =	vst v4;
	v3 =	vmul.f32 v3, v1  }
0xc0: {  	[tilespmem:s24+$0xFFFFFFD0] =	vst v2;
	v2 =	vmul.f32 v6, v1  }
0xc1: {  	[tilespmem:s24+$0xFFFFFFE0] =	vst v3;
	v1 =	vmul.f32 v7, v1  }
0xc2: {  	[tilespmem:s24+$0x0] =	vst v2  }
0xc3: {  	[tilespmem:s24+$0xFFFFFFF0] =	vst v1  }
0xc4: {  	v2 =	vld [tilespmem:s23+$0x5050]  }
0xc5: {  	s24 =	simm.s32 $0xA070  }
0xc6: {  	v6 =	vld [tilespmem:s24+$0xFFFFFF90]  }
0xc7: {  	s25 =	simm.s32 $0x0;
	v8 =	vld [tilespmem:s24+$0xFFFFFFA0]  }
0xc8: {  	v1 =	vmov s25;
	v7 =	vld [tilespmem:s24+$0xFFFFFFB0]  }
0xc9: {  	v4 =	vld [tilespmem:s24+$0xFFFFFFC0];
	v1 =	vperm.xlane v2, v1  }
0xca: {  	v5 =	vld [tilespmem:s24+$0xFFFFFFD0]  }
0xcb: {  	v3 =	vld [tilespmem:s24+$0xFFFFFFE0];
	v9 =	vmul.f32 v6, v1  }
0xcc: {  	s26 =	simm.s32 $0xA070;
	s25 =	simm.s32 $0x1;
	v8 =	vmul.f32 v8, v1;
	v6 =	vld [tilespmem:s24+$0x0]  }
.LBB2_15:
0xcd: {  	p0 =	sne.s32 s25, $0xF;
	[tilespmem:s24+$0xFFFFFF90] =	vst v9;
	v7 =	vmul.f32 v7, v1;
	v9 =	vld [tilespmem:s24+$0xFFFFFFF0];
	s26 =	sadd.s32 $0x80, s26  }
0xce: {  	v10 =	vld [tilespmem:s26+$0xFFFFFF90];
	[tilespmem:s24+$0xFFFFFFA0] =	vst v8;
	v4 =	vmul.f32 v4, v1  }
0xcf: {  	v8 =	vld [tilespmem:s26+$0xFFFFFFA0];
	[tilespmem:s24+$0xFFFFFFB0] =	vst v7;
	v5 =	vmul.f32 v5, v1  }
.Ltmp6:
0xd0: {  	v11 =	vmov s25;
	v7 =	vld [tilespmem:s26+$0xFFFFFFB0];
	[tilespmem:s24+$0xFFFFFFC0] =	vst v4;
	v3 =	vmul.f32 v3, v1;
	(pc) =	sbr.rel @p0 .LBB2_15-.Ltmp6, $4  }
0xd1: {  	v11 =	vperm.xlane v2, v11;
	v4 =	vld [tilespmem:s26+$0xFFFFFFC0];
	[tilespmem:s24+$0xFFFFFFD0] =	vst v5;
	v6 =	vmul.f32 v6, v1  }
0xd2: {  	v5 =	vld [tilespmem:s26+$0xFFFFFFD0];
	[tilespmem:s24+$0xFFFFFFE0] =	vst v3;
	v12 =	vmul.f32 v9, v1  }
0xd3: {  	v1 =	vmov v11;
	v9 =	vmul.f32 v10, v11;
	v3 =	vld [tilespmem:s26+$0xFFFFFFE0];
	[tilespmem:s24+$0x0] =	vst v6  }
0xd4: {  	s25 =	sadd.s32 $0x1, s25;
	v8 =	vmul.f32 v8, v1;
	v6 =	vld [tilespmem:s26+$0x0];
	[tilespmem:s24+$0xFFFFFFF0] =	vst v12;
	s24 =	smov.u32 s26  }
0xd5: {  	[tilespmem:s24+$0xFFFFFF90] =	vst v9;
	v2 =	vmul.f32 v7, v1;
	v7 =	vld [tilespmem:s24+$0xFFFFFFF0]  }
0xd6: {  	[tilespmem:s24+$0xFFFFFFA0] =	vst v8;
	v4 =	vmul.f32 v4, v1  }
0xd7: {  	[tilespmem:s24+$0xFFFFFFB0] =	vst v2;
	v2 =	vmul.f32 v5, v1  }
0xd8: {  	[tilespmem:s24+$0xFFFFFFC0] =	vst v4;
	v3 =	vmul.f32 v3, v1  }
0xd9: {  	[tilespmem:s24+$0xFFFFFFD0] =	vst v2;
	v2 =	vmul.f32 v6, v1  }
0xda: {  	[tilespmem:s24+$0xFFFFFFE0] =	vst v3;
	v1 =	vmul.f32 v7, v1  }
0xdb: {  	[tilespmem:s24+$0x0] =	vst v2  }
0xdc: {  	[tilespmem:s24+$0xFFFFFFF0] =	vst v1  }
0xdd: {  	v2 =	vld [tilespmem:s23+$0x5060]  }
0xde: {  	s24 =	simm.s32 $0xA870  }
0xdf: {  	v6 =	vld [tilespmem:s24+$0xFFFFFF90]  }
0xe0: {  	s25 =	simm.s32 $0x0;
	v8 =	vld [tilespmem:s24+$0xFFFFFFA0]  }
0xe1: {  	v1 =	vmov s25;
	v7 =	vld [tilespmem:s24+$0xFFFFFFB0]  }
0xe2: {  	v4 =	vld [tilespmem:s24+$0xFFFFFFC0];
	v1 =	vperm.xlane v2, v1  }
0xe3: {  	v5 =	vld [tilespmem:s24+$0xFFFFFFD0]  }
0xe4: {  	v3 =	vld [tilespmem:s24+$0xFFFFFFE0];
	v9 =	vmul.f32 v6, v1  }
0xe5: {  	s26 =	simm.s32 $0xA870;
	s25 =	simm.s32 $0x1;
	v8 =	vmul.f32 v8, v1;
	v6 =	vld [tilespmem:s24+$0x0]  }
.LBB2_17:
0xe6: {  	p0 =	sne.s32 s25, $0xF;
	[tilespmem:s24+$0xFFFFFF90] =	vst v9;
	v7 =	vmul.f32 v7, v1;
	v9 =	vld [tilespmem:s24+$0xFFFFFFF0];
	s26 =	sadd.s32 $0x80, s26  }
0xe7: {  	v10 =	vld [tilespmem:s26+$0xFFFFFF90];
	[tilespmem:s24+$0xFFFFFFA0] =	vst v8;
	v4 =	vmul.f32 v4, v1  }
0xe8: {  	v8 =	vld [tilespmem:s26+$0xFFFFFFA0];
	[tilespmem:s24+$0xFFFFFFB0] =	vst v7;
	v5 =	vmul.f32 v5, v1  }
.Ltmp7:
0xe9: {  	v11 =	vmov s25;
	v7 =	vld [tilespmem:s26+$0xFFFFFFB0];
	[tilespmem:s24+$0xFFFFFFC0] =	vst v4;
	v3 =	vmul.f32 v3, v1;
	(pc) =	sbr.rel @p0 .LBB2_17-.Ltmp7, $4  }
0xea: {  	v11 =	vperm.xlane v2, v11;
	v4 =	vld [tilespmem:s26+$0xFFFFFFC0];
	[tilespmem:s24+$0xFFFFFFD0] =	vst v5;
	v6 =	vmul.f32 v6, v1  }
0xeb: {  	v5 =	vld [tilespmem:s26+$0xFFFFFFD0];
	[tilespmem:s24+$0xFFFFFFE0] =	vst v3;
	v12 =	vmul.f32 v9, v1  }
0xec: {  	v1 =	vmov v11;
	v9 =	vmul.f32 v10, v11;
	v3 =	vld [tilespmem:s26+$0xFFFFFFE0];
	[tilespmem:s24+$0x0] =	vst v6  }
0xed: {  	s25 =	sadd.s32 $0x1, s25;
	v8 =	vmul.f32 v8, v1;
	v6 =	vld [tilespmem:s26+$0x0];
	[tilespmem:s24+$0xFFFFFFF0] =	vst v12;
	s24 =	smov.u32 s26  }
0xee: {  	[tilespmem:s24+$0xFFFFFF90] =	vst v9;
	v2 =	vmul.f32 v7, v1;
	v7 =	vld [tilespmem:s24+$0xFFFFFFF0]  }
0xef: {  	[tilespmem:s24+$0xFFFFFFA0] =	vst v8;
	v4 =	vmul.f32 v4, v1  }
0xf0: {  	[tilespmem:s24+$0xFFFFFFB0] =	vst v2;
	v2 =	vmul.f32 v5, v1  }
0xf1: {  	[tilespmem:s24+$0xFFFFFFC0] =	vst v4;
	v3 =	vmul.f32 v3, v1  }
0xf2: {  	[tilespmem:s24+$0xFFFFFFD0] =	vst v2;
	v2 =	vmul.f32 v6, v1  }
0xf3: {  	[tilespmem:s24+$0xFFFFFFE0] =	vst v3;
	v1 =	vmul.f32 v7, v1  }
0xf4: {  	[tilespmem:s24+$0x0] =	vst v2  }
0xf5: {  	[tilespmem:s24+$0xFFFFFFF0] =	vst v1  }
0xf6: {  	v2 =	vld [tilespmem:s23+$0x5070]  }
0xf7: {  	s24 =	simm.s32 $0xB070  }
0xf8: {  	v6 =	vld [tilespmem:s24+$0xFFFFFF90]  }
0xf9: {  	s25 =	simm.s32 $0x0;
	v8 =	vld [tilespmem:s24+$0xFFFFFFA0]  }
0xfa: {  	v1 =	vmov s25;
	v7 =	vld [tilespmem:s24+$0xFFFFFFB0]  }
0xfb: {  	v4 =	vld [tilespmem:s24+$0xFFFFFFC0];
	v1 =	vperm.xlane v2, v1  }
0xfc: {  	v5 =	vld [tilespmem:s24+$0xFFFFFFD0]  }
0xfd: {  	v3 =	vld [tilespmem:s24+$0xFFFFFFE0];
	v9 =	vmul.f32 v6, v1  }
0xfe: {  	s26 =	simm.s32 $0xB070;
	s25 =	simm.s32 $0x1;
	v8 =	vmul.f32 v8, v1;
	v6 =	vld [tilespmem:s24+$0x0]  }
.LBB2_19:
0xff: {  	p0 =	sne.s32 s25, $0xF;
	[tilespmem:s24+$0xFFFFFF90] =	vst v9;
	v7 =	vmul.f32 v7, v1;
	v9 =	vld [tilespmem:s24+$0xFFFFFFF0];
	s26 =	sadd.s32 $0x80, s26  }
0x100: {  	v10 =	vld [tilespmem:s26+$0xFFFFFF90];
	[tilespmem:s24+$0xFFFFFFA0] =	vst v8;
	v4 =	vmul.f32 v4, v1  }
0x101: {  	v8 =	vld [tilespmem:s26+$0xFFFFFFA0];
	[tilespmem:s24+$0xFFFFFFB0] =	vst v7;
	v5 =	vmul.f32 v5, v1  }
.Ltmp8:
0x102: {  	v11 =	vmov s25;
	v7 =	vld [tilespmem:s26+$0xFFFFFFB0];
	[tilespmem:s24+$0xFFFFFFC0] =	vst v4;
	v3 =	vmul.f32 v3, v1;
	(pc) =	sbr.rel @p0 .LBB2_19-.Ltmp8, $4  }
0x103: {  	v11 =	vperm.xlane v2, v11;
	v4 =	vld [tilespmem:s26+$0xFFFFFFC0];
	[tilespmem:s24+$0xFFFFFFD0] =	vst v5;
	v6 =	vmul.f32 v6, v1  }
0x104: {  	v5 =	vld [tilespmem:s26+$0xFFFFFFD0];
	[tilespmem:s24+$0xFFFFFFE0] =	vst v3;
	v12 =	vmul.f32 v9, v1  }
0x105: {  	v1 =	vmov v11;
	v9 =	vmul.f32 v10, v11;
	v3 =	vld [tilespmem:s26+$0xFFFFFFE0];
	[tilespmem:s24+$0x0] =	vst v6  }
0x106: {  	s25 =	sadd.s32 $0x1, s25;
	v8 =	vmul.f32 v8, v1;
	v6 =	vld [tilespmem:s26+$0x0];
	[tilespmem:s24+$0xFFFFFFF0] =	vst v12;
	s24 =	smov.u32 s26  }
0x107: {  	[tilespmem:s24+$0xFFFFFF90] =	vst v9;
	v2 =	vmul.f32 v7, v1;
	v63 =	vld [tilespmem:s24+$0xFFFFFFF0]  }
0x108: {  	[tilespmem:s24+$0xFFFFFFA0] =	vst v8;
	v4 =	vmul.f32 v4, v1  }
0x109: {  	[tilespmem:s24+$0xFFFFFFB0] =	vst v2;
	v2 =	vmul.f32 v5, v1  }
0x10a: {  	[tilespmem:s24+$0xFFFFFFC0] =	vst v4;
	v3 =	vmul.f32 v3, v1  }
0x10b: {  	[tilespmem:s24+$0xFFFFFFD0] =	vst v2;
	v2 =	vmul.f32 v6, v1  }
0x10c: {  	s22 =	sadd.s32 $0x1, s22;
	[tilespmem:s24+$0xFFFFFFE0] =	vst v3;
	v1 =	vmul.f32 v63, v1  }
0x10d: {  	p0 =	sne.s32 s22, $0x4F;
	[tilespmem:s24+$0x0] =	vst v2  }
.Ltmp9:
0x10e: {  	s23 =	sadd.s32 $0x2800, s23;
	[tilespmem:s24+$0xFFFFFFF0] =	vst v1;
	(pc) =	sbr.rel @p0 .LBB2_4-.Ltmp9, $4  }
0x10f: {  	[spmem:s2] =	stream.indirect.scatter.add.f32 [tilespmem:s15], [sflag:$0x2], $0x80, s23, s19, $0xb8;
	[tilespmem:$0x1F400] =	vst v63  }
0x110: {  	_ =	swait.ge [sflag:s16], $0x4000  }
0x111: {  	[sflag:s16] =	ssyncset.done $0x0  }
0x112: {  	[sflag:s16] =	ssyncadd.s32 $0xFFFFC000  }
0x113: {  	s3 =	sadd.s32 $0x1, s3  }
0x114: {  	s21 =	sshll.u32 s0, $0x6;
	[bflag:$0x0] =	sbarrier.arrive $0xFFFF;
	p0 =	sne.s32 s3, s14  }
.Ltmp10:
0x115: {  	s22 =	sshrl.u32 s5, $0x3;
	s21 =	sor.u32 $0x1C02, s21;
	(pc) =	sbr.rel @p0 .LBB2_1-.Ltmp10, $4  }
0x116: {  	[hbm:s13], [sflag:s21] =	dma.local [spmem:s22], $0x2780  }
0x117: {  	_ =	swait.ge [sflag:s16], $0x2780  }
0x118: {  	[sflag:s16] =	ssyncset.done $0x0  }
0x119: {  	[sflag:s16] =	ssyncadd.s32 $0xFFFFD880  }
0x11a: {  	_ =	sfence.sel $0x180000  }
0x11b: {  	[bflag:$0x0] =	sbarrier.arrive $0xFFFF  }
0x11c: {  	p0 =	sne.s32 s0, $0x0;
	_ =	strace $0x90000050  }
0x11d: {  	s0 =	sadd.s32 @!p0 $0x100000, s1;
	[bflag:$0x2] =	sbarrier.arrive $0xFFFF  }
0x11e: {  	[sflag:s0] =	ssyncadd.tile.s32 @!p0 $0x1;
	_ =	shalt  }
.Lfunc_end2:
_tile_overlayer_lowered:
.L_overlay_start_2:
0x11f: {  	(tag) =	ssettag $0x2  }
0x120: {  	s0 =	rddreg [dreg:$0x0];
	s2 =	stileid.u32  }
0x121: {  	s1 =	rddreg [dreg:$0x1];
	p0 =	sne.s32 s2, $0x0  }
0x122: {  	s3 =	rddreg [dreg:$0x2];
	[bflag:$0x3] =	sbarrier.arrive $0xFFFF;
	s2 =	simm.s32 @!p0 $0x1C02  }
0x123: {  	[timem:s3], [sflag:s2] =	dma.local @!p0 [hbm:s0], s1  }
0x124: {  	s0 =	simm.s32 @!p0 $0x2  }
0x125: {  	_ =	swait.ge @!p0 [sflag:s0], s1  }
0x126: {  	s1 =	ssub.s32 @!p0 $0x0, s1;
	[sflag:s0] =	ssyncset.done @!p0 $0x0  }
0x127: {  	[sflag:s0] =	ssyncadd.s32 @!p0 s1  }
0x128: {  	[bflag:$0x3] =	sbarrier.arrive $0xFFFF  }
0x129: {  	_ =	shalt  }

</sc_bundles>
